<compile_context>
chip_gen: v7x
topology: tpu7x:2x2x1
jax: 0.10.2.dev20260603
libtpu: 0.0.44.dev20260713+nightly
codegen_flags: <defaults>
</compile_context>

<pallas_src>
import functools

import jax
import jax.numpy as jnp
from jax import lax
from jax.experimental import pallas as pl
from jax.experimental.pallas import tpu as pltpu
from jax.experimental.pallas import tpu_sc as plsc

N_NODES = 10000
N_EDGES = 320000
D = 128

NC = 2
NS = 16
NW = NC * NS
EDGES_PER_TILE = N_EDGES // NW
CHUNK = 80
CHUNKS_PER_TILE = EDGES_PER_TILE // CHUNK
ROWS_PER_TILE = N_NODES // NS

_sc_mesh = plsc.VectorSubcoreMesh(core_axis_name="c", subcore_axis_name="s")


N_PAD = 10240
ELEMS_PER_TILE = N_PAD // NS
ECHUNK = 128
TOT_ECHUNKS = N_EDGES // ECHUNK
DEG_RING = 6


@functools.partial(
    pl.kernel,
    out_type=jax.ShapeDtypeStruct((NC * 2 * N_PAD,), jnp.float32),
    mesh=_sc_mesh,
    scratch_types=[
        pltpu.VMEM((DEG_RING, 2, ECHUNK), jnp.int32),
        pltpu.VMEM((ECHUNK,), jnp.float32),
        pltpu.VMEM_SHARED((N_PAD,), jnp.float32),
        pltpu.VMEM_SHARED((N_PAD,), jnp.float32),
    ] + [pltpu.SemaphoreType.DMA] * (2 * DEG_RING),
)
def _sc_degrees(edge_hbm, zeros_hbm, out_hbm, ebuf, ones_v, dego_sh, degi_sh,
                *sems):
    c = lax.axis_index("c")
    s = lax.axis_index("s")
    w = c * NS + s

    esem = sems[0:DEG_RING]
    ssem = sems[DEG_RING:2 * DEG_RING]

    ones16 = jnp.ones((16,), jnp.float32)
    for j in range(ECHUNK // 16):
        ones_v[pl.ds(16 * j, 16)] = ones16

    pltpu.sync_copy(zeros_hbm, dego_sh.at[pl.ds(s * ELEMS_PER_TILE, ELEMS_PER_TILE)])
    pltpu.sync_copy(zeros_hbm, degi_sh.at[pl.ds(s * ELEMS_PER_TILE, ELEMS_PER_TILE)])

    plsc.subcore_barrier()

    def chunk_of(j):
        return w + NW * j

    def issue_in(b, j):
        k = chunk_of(j)
        pltpu.async_copy(edge_hbm.at[:, pl.ds(k * ECHUNK, ECHUNK)], ebuf.at[b],
                         esem[b])

    def wait_in(b, j):
        k = chunk_of(j)
        pltpu.make_async_copy(edge_hbm.at[:, pl.ds(k * ECHUNK, ECHUNK)],
                              ebuf.at[b], esem[b]).wait()

    def issue_work(b, j):
        pltpu.async_copy(ones_v, dego_sh.at[ebuf.at[b, 0]], ssem[b], add=True)
        pltpu.async_copy(ones_v, degi_sh.at[ebuf.at[b, 1]], ssem[b], add=True)

    def drain_work(b, j):
        pltpu.make_async_copy(ones_v, dego_sh.at[ebuf.at[b, 0]], ssem[b]).wait()
        pltpu.make_async_copy(ones_v, degi_sh.at[ebuf.at[b, 1]], ssem[b]).wait()

    issue_in(0, 0)
    issue_in(1, 1)

    def valid(j):
        return chunk_of(j) < TOT_ECHUNKS

    @pl.loop(0, 84, step=DEG_RING)
    def _main(g):
        for bi in range(DEG_RING):
            j = g + bi
            b = bi
            b2 = (bi + 2) % DEG_RING

            @pl.when(jnp.logical_and(j >= 4, valid(j - 4)))
            def _():
                drain_work(b2, j - 4)

            @pl.when(valid(j + 2))
            def _():
                issue_in(b2, j + 2)

            @pl.when(valid(j))
            def _():
                wait_in(b, j)
                issue_work(b, j)

    plsc.subcore_barrier()

    off = s * ELEMS_PER_TILE
    pltpu.sync_copy(dego_sh.at[pl.ds(off, ELEMS_PER_TILE)],
                    out_hbm.at[pl.ds((c * 2 + 0) * N_PAD + off, ELEMS_PER_TILE)])
    pltpu.sync_copy(degi_sh.at[pl.ds(off, ELEMS_PER_TILE)],
                    out_hbm.at[pl.ds((c * 2 + 1) * N_PAD + off, ELEMS_PER_TILE)])


SP_ER = 6
SP_RR = 3


@functools.partial(
    pl.kernel,
    out_type=jax.ShapeDtypeStruct((NC, N_NODES, D), jnp.float32),
    mesh=_sc_mesh,
    scratch_types=[
        pltpu.VMEM((SP_ER, 2, ECHUNK), jnp.int32),
        pltpu.VMEM((SP_RR, ECHUNK, D), jnp.float32),
        pltpu.VMEM_SHARED((N_NODES, D), jnp.float32),
    ] + [pltpu.SemaphoreType.DMA] * (SP_ER + 2 * SP_RR),
)
def _sc_spmm(h_hbm, edge_hbm, zrows_hbm, out_hbm, ebuf, rows, agg_sh, *sems):
    c = lax.axis_index("c")
    s = lax.axis_index("s")
    w = c * NS + s

    esem = sems[:SP_ER]
    gsem = sems[SP_ER:SP_ER + SP_RR]
    ssem = sems[SP_ER + SP_RR:]

    @pl.when(s < 10)
    def _zero():
        pltpu.sync_copy(zrows_hbm, agg_sh.at[pl.ds(s * 1000, 1000)])

    plsc.subcore_barrier()

    def chunk_of(j):
        return w + NW * j

    def valid(j):
        return chunk_of(j) < TOT_ECHUNKS

    def issue_in(e, j):
        pltpu.async_copy(edge_hbm.at[:, pl.ds(chunk_of(j) * ECHUNK, ECHUNK)],
                         ebuf.at[e], esem[e])

    def wait_in(e, j):
        pltpu.make_async_copy(edge_hbm.at[:, pl.ds(chunk_of(j) * ECHUNK, ECHUNK)],
                              ebuf.at[e], esem[e]).wait()

    def issue_gather(r, e):
        pltpu.async_copy(h_hbm.at[ebuf.at[e, 0]], rows.at[r], gsem[r])

    def wait_gather(r, e):
        pltpu.make_async_copy(h_hbm.at[ebuf.at[e, 0]], rows.at[r], gsem[r]).wait()

    def issue_scatter(r, e):
        pltpu.async_copy(rows.at[r], agg_sh.at[ebuf.at[e, 1]], ssem[r], add=True)

    def drain_scatter(r, e):
        pltpu.make_async_copy(rows.at[r], agg_sh.at[ebuf.at[e, 1]], ssem[r]).wait()

    issue_in(0, 0)
    issue_in(1, 1)
    issue_in(2, 2)
    wait_in(0, 0)
    issue_gather(0, 0)
    wait_in(1, 1)
    issue_gather(1, 1)

    @pl.loop(0, 84, step=SP_ER)
    def _main(g):
        for bi in range(SP_ER):
            j = g + bi
            e0 = bi
            em1 = (bi + SP_ER - 1) % SP_ER
            e2 = (bi + 2) % SP_ER
            e3 = (bi + 3) % SP_ER
            r0 = bi % SP_RR
            rm1 = (bi + SP_RR - 1) % SP_RR
            r2 = (bi + 2) % SP_RR

            @pl.when(jnp.logical_and(j >= 1, valid(j - 1)))
            def _():
                drain_scatter(rm1, em1)

            @pl.when(valid(j + 2))
            def _():
                wait_in(e2, j + 2)
                issue_gather(r2, e2)

            @pl.when(valid(j + 3))
            def _():
                issue_in(e3, j + 3)

            @pl.when(valid(j))
            def _():
                wait_gather(r0, e0)
                issue_scatter(r0, e0)

    plsc.subcore_barrier()

    @pl.when(s < 10)
    def _dump():
        pltpu.sync_copy(agg_sh.at[pl.ds(s * 1000, 1000)],
                        out_hbm.at[c, pl.ds(s * 1000, 1000)])


def _prep_body(x_ref, dp_ref, hs_ref, ro_ref, ri_ref):
    do = dp_ref[pl.ds(0, N_PAD)] + dp_ref[pl.ds(2 * N_PAD, N_PAD)]
    di = dp_ref[pl.ds(N_PAD, N_PAD)] + dp_ref[pl.ds(3 * N_PAD, N_PAD)]
    ro = lax.rsqrt(jnp.maximum(do, 1.0)).reshape(N_PAD, 1)[:N_NODES]
    ri = lax.rsqrt(jnp.maximum(di, 1.0)).reshape(N_PAD, 1)[:N_NODES]
    ro_ref[...] = ro
    ri_ref[...] = ri
    hs_ref[...] = x_ref[...] * ro


def _tc_prep(x, degp):
    return pl.pallas_call(
        _prep_body,
        out_shape=[
            jax.ShapeDtypeStruct((N_NODES, D), jnp.float32),
            jax.ShapeDtypeStruct((N_NODES, 1), jnp.float32),
            jax.ShapeDtypeStruct((N_NODES, 1), jnp.float32),
        ],
    )(x, degp)


ROW_BLK = 1000


def _layer_body(agg_ref, ri_ref, ro_ref, w_ref, b_ref, out_ref):
    a = (agg_ref[0] + agg_ref[1]) * ri_ref[...]
    y = jnp.dot(a, w_ref[...], preferred_element_type=jnp.float32) + b_ref[...]
    out_ref[...] = jnp.maximum(y, 0.0) * ro_ref[...]


def _tc_layer1(aggp, ri, ro, w, b):
    grid = (N_NODES // ROW_BLK,)
    return pl.pallas_call(
        _layer_body,
        grid=grid,
        in_specs=[
            pl.BlockSpec((NC, ROW_BLK, D), lambda i: (0, i, 0)),
            pl.BlockSpec((ROW_BLK, 1), lambda i: (i, 0)),
            pl.BlockSpec((ROW_BLK, 1), lambda i: (i, 0)),
            pl.BlockSpec((D, D), lambda i: (0, 0)),
            pl.BlockSpec((1, D), lambda i: (0, 0)),
        ],
        out_specs=pl.BlockSpec((ROW_BLK, D), lambda i: (i, 0)),
        out_shape=jax.ShapeDtypeStruct((N_NODES, D), jnp.float32),
    )(aggp, ri, ro, w, b)


def _final_body(agg_ref, ri_ref, w2_ref, b2_ref, wf1_ref, bf1_ref,
                wf3_ref, bf3_ref, out_ref):
    a = (agg_ref[0] + agg_ref[1]) * ri_ref[...]
    h2 = jnp.maximum(
        jnp.dot(a, w2_ref[...], preferred_element_type=jnp.float32) + b2_ref[...], 0.0)
    h3 = jnp.maximum(
        jnp.dot(h2, wf1_ref[...], preferred_element_type=jnp.float32) + bf1_ref[...], 0.0)
    out_ref[...] = (
        jnp.dot(h3, wf3_ref[...], preferred_element_type=jnp.float32) + bf3_ref[...])


def _tc_final(aggp, ri, w2, b2, wf1, bf1, wf3, bf3):
    grid = (N_NODES // ROW_BLK,)
    wspec = pl.BlockSpec((D, D), lambda i: (0, 0))
    bspec = pl.BlockSpec((1, D), lambda i: (0, 0))
    return pl.pallas_call(
        _final_body,
        grid=grid,
        in_specs=[
            pl.BlockSpec((NC, ROW_BLK, D), lambda i: (0, i, 0)),
            pl.BlockSpec((ROW_BLK, 1), lambda i: (i, 0)),
            wspec, bspec, wspec, bspec, wspec, bspec,
        ],
        out_specs=pl.BlockSpec((ROW_BLK, D), lambda i: (i, 0)),
        out_shape=jax.ShapeDtypeStruct((N_NODES, D), jnp.float32),
    )(aggp, ri, w2, b2, wf1, bf1, wf3, bf3)


def kernel(x, edge_index, W1, b1, W2, b2, Wf1, bf1, Wf3, bf3):
    ei = edge_index.astype(jnp.int32)

    zeros1d = jnp.zeros((ELEMS_PER_TILE,), jnp.float32)
    zrows = jnp.zeros((1000, D), jnp.float32)

    degp = _sc_degrees(ei, zeros1d)

    hs0, ro, ri = _tc_prep(x, degp)

    agg1 = _sc_spmm(hs0, ei, zrows)
    h1s = _tc_layer1(agg1, ri, ro, W1, b1.reshape(1, D))

    agg2 = _sc_spmm(h1s, ei, zrows)
    z = _tc_final(agg2, ri, W2, b2.reshape(1, D),
                  Wf1, bf1.reshape(1, D), Wf3, bf3.reshape(1, D))
    return z

# --- scband reference (transcript-rebuilt; emitter-appended) ---
"""Pipeline reference for scband-enc-gcn-52793738002754 (READ-ONLY COPY).

The authoritative reference and input builder live on the scoring server;
editing this copy changes nothing except your own understanding.
"""

import jax, jax.numpy as jnp
import numpy as np

N_NODES = 10000
N_EDGES = 320000
D = 128
R = 128

def setup_inputs(seed: int = 0) -> dict:
    key = jax.random.key(seed)
    ks = jax.random.split(key, 12)
    x = jax.random.normal(ks[0], (N_NODES, D), dtype=jnp.float32)
    edge_index = jax.random.randint(ks[1], (2, N_EDGES), 0, N_NODES, dtype=jnp.int64)
    sc = 0.05
    W1 = jax.random.normal(ks[2], (D, R), dtype=jnp.float32) * sc
    b1 = jnp.zeros((R,), dtype=jnp.float32)
    W2 = jax.random.normal(ks[3], (R, R), dtype=jnp.float32) * sc
    b2 = jnp.zeros((R,), dtype=jnp.float32)
    Wf1 = jax.random.normal(ks[4], (R, R), dtype=jnp.float32) * sc
    bf1 = jnp.zeros((R,), dtype=jnp.float32)
    Wf3 = jax.random.normal(ks[5], (R, R), dtype=jnp.float32) * sc
    bf3 = jnp.zeros((R,), dtype=jnp.float32)
    return {"x": x, "edge_index": edge_index, "W1": W1, "b1": b1, "W2": W2, "b2": b2,
            "Wf1": Wf1, "bf1": bf1, "Wf3": Wf3, "bf3": bf3}


def _graph_conv_both(h, src, dst, W, b, n_nodes):
    # DGL GraphConv with norm='both': D_out^{-1/2} A^T D_in^{-1/2}-style symmetric norm
    ones = jnp.ones((src.shape[0],), dtype=h.dtype)
    deg_out = jax.ops.segment_sum(ones, src, num_segments=n_nodes)
    deg_in = jax.ops.segment_sum(ones, dst, num_segments=n_nodes)
    deg_out = jnp.maximum(deg_out, 1.0)
    deg_in = jnp.maximum(deg_in, 1.0)
    h = h * (deg_out ** -0.5)[:, None]          # normalize source features
    msg = jnp.take(h, src, axis=0)               # gather over edges
    agg = jax.ops.segment_sum(msg, dst, num_segments=n_nodes)  # scatter-add to dst
    agg = agg * (deg_in ** -0.5)[:, None]        # normalize by dst in-degree
    return agg @ W + b


def reference(x, edge_index, W1, b1, W2, b2, Wf1, bf1, Wf3, bf3):
    n_nodes = x.shape[0]
    src = edge_index[0]
    dst = edge_index[1]
    # dropout is identity in eval mode
    h = jax.nn.relu(_graph_conv_both(x, src, dst, W1, b1, n_nodes))
    h = jax.nn.relu(_graph_conv_both(h, src, dst, W2, b2, n_nodes))
    h = jax.nn.relu(h @ Wf1 + bf1)
    z = h @ Wf3 + bf3
    return z

if __name__ == "__main__":
    import jax
    _d = setup_inputs()
    print(jax.jit(kernel)(*tuple(_d.values())))

</pallas_src>

<mosaic_0001>
#map = affine_map<(d0, d1) -> (0, 0)>
#map1 = affine_map<(d0, d1) -> (0, 0, 0)>
module attributes {stable_mosaic.version = 14 : i64} {
  func.func @_sc_spmm(%arg0: i32, %arg1: i32, %arg2: memref<10000x128xf32, #tpu.memory_space<hbm>>, %arg3: memref<2x320000xi32, #tpu.memory_space<hbm>>, %arg4: memref<1000x128xf32, #tpu.memory_space<hbm>>, %arg5: memref<2x10000x128xf32, #tpu.memory_space<hbm>>, %arg6: memref<6x2x128xi32, #tpu.memory_space<vmem>>, %arg7: memref<3x128x128xf32, #tpu.memory_space<vmem>>, %arg8: memref<10000x128xf32, #tpu.memory_space<vmem_shared>>, %arg9: memref<!tpu.dma_semaphore, #tpu.memory_space<semaphore_mem>>, %arg10: memref<!tpu.dma_semaphore, #tpu.memory_space<semaphore_mem>>, %arg11: memref<!tpu.dma_semaphore, #tpu.memory_space<semaphore_mem>>, %arg12: memref<!tpu.dma_semaphore, #tpu.memory_space<semaphore_mem>>, %arg13: memref<!tpu.dma_semaphore, #tpu.memory_space<semaphore_mem>>, %arg14: memref<!tpu.dma_semaphore, #tpu.memory_space<semaphore_mem>>, %arg15: memref<!tpu.dma_semaphore, #tpu.memory_space<semaphore_mem>>, %arg16: memref<!tpu.dma_semaphore, #tpu.memory_space<semaphore_mem>>, %arg17: memref<!tpu.dma_semaphore, #tpu.memory_space<semaphore_mem>>, %arg18: memref<!tpu.dma_semaphore, #tpu.memory_space<semaphore_mem>>, %arg19: memref<!tpu.dma_semaphore, #tpu.memory_space<semaphore_mem>>, %arg20: memref<!tpu.dma_semaphore, #tpu.memory_space<semaphore_mem>>) attributes {dimension_semantics = [#tpu.dimension_semantics<core_parallel>, #tpu.dimension_semantics<subcore_parallel>], iteration_bounds = array<i64: 2, 16>, scalar_prefetch = 0 : i64, scratch_operands = 15 : i64, tpu.core_type = #tpu.core_type<sc_vector_subcore>, window_params = [{transform_indices = #map}, {transform_indices = #map}, {transform_indices = #map}, {transform_indices = #map1}]} {
    %mul3A = arith.constant 16 : i32
    %mul3A_0 = arith.muli %arg0, %mul3A : i32
    %add3A = arith.addi %mul3A_0, %arg1 : i32
    %lt3A = arith.constant 10 : i32
    %lt3A_1 = arith.cmpi slt, %arg1, %lt3A : i32
    %convert_element_type3A = arith.extui %lt3A_1 : i1 to i32
    %cond3A = arith.constant 0 : i32
    %cond3A_2 = arith.cmpi ne, %convert_element_type3A, %cond3A : i32
    scf.if %cond3A_2 {
      %mul3A_122 = arith.constant 1000 : i32
      %mul3A_123 = arith.muli %arg1, %mul3A_122 : i32
      "tpu.region"() ({
        %run_scoped3A = tpu.sem_alloc : memref<!tpu.dma_semaphore, #tpu.memory_space<semaphore_mem>>
        %dma_start3A_124 = arith.constant 0 : i32
        %dma_start3A_125 = tpu.memref_slice %arg8[%mul3A_123, %dma_start3A_124] : memref<10000x128xf32, #tpu.memory_space<vmem_shared>> -> memref<1000x128xf32, #tpu.memory_space<vmem_shared>>
        tpu.enqueue_dma source(%arg4 : memref<1000x128xf32, #tpu.memory_space<hbm>>) target(%dma_start3A_125 : memref<1000x128xf32, #tpu.memory_space<vmem_shared>>) target_semaphore(%run_scoped3A : memref<!tpu.dma_semaphore, #tpu.memory_space<semaphore_mem>>)
        %dma_wait3A_126 = arith.constant 0 : i32
        %dma_wait3A_127 = tpu.memref_slice %arg8[%mul3A_123, %dma_wait3A_126] : memref<10000x128xf32, #tpu.memory_space<vmem_shared>> -> memref<1000x128xf32, #tpu.memory_space<vmem_shared>>
        tpu.wait_dma2 semaphore(%run_scoped3A : memref<!tpu.dma_semaphore, #tpu.memory_space<semaphore_mem>>) src(%arg4 : memref<1000x128xf32, #tpu.memory_space<hbm>>) dst(%dma_wait3A_127 : memref<1000x128xf32, #tpu.memory_space<vmem_shared>>)
        tpu.yield
      }) : () -> ()
    } else {
    }
    %barrier3A = arith.constant 0 : index
    tpu.barrier barrier_id(%barrier3A)
    %add3A_3 = arith.constant 0 : i32
    %add3A_4 = arith.addi %add3A, %add3A_3 : i32
    %mul3A_5 = arith.constant 128 : i32
    %mul3A_6 = arith.muli %add3A_4, %mul3A_5 : i32
    %dma_start3A = arith.constant 0 : i32
    %dma_start3A_7 = arith.constant 0 : i32
    %dma_start3A_8 = arith.constant 0 : i32
    %dma_start3A_9 = tpu.memref_slice %arg6[%dma_start3A, %dma_start3A_7, %dma_start3A_8] : memref<6x2x128xi32, #tpu.memory_space<vmem>> -> memref<1x2x128xi32, #tpu.memory_space<vmem>>
    %dma_start3A_10 = tpu.memref_squeeze %dma_start3A_9 : memref<1x2x128xi32, #tpu.memory_space<vmem>> -> memref<2x128xi32, #tpu.memory_space<vmem>>
    %dma_start3A_11 = arith.constant 0 : i32
    %dma_start3A_12 = tpu.memref_slice %arg3[%dma_start3A_11, %mul3A_6] : memref<2x320000xi32, #tpu.memory_space<hbm>> -> memref<2x128xi32, #tpu.memory_space<hbm>>
    %dma_start3A_13 = arith.constant 0 : i32
    %dma_start3A_14 = arith.constant 0 : i32
    %dma_start3A_15 = tpu.memref_slice %arg6[%dma_start3A, %dma_start3A_13, %dma_start3A_14] : memref<6x2x128xi32, #tpu.memory_space<vmem>> -> memref<1x2x128xi32, #tpu.memory_space<vmem>>
    %dma_start3A_16 = tpu.memref_squeeze %dma_start3A_15 : memref<1x2x128xi32, #tpu.memory_space<vmem>> -> memref<2x128xi32, #tpu.memory_space<vmem>>
    %dma_start3A_17 = arith.constant 0 : i32
    %dma_start3A_18 = tpu.memref_slice %arg3[%dma_start3A_17, %mul3A_6] : memref<2x320000xi32, #tpu.memory_space<hbm>> -> memref<2x128xi32, #tpu.memory_space<hbm>>
    tpu.enqueue_dma source(%dma_start3A_18 : memref<2x128xi32, #tpu.memory_space<hbm>>) target(%dma_start3A_16 : memref<2x128xi32, #tpu.memory_space<vmem>>) target_semaphore(%arg9 : memref<!tpu.dma_semaphore, #tpu.memory_space<semaphore_mem>>)
    %add3A_19 = arith.constant 32 : i32
    %add3A_20 = arith.addi %add3A, %add3A_19 : i32
    %mul3A_21 = arith.constant 128 : i32
    %mul3A_22 = arith.muli %add3A_20, %mul3A_21 : i32
    %dma_start3A_23 = arith.constant 1 : i32
    %dma_start3A_24 = arith.constant 0 : i32
    %dma_start3A_25 = arith.constant 0 : i32
    %dma_start3A_26 = tpu.memref_slice %arg6[%dma_start3A_23, %dma_start3A_24, %dma_start3A_25] : memref<6x2x128xi32, #tpu.memory_space<vmem>> -> memref<1x2x128xi32, #tpu.memory_space<vmem>>
    %dma_start3A_27 = tpu.memref_squeeze %dma_start3A_26 : memref<1x2x128xi32, #tpu.memory_space<vmem>> -> memref<2x128xi32, #tpu.memory_space<vmem>>
    %dma_start3A_28 = arith.constant 0 : i32
    %dma_start3A_29 = tpu.memref_slice %arg3[%dma_start3A_28, %mul3A_22] : memref<2x320000xi32, #tpu.memory_space<hbm>> -> memref<2x128xi32, #tpu.memory_space<hbm>>
    %dma_start3A_30 = arith.constant 0 : i32
    %dma_start3A_31 = arith.constant 0 : i32
    %dma_start3A_32 = tpu.memref_slice %arg6[%dma_start3A_23, %dma_start3A_30, %dma_start3A_31] : memref<6x2x128xi32, #tpu.memory_space<vmem>> -> memref<1x2x128xi32, #tpu.memory_space<vmem>>
    %dma_start3A_33 = tpu.memref_squeeze %dma_start3A_32 : memref<1x2x128xi32, #tpu.memory_space<vmem>> -> memref<2x128xi32, #tpu.memory_space<vmem>>
    %dma_start3A_34 = arith.constant 0 : i32
    %dma_start3A_35 = tpu.memref_slice %arg3[%dma_start3A_34, %mul3A_22] : memref<2x320000xi32, #tpu.memory_space<hbm>> -> memref<2x128xi32, #tpu.memory_space<hbm>>
    tpu.enqueue_dma source(%dma_start3A_35 : memref<2x128xi32, #tpu.memory_space<hbm>>) target(%dma_start3A_33 : memref<2x128xi32, #tpu.memory_space<vmem>>) target_semaphore(%arg10 : memref<!tpu.dma_semaphore, #tpu.memory_space<semaphore_mem>>)
    %add3A_36 = arith.constant 64 : i32
    %add3A_37 = arith.addi %add3A, %add3A_36 : i32
    %mul3A_38 = arith.constant 128 : i32
    %mul3A_39 = arith.muli %add3A_37, %mul3A_38 : i32
    %dma_start3A_40 = arith.constant 2 : i32
    %dma_start3A_41 = arith.constant 0 : i32
    %dma_start3A_42 = arith.constant 0 : i32
    %dma_start3A_43 = tpu.memref_slice %arg6[%dma_start3A_40, %dma_start3A_41, %dma_start3A_42] : memref<6x2x128xi32, #tpu.memory_space<vmem>> -> memref<1x2x128xi32, #tpu.memory_space<vmem>>
    %dma_start3A_44 = tpu.memref_squeeze %dma_start3A_43 : memref<1x2x128xi32, #tpu.memory_space<vmem>> -> memref<2x128xi32, #tpu.memory_space<vmem>>
    %dma_start3A_45 = arith.constant 0 : i32
    %dma_start3A_46 = tpu.memref_slice %arg3[%dma_start3A_45, %mul3A_39] : memref<2x320000xi32, #tpu.memory_space<hbm>> -> memref<2x128xi32, #tpu.memory_space<hbm>>
    %dma_start3A_47 = arith.constant 0 : i32
    %dma_start3A_48 = arith.constant 0 : i32
    %dma_start3A_49 = tpu.memref_slice %arg6[%dma_start3A_40, %dma_start3A_47, %dma_start3A_48] : memref<6x2x128xi32, #tpu.memory_space<vmem>> -> memref<1x2x128xi32, #tpu.memory_space<vmem>>
    %dma_start3A_50 = tpu.memref_squeeze %dma_start3A_49 : memref<1x2x128xi32, #tpu.memory_space<vmem>> -> memref<2x128xi32, #tpu.memory_space<vmem>>
    %dma_start3A_51 = arith.constant 0 : i32
    %dma_start3A_52 = tpu.memref_slice %arg3[%dma_start3A_51, %mul3A_39] : memref<2x320000xi32, #tpu.memory_space<hbm>> -> memref<2x128xi32, #tpu.memory_space<hbm>>
    tpu.enqueue_dma source(%dma_start3A_52 : memref<2x128xi32, #tpu.memory_space<hbm>>) target(%dma_start3A_50 : memref<2x128xi32, #tpu.memory_space<vmem>>) target_semaphore(%arg11 : memref<!tpu.dma_semaphore, #tpu.memory_space<semaphore_mem>>)
    %add3A_53 = arith.constant 0 : i32
    %add3A_54 = arith.addi %add3A, %add3A_53 : i32
    %mul3A_55 = arith.constant 128 : i32
    %mul3A_56 = arith.muli %add3A_54, %mul3A_55 : i32
    %dma_wait3A = arith.constant 0 : i32
    %dma_wait3A_57 = arith.constant 0 : i32
    %dma_wait3A_58 = arith.constant 0 : i32
    %dma_wait3A_59 = tpu.memref_slice %arg6[%dma_wait3A, %dma_wait3A_57, %dma_wait3A_58] : memref<6x2x128xi32, #tpu.memory_space<vmem>> -> memref<1x2x128xi32, #tpu.memory_space<vmem>>
    %dma_wait3A_60 = tpu.memref_squeeze %dma_wait3A_59 : memref<1x2x128xi32, #tpu.memory_space<vmem>> -> memref<2x128xi32, #tpu.memory_space<vmem>>
    %dma_wait3A_61 = arith.constant 0 : i32
    %dma_wait3A_62 = tpu.memref_slice %arg3[%dma_wait3A_61, %mul3A_56] : memref<2x320000xi32, #tpu.memory_space<hbm>> -> memref<2x128xi32, #tpu.memory_space<hbm>>
    %dma_wait3A_63 = arith.constant 0 : i32
    %dma_wait3A_64 = arith.constant 0 : i32
    %dma_wait3A_65 = tpu.memref_slice %arg6[%dma_wait3A, %dma_wait3A_63, %dma_wait3A_64] : memref<6x2x128xi32, #tpu.memory_space<vmem>> -> memref<1x2x128xi32, #tpu.memory_space<vmem>>
    %dma_wait3A_66 = tpu.memref_squeeze %dma_wait3A_65 : memref<1x2x128xi32, #tpu.memory_space<vmem>> -> memref<2x128xi32, #tpu.memory_space<vmem>>
    %dma_wait3A_67 = arith.constant 0 : i32
    %dma_wait3A_68 = tpu.memref_slice %arg3[%dma_wait3A_67, %mul3A_56] : memref<2x320000xi32, #tpu.memory_space<hbm>> -> memref<2x128xi32, #tpu.memory_space<hbm>>
    tpu.wait_dma2 semaphore(%arg9 : memref<!tpu.dma_semaphore, #tpu.memory_space<semaphore_mem>>) src(%dma_wait3A_68 : memref<2x128xi32, #tpu.memory_space<hbm>>) dst(%dma_wait3A_66 : memref<2x128xi32, #tpu.memory_space<vmem>>)
    %dma_start3A_69 = arith.constant 0 : i32
    %dma_start3A_70 = arith.constant 0 : i32
    %dma_start3A_71 = arith.constant 0 : i32
    %dma_start3A_72 = arith.constant 0 : i32
    %dma_start3A_73 = arith.constant 0 : i32
    %dma_start3A_74 = tpu.memref_slice %arg7[%dma_start3A_71, %dma_start3A_72, %dma_start3A_73] : memref<3x128x128xf32, #tpu.memory_space<vmem>> -> memref<1x128x128xf32, #tpu.memory_space<vmem>>
    %dma_start3A_75 = tpu.memref_squeeze %dma_start3A_74 : memref<1x128x128xf32, #tpu.memory_space<vmem>> -> memref<128x128xf32, #tpu.memory_space<vmem>>
    %dma_start3A_76 = arith.constant 0 : i32
    %dma_start3A_77 = tpu.memref_slice %arg6[%dma_start3A_69, %dma_start3A_70, %dma_start3A_76] : memref<6x2x128xi32, #tpu.memory_space<vmem>> -> memref<1x1x128xi32, #tpu.memory_space<vmem>>
    %dma_start3A_78 = tpu.memref_squeeze %dma_start3A_77 : memref<1x1x128xi32, #tpu.memory_space<vmem>> -> memref<128xi32, #tpu.memory_space<vmem>>
    %dma_start3A_79 = arith.constant 0 : i32
    %dma_start3A_80 = arith.constant 0 : i32
    %dma_start3A_81 = tpu.memref_slice %arg2[%dma_start3A_79, %dma_start3A_80] : memref<10000x128xf32, #tpu.memory_space<hbm>> -> memref<10000x128xf32, #tpu.memory_space<hbm>>
    tpu.enqueue_indirect_dma source(%dma_start3A_81 : memref<10000x128xf32, #tpu.memory_space<hbm>>) target(%dma_start3A_75 : memref<128x128xf32, #tpu.memory_space<vmem>>) offsets(%dma_start3A_78 : memref<128xi32, #tpu.memory_space<vmem>>) semaphore(%arg15 : memref<!tpu.dma_semaphore, #tpu.memory_space<semaphore_mem>>)
    %add3A_82 = arith.constant 32 : i32
    %add3A_83 = arith.addi %add3A, %add3A_82 : i32
    %mul3A_84 = arith.constant 128 : i32
    %mul3A_85 = arith.muli %add3A_83, %mul3A_84 : i32
    %dma_wait3A_86 = arith.constant 1 : i32
    %dma_wait3A_87 = arith.constant 0 : i32
    %dma_wait3A_88 = arith.constant 0 : i32
    %dma_wait3A_89 = tpu.memref_slice %arg6[%dma_wait3A_86, %dma_wait3A_87, %dma_wait3A_88] : memref<6x2x128xi32, #tpu.memory_space<vmem>> -> memref<1x2x128xi32, #tpu.memory_space<vmem>>
    %dma_wait3A_90 = tpu.memref_squeeze %dma_wait3A_89 : memref<1x2x128xi32, #tpu.memory_space<vmem>> -> memref<2x128xi32, #tpu.memory_space<vmem>>
    %dma_wait3A_91 = arith.constant 0 : i32
    %dma_wait3A_92 = tpu.memref_slice %arg3[%dma_wait3A_91, %mul3A_85] : memref<2x320000xi32, #tpu.memory_space<hbm>> -> memref<2x128xi32, #tpu.memory_space<hbm>>
    %dma_wait3A_93 = arith.constant 0 : i32
    %dma_wait3A_94 = arith.constant 0 : i32
    %dma_wait3A_95 = tpu.memref_slice %arg6[%dma_wait3A_86, %dma_wait3A_93, %dma_wait3A_94] : memref<6x2x128xi32, #tpu.memory_space<vmem>> -> memref<1x2x128xi32, #tpu.memory_space<vmem>>
    %dma_wait3A_96 = tpu.memref_squeeze %dma_wait3A_95 : memref<1x2x128xi32, #tpu.memory_space<vmem>> -> memref<2x128xi32, #tpu.memory_space<vmem>>
    %dma_wait3A_97 = arith.constant 0 : i32
    %dma_wait3A_98 = tpu.memref_slice %arg3[%dma_wait3A_97, %mul3A_85] : memref<2x320000xi32, #tpu.memory_space<hbm>> -> memref<2x128xi32, #tpu.memory_space<hbm>>
    tpu.wait_dma2 semaphore(%arg10 : memref<!tpu.dma_semaphore, #tpu.memory_space<semaphore_mem>>) src(%dma_wait3A_98 : memref<2x128xi32, #tpu.memory_space<hbm>>) dst(%dma_wait3A_96 : memref<2x128xi32, #tpu.memory_space<vmem>>)
    %dma_start3A_99 = arith.constant 1 : i32
    %dma_start3A_100 = arith.constant 0 : i32
    %dma_start3A_101 = arith.constant 1 : i32
    %dma_start3A_102 = arith.constant 0 : i32
    %dma_start3A_103 = arith.constant 0 : i32
    %dma_start3A_104 = tpu.memref_slice %arg7[%dma_start3A_101, %dma_start3A_102, %dma_start3A_103] : memref<3x128x128xf32, #tpu.memory_space<vmem>> -> memref<1x128x128xf32, #tpu.memory_space<vmem>>
    %dma_start3A_105 = tpu.memref_squeeze %dma_start3A_104 : memref<1x128x128xf32, #tpu.memory_space<vmem>> -> memref<128x128xf32, #tpu.memory_space<vmem>>
    %dma_start3A_106 = arith.constant 0 : i32
    %dma_start3A_107 = tpu.memref_slice %arg6[%dma_start3A_99, %dma_start3A_100, %dma_start3A_106] : memref<6x2x128xi32, #tpu.memory_space<vmem>> -> memref<1x1x128xi32, #tpu.memory_space<vmem>>
    %dma_start3A_108 = tpu.memref_squeeze %dma_start3A_107 : memref<1x1x128xi32, #tpu.memory_space<vmem>> -> memref<128xi32, #tpu.memory_space<vmem>>
    %dma_start3A_109 = arith.constant 0 : i32
    %dma_start3A_110 = arith.constant 0 : i32
    %dma_start3A_111 = tpu.memref_slice %arg2[%dma_start3A_109, %dma_start3A_110] : memref<10000x128xf32, #tpu.memory_space<hbm>> -> memref<10000x128xf32, #tpu.memory_space<hbm>>
    tpu.enqueue_indirect_dma source(%dma_start3A_111 : memref<10000x128xf32, #tpu.memory_space<hbm>>) target(%dma_start3A_105 : memref<128x128xf32, #tpu.memory_space<vmem>>) offsets(%dma_start3A_108 : memref<128xi32, #tpu.memory_space<vmem>>) semaphore(%arg16 : memref<!tpu.dma_semaphore, #tpu.memory_space<semaphore_mem>>)
    %scan3A = arith.constant 0 : i32
    %scan3A_112 = arith.constant 14 : i32
    %scan3A_113 = arith.addi %scan3A, %scan3A_112 : i32
    %scan3A_114 = arith.constant 1 : i32
    scf.for %scan3A_122 = %scan3A to %scan3A_113 step %scan3A_114  : i32 {
      %mul3A_123 = arith.constant 6 : i32
      %mul3A_124 = arith.muli %scan3A_122, %mul3A_123 : i32
      %add3A_125 = arith.constant 0 : i32
      %add3A_126 = arith.addi %add3A_125, %mul3A_124 : i32
      %add3A_127 = arith.constant 0 : i32
      %add3A_128 = arith.addi %add3A_126, %add3A_127 : i32
      %ge3A = arith.constant 1 : i32
      %ge3A_129 = arith.cmpi sge, %add3A_128, %ge3A : i32
      %sub3A = arith.constant 1 : i32
      %sub3A_130 = arith.subi %add3A_128, %sub3A : i32
      %mul3A_131 = arith.constant 32 : i32
      %mul3A_132 = arith.muli %mul3A_131, %sub3A_130 : i32
      %add3A_133 = arith.addi %add3A, %mul3A_132 : i32
      %lt3A_134 = arith.constant 2500 : i32
      %lt3A_135 = arith.cmpi slt, %add3A_133, %lt3A_134 : i32
      %and3A = arith.andi %ge3A_129, %lt3A_135 : i1
      %convert_element_type3A_136 = arith.extui %and3A : i1 to i32
      %cond3A_137 = arith.constant 0 : i32
      %cond3A_138 = arith.cmpi ne, %convert_element_type3A_136, %cond3A_137 : i32
      scf.if %cond3A_138 {
        %dma_wait3A_382 = arith.constant 2 : i32
        %dma_wait3A_383 = arith.constant 5 : i32
        %dma_wait3A_384 = arith.constant 1 : i32
        %dma_wait3A_385 = arith.constant 0 : i32
        %dma_wait3A_386 = arith.constant 0 : i32
        %dma_wait3A_387 = tpu.memref_slice %arg7[%dma_wait3A_382, %dma_wait3A_385, %dma_wait3A_386] : memref<3x128x128xf32, #tpu.memory_space<vmem>> -> memref<1x128x128xf32, #tpu.memory_space<vmem>>
        %dma_wait3A_388 = tpu.memref_squeeze %dma_wait3A_387 : memref<1x128x128xf32, #tpu.memory_space<vmem>> -> memref<128x128xf32, #tpu.memory_space<vmem>>
        %dma_wait3A_389 = arith.constant 0 : i32
        %dma_wait3A_390 = tpu.memref_slice %arg6[%dma_wait3A_383, %dma_wait3A_384, %dma_wait3A_389] : memref<6x2x128xi32, #tpu.memory_space<vmem>> -> memref<1x1x128xi32, #tpu.memory_space<vmem>>
        %dma_wait3A_391 = tpu.memref_squeeze %dma_wait3A_390 : memref<1x1x128xi32, #tpu.memory_space<vmem>> -> memref<128xi32, #tpu.memory_space<vmem>>
        %dma_wait3A_392 = arith.constant 0 : i32
        %dma_wait3A_393 = arith.constant 0 : i32
        %dma_wait3A_394 = tpu.memref_slice %arg8[%dma_wait3A_392, %dma_wait3A_393] : memref<10000x128xf32, #tpu.memory_space<vmem_shared>> -> memref<10000x128xf32, #tpu.memory_space<vmem_shared>>
        tpu.wait_indirect_dma semaphore(%arg20 : memref<!tpu.dma_semaphore, #tpu.memory_space<semaphore_mem>>) src(%dma_wait3A_388 : memref<128x128xf32, #tpu.memory_space<vmem>>) dst(%dma_wait3A_394 : memref<10000x128xf32, #tpu.memory_space<vmem_shared>>)
      } else {
      }
      %add3A_139 = arith.constant 2 : i32
      %add3A_140 = arith.addi %add3A_128, %add3A_139 : i32
      %mul3A_141 = arith.constant 32 : i32
      %mul3A_142 = arith.muli %mul3A_141, %add3A_140 : i32
      %add3A_143 = arith.addi %add3A, %mul3A_142 : i32
      %lt3A_144 = arith.constant 2500 : i32
      %lt3A_145 = arith.cmpi slt, %add3A_143, %lt3A_144 : i32
      %convert_element_type3A_146 = arith.extui %lt3A_145 : i1 to i32
      %cond3A_147 = arith.constant 0 : i32
      %cond3A_148 = arith.cmpi ne, %convert_element_type3A_146, %cond3A_147 : i32
      scf.if %cond3A_148 {
        %add3A_382 = arith.constant 2 : i32
        %add3A_383 = arith.addi %add3A_128, %add3A_382 : i32
        %mul3A_384 = arith.constant 32 : i32
        %mul3A_385 = arith.muli %mul3A_384, %add3A_383 : i32
        %add3A_386 = arith.addi %add3A, %mul3A_385 : i32
        %mul3A_387 = arith.constant 128 : i32
        %mul3A_388 = arith.muli %add3A_386, %mul3A_387 : i32
        %dma_wait3A_389 = arith.constant 2 : i32
        %dma_wait3A_390 = arith.constant 0 : i32
        %dma_wait3A_391 = arith.constant 0 : i32
        %dma_wait3A_392 = tpu.memref_slice %arg6[%dma_wait3A_389, %dma_wait3A_390, %dma_wait3A_391] : memref<6x2x128xi32, #tpu.memory_space<vmem>> -> memref<1x2x128xi32, #tpu.memory_space<vmem>>
        %dma_wait3A_393 = tpu.memref_squeeze %dma_wait3A_392 : memref<1x2x128xi32, #tpu.memory_space<vmem>> -> memref<2x128xi32, #tpu.memory_space<vmem>>
        %dma_wait3A_394 = arith.constant 0 : i32
        %dma_wait3A_395 = tpu.memref_slice %arg3[%dma_wait3A_394, %mul3A_388] : memref<2x320000xi32, #tpu.memory_space<hbm>> -> memref<2x128xi32, #tpu.memory_space<hbm>>
        %dma_wait3A_396 = arith.constant 0 : i32
        %dma_wait3A_397 = arith.constant 0 : i32
        %dma_wait3A_398 = tpu.memref_slice %arg6[%dma_wait3A_389, %dma_wait3A_396, %dma_wait3A_397] : memref<6x2x128xi32, #tpu.memory_space<vmem>> -> memref<1x2x128xi32, #tpu.memory_space<vmem>>
        %dma_wait3A_399 = tpu.memref_squeeze %dma_wait3A_398 : memref<1x2x128xi32, #tpu.memory_space<vmem>> -> memref<2x128xi32, #tpu.memory_space<vmem>>
        %dma_wait3A_400 = arith.constant 0 : i32
        %dma_wait3A_401 = tpu.memref_slice %arg3[%dma_wait3A_400, %mul3A_388] : memref<2x320000xi32, #tpu.memory_space<hbm>> -> memref<2x128xi32, #tpu.memory_space<hbm>>
        tpu.wait_dma2 semaphore(%arg11 : memref<!tpu.dma_semaphore, #tpu.memory_space<semaphore_mem>>) src(%dma_wait3A_401 : memref<2x128xi32, #tpu.memory_space<hbm>>) dst(%dma_wait3A_399 : memref<2x128xi32, #tpu.memory_space<vmem>>)
        %dma_start3A_402 = arith.constant 2 : i32
        %dma_start3A_403 = arith.constant 0 : i32
        %dma_start3A_404 = arith.constant 2 : i32
        %dma_start3A_405 = arith.constant 0 : i32
        %dma_start3A_406 = arith.constant 0 : i32
        %dma_start3A_407 = tpu.memref_slice %arg7[%dma_start3A_404, %dma_start3A_405, %dma_start3A_406] : memref<3x128x128xf32, #tpu.memory_space<vmem>> -> memref<1x128x128xf32, #tpu.memory_space<vmem>>
        %dma_start3A_408 = tpu.memref_squeeze %dma_start3A_407 : memref<1x128x128xf32, #tpu.memory_space<vmem>> -> memref<128x128xf32, #tpu.memory_space<vmem>>
        %dma_start3A_409 = arith.constant 0 : i32
        %dma_start3A_410 = tpu.memref_slice %arg6[%dma_start3A_402, %dma_start3A_403, %dma_start3A_409] : memref<6x2x128xi32, #tpu.memory_space<vmem>> -> memref<1x1x128xi32, #tpu.memory_space<vmem>>
        %dma_start3A_411 = tpu.memref_squeeze %dma_start3A_410 : memref<1x1x128xi32, #tpu.memory_space<vmem>> -> memref<128xi32, #tpu.memory_space<vmem>>
        %dma_start3A_412 = arith.constant 0 : i32
        %dma_start3A_413 = arith.constant 0 : i32
        %dma_start3A_414 = tpu.memref_slice %arg2[%dma_start3A_412, %dma_start3A_413] : memref<10000x128xf32, #tpu.memory_space<hbm>> -> memref<10000x128xf32, #tpu.memory_space<hbm>>
        tpu.enqueue_indirect_dma source(%dma_start3A_414 : memref<10000x128xf32, #tpu.memory_space<hbm>>) target(%dma_start3A_408 : memref<128x128xf32, #tpu.memory_space<vmem>>) offsets(%dma_start3A_411 : memref<128xi32, #tpu.memory_space<vmem>>) semaphore(%arg17 : memref<!tpu.dma_semaphore, #tpu.memory_space<semaphore_mem>>)
      } else {
      }
      %add3A_149 = arith.constant 3 : i32
      %add3A_150 = arith.addi %add3A_128, %add3A_149 : i32
      %mul3A_151 = arith.constant 32 : i32
      %mul3A_152 = arith.muli %mul3A_151, %add3A_150 : i32
      %add3A_153 = arith.addi %add3A, %mul3A_152 : i32
      %lt3A_154 = arith.constant 2500 : i32
      %lt3A_155 = arith.cmpi slt, %add3A_153, %lt3A_154 : i32
      %convert_element_type3A_156 = arith.extui %lt3A_155 : i1 to i32
      %cond3A_157 = arith.constant 0 : i32
      %cond3A_158 = arith.cmpi ne, %convert_element_type3A_156, %cond3A_157 : i32
      scf.if %cond3A_158 {
        %add3A_382 = arith.constant 3 : i32
        %add3A_383 = arith.addi %add3A_128, %add3A_382 : i32
        %mul3A_384 = arith.constant 32 : i32
        %mul3A_385 = arith.muli %mul3A_384, %add3A_383 : i32
        %add3A_386 = arith.addi %add3A, %mul3A_385 : i32
        %mul3A_387 = arith.constant 128 : i32
        %mul3A_388 = arith.muli %add3A_386, %mul3A_387 : i32
        %dma_start3A_389 = arith.constant 3 : i32
        %dma_start3A_390 = arith.constant 0 : i32
        %dma_start3A_391 = arith.constant 0 : i32
        %dma_start3A_392 = tpu.memref_slice %arg6[%dma_start3A_389, %dma_start3A_390, %dma_start3A_391] : memref<6x2x128xi32, #tpu.memory_space<vmem>> -> memref<1x2x128xi32, #tpu.memory_space<vmem>>
        %dma_start3A_393 = tpu.memref_squeeze %dma_start3A_392 : memref<1x2x128xi32, #tpu.memory_space<vmem>> -> memref<2x128xi32, #tpu.memory_space<vmem>>
        %dma_start3A_394 = arith.constant 0 : i32
        %dma_start3A_395 = tpu.memref_slice %arg3[%dma_start3A_394, %mul3A_388] : memref<2x320000xi32, #tpu.memory_space<hbm>> -> memref<2x128xi32, #tpu.memory_space<hbm>>
        %dma_start3A_396 = arith.constant 0 : i32
        %dma_start3A_397 = arith.constant 0 : i32
        %dma_start3A_398 = tpu.memref_slice %arg6[%dma_start3A_389, %dma_start3A_396, %dma_start3A_397] : memref<6x2x128xi32, #tpu.memory_space<vmem>> -> memref<1x2x128xi32, #tpu.memory_space<vmem>>
        %dma_start3A_399 = tpu.memref_squeeze %dma_start3A_398 : memref<1x2x128xi32, #tpu.memory_space<vmem>> -> memref<2x128xi32, #tpu.memory_space<vmem>>
        %dma_start3A_400 = arith.constant 0 : i32
        %dma_start3A_401 = tpu.memref_slice %arg3[%dma_start3A_400, %mul3A_388] : memref<2x320000xi32, #tpu.memory_space<hbm>> -> memref<2x128xi32, #tpu.memory_space<hbm>>
        tpu.enqueue_dma source(%dma_start3A_401 : memref<2x128xi32, #tpu.memory_space<hbm>>) target(%dma_start3A_399 : memref<2x128xi32, #tpu.memory_space<vmem>>) target_semaphore(%arg12 : memref<!tpu.dma_semaphore, #tpu.memory_space<semaphore_mem>>)
      } else {
      }
      %mul3A_159 = arith.constant 32 : i32
      %mul3A_160 = arith.muli %mul3A_159, %add3A_128 : i32
      %add3A_161 = arith.addi %add3A, %mul3A_160 : i32
      %lt3A_162 = arith.constant 2500 : i32
      %lt3A_163 = arith.cmpi slt, %add3A_161, %lt3A_162 : i32
      %convert_element_type3A_164 = arith.extui %lt3A_163 : i1 to i32
      %cond3A_165 = arith.constant 0 : i32
      %cond3A_166 = arith.cmpi ne, %convert_element_type3A_164, %cond3A_165 : i32
      scf.if %cond3A_166 {
        %dma_wait3A_382 = arith.constant 0 : i32
        %dma_wait3A_383 = arith.constant 0 : i32
        %dma_wait3A_384 = arith.constant 0 : i32
        %dma_wait3A_385 = arith.constant 0 : i32
        %dma_wait3A_386 = arith.constant 0 : i32
        %dma_wait3A_387 = tpu.memref_slice %arg7[%dma_wait3A_384, %dma_wait3A_385, %dma_wait3A_386] : memref<3x128x128xf32, #tpu.memory_space<vmem>> -> memref<1x128x128xf32, #tpu.memory_space<vmem>>
        %dma_wait3A_388 = tpu.memref_squeeze %dma_wait3A_387 : memref<1x128x128xf32, #tpu.memory_space<vmem>> -> memref<128x128xf32, #tpu.memory_space<vmem>>
        %dma_wait3A_389 = arith.constant 0 : i32
        %dma_wait3A_390 = tpu.memref_slice %arg6[%dma_wait3A_382, %dma_wait3A_383, %dma_wait3A_389] : memref<6x2x128xi32, #tpu.memory_space<vmem>> -> memref<1x1x128xi32, #tpu.memory_space<vmem>>
        %dma_wait3A_391 = tpu.memref_squeeze %dma_wait3A_390 : memref<1x1x128xi32, #tpu.memory_space<vmem>> -> memref<128xi32, #tpu.memory_space<vmem>>
        %dma_wait3A_392 = arith.constant 0 : i32
        %dma_wait3A_393 = arith.constant 0 : i32
        %dma_wait3A_394 = tpu.memref_slice %arg2[%dma_wait3A_392, %dma_wait3A_393] : memref<10000x128xf32, #tpu.memory_space<hbm>> -> memref<10000x128xf32, #tpu.memory_space<hbm>>
        tpu.wait_indirect_dma semaphore(%arg15 : memref<!tpu.dma_semaphore, #tpu.memory_space<semaphore_mem>>) src(%dma_wait3A_394 : memref<10000x128xf32, #tpu.memory_space<hbm>>) dst(%dma_wait3A_388 : memref<128x128xf32, #tpu.memory_space<vmem>>)
        %dma_start3A_395 = arith.constant 0 : i32
        %dma_start3A_396 = arith.constant 0 : i32
        %dma_start3A_397 = arith.constant 1 : i32
        %dma_start3A_398 = arith.constant 0 : i32
        %dma_start3A_399 = arith.constant 0 : i32
        %dma_start3A_400 = tpu.memref_slice %arg7[%dma_start3A_395, %dma_start3A_398, %dma_start3A_399] : memref<3x128x128xf32, #tpu.memory_space<vmem>> -> memref<1x128x128xf32, #tpu.memory_space<vmem>>
        %dma_start3A_401 = tpu.memref_squeeze %dma_start3A_400 : memref<1x128x128xf32, #tpu.memory_space<vmem>> -> memref<128x128xf32, #tpu.memory_space<vmem>>
        %dma_start3A_402 = arith.constant 0 : i32
        %dma_start3A_403 = tpu.memref_slice %arg6[%dma_start3A_396, %dma_start3A_397, %dma_start3A_402] : memref<6x2x128xi32, #tpu.memory_space<vmem>> -> memref<1x1x128xi32, #tpu.memory_space<vmem>>
        %dma_start3A_404 = tpu.memref_squeeze %dma_start3A_403 : memref<1x1x128xi32, #tpu.memory_space<vmem>> -> memref<128xi32, #tpu.memory_space<vmem>>
        %dma_start3A_405 = arith.constant 0 : i32
        %dma_start3A_406 = arith.constant 0 : i32
        %dma_start3A_407 = tpu.memref_slice %arg8[%dma_start3A_405, %dma_start3A_406] : memref<10000x128xf32, #tpu.memory_space<vmem_shared>> -> memref<10000x128xf32, #tpu.memory_space<vmem_shared>>
        tpu.enqueue_indirect_dma source(%dma_start3A_401 : memref<128x128xf32, #tpu.memory_space<vmem>>) target(%dma_start3A_407 : memref<10000x128xf32, #tpu.memory_space<vmem_shared>>) offsets(%dma_start3A_404 : memref<128xi32, #tpu.memory_space<vmem>>) semaphore(%arg18 : memref<!tpu.dma_semaphore, #tpu.memory_space<semaphore_mem>>) {add = true}
      } else {
      }
      %add3A_167 = arith.constant 1 : i32
      %add3A_168 = arith.addi %add3A_126, %add3A_167 : i32
      %ge3A_169 = arith.constant 1 : i32
      %ge3A_170 = arith.cmpi sge, %add3A_168, %ge3A_169 : i32
      %sub3A_171 = arith.constant 1 : i32
      %sub3A_172 = arith.subi %add3A_168, %sub3A_171 : i32
      %mul3A_173 = arith.constant 32 : i32
      %mul3A_174 = arith.muli %mul3A_173, %sub3A_172 : i32
      %add3A_175 = arith.addi %add3A, %mul3A_174 : i32
      %lt3A_176 = arith.constant 2500 : i32
      %lt3A_177 = arith.cmpi slt, %add3A_175, %lt3A_176 : i32
      %and3A_178 = arith.andi %ge3A_170, %lt3A_177 : i1
      %convert_element_type3A_179 = arith.extui %and3A_178 : i1 to i32
      %cond3A_180 = arith.constant 0 : i32
      %cond3A_181 = arith.cmpi ne, %convert_element_type3A_179, %cond3A_180 : i32
      scf.if %cond3A_181 {
        %dma_wait3A_382 = arith.constant 0 : i32
        %dma_wait3A_383 = arith.constant 0 : i32
        %dma_wait3A_384 = arith.constant 1 : i32
        %dma_wait3A_385 = arith.constant 0 : i32
        %dma_wait3A_386 = arith.constant 0 : i32
        %dma_wait3A_387 = tpu.memref_slice %arg7[%dma_wait3A_382, %dma_wait3A_385, %dma_wait3A_386] : memref<3x128x128xf32, #tpu.memory_space<vmem>> -> memref<1x128x128xf32, #tpu.memory_space<vmem>>
        %dma_wait3A_388 = tpu.memref_squeeze %dma_wait3A_387 : memref<1x128x128xf32, #tpu.memory_space<vmem>> -> memref<128x128xf32, #tpu.memory_space<vmem>>
        %dma_wait3A_389 = arith.constant 0 : i32
        %dma_wait3A_390 = tpu.memref_slice %arg6[%dma_wait3A_383, %dma_wait3A_384, %dma_wait3A_389] : memref<6x2x128xi32, #tpu.memory_space<vmem>> -> memref<1x1x128xi32, #tpu.memory_space<vmem>>
        %dma_wait3A_391 = tpu.memref_squeeze %dma_wait3A_390 : memref<1x1x128xi32, #tpu.memory_space<vmem>> -> memref<128xi32, #tpu.memory_space<vmem>>
        %dma_wait3A_392 = arith.constant 0 : i32
        %dma_wait3A_393 = arith.constant 0 : i32
        %dma_wait3A_394 = tpu.memref_slice %arg8[%dma_wait3A_392, %dma_wait3A_393] : memref<10000x128xf32, #tpu.memory_space<vmem_shared>> -> memref<10000x128xf32, #tpu.memory_space<vmem_shared>>
        tpu.wait_indirect_dma semaphore(%arg18 : memref<!tpu.dma_semaphore, #tpu.memory_space<semaphore_mem>>) src(%dma_wait3A_388 : memref<128x128xf32, #tpu.memory_space<vmem>>) dst(%dma_wait3A_394 : memref<10000x128xf32, #tpu.memory_space<vmem_shared>>)
      } else {
      }
      %add3A_182 = arith.constant 2 : i32
      %add3A_183 = arith.addi %add3A_168, %add3A_182 : i32
      %mul3A_184 = arith.constant 32 : i32
      %mul3A_185 = arith.muli %mul3A_184, %add3A_183 : i32
      %add3A_186 = arith.addi %add3A, %mul3A_185 : i32
      %lt3A_187 = arith.constant 2500 : i32
      %lt3A_188 = arith.cmpi slt, %add3A_186, %lt3A_187 : i32
      %convert_element_type3A_189 = arith.extui %lt3A_188 : i1 to i32
      %cond3A_190 = arith.constant 0 : i32
      %cond3A_191 = arith.cmpi ne, %convert_element_type3A_189, %cond3A_190 : i32
      scf.if %cond3A_191 {
        %add3A_382 = arith.constant 2 : i32
        %add3A_383 = arith.addi %add3A_168, %add3A_382 : i32
        %mul3A_384 = arith.constant 32 : i32
        %mul3A_385 = arith.muli %mul3A_384, %add3A_383 : i32
        %add3A_386 = arith.addi %add3A, %mul3A_385 : i32
        %mul3A_387 = arith.constant 128 : i32
        %mul3A_388 = arith.muli %add3A_386, %mul3A_387 : i32
        %dma_wait3A_389 = arith.constant 3 : i32
        %dma_wait3A_390 = arith.constant 0 : i32
        %dma_wait3A_391 = arith.constant 0 : i32
        %dma_wait3A_392 = tpu.memref_slice %arg6[%dma_wait3A_389, %dma_wait3A_390, %dma_wait3A_391] : memref<6x2x128xi32, #tpu.memory_space<vmem>> -> memref<1x2x128xi32, #tpu.memory_space<vmem>>
        %dma_wait3A_393 = tpu.memref_squeeze %dma_wait3A_392 : memref<1x2x128xi32, #tpu.memory_space<vmem>> -> memref<2x128xi32, #tpu.memory_space<vmem>>
        %dma_wait3A_394 = arith.constant 0 : i32
        %dma_wait3A_395 = tpu.memref_slice %arg3[%dma_wait3A_394, %mul3A_388] : memref<2x320000xi32, #tpu.memory_space<hbm>> -> memref<2x128xi32, #tpu.memory_space<hbm>>
        %dma_wait3A_396 = arith.constant 0 : i32
        %dma_wait3A_397 = arith.constant 0 : i32
        %dma_wait3A_398 = tpu.memref_slice %arg6[%dma_wait3A_389, %dma_wait3A_396, %dma_wait3A_397] : memref<6x2x128xi32, #tpu.memory_space<vmem>> -> memref<1x2x128xi32, #tpu.memory_space<vmem>>
        %dma_wait3A_399 = tpu.memref_squeeze %dma_wait3A_398 : memref<1x2x128xi32, #tpu.memory_space<vmem>> -> memref<2x128xi32, #tpu.memory_space<vmem>>
        %dma_wait3A_400 = arith.constant 0 : i32
        %dma_wait3A_401 = tpu.memref_slice %arg3[%dma_wait3A_400, %mul3A_388] : memref<2x320000xi32, #tpu.memory_space<hbm>> -> memref<2x128xi32, #tpu.memory_space<hbm>>
        tpu.wait_dma2 semaphore(%arg12 : memref<!tpu.dma_semaphore, #tpu.memory_space<semaphore_mem>>) src(%dma_wait3A_401 : memref<2x128xi32, #tpu.memory_space<hbm>>) dst(%dma_wait3A_399 : memref<2x128xi32, #tpu.memory_space<vmem>>)
        %dma_start3A_402 = arith.constant 3 : i32
        %dma_start3A_403 = arith.constant 0 : i32
        %dma_start3A_404 = arith.constant 0 : i32
        %dma_start3A_405 = arith.constant 0 : i32
        %dma_start3A_406 = arith.constant 0 : i32
        %dma_start3A_407 = tpu.memref_slice %arg7[%dma_start3A_404, %dma_start3A_405, %dma_start3A_406] : memref<3x128x128xf32, #tpu.memory_space<vmem>> -> memref<1x128x128xf32, #tpu.memory_space<vmem>>
        %dma_start3A_408 = tpu.memref_squeeze %dma_start3A_407 : memref<1x128x128xf32, #tpu.memory_space<vmem>> -> memref<128x128xf32, #tpu.memory_space<vmem>>
        %dma_start3A_409 = arith.constant 0 : i32
        %dma_start3A_410 = tpu.memref_slice %arg6[%dma_start3A_402, %dma_start3A_403, %dma_start3A_409] : memref<6x2x128xi32, #tpu.memory_space<vmem>> -> memref<1x1x128xi32, #tpu.memory_space<vmem>>
        %dma_start3A_411 = tpu.memref_squeeze %dma_start3A_410 : memref<1x1x128xi32, #tpu.memory_space<vmem>> -> memref<128xi32, #tpu.memory_space<vmem>>
        %dma_start3A_412 = arith.constant 0 : i32
        %dma_start3A_413 = arith.constant 0 : i32
        %dma_start3A_414 = tpu.memref_slice %arg2[%dma_start3A_412, %dma_start3A_413] : memref<10000x128xf32, #tpu.memory_space<hbm>> -> memref<10000x128xf32, #tpu.memory_space<hbm>>
        tpu.enqueue_indirect_dma source(%dma_start3A_414 : memref<10000x128xf32, #tpu.memory_space<hbm>>) target(%dma_start3A_408 : memref<128x128xf32, #tpu.memory_space<vmem>>) offsets(%dma_start3A_411 : memref<128xi32, #tpu.memory_space<vmem>>) semaphore(%arg15 : memref<!tpu.dma_semaphore, #tpu.memory_space<semaphore_mem>>)
      } else {
      }
      %add3A_192 = arith.constant 3 : i32
      %add3A_193 = arith.addi %add3A_168, %add3A_192 : i32
      %mul3A_194 = arith.constant 32 : i32
      %mul3A_195 = arith.muli %mul3A_194, %add3A_193 : i32
      %add3A_196 = arith.addi %add3A, %mul3A_195 : i32
      %lt3A_197 = arith.constant 2500 : i32
      %lt3A_198 = arith.cmpi slt, %add3A_196, %lt3A_197 : i32
      %convert_element_type3A_199 = arith.extui %lt3A_198 : i1 to i32
      %cond3A_200 = arith.constant 0 : i32
      %cond3A_201 = arith.cmpi ne, %convert_element_type3A_199, %cond3A_200 : i32
      scf.if %cond3A_201 {
        %add3A_382 = arith.constant 3 : i32
        %add3A_383 = arith.addi %add3A_168, %add3A_382 : i32
        %mul3A_384 = arith.constant 32 : i32
        %mul3A_385 = arith.muli %mul3A_384, %add3A_383 : i32
        %add3A_386 = arith.addi %add3A, %mul3A_385 : i32
        %mul3A_387 = arith.constant 128 : i32
        %mul3A_388 = arith.muli %add3A_386, %mul3A_387 : i32
        %dma_start3A_389 = arith.constant 4 : i32
        %dma_start3A_390 = arith.constant 0 : i32
        %dma_start3A_391 = arith.constant 0 : i32
        %dma_start3A_392 = tpu.memref_slice %arg6[%dma_start3A_389, %dma_start3A_390, %dma_start3A_391] : memref<6x2x128xi32, #tpu.memory_space<vmem>> -> memref<1x2x128xi32, #tpu.memory_space<vmem>>
        %dma_start3A_393 = tpu.memref_squeeze %dma_start3A_392 : memref<1x2x128xi32, #tpu.memory_space<vmem>> -> memref<2x128xi32, #tpu.memory_space<vmem>>
        %dma_start3A_394 = arith.constant 0 : i32
        %dma_start3A_395 = tpu.memref_slice %arg3[%dma_start3A_394, %mul3A_388] : memref<2x320000xi32, #tpu.memory_space<hbm>> -> memref<2x128xi32, #tpu.memory_space<hbm>>
        %dma_start3A_396 = arith.constant 0 : i32
        %dma_start3A_397 = arith.constant 0 : i32
        %dma_start3A_398 = tpu.memref_slice %arg6[%dma_start3A_389, %dma_start3A_396, %dma_start3A_397] : memref<6x2x128xi32, #tpu.memory_space<vmem>> -> memref<1x2x128xi32, #tpu.memory_space<vmem>>
        %dma_start3A_399 = tpu.memref_squeeze %dma_start3A_398 : memref<1x2x128xi32, #tpu.memory_space<vmem>> -> memref<2x128xi32, #tpu.memory_space<vmem>>
        %dma_start3A_400 = arith.constant 0 : i32
        %dma_start3A_401 = tpu.memref_slice %arg3[%dma_start3A_400, %mul3A_388] : memref<2x320000xi32, #tpu.memory_space<hbm>> -> memref<2x128xi32, #tpu.memory_space<hbm>>
        tpu.enqueue_dma source(%dma_start3A_401 : memref<2x128xi32, #tpu.memory_space<hbm>>) target(%dma_start3A_399 : memref<2x128xi32, #tpu.memory_space<vmem>>) target_semaphore(%arg13 : memref<!tpu.dma_semaphore, #tpu.memory_space<semaphore_mem>>)
      } else {
      }
      %mul3A_202 = arith.constant 32 : i32
      %mul3A_203 = arith.muli %mul3A_202, %add3A_168 : i32
      %add3A_204 = arith.addi %add3A, %mul3A_203 : i32
      %lt3A_205 = arith.constant 2500 : i32
      %lt3A_206 = arith.cmpi slt, %add3A_204, %lt3A_205 : i32
      %convert_element_type3A_207 = arith.extui %lt3A_206 : i1 to i32
      %cond3A_208 = arith.constant 0 : i32
      %cond3A_209 = arith.cmpi ne, %convert_element_type3A_207, %cond3A_208 : i32
      scf.if %cond3A_209 {
        %dma_wait3A_382 = arith.constant 1 : i32
        %dma_wait3A_383 = arith.constant 0 : i32
        %dma_wait3A_384 = arith.constant 1 : i32
        %dma_wait3A_385 = arith.constant 0 : i32
        %dma_wait3A_386 = arith.constant 0 : i32
        %dma_wait3A_387 = tpu.memref_slice %arg7[%dma_wait3A_384, %dma_wait3A_385, %dma_wait3A_386] : memref<3x128x128xf32, #tpu.memory_space<vmem>> -> memref<1x128x128xf32, #tpu.memory_space<vmem>>
        %dma_wait3A_388 = tpu.memref_squeeze %dma_wait3A_387 : memref<1x128x128xf32, #tpu.memory_space<vmem>> -> memref<128x128xf32, #tpu.memory_space<vmem>>
        %dma_wait3A_389 = arith.constant 0 : i32
        %dma_wait3A_390 = tpu.memref_slice %arg6[%dma_wait3A_382, %dma_wait3A_383, %dma_wait3A_389] : memref<6x2x128xi32, #tpu.memory_space<vmem>> -> memref<1x1x128xi32, #tpu.memory_space<vmem>>
        %dma_wait3A_391 = tpu.memref_squeeze %dma_wait3A_390 : memref<1x1x128xi32, #tpu.memory_space<vmem>> -> memref<128xi32, #tpu.memory_space<vmem>>
        %dma_wait3A_392 = arith.constant 0 : i32
        %dma_wait3A_393 = arith.constant 0 : i32
        %dma_wait3A_394 = tpu.memref_slice %arg2[%dma_wait3A_392, %dma_wait3A_393] : memref<10000x128xf32, #tpu.memory_space<hbm>> -> memref<10000x128xf32, #tpu.memory_space<hbm>>
        tpu.wait_indirect_dma semaphore(%arg16 : memref<!tpu.dma_semaphore, #tpu.memory_space<semaphore_mem>>) src(%dma_wait3A_394 : memref<10000x128xf32, #tpu.memory_space<hbm>>) dst(%dma_wait3A_388 : memref<128x128xf32, #tpu.memory_space<vmem>>)
        %dma_start3A_395 = arith.constant 1 : i32
        %dma_start3A_396 = arith.constant 1 : i32
        %dma_start3A_397 = arith.constant 1 : i32
        %dma_start3A_398 = arith.constant 0 : i32
        %dma_start3A_399 = arith.constant 0 : i32
        %dma_start3A_400 = tpu.memref_slice %arg7[%dma_start3A_395, %dma_start3A_398, %dma_start3A_399] : memref<3x128x128xf32, #tpu.memory_space<vmem>> -> memref<1x128x128xf32, #tpu.memory_space<vmem>>
        %dma_start3A_401 = tpu.memref_squeeze %dma_start3A_400 : memref<1x128x128xf32, #tpu.memory_space<vmem>> -> memref<128x128xf32, #tpu.memory_space<vmem>>
        %dma_start3A_402 = arith.constant 0 : i32
        %dma_start3A_403 = tpu.memref_slice %arg6[%dma_start3A_396, %dma_start3A_397, %dma_start3A_402] : memref<6x2x128xi32, #tpu.memory_space<vmem>> -> memref<1x1x128xi32, #tpu.memory_space<vmem>>
        %dma_start3A_404 = tpu.memref_squeeze %dma_start3A_403 : memref<1x1x128xi32, #tpu.memory_space<vmem>> -> memref<128xi32, #tpu.memory_space<vmem>>
        %dma_start3A_405 = arith.constant 0 : i32
        %dma_start3A_406 = arith.constant 0 : i32
        %dma_start3A_407 = tpu.memref_slice %arg8[%dma_start3A_405, %dma_start3A_406] : memref<10000x128xf32, #tpu.memory_space<vmem_shared>> -> memref<10000x128xf32, #tpu.memory_space<vmem_shared>>
        tpu.enqueue_indirect_dma source(%dma_start3A_401 : memref<128x128xf32, #tpu.memory_space<vmem>>) target(%dma_start3A_407 : memref<10000x128xf32, #tpu.memory_space<vmem_shared>>) offsets(%dma_start3A_404 : memref<128xi32, #tpu.memory_space<vmem>>) semaphore(%arg19 : memref<!tpu.dma_semaphore, #tpu.memory_space<semaphore_mem>>) {add = true}
      } else {
      }
      %add3A_210 = arith.constant 2 : i32
      %add3A_211 = arith.addi %add3A_126, %add3A_210 : i32
      %ge3A_212 = arith.constant 1 : i32
      %ge3A_213 = arith.cmpi sge, %add3A_211, %ge3A_212 : i32
      %sub3A_214 = arith.constant 1 : i32
      %sub3A_215 = arith.subi %add3A_211, %sub3A_214 : i32
      %mul3A_216 = arith.constant 32 : i32
      %mul3A_217 = arith.muli %mul3A_216, %sub3A_215 : i32
      %add3A_218 = arith.addi %add3A, %mul3A_217 : i32
      %lt3A_219 = arith.constant 2500 : i32
      %lt3A_220 = arith.cmpi slt, %add3A_218, %lt3A_219 : i32
      %and3A_221 = arith.andi %ge3A_213, %lt3A_220 : i1
      %convert_element_type3A_222 = arith.extui %and3A_221 : i1 to i32
      %cond3A_223 = arith.constant 0 : i32
      %cond3A_224 = arith.cmpi ne, %convert_element_type3A_222, %cond3A_223 : i32
      scf.if %cond3A_224 {
        %dma_wait3A_382 = arith.constant 1 : i32
        %dma_wait3A_383 = arith.constant 1 : i32
        %dma_wait3A_384 = arith.constant 1 : i32
        %dma_wait3A_385 = arith.constant 0 : i32
        %dma_wait3A_386 = arith.constant 0 : i32
        %dma_wait3A_387 = tpu.memref_slice %arg7[%dma_wait3A_382, %dma_wait3A_385, %dma_wait3A_386] : memref<3x128x128xf32, #tpu.memory_space<vmem>> -> memref<1x128x128xf32, #tpu.memory_space<vmem>>
        %dma_wait3A_388 = tpu.memref_squeeze %dma_wait3A_387 : memref<1x128x128xf32, #tpu.memory_space<vmem>> -> memref<128x128xf32, #tpu.memory_space<vmem>>
        %dma_wait3A_389 = arith.constant 0 : i32
        %dma_wait3A_390 = tpu.memref_slice %arg6[%dma_wait3A_383, %dma_wait3A_384, %dma_wait3A_389] : memref<6x2x128xi32, #tpu.memory_space<vmem>> -> memref<1x1x128xi32, #tpu.memory_space<vmem>>
        %dma_wait3A_391 = tpu.memref_squeeze %dma_wait3A_390 : memref<1x1x128xi32, #tpu.memory_space<vmem>> -> memref<128xi32, #tpu.memory_space<vmem>>
        %dma_wait3A_392 = arith.constant 0 : i32
        %dma_wait3A_393 = arith.constant 0 : i32
        %dma_wait3A_394 = tpu.memref_slice %arg8[%dma_wait3A_392, %dma_wait3A_393] : memref<10000x128xf32, #tpu.memory_space<vmem_shared>> -> memref<10000x128xf32, #tpu.memory_space<vmem_shared>>
        tpu.wait_indirect_dma semaphore(%arg19 : memref<!tpu.dma_semaphore, #tpu.memory_space<semaphore_mem>>) src(%dma_wait3A_388 : memref<128x128xf32, #tpu.memory_space<vmem>>) dst(%dma_wait3A_394 : memref<10000x128xf32, #tpu.memory_space<vmem_shared>>)
      } else {
      }
      %add3A_225 = arith.constant 2 : i32
      %add3A_226 = arith.addi %add3A_211, %add3A_225 : i32
      %mul3A_227 = arith.constant 32 : i32
      %mul3A_228 = arith.muli %mul3A_227, %add3A_226 : i32
      %add3A_229 = arith.addi %add3A, %mul3A_228 : i32
      %lt3A_230 = arith.constant 2500 : i32
      %lt3A_231 = arith.cmpi slt, %add3A_229, %lt3A_230 : i32
      %convert_element_type3A_232 = arith.extui %lt3A_231 : i1 to i32
      %cond3A_233 = arith.constant 0 : i32
      %cond3A_234 = arith.cmpi ne, %convert_element_type3A_232, %cond3A_233 : i32
      scf.if %cond3A_234 {
        %add3A_382 = arith.constant 2 : i32
        %add3A_383 = arith.addi %add3A_211, %add3A_382 : i32
        %mul3A_384 = arith.constant 32 : i32
        %mul3A_385 = arith.muli %mul3A_384, %add3A_383 : i32
        %add3A_386 = arith.addi %add3A, %mul3A_385 : i32
        %mul3A_387 = arith.constant 128 : i32
        %mul3A_388 = arith.muli %add3A_386, %mul3A_387 : i32
        %dma_wait3A_389 = arith.constant 4 : i32
        %dma_wait3A_390 = arith.constant 0 : i32
        %dma_wait3A_391 = arith.constant 0 : i32
        %dma_wait3A_392 = tpu.memref_slice %arg6[%dma_wait3A_389, %dma_wait3A_390, %dma_wait3A_391] : memref<6x2x128xi32, #tpu.memory_space<vmem>> -> memref<1x2x128xi32, #tpu.memory_space<vmem>>
        %dma_wait3A_393 = tpu.memref_squeeze %dma_wait3A_392 : memref<1x2x128xi32, #tpu.memory_space<vmem>> -> memref<2x128xi32, #tpu.memory_space<vmem>>
        %dma_wait3A_394 = arith.constant 0 : i32
        %dma_wait3A_395 = tpu.memref_slice %arg3[%dma_wait3A_394, %mul3A_388] : memref<2x320000xi32, #tpu.memory_space<hbm>> -> memref<2x128xi32, #tpu.memory_space<hbm>>
        %dma_wait3A_396 = arith.constant 0 : i32
        %dma_wait3A_397 = arith.constant 0 : i32
        %dma_wait3A_398 = tpu.memref_slice %arg6[%dma_wait3A_389, %dma_wait3A_396, %dma_wait3A_397] : memref<6x2x128xi32, #tpu.memory_space<vmem>> -> memref<1x2x128xi32, #tpu.memory_space<vmem>>
        %dma_wait3A_399 = tpu.memref_squeeze %dma_wait3A_398 : memref<1x2x128xi32, #tpu.memory_space<vmem>> -> memref<2x128xi32, #tpu.memory_space<vmem>>
        %dma_wait3A_400 = arith.constant 0 : i32
        %dma_wait3A_401 = tpu.memref_slice %arg3[%dma_wait3A_400, %mul3A_388] : memref<2x320000xi32, #tpu.memory_space<hbm>> -> memref<2x128xi32, #tpu.memory_space<hbm>>
        tpu.wait_dma2 semaphore(%arg13 : memref<!tpu.dma_semaphore, #tpu.memory_space<semaphore_mem>>) src(%dma_wait3A_401 : memref<2x128xi32, #tpu.memory_space<hbm>>) dst(%dma_wait3A_399 : memref<2x128xi32, #tpu.memory_space<vmem>>)
        %dma_start3A_402 = arith.constant 4 : i32
        %dma_start3A_403 = arith.constant 0 : i32
        %dma_start3A_404 = arith.constant 1 : i32
        %dma_start3A_405 = arith.constant 0 : i32
        %dma_start3A_406 = arith.constant 0 : i32
        %dma_start3A_407 = tpu.memref_slice %arg7[%dma_start3A_404, %dma_start3A_405, %dma_start3A_406] : memref<3x128x128xf32, #tpu.memory_space<vmem>> -> memref<1x128x128xf32, #tpu.memory_space<vmem>>
        %dma_start3A_408 = tpu.memref_squeeze %dma_start3A_407 : memref<1x128x128xf32, #tpu.memory_space<vmem>> -> memref<128x128xf32, #tpu.memory_space<vmem>>
        %dma_start3A_409 = arith.constant 0 : i32
        %dma_start3A_410 = tpu.memref_slice %arg6[%dma_start3A_402, %dma_start3A_403, %dma_start3A_409] : memref<6x2x128xi32, #tpu.memory_space<vmem>> -> memref<1x1x128xi32, #tpu.memory_space<vmem>>
        %dma_start3A_411 = tpu.memref_squeeze %dma_start3A_410 : memref<1x1x128xi32, #tpu.memory_space<vmem>> -> memref<128xi32, #tpu.memory_space<vmem>>
        %dma_start3A_412 = arith.constant 0 : i32
        %dma_start3A_413 = arith.constant 0 : i32
        %dma_start3A_414 = tpu.memref_slice %arg2[%dma_start3A_412, %dma_start3A_413] : memref<10000x128xf32, #tpu.memory_space<hbm>> -> memref<10000x128xf32, #tpu.memory_space<hbm>>
        tpu.enqueue_indirect_dma source(%dma_start3A_414 : memref<10000x128xf32, #tpu.memory_space<hbm>>) target(%dma_start3A_408 : memref<128x128xf32, #tpu.memory_space<vmem>>) offsets(%dma_start3A_411 : memref<128xi32, #tpu.memory_space<vmem>>) semaphore(%arg16 : memref<!tpu.dma_semaphore, #tpu.memory_space<semaphore_mem>>)
      } else {
      }
      %add3A_235 = arith.constant 3 : i32
      %add3A_236 = arith.addi %add3A_211, %add3A_235 : i32
      %mul3A_237 = arith.constant 32 : i32
      %mul3A_238 = arith.muli %mul3A_237, %add3A_236 : i32
      %add3A_239 = arith.addi %add3A, %mul3A_238 : i32
      %lt3A_240 = arith.constant 2500 : i32
      %lt3A_241 = arith.cmpi slt, %add3A_239, %lt3A_240 : i32
      %convert_element_type3A_242 = arith.extui %lt3A_241 : i1 to i32
      %cond3A_243 = arith.constant 0 : i32
      %cond3A_244 = arith.cmpi ne, %convert_element_type3A_242, %cond3A_243 : i32
      scf.if %cond3A_244 {
        %add3A_382 = arith.constant 3 : i32
        %add3A_383 = arith.addi %add3A_211, %add3A_382 : i32
        %mul3A_384 = arith.constant 32 : i32
        %mul3A_385 = arith.muli %mul3A_384, %add3A_383 : i32
        %add3A_386 = arith.addi %add3A, %mul3A_385 : i32
        %mul3A_387 = arith.constant 128 : i32
        %mul3A_388 = arith.muli %add3A_386, %mul3A_387 : i32
        %dma_start3A_389 = arith.constant 5 : i32
        %dma_start3A_390 = arith.constant 0 : i32
        %dma_start3A_391 = arith.constant 0 : i32
        %dma_start3A_392 = tpu.memref_slice %arg6[%dma_start3A_389, %dma_start3A_390, %dma_start3A_391] : memref<6x2x128xi32, #tpu.memory_space<vmem>> -> memref<1x2x128xi32, #tpu.memory_space<vmem>>
        %dma_start3A_393 = tpu.memref_squeeze %dma_start3A_392 : memref<1x2x128xi32, #tpu.memory_space<vmem>> -> memref<2x128xi32, #tpu.memory_space<vmem>>
        %dma_start3A_394 = arith.constant 0 : i32
        %dma_start3A_395 = tpu.memref_slice %arg3[%dma_start3A_394, %mul3A_388] : memref<2x320000xi32, #tpu.memory_space<hbm>> -> memref<2x128xi32, #tpu.memory_space<hbm>>
        %dma_start3A_396 = arith.constant 0 : i32
        %dma_start3A_397 = arith.constant 0 : i32
        %dma_start3A_398 = tpu.memref_slice %arg6[%dma_start3A_389, %dma_start3A_396, %dma_start3A_397] : memref<6x2x128xi32, #tpu.memory_space<vmem>> -> memref<1x2x128xi32, #tpu.memory_space<vmem>>
        %dma_start3A_399 = tpu.memref_squeeze %dma_start3A_398 : memref<1x2x128xi32, #tpu.memory_space<vmem>> -> memref<2x128xi32, #tpu.memory_space<vmem>>
        %dma_start3A_400 = arith.constant 0 : i32
        %dma_start3A_401 = tpu.memref_slice %arg3[%dma_start3A_400, %mul3A_388] : memref<2x320000xi32, #tpu.memory_space<hbm>> -> memref<2x128xi32, #tpu.memory_space<hbm>>
        tpu.enqueue_dma source(%dma_start3A_401 : memref<2x128xi32, #tpu.memory_space<hbm>>) target(%dma_start3A_399 : memref<2x128xi32, #tpu.memory_space<vmem>>) target_semaphore(%arg14 : memref<!tpu.dma_semaphore, #tpu.memory_space<semaphore_mem>>)
      } else {
      }
      %mul3A_245 = arith.constant 32 : i32
      %mul3A_246 = arith.muli %mul3A_245, %add3A_211 : i32
      %add3A_247 = arith.addi %add3A, %mul3A_246 : i32
      %lt3A_248 = arith.constant 2500 : i32
      %lt3A_249 = arith.cmpi slt, %add3A_247, %lt3A_248 : i32
      %convert_element_type3A_250 = arith.extui %lt3A_249 : i1 to i32
      %cond3A_251 = arith.constant 0 : i32
      %cond3A_252 = arith.cmpi ne, %convert_element_type3A_250, %cond3A_251 : i32
      scf.if %cond3A_252 {
        %dma_wait3A_382 = arith.constant 2 : i32
        %dma_wait3A_383 = arith.constant 0 : i32
        %dma_wait3A_384 = arith.constant 2 : i32
        %dma_wait3A_385 = arith.constant 0 : i32
        %dma_wait3A_386 = arith.constant 0 : i32
        %dma_wait3A_387 = tpu.memref_slice %arg7[%dma_wait3A_384, %dma_wait3A_385, %dma_wait3A_386] : memref<3x128x128xf32, #tpu.memory_space<vmem>> -> memref<1x128x128xf32, #tpu.memory_space<vmem>>
        %dma_wait3A_388 = tpu.memref_squeeze %dma_wait3A_387 : memref<1x128x128xf32, #tpu.memory_space<vmem>> -> memref<128x128xf32, #tpu.memory_space<vmem>>
        %dma_wait3A_389 = arith.constant 0 : i32
        %dma_wait3A_390 = tpu.memref_slice %arg6[%dma_wait3A_382, %dma_wait3A_383, %dma_wait3A_389] : memref<6x2x128xi32, #tpu.memory_space<vmem>> -> memref<1x1x128xi32, #tpu.memory_space<vmem>>
        %dma_wait3A_391 = tpu.memref_squeeze %dma_wait3A_390 : memref<1x1x128xi32, #tpu.memory_space<vmem>> -> memref<128xi32, #tpu.memory_space<vmem>>
        %dma_wait3A_392 = arith.constant 0 : i32
        %dma_wait3A_393 = arith.constant 0 : i32
        %dma_wait3A_394 = tpu.memref_slice %arg2[%dma_wait3A_392, %dma_wait3A_393] : memref<10000x128xf32, #tpu.memory_space<hbm>> -> memref<10000x128xf32, #tpu.memory_space<hbm>>
        tpu.wait_indirect_dma semaphore(%arg17 : memref<!tpu.dma_semaphore, #tpu.memory_space<semaphore_mem>>) src(%dma_wait3A_394 : memref<10000x128xf32, #tpu.memory_space<hbm>>) dst(%dma_wait3A_388 : memref<128x128xf32, #tpu.memory_space<vmem>>)
        %dma_start3A_395 = arith.constant 2 : i32
        %dma_start3A_396 = arith.constant 2 : i32
        %dma_start3A_397 = arith.constant 1 : i32
        %dma_start3A_398 = arith.constant 0 : i32
        %dma_start3A_399 = arith.constant 0 : i32
        %dma_start3A_400 = tpu.memref_slice %arg7[%dma_start3A_395, %dma_start3A_398, %dma_start3A_399] : memref<3x128x128xf32, #tpu.memory_space<vmem>> -> memref<1x128x128xf32, #tpu.memory_space<vmem>>
        %dma_start3A_401 = tpu.memref_squeeze %dma_start3A_400 : memref<1x128x128xf32, #tpu.memory_space<vmem>> -> memref<128x128xf32, #tpu.memory_space<vmem>>
        %dma_start3A_402 = arith.constant 0 : i32
        %dma_start3A_403 = tpu.memref_slice %arg6[%dma_start3A_396, %dma_start3A_397, %dma_start3A_402] : memref<6x2x128xi32, #tpu.memory_space<vmem>> -> memref<1x1x128xi32, #tpu.memory_space<vmem>>
        %dma_start3A_404 = tpu.memref_squeeze %dma_start3A_403 : memref<1x1x128xi32, #tpu.memory_space<vmem>> -> memref<128xi32, #tpu.memory_space<vmem>>
        %dma_start3A_405 = arith.constant 0 : i32
        %dma_start3A_406 = arith.constant 0 : i32
        %dma_start3A_407 = tpu.memref_slice %arg8[%dma_start3A_405, %dma_start3A_406] : memref<10000x128xf32, #tpu.memory_space<vmem_shared>> -> memref<10000x128xf32, #tpu.memory_space<vmem_shared>>
        tpu.enqueue_indirect_dma source(%dma_start3A_401 : memref<128x128xf32, #tpu.memory_space<vmem>>) target(%dma_start3A_407 : memref<10000x128xf32, #tpu.memory_space<vmem_shared>>) offsets(%dma_start3A_404 : memref<128xi32, #tpu.memory_space<vmem>>) semaphore(%arg20 : memref<!tpu.dma_semaphore, #tpu.memory_space<semaphore_mem>>) {add = true}
      } else {
      }
      %add3A_253 = arith.constant 3 : i32
      %add3A_254 = arith.addi %add3A_126, %add3A_253 : i32
      %ge3A_255 = arith.constant 1 : i32
      %ge3A_256 = arith.cmpi sge, %add3A_254, %ge3A_255 : i32
      %sub3A_257 = arith.constant 1 : i32
      %sub3A_258 = arith.subi %add3A_254, %sub3A_257 : i32
      %mul3A_259 = arith.constant 32 : i32
      %mul3A_260 = arith.muli %mul3A_259, %sub3A_258 : i32
      %add3A_261 = arith.addi %add3A, %mul3A_260 : i32
      %lt3A_262 = arith.constant 2500 : i32
      %lt3A_263 = arith.cmpi slt, %add3A_261, %lt3A_262 : i32
      %and3A_264 = arith.andi %ge3A_256, %lt3A_263 : i1
      %convert_element_type3A_265 = arith.extui %and3A_264 : i1 to i32
      %cond3A_266 = arith.constant 0 : i32
      %cond3A_267 = arith.cmpi ne, %convert_element_type3A_265, %cond3A_266 : i32
      scf.if %cond3A_267 {
        %dma_wait3A_382 = arith.constant 2 : i32
        %dma_wait3A_383 = arith.constant 2 : i32
        %dma_wait3A_384 = arith.constant 1 : i32
        %dma_wait3A_385 = arith.constant 0 : i32
        %dma_wait3A_386 = arith.constant 0 : i32
        %dma_wait3A_387 = tpu.memref_slice %arg7[%dma_wait3A_382, %dma_wait3A_385, %dma_wait3A_386] : memref<3x128x128xf32, #tpu.memory_space<vmem>> -> memref<1x128x128xf32, #tpu.memory_space<vmem>>
        %dma_wait3A_388 = tpu.memref_squeeze %dma_wait3A_387 : memref<1x128x128xf32, #tpu.memory_space<vmem>> -> memref<128x128xf32, #tpu.memory_space<vmem>>
        %dma_wait3A_389 = arith.constant 0 : i32
        %dma_wait3A_390 = tpu.memref_slice %arg6[%dma_wait3A_383, %dma_wait3A_384, %dma_wait3A_389] : memref<6x2x128xi32, #tpu.memory_space<vmem>> -> memref<1x1x128xi32, #tpu.memory_space<vmem>>
        %dma_wait3A_391 = tpu.memref_squeeze %dma_wait3A_390 : memref<1x1x128xi32, #tpu.memory_space<vmem>> -> memref<128xi32, #tpu.memory_space<vmem>>
        %dma_wait3A_392 = arith.constant 0 : i32
        %dma_wait3A_393 = arith.constant 0 : i32
        %dma_wait3A_394 = tpu.memref_slice %arg8[%dma_wait3A_392, %dma_wait3A_393] : memref<10000x128xf32, #tpu.memory_space<vmem_shared>> -> memref<10000x128xf32, #tpu.memory_space<vmem_shared>>
        tpu.wait_indirect_dma semaphore(%arg20 : memref<!tpu.dma_semaphore, #tpu.memory_space<semaphore_mem>>) src(%dma_wait3A_388 : memref<128x128xf32, #tpu.memory_space<vmem>>) dst(%dma_wait3A_394 : memref<10000x128xf32, #tpu.memory_space<vmem_shared>>)
      } else {
      }
      %add3A_268 = arith.constant 2 : i32
      %add3A_269 = arith.addi %add3A_254, %add3A_268 : i32
      %mul3A_270 = arith.constant 32 : i32
      %mul3A_271 = arith.muli %mul3A_270, %add3A_269 : i32
      %add3A_272 = arith.addi %add3A, %mul3A_271 : i32
      %lt3A_273 = arith.constant 2500 : i32
      %lt3A_274 = arith.cmpi slt, %add3A_272, %lt3A_273 : i32
      %convert_element_type3A_275 = arith.extui %lt3A_274 : i1 to i32
      %cond3A_276 = arith.constant 0 : i32
      %cond3A_277 = arith.cmpi ne, %convert_element_type3A_275, %cond3A_276 : i32
      scf.if %cond3A_277 {
        %add3A_382 = arith.constant 2 : i32
        %add3A_383 = arith.addi %add3A_254, %add3A_382 : i32
        %mul3A_384 = arith.constant 32 : i32
        %mul3A_385 = arith.muli %mul3A_384, %add3A_383 : i32
        %add3A_386 = arith.addi %add3A, %mul3A_385 : i32
        %mul3A_387 = arith.constant 128 : i32
        %mul3A_388 = arith.muli %add3A_386, %mul3A_387 : i32
        %dma_wait3A_389 = arith.constant 5 : i32
        %dma_wait3A_390 = arith.constant 0 : i32
        %dma_wait3A_391 = arith.constant 0 : i32
        %dma_wait3A_392 = tpu.memref_slice %arg6[%dma_wait3A_389, %dma_wait3A_390, %dma_wait3A_391] : memref<6x2x128xi32, #tpu.memory_space<vmem>> -> memref<1x2x128xi32, #tpu.memory_space<vmem>>
        %dma_wait3A_393 = tpu.memref_squeeze %dma_wait3A_392 : memref<1x2x128xi32, #tpu.memory_space<vmem>> -> memref<2x128xi32, #tpu.memory_space<vmem>>
        %dma_wait3A_394 = arith.constant 0 : i32
        %dma_wait3A_395 = tpu.memref_slice %arg3[%dma_wait3A_394, %mul3A_388] : memref<2x320000xi32, #tpu.memory_space<hbm>> -> memref<2x128xi32, #tpu.memory_space<hbm>>
        %dma_wait3A_396 = arith.constant 0 : i32
        %dma_wait3A_397 = arith.constant 0 : i32
        %dma_wait3A_398 = tpu.memref_slice %arg6[%dma_wait3A_389, %dma_wait3A_396, %dma_wait3A_397] : memref<6x2x128xi32, #tpu.memory_space<vmem>> -> memref<1x2x128xi32, #tpu.memory_space<vmem>>
        %dma_wait3A_399 = tpu.memref_squeeze %dma_wait3A_398 : memref<1x2x128xi32, #tpu.memory_space<vmem>> -> memref<2x128xi32, #tpu.memory_space<vmem>>
        %dma_wait3A_400 = arith.constant 0 : i32
        %dma_wait3A_401 = tpu.memref_slice %arg3[%dma_wait3A_400, %mul3A_388] : memref<2x320000xi32, #tpu.memory_space<hbm>> -> memref<2x128xi32, #tpu.memory_space<hbm>>
        tpu.wait_dma2 semaphore(%arg14 : memref<!tpu.dma_semaphore, #tpu.memory_space<semaphore_mem>>) src(%dma_wait3A_401 : memref<2x128xi32, #tpu.memory_space<hbm>>) dst(%dma_wait3A_399 : memref<2x128xi32, #tpu.memory_space<vmem>>)
        %dma_start3A_402 = arith.constant 5 : i32
        %dma_start3A_403 = arith.constant 0 : i32
        %dma_start3A_404 = arith.constant 2 : i32
        %dma_start3A_405 = arith.constant 0 : i32
        %dma_start3A_406 = arith.constant 0 : i32
        %dma_start3A_407 = tpu.memref_slice %arg7[%dma_start3A_404, %dma_start3A_405, %dma_start3A_406] : memref<3x128x128xf32, #tpu.memory_space<vmem>> -> memref<1x128x128xf32, #tpu.memory_space<vmem>>
        %dma_start3A_408 = tpu.memref_squeeze %dma_start3A_407 : memref<1x128x128xf32, #tpu.memory_space<vmem>> -> memref<128x128xf32, #tpu.memory_space<vmem>>
        %dma_start3A_409 = arith.constant 0 : i32
        %dma_start3A_410 = tpu.memref_slice %arg6[%dma_start3A_402, %dma_start3A_403, %dma_start3A_409] : memref<6x2x128xi32, #tpu.memory_space<vmem>> -> memref<1x1x128xi32, #tpu.memory_space<vmem>>
        %dma_start3A_411 = tpu.memref_squeeze %dma_start3A_410 : memref<1x1x128xi32, #tpu.memory_space<vmem>> -> memref<128xi32, #tpu.memory_space<vmem>>
        %dma_start3A_412 = arith.constant 0 : i32
        %dma_start3A_413 = arith.constant 0 : i32
        %dma_start3A_414 = tpu.memref_slice %arg2[%dma_start3A_412, %dma_start3A_413] : memref<10000x128xf32, #tpu.memory_space<hbm>> -> memref<10000x128xf32, #tpu.memory_space<hbm>>
        tpu.enqueue_indirect_dma source(%dma_start3A_414 : memref<10000x128xf32, #tpu.memory_space<hbm>>) target(%dma_start3A_408 : memref<128x128xf32, #tpu.memory_space<vmem>>) offsets(%dma_start3A_411 : memref<128xi32, #tpu.memory_space<vmem>>) semaphore(%arg17 : memref<!tpu.dma_semaphore, #tpu.memory_space<semaphore_mem>>)
      } else {
      }
      %add3A_278 = arith.constant 3 : i32
      %add3A_279 = arith.addi %add3A_254, %add3A_278 : i32
      %mul3A_280 = arith.constant 32 : i32
      %mul3A_281 = arith.muli %mul3A_280, %add3A_279 : i32
      %add3A_282 = arith.addi %add3A, %mul3A_281 : i32
      %lt3A_283 = arith.constant 2500 : i32
      %lt3A_284 = arith.cmpi slt, %add3A_282, %lt3A_283 : i32
      %convert_element_type3A_285 = arith.extui %lt3A_284 : i1 to i32
      %cond3A_286 = arith.constant 0 : i32
      %cond3A_287 = arith.cmpi ne, %convert_element_type3A_285, %cond3A_286 : i32
      scf.if %cond3A_287 {
        %add3A_382 = arith.constant 3 : i32
        %add3A_383 = arith.addi %add3A_254, %add3A_382 : i32
        %mul3A_384 = arith.constant 32 : i32
        %mul3A_385 = arith.muli %mul3A_384, %add3A_383 : i32
        %add3A_386 = arith.addi %add3A, %mul3A_385 : i32
        %mul3A_387 = arith.constant 128 : i32
        %mul3A_388 = arith.muli %add3A_386, %mul3A_387 : i32
        %dma_start3A_389 = arith.constant 0 : i32
        %dma_start3A_390 = arith.constant 0 : i32
        %dma_start3A_391 = arith.constant 0 : i32
        %dma_start3A_392 = tpu.memref_slice %arg6[%dma_start3A_389, %dma_start3A_390, %dma_start3A_391] : memref<6x2x128xi32, #tpu.memory_space<vmem>> -> memref<1x2x128xi32, #tpu.memory_space<vmem>>
        %dma_start3A_393 = tpu.memref_squeeze %dma_start3A_392 : memref<1x2x128xi32, #tpu.memory_space<vmem>> -> memref<2x128xi32, #tpu.memory_space<vmem>>
        %dma_start3A_394 = arith.constant 0 : i32
        %dma_start3A_395 = tpu.memref_slice %arg3[%dma_start3A_394, %mul3A_388] : memref<2x320000xi32, #tpu.memory_space<hbm>> -> memref<2x128xi32, #tpu.memory_space<hbm>>
        %dma_start3A_396 = arith.constant 0 : i32
        %dma_start3A_397 = arith.constant 0 : i32
        %dma_start3A_398 = tpu.memref_slice %arg6[%dma_start3A_389, %dma_start3A_396, %dma_start3A_397] : memref<6x2x128xi32, #tpu.memory_space<vmem>> -> memref<1x2x128xi32, #tpu.memory_space<vmem>>
        %dma_start3A_399 = tpu.memref_squeeze %dma_start3A_398 : memref<1x2x128xi32, #tpu.memory_space<vmem>> -> memref<2x128xi32, #tpu.memory_space<vmem>>
        %dma_start3A_400 = arith.constant 0 : i32
        %dma_start3A_401 = tpu.memref_slice %arg3[%dma_start3A_400, %mul3A_388] : memref<2x320000xi32, #tpu.memory_space<hbm>> -> memref<2x128xi32, #tpu.memory_space<hbm>>
        tpu.enqueue_dma source(%dma_start3A_401 : memref<2x128xi32, #tpu.memory_space<hbm>>) target(%dma_start3A_399 : memref<2x128xi32, #tpu.memory_space<vmem>>) target_semaphore(%arg9 : memref<!tpu.dma_semaphore, #tpu.memory_space<semaphore_mem>>)
      } else {
      }
      %mul3A_288 = arith.constant 32 : i32
      %mul3A_289 = arith.muli %mul3A_288, %add3A_254 : i32
      %add3A_290 = arith.addi %add3A, %mul3A_289 : i32
      %lt3A_291 = arith.constant 2500 : i32
      %lt3A_292 = arith.cmpi slt, %add3A_290, %lt3A_291 : i32
      %convert_element_type3A_293 = arith.extui %lt3A_292 : i1 to i32
      %cond3A_294 = arith.constant 0 : i32
      %cond3A_295 = arith.cmpi ne, %convert_element_type3A_293, %cond3A_294 : i32
      scf.if %cond3A_295 {
        %dma_wait3A_382 = arith.constant 3 : i32
        %dma_wait3A_383 = arith.constant 0 : i32
        %dma_wait3A_384 = arith.constant 0 : i32
        %dma_wait3A_385 = arith.constant 0 : i32
        %dma_wait3A_386 = arith.constant 0 : i32
        %dma_wait3A_387 = tpu.memref_slice %arg7[%dma_wait3A_384, %dma_wait3A_385, %dma_wait3A_386] : memref<3x128x128xf32, #tpu.memory_space<vmem>> -> memref<1x128x128xf32, #tpu.memory_space<vmem>>
        %dma_wait3A_388 = tpu.memref_squeeze %dma_wait3A_387 : memref<1x128x128xf32, #tpu.memory_space<vmem>> -> memref<128x128xf32, #tpu.memory_space<vmem>>
        %dma_wait3A_389 = arith.constant 0 : i32
        %dma_wait3A_390 = tpu.memref_slice %arg6[%dma_wait3A_382, %dma_wait3A_383, %dma_wait3A_389] : memref<6x2x128xi32, #tpu.memory_space<vmem>> -> memref<1x1x128xi32, #tpu.memory_space<vmem>>
        %dma_wait3A_391 = tpu.memref_squeeze %dma_wait3A_390 : memref<1x1x128xi32, #tpu.memory_space<vmem>> -> memref<128xi32, #tpu.memory_space<vmem>>
        %dma_wait3A_392 = arith.constant 0 : i32
        %dma_wait3A_393 = arith.constant 0 : i32
        %dma_wait3A_394 = tpu.memref_slice %arg2[%dma_wait3A_392, %dma_wait3A_393] : memref<10000x128xf32, #tpu.memory_space<hbm>> -> memref<10000x128xf32, #tpu.memory_space<hbm>>
        tpu.wait_indirect_dma semaphore(%arg15 : memref<!tpu.dma_semaphore, #tpu.memory_space<semaphore_mem>>) src(%dma_wait3A_394 : memref<10000x128xf32, #tpu.memory_space<hbm>>) dst(%dma_wait3A_388 : memref<128x128xf32, #tpu.memory_space<vmem>>)
        %dma_start3A_395 = arith.constant 0 : i32
        %dma_start3A_396 = arith.constant 3 : i32
        %dma_start3A_397 = arith.constant 1 : i32
        %dma_start3A_398 = arith.constant 0 : i32
        %dma_start3A_399 = arith.constant 0 : i32
        %dma_start3A_400 = tpu.memref_slice %arg7[%dma_start3A_395, %dma_start3A_398, %dma_start3A_399] : memref<3x128x128xf32, #tpu.memory_space<vmem>> -> memref<1x128x128xf32, #tpu.memory_space<vmem>>
        %dma_start3A_401 = tpu.memref_squeeze %dma_start3A_400 : memref<1x128x128xf32, #tpu.memory_space<vmem>> -> memref<128x128xf32, #tpu.memory_space<vmem>>
        %dma_start3A_402 = arith.constant 0 : i32
        %dma_start3A_403 = tpu.memref_slice %arg6[%dma_start3A_396, %dma_start3A_397, %dma_start3A_402] : memref<6x2x128xi32, #tpu.memory_space<vmem>> -> memref<1x1x128xi32, #tpu.memory_space<vmem>>
        %dma_start3A_404 = tpu.memref_squeeze %dma_start3A_403 : memref<1x1x128xi32, #tpu.memory_space<vmem>> -> memref<128xi32, #tpu.memory_space<vmem>>
        %dma_start3A_405 = arith.constant 0 : i32
        %dma_start3A_406 = arith.constant 0 : i32
        %dma_start3A_407 = tpu.memref_slice %arg8[%dma_start3A_405, %dma_start3A_406] : memref<10000x128xf32, #tpu.memory_space<vmem_shared>> -> memref<10000x128xf32, #tpu.memory_space<vmem_shared>>
        tpu.enqueue_indirect_dma source(%dma_start3A_401 : memref<128x128xf32, #tpu.memory_space<vmem>>) target(%dma_start3A_407 : memref<10000x128xf32, #tpu.memory_space<vmem_shared>>) offsets(%dma_start3A_404 : memref<128xi32, #tpu.memory_space<vmem>>) semaphore(%arg18 : memref<!tpu.dma_semaphore, #tpu.memory_space<semaphore_mem>>) {add = true}
      } else {
      }
      %add3A_296 = arith.constant 4 : i32
      %add3A_297 = arith.addi %add3A_126, %add3A_296 : i32
      %ge3A_298 = arith.constant 1 : i32
      %ge3A_299 = arith.cmpi sge, %add3A_297, %ge3A_298 : i32
      %sub3A_300 = arith.constant 1 : i32
      %sub3A_301 = arith.subi %add3A_297, %sub3A_300 : i32
      %mul3A_302 = arith.constant 32 : i32
      %mul3A_303 = arith.muli %mul3A_302, %sub3A_301 : i32
      %add3A_304 = arith.addi %add3A, %mul3A_303 : i32
      %lt3A_305 = arith.constant 2500 : i32
      %lt3A_306 = arith.cmpi slt, %add3A_304, %lt3A_305 : i32
      %and3A_307 = arith.andi %ge3A_299, %lt3A_306 : i1
      %convert_element_type3A_308 = arith.extui %and3A_307 : i1 to i32
      %cond3A_309 = arith.constant 0 : i32
      %cond3A_310 = arith.cmpi ne, %convert_element_type3A_308, %cond3A_309 : i32
      scf.if %cond3A_310 {
        %dma_wait3A_382 = arith.constant 0 : i32
        %dma_wait3A_383 = arith.constant 3 : i32
        %dma_wait3A_384 = arith.constant 1 : i32
        %dma_wait3A_385 = arith.constant 0 : i32
        %dma_wait3A_386 = arith.constant 0 : i32
        %dma_wait3A_387 = tpu.memref_slice %arg7[%dma_wait3A_382, %dma_wait3A_385, %dma_wait3A_386] : memref<3x128x128xf32, #tpu.memory_space<vmem>> -> memref<1x128x128xf32, #tpu.memory_space<vmem>>
        %dma_wait3A_388 = tpu.memref_squeeze %dma_wait3A_387 : memref<1x128x128xf32, #tpu.memory_space<vmem>> -> memref<128x128xf32, #tpu.memory_space<vmem>>
        %dma_wait3A_389 = arith.constant 0 : i32
        %dma_wait3A_390 = tpu.memref_slice %arg6[%dma_wait3A_383, %dma_wait3A_384, %dma_wait3A_389] : memref<6x2x128xi32, #tpu.memory_space<vmem>> -> memref<1x1x128xi32, #tpu.memory_space<vmem>>
        %dma_wait3A_391 = tpu.memref_squeeze %dma_wait3A_390 : memref<1x1x128xi32, #tpu.memory_space<vmem>> -> memref<128xi32, #tpu.memory_space<vmem>>
        %dma_wait3A_392 = arith.constant 0 : i32
        %dma_wait3A_393 = arith.constant 0 : i32
        %dma_wait3A_394 = tpu.memref_slice %arg8[%dma_wait3A_392, %dma_wait3A_393] : memref<10000x128xf32, #tpu.memory_space<vmem_shared>> -> memref<10000x128xf32, #tpu.memory_space<vmem_shared>>
        tpu.wait_indirect_dma semaphore(%arg18 : memref<!tpu.dma_semaphore, #tpu.memory_space<semaphore_mem>>) src(%dma_wait3A_388 : memref<128x128xf32, #tpu.memory_space<vmem>>) dst(%dma_wait3A_394 : memref<10000x128xf32, #tpu.memory_space<vmem_shared>>)
      } else {
      }
      %add3A_311 = arith.constant 2 : i32
      %add3A_312 = arith.addi %add3A_297, %add3A_311 : i32
      %mul3A_313 = arith.constant 32 : i32
      %mul3A_314 = arith.muli %mul3A_313, %add3A_312 : i32
      %add3A_315 = arith.addi %add3A, %mul3A_314 : i32
      %lt3A_316 = arith.constant 2500 : i32
      %lt3A_317 = arith.cmpi slt, %add3A_315, %lt3A_316 : i32
      %convert_element_type3A_318 = arith.extui %lt3A_317 : i1 to i32
      %cond3A_319 = arith.constant 0 : i32
      %cond3A_320 = arith.cmpi ne, %convert_element_type3A_318, %cond3A_319 : i32
      scf.if %cond3A_320 {
        %add3A_382 = arith.constant 2 : i32
        %add3A_383 = arith.addi %add3A_297, %add3A_382 : i32
        %mul3A_384 = arith.constant 32 : i32
        %mul3A_385 = arith.muli %mul3A_384, %add3A_383 : i32
        %add3A_386 = arith.addi %add3A, %mul3A_385 : i32
        %mul3A_387 = arith.constant 128 : i32
        %mul3A_388 = arith.muli %add3A_386, %mul3A_387 : i32
        %dma_wait3A_389 = arith.constant 0 : i32
        %dma_wait3A_390 = arith.constant 0 : i32
        %dma_wait3A_391 = arith.constant 0 : i32
        %dma_wait3A_392 = tpu.memref_slice %arg6[%dma_wait3A_389, %dma_wait3A_390, %dma_wait3A_391] : memref<6x2x128xi32, #tpu.memory_space<vmem>> -> memref<1x2x128xi32, #tpu.memory_space<vmem>>
        %dma_wait3A_393 = tpu.memref_squeeze %dma_wait3A_392 : memref<1x2x128xi32, #tpu.memory_space<vmem>> -> memref<2x128xi32, #tpu.memory_space<vmem>>
        %dma_wait3A_394 = arith.constant 0 : i32
        %dma_wait3A_395 = tpu.memref_slice %arg3[%dma_wait3A_394, %mul3A_388] : memref<2x320000xi32, #tpu.memory_space<hbm>> -> memref<2x128xi32, #tpu.memory_space<hbm>>
        %dma_wait3A_396 = arith.constant 0 : i32
        %dma_wait3A_397 = arith.constant 0 : i32
        %dma_wait3A_398 = tpu.memref_slice %arg6[%dma_wait3A_389, %dma_wait3A_396, %dma_wait3A_397] : memref<6x2x128xi32, #tpu.memory_space<vmem>> -> memref<1x2x128xi32, #tpu.memory_space<vmem>>
        %dma_wait3A_399 = tpu.memref_squeeze %dma_wait3A_398 : memref<1x2x128xi32, #tpu.memory_space<vmem>> -> memref<2x128xi32, #tpu.memory_space<vmem>>
        %dma_wait3A_400 = arith.constant 0 : i32
        %dma_wait3A_401 = tpu.memref_slice %arg3[%dma_wait3A_400, %mul3A_388] : memref<2x320000xi32, #tpu.memory_space<hbm>> -> memref<2x128xi32, #tpu.memory_space<hbm>>
        tpu.wait_dma2 semaphore(%arg9 : memref<!tpu.dma_semaphore, #tpu.memory_space<semaphore_mem>>) src(%dma_wait3A_401 : memref<2x128xi32, #tpu.memory_space<hbm>>) dst(%dma_wait3A_399 : memref<2x128xi32, #tpu.memory_space<vmem>>)
        %dma_start3A_402 = arith.constant 0 : i32
        %dma_start3A_403 = arith.constant 0 : i32
        %dma_start3A_404 = arith.constant 0 : i32
        %dma_start3A_405 = arith.constant 0 : i32
        %dma_start3A_406 = arith.constant 0 : i32
        %dma_start3A_407 = tpu.memref_slice %arg7[%dma_start3A_404, %dma_start3A_405, %dma_start3A_406] : memref<3x128x128xf32, #tpu.memory_space<vmem>> -> memref<1x128x128xf32, #tpu.memory_space<vmem>>
        %dma_start3A_408 = tpu.memref_squeeze %dma_start3A_407 : memref<1x128x128xf32, #tpu.memory_space<vmem>> -> memref<128x128xf32, #tpu.memory_space<vmem>>
        %dma_start3A_409 = arith.constant 0 : i32
        %dma_start3A_410 = tpu.memref_slice %arg6[%dma_start3A_402, %dma_start3A_403, %dma_start3A_409] : memref<6x2x128xi32, #tpu.memory_space<vmem>> -> memref<1x1x128xi32, #tpu.memory_space<vmem>>
        %dma_start3A_411 = tpu.memref_squeeze %dma_start3A_410 : memref<1x1x128xi32, #tpu.memory_space<vmem>> -> memref<128xi32, #tpu.memory_space<vmem>>
        %dma_start3A_412 = arith.constant 0 : i32
        %dma_start3A_413 = arith.constant 0 : i32
        %dma_start3A_414 = tpu.memref_slice %arg2[%dma_start3A_412, %dma_start3A_413] : memref<10000x128xf32, #tpu.memory_space<hbm>> -> memref<10000x128xf32, #tpu.memory_space<hbm>>
        tpu.enqueue_indirect_dma source(%dma_start3A_414 : memref<10000x128xf32, #tpu.memory_space<hbm>>) target(%dma_start3A_408 : memref<128x128xf32, #tpu.memory_space<vmem>>) offsets(%dma_start3A_411 : memref<128xi32, #tpu.memory_space<vmem>>) semaphore(%arg15 : memref<!tpu.dma_semaphore, #tpu.memory_space<semaphore_mem>>)
      } else {
      }
      %add3A_321 = arith.constant 3 : i32
      %add3A_322 = arith.addi %add3A_297, %add3A_321 : i32
      %mul3A_323 = arith.constant 32 : i32
      %mul3A_324 = arith.muli %mul3A_323, %add3A_322 : i32
      %add3A_325 = arith.addi %add3A, %mul3A_324 : i32
      %lt3A_326 = arith.constant 2500 : i32
      %lt3A_327 = arith.cmpi slt, %add3A_325, %lt3A_326 : i32
      %convert_element_type3A_328 = arith.extui %lt3A_327 : i1 to i32
      %cond3A_329 = arith.constant 0 : i32
      %cond3A_330 = arith.cmpi ne, %convert_element_type3A_328, %cond3A_329 : i32
      scf.if %cond3A_330 {
        %add3A_382 = arith.constant 3 : i32
        %add3A_383 = arith.addi %add3A_297, %add3A_382 : i32
        %mul3A_384 = arith.constant 32 : i32
        %mul3A_385 = arith.muli %mul3A_384, %add3A_383 : i32
        %add3A_386 = arith.addi %add3A, %mul3A_385 : i32
        %mul3A_387 = arith.constant 128 : i32
        %mul3A_388 = arith.muli %add3A_386, %mul3A_387 : i32
        %dma_start3A_389 = arith.constant 1 : i32
        %dma_start3A_390 = arith.constant 0 : i32
        %dma_start3A_391 = arith.constant 0 : i32
        %dma_start3A_392 = tpu.memref_slice %arg6[%dma_start3A_389, %dma_start3A_390, %dma_start3A_391] : memref<6x2x128xi32, #tpu.memory_space<vmem>> -> memref<1x2x128xi32, #tpu.memory_space<vmem>>
        %dma_start3A_393 = tpu.memref_squeeze %dma_start3A_392 : memref<1x2x128xi32, #tpu.memory_space<vmem>> -> memref<2x128xi32, #tpu.memory_space<vmem>>
        %dma_start3A_394 = arith.constant 0 : i32
        %dma_start3A_395 = tpu.memref_slice %arg3[%dma_start3A_394, %mul3A_388] : memref<2x320000xi32, #tpu.memory_space<hbm>> -> memref<2x128xi32, #tpu.memory_space<hbm>>
        %dma_start3A_396 = arith.constant 0 : i32
        %dma_start3A_397 = arith.constant 0 : i32
        %dma_start3A_398 = tpu.memref_slice %arg6[%dma_start3A_389, %dma_start3A_396, %dma_start3A_397] : memref<6x2x128xi32, #tpu.memory_space<vmem>> -> memref<1x2x128xi32, #tpu.memory_space<vmem>>
        %dma_start3A_399 = tpu.memref_squeeze %dma_start3A_398 : memref<1x2x128xi32, #tpu.memory_space<vmem>> -> memref<2x128xi32, #tpu.memory_space<vmem>>
        %dma_start3A_400 = arith.constant 0 : i32
        %dma_start3A_401 = tpu.memref_slice %arg3[%dma_start3A_400, %mul3A_388] : memref<2x320000xi32, #tpu.memory_space<hbm>> -> memref<2x128xi32, #tpu.memory_space<hbm>>
        tpu.enqueue_dma source(%dma_start3A_401 : memref<2x128xi32, #tpu.memory_space<hbm>>) target(%dma_start3A_399 : memref<2x128xi32, #tpu.memory_space<vmem>>) target_semaphore(%arg10 : memref<!tpu.dma_semaphore, #tpu.memory_space<semaphore_mem>>)
      } else {
      }
      %mul3A_331 = arith.constant 32 : i32
      %mul3A_332 = arith.muli %mul3A_331, %add3A_297 : i32
      %add3A_333 = arith.addi %add3A, %mul3A_332 : i32
      %lt3A_334 = arith.constant 2500 : i32
      %lt3A_335 = arith.cmpi slt, %add3A_333, %lt3A_334 : i32
      %convert_element_type3A_336 = arith.extui %lt3A_335 : i1 to i32
      %cond3A_337 = arith.constant 0 : i32
      %cond3A_338 = arith.cmpi ne, %convert_element_type3A_336, %cond3A_337 : i32
      scf.if %cond3A_338 {
        %dma_wait3A_382 = arith.constant 4 : i32
        %dma_wait3A_383 = arith.constant 0 : i32
        %dma_wait3A_384 = arith.constant 1 : i32
        %dma_wait3A_385 = arith.constant 0 : i32
        %dma_wait3A_386 = arith.constant 0 : i32
        %dma_wait3A_387 = tpu.memref_slice %arg7[%dma_wait3A_384, %dma_wait3A_385, %dma_wait3A_386] : memref<3x128x128xf32, #tpu.memory_space<vmem>> -> memref<1x128x128xf32, #tpu.memory_space<vmem>>
        %dma_wait3A_388 = tpu.memref_squeeze %dma_wait3A_387 : memref<1x128x128xf32, #tpu.memory_space<vmem>> -> memref<128x128xf32, #tpu.memory_space<vmem>>
        %dma_wait3A_389 = arith.constant 0 : i32
        %dma_wait3A_390 = tpu.memref_slice %arg6[%dma_wait3A_382, %dma_wait3A_383, %dma_wait3A_389] : memref<6x2x128xi32, #tpu.memory_space<vmem>> -> memref<1x1x128xi32, #tpu.memory_space<vmem>>
        %dma_wait3A_391 = tpu.memref_squeeze %dma_wait3A_390 : memref<1x1x128xi32, #tpu.memory_space<vmem>> -> memref<128xi32, #tpu.memory_space<vmem>>
        %dma_wait3A_392 = arith.constant 0 : i32
        %dma_wait3A_393 = arith.constant 0 : i32
        %dma_wait3A_394 = tpu.memref_slice %arg2[%dma_wait3A_392, %dma_wait3A_393] : memref<10000x128xf32, #tpu.memory_space<hbm>> -> memref<10000x128xf32, #tpu.memory_space<hbm>>
        tpu.wait_indirect_dma semaphore(%arg16 : memref<!tpu.dma_semaphore, #tpu.memory_space<semaphore_mem>>) src(%dma_wait3A_394 : memref<10000x128xf32, #tpu.memory_space<hbm>>) dst(%dma_wait3A_388 : memref<128x128xf32, #tpu.memory_space<vmem>>)
        %dma_start3A_395 = arith.constant 1 : i32
        %dma_start3A_396 = arith.constant 4 : i32
        %dma_start3A_397 = arith.constant 1 : i32
        %dma_start3A_398 = arith.constant 0 : i32
        %dma_start3A_399 = arith.constant 0 : i32
        %dma_start3A_400 = tpu.memref_slice %arg7[%dma_start3A_395, %dma_start3A_398, %dma_start3A_399] : memref<3x128x128xf32, #tpu.memory_space<vmem>> -> memref<1x128x128xf32, #tpu.memory_space<vmem>>
        %dma_start3A_401 = tpu.memref_squeeze %dma_start3A_400 : memref<1x128x128xf32, #tpu.memory_space<vmem>> -> memref<128x128xf32, #tpu.memory_space<vmem>>
        %dma_start3A_402 = arith.constant 0 : i32
        %dma_start3A_403 = tpu.memref_slice %arg6[%dma_start3A_396, %dma_start3A_397, %dma_start3A_402] : memref<6x2x128xi32, #tpu.memory_space<vmem>> -> memref<1x1x128xi32, #tpu.memory_space<vmem>>
        %dma_start3A_404 = tpu.memref_squeeze %dma_start3A_403 : memref<1x1x128xi32, #tpu.memory_space<vmem>> -> memref<128xi32, #tpu.memory_space<vmem>>
        %dma_start3A_405 = arith.constant 0 : i32
        %dma_start3A_406 = arith.constant 0 : i32
        %dma_start3A_407 = tpu.memref_slice %arg8[%dma_start3A_405, %dma_start3A_406] : memref<10000x128xf32, #tpu.memory_space<vmem_shared>> -> memref<10000x128xf32, #tpu.memory_space<vmem_shared>>
        tpu.enqueue_indirect_dma source(%dma_start3A_401 : memref<128x128xf32, #tpu.memory_space<vmem>>) target(%dma_start3A_407 : memref<10000x128xf32, #tpu.memory_space<vmem_shared>>) offsets(%dma_start3A_404 : memref<128xi32, #tpu.memory_space<vmem>>) semaphore(%arg19 : memref<!tpu.dma_semaphore, #tpu.memory_space<semaphore_mem>>) {add = true}
      } else {
      }
      %add3A_339 = arith.constant 5 : i32
      %add3A_340 = arith.addi %add3A_126, %add3A_339 : i32
      %ge3A_341 = arith.constant 1 : i32
      %ge3A_342 = arith.cmpi sge, %add3A_340, %ge3A_341 : i32
      %sub3A_343 = arith.constant 1 : i32
      %sub3A_344 = arith.subi %add3A_340, %sub3A_343 : i32
      %mul3A_345 = arith.constant 32 : i32
      %mul3A_346 = arith.muli %mul3A_345, %sub3A_344 : i32
      %add3A_347 = arith.addi %add3A, %mul3A_346 : i32
      %lt3A_348 = arith.constant 2500 : i32
      %lt3A_349 = arith.cmpi slt, %add3A_347, %lt3A_348 : i32
      %and3A_350 = arith.andi %ge3A_342, %lt3A_349 : i1
      %convert_element_type3A_351 = arith.extui %and3A_350 : i1 to i32
      %cond3A_352 = arith.constant 0 : i32
      %cond3A_353 = arith.cmpi ne, %convert_element_type3A_351, %cond3A_352 : i32
      scf.if %cond3A_353 {
        %dma_wait3A_382 = arith.constant 1 : i32
        %dma_wait3A_383 = arith.constant 4 : i32
        %dma_wait3A_384 = arith.constant 1 : i32
        %dma_wait3A_385 = arith.constant 0 : i32
        %dma_wait3A_386 = arith.constant 0 : i32
        %dma_wait3A_387 = tpu.memref_slice %arg7[%dma_wait3A_382, %dma_wait3A_385, %dma_wait3A_386] : memref<3x128x128xf32, #tpu.memory_space<vmem>> -> memref<1x128x128xf32, #tpu.memory_space<vmem>>
        %dma_wait3A_388 = tpu.memref_squeeze %dma_wait3A_387 : memref<1x128x128xf32, #tpu.memory_space<vmem>> -> memref<128x128xf32, #tpu.memory_space<vmem>>
        %dma_wait3A_389 = arith.constant 0 : i32
        %dma_wait3A_390 = tpu.memref_slice %arg6[%dma_wait3A_383, %dma_wait3A_384, %dma_wait3A_389] : memref<6x2x128xi32, #tpu.memory_space<vmem>> -> memref<1x1x128xi32, #tpu.memory_space<vmem>>
        %dma_wait3A_391 = tpu.memref_squeeze %dma_wait3A_390 : memref<1x1x128xi32, #tpu.memory_space<vmem>> -> memref<128xi32, #tpu.memory_space<vmem>>
        %dma_wait3A_392 = arith.constant 0 : i32
        %dma_wait3A_393 = arith.constant 0 : i32
        %dma_wait3A_394 = tpu.memref_slice %arg8[%dma_wait3A_392, %dma_wait3A_393] : memref<10000x128xf32, #tpu.memory_space<vmem_shared>> -> memref<10000x128xf32, #tpu.memory_space<vmem_shared>>
        tpu.wait_indirect_dma semaphore(%arg19 : memref<!tpu.dma_semaphore, #tpu.memory_space<semaphore_mem>>) src(%dma_wait3A_388 : memref<128x128xf32, #tpu.memory_space<vmem>>) dst(%dma_wait3A_394 : memref<10000x128xf32, #tpu.memory_space<vmem_shared>>)
      } else {
      }
      %add3A_354 = arith.constant 2 : i32
      %add3A_355 = arith.addi %add3A_340, %add3A_354 : i32
      %mul3A_356 = arith.constant 32 : i32
      %mul3A_357 = arith.muli %mul3A_356, %add3A_355 : i32
      %add3A_358 = arith.addi %add3A, %mul3A_357 : i32
      %lt3A_359 = arith.constant 2500 : i32
      %lt3A_360 = arith.cmpi slt, %add3A_358, %lt3A_359 : i32
      %convert_element_type3A_361 = arith.extui %lt3A_360 : i1 to i32
      %cond3A_362 = arith.constant 0 : i32
      %cond3A_363 = arith.cmpi ne, %convert_element_type3A_361, %cond3A_362 : i32
      scf.if %cond3A_363 {
        %add3A_382 = arith.constant 2 : i32
        %add3A_383 = arith.addi %add3A_340, %add3A_382 : i32
        %mul3A_384 = arith.constant 32 : i32
        %mul3A_385 = arith.muli %mul3A_384, %add3A_383 : i32
        %add3A_386 = arith.addi %add3A, %mul3A_385 : i32
        %mul3A_387 = arith.constant 128 : i32
        %mul3A_388 = arith.muli %add3A_386, %mul3A_387 : i32
        %dma_wait3A_389 = arith.constant 1 : i32
        %dma_wait3A_390 = arith.constant 0 : i32
        %dma_wait3A_391 = arith.constant 0 : i32
        %dma_wait3A_392 = tpu.memref_slice %arg6[%dma_wait3A_389, %dma_wait3A_390, %dma_wait3A_391] : memref<6x2x128xi32, #tpu.memory_space<vmem>> -> memref<1x2x128xi32, #tpu.memory_space<vmem>>
        %dma_wait3A_393 = tpu.memref_squeeze %dma_wait3A_392 : memref<1x2x128xi32, #tpu.memory_space<vmem>> -> memref<2x128xi32, #tpu.memory_space<vmem>>
        %dma_wait3A_394 = arith.constant 0 : i32
        %dma_wait3A_395 = tpu.memref_slice %arg3[%dma_wait3A_394, %mul3A_388] : memref<2x320000xi32, #tpu.memory_space<hbm>> -> memref<2x128xi32, #tpu.memory_space<hbm>>
        %dma_wait3A_396 = arith.constant 0 : i32
        %dma_wait3A_397 = arith.constant 0 : i32
        %dma_wait3A_398 = tpu.memref_slice %arg6[%dma_wait3A_389, %dma_wait3A_396, %dma_wait3A_397] : memref<6x2x128xi32, #tpu.memory_space<vmem>> -> memref<1x2x128xi32, #tpu.memory_space<vmem>>
        %dma_wait3A_399 = tpu.memref_squeeze %dma_wait3A_398 : memref<1x2x128xi32, #tpu.memory_space<vmem>> -> memref<2x128xi32, #tpu.memory_space<vmem>>
        %dma_wait3A_400 = arith.constant 0 : i32
        %dma_wait3A_401 = tpu.memref_slice %arg3[%dma_wait3A_400, %mul3A_388] : memref<2x320000xi32, #tpu.memory_space<hbm>> -> memref<2x128xi32, #tpu.memory_space<hbm>>
        tpu.wait_dma2 semaphore(%arg10 : memref<!tpu.dma_semaphore, #tpu.memory_space<semaphore_mem>>) src(%dma_wait3A_401 : memref<2x128xi32, #tpu.memory_space<hbm>>) dst(%dma_wait3A_399 : memref<2x128xi32, #tpu.memory_space<vmem>>)
        %dma_start3A_402 = arith.constant 1 : i32
        %dma_start3A_403 = arith.constant 0 : i32
        %dma_start3A_404 = arith.constant 1 : i32
        %dma_start3A_405 = arith.constant 0 : i32
        %dma_start3A_406 = arith.constant 0 : i32
        %dma_start3A_407 = tpu.memref_slice %arg7[%dma_start3A_404, %dma_start3A_405, %dma_start3A_406] : memref<3x128x128xf32, #tpu.memory_space<vmem>> -> memref<1x128x128xf32, #tpu.memory_space<vmem>>
        %dma_start3A_408 = tpu.memref_squeeze %dma_start3A_407 : memref<1x128x128xf32, #tpu.memory_space<vmem>> -> memref<128x128xf32, #tpu.memory_space<vmem>>
        %dma_start3A_409 = arith.constant 0 : i32
        %dma_start3A_410 = tpu.memref_slice %arg6[%dma_start3A_402, %dma_start3A_403, %dma_start3A_409] : memref<6x2x128xi32, #tpu.memory_space<vmem>> -> memref<1x1x128xi32, #tpu.memory_space<vmem>>
        %dma_start3A_411 = tpu.memref_squeeze %dma_start3A_410 : memref<1x1x128xi32, #tpu.memory_space<vmem>> -> memref<128xi32, #tpu.memory_space<vmem>>
        %dma_start3A_412 = arith.constant 0 : i32
        %dma_start3A_413 = arith.constant 0 : i32
        %dma_start3A_414 = tpu.memref_slice %arg2[%dma_start3A_412, %dma_start3A_413] : memref<10000x128xf32, #tpu.memory_space<hbm>> -> memref<10000x128xf32, #tpu.memory_space<hbm>>
        tpu.enqueue_indirect_dma source(%dma_start3A_414 : memref<10000x128xf32, #tpu.memory_space<hbm>>) target(%dma_start3A_408 : memref<128x128xf32, #tpu.memory_space<vmem>>) offsets(%dma_start3A_411 : memref<128xi32, #tpu.memory_space<vmem>>) semaphore(%arg16 : memref<!tpu.dma_semaphore, #tpu.memory_space<semaphore_mem>>)
      } else {
      }
      %add3A_364 = arith.constant 3 : i32
      %add3A_365 = arith.addi %add3A_340, %add3A_364 : i32
      %mul3A_366 = arith.constant 32 : i32
      %mul3A_367 = arith.muli %mul3A_366, %add3A_365 : i32
      %add3A_368 = arith.addi %add3A, %mul3A_367 : i32
      %lt3A_369 = arith.constant 2500 : i32
      %lt3A_370 = arith.cmpi slt, %add3A_368, %lt3A_369 : i32
      %convert_element_type3A_371 = arith.extui %lt3A_370 : i1 to i32
      %cond3A_372 = arith.constant 0 : i32
      %cond3A_373 = arith.cmpi ne, %convert_element_type3A_371, %cond3A_372 : i32
      scf.if %cond3A_373 {
        %add3A_382 = arith.constant 3 : i32
        %add3A_383 = arith.addi %add3A_340, %add3A_382 : i32
        %mul3A_384 = arith.constant 32 : i32
        %mul3A_385 = arith.muli %mul3A_384, %add3A_383 : i32
        %add3A_386 = arith.addi %add3A, %mul3A_385 : i32
        %mul3A_387 = arith.constant 128 : i32
        %mul3A_388 = arith.muli %add3A_386, %mul3A_387 : i32
        %dma_start3A_389 = arith.constant 2 : i32
        %dma_start3A_390 = arith.constant 0 : i32
        %dma_start3A_391 = arith.constant 0 : i32
        %dma_start3A_392 = tpu.memref_slice %arg6[%dma_start3A_389, %dma_start3A_390, %dma_start3A_391] : memref<6x2x128xi32, #tpu.memory_space<vmem>> -> memref<1x2x128xi32, #tpu.memory_space<vmem>>
        %dma_start3A_393 = tpu.memref_squeeze %dma_start3A_392 : memref<1x2x128xi32, #tpu.memory_space<vmem>> -> memref<2x128xi32, #tpu.memory_space<vmem>>
        %dma_start3A_394 = arith.constant 0 : i32
        %dma_start3A_395 = tpu.memref_slice %arg3[%dma_start3A_394, %mul3A_388] : memref<2x320000xi32, #tpu.memory_space<hbm>> -> memref<2x128xi32, #tpu.memory_space<hbm>>
        %dma_start3A_396 = arith.constant 0 : i32
        %dma_start3A_397 = arith.constant 0 : i32
        %dma_start3A_398 = tpu.memref_slice %arg6[%dma_start3A_389, %dma_start3A_396, %dma_start3A_397] : memref<6x2x128xi32, #tpu.memory_space<vmem>> -> memref<1x2x128xi32, #tpu.memory_space<vmem>>
        %dma_start3A_399 = tpu.memref_squeeze %dma_start3A_398 : memref<1x2x128xi32, #tpu.memory_space<vmem>> -> memref<2x128xi32, #tpu.memory_space<vmem>>
        %dma_start3A_400 = arith.constant 0 : i32
        %dma_start3A_401 = tpu.memref_slice %arg3[%dma_start3A_400, %mul3A_388] : memref<2x320000xi32, #tpu.memory_space<hbm>> -> memref<2x128xi32, #tpu.memory_space<hbm>>
        tpu.enqueue_dma source(%dma_start3A_401 : memref<2x128xi32, #tpu.memory_space<hbm>>) target(%dma_start3A_399 : memref<2x128xi32, #tpu.memory_space<vmem>>) target_semaphore(%arg11 : memref<!tpu.dma_semaphore, #tpu.memory_space<semaphore_mem>>)
      } else {
      }
      %mul3A_374 = arith.constant 32 : i32
      %mul3A_375 = arith.muli %mul3A_374, %add3A_340 : i32
      %add3A_376 = arith.addi %add3A, %mul3A_375 : i32
      %lt3A_377 = arith.constant 2500 : i32
      %lt3A_378 = arith.cmpi slt, %add3A_376, %lt3A_377 : i32
      %convert_element_type3A_379 = arith.extui %lt3A_378 : i1 to i32
      %cond3A_380 = arith.constant 0 : i32
      %cond3A_381 = arith.cmpi ne, %convert_element_type3A_379, %cond3A_380 : i32
      scf.if %cond3A_381 {
        %dma_wait3A_382 = arith.constant 5 : i32
        %dma_wait3A_383 = arith.constant 0 : i32
        %dma_wait3A_384 = arith.constant 2 : i32
        %dma_wait3A_385 = arith.constant 0 : i32
        %dma_wait3A_386 = arith.constant 0 : i32
        %dma_wait3A_387 = tpu.memref_slice %arg7[%dma_wait3A_384, %dma_wait3A_385, %dma_wait3A_386] : memref<3x128x128xf32, #tpu.memory_space<vmem>> -> memref<1x128x128xf32, #tpu.memory_space<vmem>>
        %dma_wait3A_388 = tpu.memref_squeeze %dma_wait3A_387 : memref<1x128x128xf32, #tpu.memory_space<vmem>> -> memref<128x128xf32, #tpu.memory_space<vmem>>
        %dma_wait3A_389 = arith.constant 0 : i32
        %dma_wait3A_390 = tpu.memref_slice %arg6[%dma_wait3A_382, %dma_wait3A_383, %dma_wait3A_389] : memref<6x2x128xi32, #tpu.memory_space<vmem>> -> memref<1x1x128xi32, #tpu.memory_space<vmem>>
        %dma_wait3A_391 = tpu.memref_squeeze %dma_wait3A_390 : memref<1x1x128xi32, #tpu.memory_space<vmem>> -> memref<128xi32, #tpu.memory_space<vmem>>
        %dma_wait3A_392 = arith.constant 0 : i32
        %dma_wait3A_393 = arith.constant 0 : i32
        %dma_wait3A_394 = tpu.memref_slice %arg2[%dma_wait3A_392, %dma_wait3A_393] : memref<10000x128xf32, #tpu.memory_space<hbm>> -> memref<10000x128xf32, #tpu.memory_space<hbm>>
        tpu.wait_indirect_dma semaphore(%arg17 : memref<!tpu.dma_semaphore, #tpu.memory_space<semaphore_mem>>) src(%dma_wait3A_394 : memref<10000x128xf32, #tpu.memory_space<hbm>>) dst(%dma_wait3A_388 : memref<128x128xf32, #tpu.memory_space<vmem>>)
        %dma_start3A_395 = arith.constant 2 : i32
        %dma_start3A_396 = arith.constant 5 : i32
        %dma_start3A_397 = arith.constant 1 : i32
        %dma_start3A_398 = arith.constant 0 : i32
        %dma_start3A_399 = arith.constant 0 : i32
        %dma_start3A_400 = tpu.memref_slice %arg7[%dma_start3A_395, %dma_start3A_398, %dma_start3A_399] : memref<3x128x128xf32, #tpu.memory_space<vmem>> -> memref<1x128x128xf32, #tpu.memory_space<vmem>>
        %dma_start3A_401 = tpu.memref_squeeze %dma_start3A_400 : memref<1x128x128xf32, #tpu.memory_space<vmem>> -> memref<128x128xf32, #tpu.memory_space<vmem>>
        %dma_start3A_402 = arith.constant 0 : i32
        %dma_start3A_403 = tpu.memref_slice %arg6[%dma_start3A_396, %dma_start3A_397, %dma_start3A_402] : memref<6x2x128xi32, #tpu.memory_space<vmem>> -> memref<1x1x128xi32, #tpu.memory_space<vmem>>
        %dma_start3A_404 = tpu.memref_squeeze %dma_start3A_403 : memref<1x1x128xi32, #tpu.memory_space<vmem>> -> memref<128xi32, #tpu.memory_space<vmem>>
        %dma_start3A_405 = arith.constant 0 : i32
        %dma_start3A_406 = arith.constant 0 : i32
        %dma_start3A_407 = tpu.memref_slice %arg8[%dma_start3A_405, %dma_start3A_406] : memref<10000x128xf32, #tpu.memory_space<vmem_shared>> -> memref<10000x128xf32, #tpu.memory_space<vmem_shared>>
        tpu.enqueue_indirect_dma source(%dma_start3A_401 : memref<128x128xf32, #tpu.memory_space<vmem>>) target(%dma_start3A_407 : memref<10000x128xf32, #tpu.memory_space<vmem_shared>>) offsets(%dma_start3A_404 : memref<128xi32, #tpu.memory_space<vmem>>) semaphore(%arg20 : memref<!tpu.dma_semaphore, #tpu.memory_space<semaphore_mem>>) {add = true}
      } else {
      }
    }
    %scan3A_115 = arith.constant 14 : i32
    %barrier3A_116 = arith.constant 0 : index
    tpu.barrier barrier_id(%barrier3A_116)
    %lt3A_117 = arith.constant 10 : i32
    %lt3A_118 = arith.cmpi slt, %arg1, %lt3A_117 : i32
    %convert_element_type3A_119 = arith.extui %lt3A_118 : i1 to i32
    %cond3A_120 = arith.constant 0 : i32
    %cond3A_121 = arith.cmpi ne, %convert_element_type3A_119, %cond3A_120 : i32
    scf.if %cond3A_121 {
      %mul3A_122 = arith.constant 1000 : i32
      %mul3A_123 = arith.muli %arg1, %mul3A_122 : i32
      %mul3A_124 = arith.constant 1000 : i32
      %mul3A_125 = arith.muli %arg1, %mul3A_124 : i32
      "tpu.region"() ({
        %run_scoped3A = tpu.sem_alloc : memref<!tpu.dma_semaphore, #tpu.memory_space<semaphore_mem>>
        %dma_start3A_126 = arith.constant 0 : i32
        %dma_start3A_127 = tpu.memref_slice %arg5[%arg0, %mul3A_125, %dma_start3A_126] : memref<2x10000x128xf32, #tpu.memory_space<hbm>> -> memref<1x1000x128xf32, #tpu.memory_space<hbm>>
        %dma_start3A_128 = tpu.memref_squeeze %dma_start3A_127 : memref<1x1000x128xf32, #tpu.memory_space<hbm>> -> memref<1000x128xf32, #tpu.memory_space<hbm>>
        %dma_start3A_129 = arith.constant 0 : i32
        %dma_start3A_130 = tpu.memref_slice %arg8[%mul3A_123, %dma_start3A_129] : memref<10000x128xf32, #tpu.memory_space<vmem_shared>> -> memref<1000x128xf32, #tpu.memory_space<vmem_shared>>
        tpu.enqueue_dma source(%dma_start3A_130 : memref<1000x128xf32, #tpu.memory_space<vmem_shared>>) target(%dma_start3A_128 : memref<1000x128xf32, #tpu.memory_space<hbm>>) target_semaphore(%run_scoped3A : memref<!tpu.dma_semaphore, #tpu.memory_space<semaphore_mem>>)
        %dma_wait3A_131 = arith.constant 0 : i32
        %dma_wait3A_132 = tpu.memref_slice %arg5[%arg0, %mul3A_125, %dma_wait3A_131] : memref<2x10000x128xf32, #tpu.memory_space<hbm>> -> memref<1x1000x128xf32, #tpu.memory_space<hbm>>
        %dma_wait3A_133 = tpu.memref_squeeze %dma_wait3A_132 : memref<1x1000x128xf32, #tpu.memory_space<hbm>> -> memref<1000x128xf32, #tpu.memory_space<hbm>>
        %dma_wait3A_134 = arith.constant 0 : i32
        %dma_wait3A_135 = tpu.memref_slice %arg8[%mul3A_123, %dma_wait3A_134] : memref<10000x128xf32, #tpu.memory_space<vmem_shared>> -> memref<1000x128xf32, #tpu.memory_space<vmem_shared>>
        tpu.wait_dma2 semaphore(%run_scoped3A : memref<!tpu.dma_semaphore, #tpu.memory_space<semaphore_mem>>) src(%dma_wait3A_135 : memref<1000x128xf32, #tpu.memory_space<vmem_shared>>) dst(%dma_wait3A_133 : memref<1000x128xf32, #tpu.memory_space<hbm>>)
        tpu.yield
      }) : () -> ()
    } else {
    }
    return
  }
}

#map = affine_map<(d0, d1) -> (0, 0)>
#map1 = affine_map<(d0, d1) -> (0, 0, 0)>
module attributes {stable_mosaic.version = 14 : i64} {
  func.func @_sc_spmm(%arg0: i32, %arg1: i32, %arg2: memref<10000x128xf32, #tpu.memory_space<hbm>>, %arg3: memref<2x320000xi32, #tpu.memory_space<hbm>>, %arg4: memref<1000x128xf32, #tpu.memory_space<hbm>>, %arg5: memref<2x10000x128xf32, #tpu.memory_space<hbm>>, %arg6: memref<6x2x128xi32, #tpu.memory_space<vmem>>, %arg7: memref<3x128x128xf32, #tpu.memory_space<vmem>>, %arg8: memref<10000x128xf32, #tpu.memory_space<vmem_shared>>, %arg9: memref<!tpu.dma_semaphore, #tpu.memory_space<semaphore_mem>>, %arg10: memref<!tpu.dma_semaphore, #tpu.memory_space<semaphore_mem>>, %arg11: memref<!tpu.dma_semaphore, #tpu.memory_space<semaphore_mem>>, %arg12: memref<!tpu.dma_semaphore, #tpu.memory_space<semaphore_mem>>, %arg13: memref<!tpu.dma_semaphore, #tpu.memory_space<semaphore_mem>>, %arg14: memref<!tpu.dma_semaphore, #tpu.memory_space<semaphore_mem>>, %arg15: memref<!tpu.dma_semaphore, #tpu.memory_space<semaphore_mem>>, %arg16: memref<!tpu.dma_semaphore, #tpu.memory_space<semaphore_mem>>, %arg17: memref<!tpu.dma_semaphore, #tpu.memory_space<semaphore_mem>>, %arg18: memref<!tpu.dma_semaphore, #tpu.memory_space<semaphore_mem>>, %arg19: memref<!tpu.dma_semaphore, #tpu.memory_space<semaphore_mem>>, %arg20: memref<!tpu.dma_semaphore, #tpu.memory_space<semaphore_mem>>) attributes {dimension_semantics = [#tpu.dimension_semantics<core_parallel>, #tpu.dimension_semantics<subcore_parallel>], iteration_bounds = array<i64: 2, 16>, scalar_prefetch = 0 : i64, scratch_operands = 15 : i64, tpu.core_type = #tpu.core_type<sc_vector_subcore>, window_params = [{transform_indices = #map}, {transform_indices = #map}, {transform_indices = #map}, {transform_indices = #map1}]} {
    %mul3A = arith.constant 16 : i32
    %mul3A_0 = arith.muli %arg0, %mul3A : i32
    %add3A = arith.addi %mul3A_0, %arg1 : i32
    %lt3A = arith.constant 10 : i32
    %lt3A_1 = arith.cmpi slt, %arg1, %lt3A : i32
    %convert_element_type3A = arith.extui %lt3A_1 : i1 to i32
    %cond3A = arith.constant 0 : i32
    %cond3A_2 = arith.cmpi ne, %convert_element_type3A, %cond3A : i32
    scf.if %cond3A_2 {
      %mul3A_122 = arith.constant 1000 : i32
      %mul3A_123 = arith.muli %arg1, %mul3A_122 : i32
      "tpu.region"() ({
        %run_scoped3A = tpu.sem_alloc : memref<!tpu.dma_semaphore, #tpu.memory_space<semaphore_mem>>
        %dma_start3A_124 = arith.constant 0 : i32
        %dma_start3A_125 = tpu.memref_slice %arg8[%mul3A_123, %dma_start3A_124] : memref<10000x128xf32, #tpu.memory_space<vmem_shared>> -> memref<1000x128xf32, #tpu.memory_space<vmem_shared>>
        tpu.enqueue_dma source(%arg4 : memref<1000x128xf32, #tpu.memory_space<hbm>>) target(%dma_start3A_125 : memref<1000x128xf32, #tpu.memory_space<vmem_shared>>) target_semaphore(%run_scoped3A : memref<!tpu.dma_semaphore, #tpu.memory_space<semaphore_mem>>)
        %dma_wait3A_126 = arith.constant 0 : i32
        %dma_wait3A_127 = tpu.memref_slice %arg8[%mul3A_123, %dma_wait3A_126] : memref<10000x128xf32, #tpu.memory_space<vmem_shared>> -> memref<1000x128xf32, #tpu.memory_space<vmem_shared>>
        tpu.wait_dma2 semaphore(%run_scoped3A : memref<!tpu.dma_semaphore, #tpu.memory_space<semaphore_mem>>) src(%arg4 : memref<1000x128xf32, #tpu.memory_space<hbm>>) dst(%dma_wait3A_127 : memref<1000x128xf32, #tpu.memory_space<vmem_shared>>)
        tpu.yield
      }) : () -> ()
    } else {
    }
    %barrier3A = arith.constant 0 : index
    tpu.barrier barrier_id(%barrier3A)
    %add3A_3 = arith.constant 0 : i32
    %add3A_4 = arith.addi %add3A, %add3A_3 : i32
    %mul3A_5 = arith.constant 128 : i32
    %mul3A_6 = arith.muli %add3A_4, %mul3A_5 : i32
    %dma_start3A = arith.constant 0 : i32
    %dma_start3A_7 = arith.constant 0 : i32
    %dma_start3A_8 = arith.constant 0 : i32
    %dma_start3A_9 = tpu.memref_slice %arg6[%dma_start3A, %dma_start3A_7, %dma_start3A_8] : memref<6x2x128xi32, #tpu.memory_space<vmem>> -> memref<1x2x128xi32, #tpu.memory_space<vmem>>
    %dma_start3A_10 = tpu.memref_squeeze %dma_start3A_9 : memref<1x2x128xi32, #tpu.memory_space<vmem>> -> memref<2x128xi32, #tpu.memory_space<vmem>>
    %dma_start3A_11 = arith.constant 0 : i32
    %dma_start3A_12 = tpu.memref_slice %arg3[%dma_start3A_11, %mul3A_6] : memref<2x320000xi32, #tpu.memory_space<hbm>> -> memref<2x128xi32, #tpu.memory_space<hbm>>
    %dma_start3A_13 = arith.constant 0 : i32
    %dma_start3A_14 = arith.constant 0 : i32
    %dma_start3A_15 = tpu.memref_slice %arg6[%dma_start3A, %dma_start3A_13, %dma_start3A_14] : memref<6x2x128xi32, #tpu.memory_space<vmem>> -> memref<1x2x128xi32, #tpu.memory_space<vmem>>
    %dma_start3A_16 = tpu.memref_squeeze %dma_start3A_15 : memref<1x2x128xi32, #tpu.memory_space<vmem>> -> memref<2x128xi32, #tpu.memory_space<vmem>>
    %dma_start3A_17 = arith.constant 0 : i32
    %dma_start3A_18 = tpu.memref_slice %arg3[%dma_start3A_17, %mul3A_6] : memref<2x320000xi32, #tpu.memory_space<hbm>> -> memref<2x128xi32, #tpu.memory_space<hbm>>
    tpu.enqueue_dma source(%dma_start3A_18 : memref<2x128xi32, #tpu.memory_space<hbm>>) target(%dma_start3A_16 : memref<2x128xi32, #tpu.memory_space<vmem>>) target_semaphore(%arg9 : memref<!tpu.dma_semaphore, #tpu.memory_space<semaphore_mem>>)
    %add3A_19 = arith.constant 32 : i32
    %add3A_20 = arith.addi %add3A, %add3A_19 : i32
    %mul3A_21 = arith.constant 128 : i32
    %mul3A_22 = arith.muli %add3A_20, %mul3A_21 : i32
    %dma_start3A_23 = arith.constant 1 : i32
    %dma_start3A_24 = arith.constant 0 : i32
    %dma_start3A_25 = arith.constant 0 : i32
    %dma_start3A_26 = tpu.memref_slice %arg6[%dma_start3A_23, %dma_start3A_24, %dma_start3A_25] : memref<6x2x128xi32, #tpu.memory_space<vmem>> -> memref<1x2x128xi32, #tpu.memory_space<vmem>>
    %dma_start3A_27 = tpu.memref_squeeze %dma_start3A_26 : memref<1x2x128xi32, #tpu.memory_space<vmem>> -> memref<2x128xi32, #tpu.memory_space<vmem>>
    %dma_start3A_28 = arith.constant 0 : i32
    %dma_start3A_29 = tpu.memref_slice %arg3[%dma_start3A_28, %mul3A_22] : memref<2x320000xi32, #tpu.memory_space<hbm>> -> memref<2x128xi32, #tpu.memory_space<hbm>>
    %dma_start3A_30 = arith.constant 0 : i32
    %dma_start3A_31 = arith.constant 0 : i32
    %dma_start3A_32 = tpu.memref_slice %arg6[%dma_start3A_23, %dma_start3A_30, %dma_start3A_31] : memref<6x2x128xi32, #tpu.memory_space<vmem>> -> memref<1x2x128xi32, #tpu.memory_space<vmem>>
    %dma_start3A_33 = tpu.memref_squeeze %dma_start3A_32 : memref<1x2x128xi32, #tpu.memory_space<vmem>> -> memref<2x128xi32, #tpu.memory_space<vmem>>
    %dma_start3A_34 = arith.constant 0 : i32
    %dma_start3A_35 = tpu.memref_slice %arg3[%dma_start3A_34, %mul3A_22] : memref<2x320000xi32, #tpu.memory_space<hbm>> -> memref<2x128xi32, #tpu.memory_space<hbm>>
    tpu.enqueue_dma source(%dma_start3A_35 : memref<2x128xi32, #tpu.memory_space<hbm>>) target(%dma_start3A_33 : memref<2x128xi32, #tpu.memory_space<vmem>>) target_semaphore(%arg10 : memref<!tpu.dma_semaphore, #tpu.memory_space<semaphore_mem>>)
    %add3A_36 = arith.constant 64 : i32
    %add3A_37 = arith.addi %add3A, %add3A_36 : i32
    %mul3A_38 = arith.constant 128 : i32
    %mul3A_39 = arith.muli %add3A_37, %mul3A_38 : i32
    %dma_start3A_40 = arith.constant 2 : i32
    %dma_start3A_41 = arith.constant 0 : i32
    %dma_start3A_42 = arith.constant 0 : i32
    %dma_start3A_43 = tpu.memref_slice %arg6[%dma_start3A_40, %dma_start3A_41, %dma_start3A_42] : memref<6x2x128xi32, #tpu.memory_space<vmem>> -> memref<1x2x128xi32, #tpu.memory_space<vmem>>
    %dma_start3A_44 = tpu.memref_squeeze %dma_start3A_43 : memref<1x2x128xi32, #tpu.memory_space<vmem>> -> memref<2x128xi32, #tpu.memory_space<vmem>>
    %dma_start3A_45 = arith.constant 0 : i32
    %dma_start3A_46 = tpu.memref_slice %arg3[%dma_start3A_45, %mul3A_39] : memref<2x320000xi32, #tpu.memory_space<hbm>> -> memref<2x128xi32, #tpu.memory_space<hbm>>
    %dma_start3A_47 = arith.constant 0 : i32
    %dma_start3A_48 = arith.constant 0 : i32
    %dma_start3A_49 = tpu.memref_slice %arg6[%dma_start3A_40, %dma_start3A_47, %dma_start3A_48] : memref<6x2x128xi32, #tpu.memory_space<vmem>> -> memref<1x2x128xi32, #tpu.memory_space<vmem>>
    %dma_start3A_50 = tpu.memref_squeeze %dma_start3A_49 : memref<1x2x128xi32, #tpu.memory_space<vmem>> -> memref<2x128xi32, #tpu.memory_space<vmem>>
    %dma_start3A_51 = arith.constant 0 : i32
    %dma_start3A_52 = tpu.memref_slice %arg3[%dma_start3A_51, %mul3A_39] : memref<2x320000xi32, #tpu.memory_space<hbm>> -> memref<2x128xi32, #tpu.memory_space<hbm>>
    tpu.enqueue_dma source(%dma_start3A_52 : memref<2x128xi32, #tpu.memory_space<hbm>>) target(%dma_start3A_50 : memref<2x128xi32, #tpu.memory_space<vmem>>) target_semaphore(%arg11 : memref<!tpu.dma_semaphore, #tpu.memory_space<semaphore_mem>>)
    %add3A_53 = arith.constant 0 : i32
    %add3A_54 = arith.addi %add3A, %add3A_53 : i32
    %mul3A_55 = arith.constant 128 : i32
    %mul3A_56 = arith.muli %add3A_54, %mul3A_55 : i32
    %dma_wait3A = arith.constant 0 : i32
    %dma_wait3A_57 = arith.constant 0 : i32
    %dma_wait3A_58 = arith.constant 0 : i32
    %dma_wait3A_59 = tpu.memref_slice %arg6[%dma_wait3A, %dma_wait3A_57, %dma_wait3A_58] : memref<6x2x128xi32, #tpu.memory_space<vmem>> -> memref<1x2x128xi32, #tpu.memory_space<vmem>>
    %dma_wait3A_60 = tpu.memref_squeeze %dma_wait3A_59 : memref<1x2x128xi32, #tpu.memory_space<vmem>> -> memref<2x128xi32, #tpu.memory_space<vmem>>
    %dma_wait3A_61 = arith.constant 0 : i32
    %dma_wait3A_62 = tpu.memref_slice %arg3[%dma_wait3A_61, %mul3A_56] : memref<2x320000xi32, #tpu.memory_space<hbm>> -> memref<2x128xi32, #tpu.memory_space<hbm>>
    %dma_wait3A_63 = arith.constant 0 : i32
    %dma_wait3A_64 = arith.constant 0 : i32
    %dma_wait3A_65 = tpu.memref_slice %arg6[%dma_wait3A, %dma_wait3A_63, %dma_wait3A_64] : memref<6x2x128xi32, #tpu.memory_space<vmem>> -> memref<1x2x128xi32, #tpu.memory_space<vmem>>
    %dma_wait3A_66 = tpu.memref_squeeze %dma_wait3A_65 : memref<1x2x128xi32, #tpu.memory_space<vmem>> -> memref<2x128xi32, #tpu.memory_space<vmem>>
    %dma_wait3A_67 = arith.constant 0 : i32
    %dma_wait3A_68 = tpu.memref_slice %arg3[%dma_wait3A_67, %mul3A_56] : memref<2x320000xi32, #tpu.memory_space<hbm>> -> memref<2x128xi32, #tpu.memory_space<hbm>>
    tpu.wait_dma2 semaphore(%arg9 : memref<!tpu.dma_semaphore, #tpu.memory_space<semaphore_mem>>) src(%dma_wait3A_68 : memref<2x128xi32, #tpu.memory_space<hbm>>) dst(%dma_wait3A_66 : memref<2x128xi32, #tpu.memory_space<vmem>>)
    %dma_start3A_69 = arith.constant 0 : i32
    %dma_start3A_70 = arith.constant 0 : i32
    %dma_start3A_71 = arith.constant 0 : i32
    %dma_start3A_72 = arith.constant 0 : i32
    %dma_start3A_73 = arith.constant 0 : i32
    %dma_start3A_74 = tpu.memref_slice %arg7[%dma_start3A_71, %dma_start3A_72, %dma_start3A_73] : memref<3x128x128xf32, #tpu.memory_space<vmem>> -> memref<1x128x128xf32, #tpu.memory_space<vmem>>
    %dma_start3A_75 = tpu.memref_squeeze %dma_start3A_74 : memref<1x128x128xf32, #tpu.memory_space<vmem>> -> memref<128x128xf32, #tpu.memory_space<vmem>>
    %dma_start3A_76 = arith.constant 0 : i32
    %dma_start3A_77 = tpu.memref_slice %arg6[%dma_start3A_69, %dma_start3A_70, %dma_start3A_76] : memref<6x2x128xi32, #tpu.memory_space<vmem>> -> memref<1x1x128xi32, #tpu.memory_space<vmem>>
    %dma_start3A_78 = tpu.memref_squeeze %dma_start3A_77 : memref<1x1x128xi32, #tpu.memory_space<vmem>> -> memref<128xi32, #tpu.memory_space<vmem>>
    %dma_start3A_79 = arith.constant 0 : i32
    %dma_start3A_80 = arith.constant 0 : i32
    %dma_start3A_81 = tpu.memref_slice %arg2[%dma_start3A_79, %dma_start3A_80] : memref<10000x128xf32, #tpu.memory_space<hbm>> -> memref<10000x128xf32, #tpu.memory_space<hbm>>
    tpu.enqueue_indirect_dma source(%dma_start3A_81 : memref<10000x128xf32, #tpu.memory_space<hbm>>) target(%dma_start3A_75 : memref<128x128xf32, #tpu.memory_space<vmem>>) offsets(%dma_start3A_78 : memref<128xi32, #tpu.memory_space<vmem>>) semaphore(%arg15 : memref<!tpu.dma_semaphore, #tpu.memory_space<semaphore_mem>>)
    %add3A_82 = arith.constant 32 : i32
    %add3A_83 = arith.addi %add3A, %add3A_82 : i32
    %mul3A_84 = arith.constant 128 : i32
    %mul3A_85 = arith.muli %add3A_83, %mul3A_84 : i32
    %dma_wait3A_86 = arith.constant 1 : i32
    %dma_wait3A_87 = arith.constant 0 : i32
    %dma_wait3A_88 = arith.constant 0 : i32
    %dma_wait3A_89 = tpu.memref_slice %arg6[%dma_wait3A_86, %dma_wait3A_87, %dma_wait3A_88] : memref<6x2x128xi32, #tpu.memory_space<vmem>> -> memref<1x2x128xi32, #tpu.memory_space<vmem>>
    %dma_wait3A_90 = tpu.memref_squeeze %dma_wait3A_89 : memref<1x2x128xi32, #tpu.memory_space<vmem>> -> memref<2x128xi32, #tpu.memory_space<vmem>>
    %dma_wait3A_91 = arith.constant 0 : i32
    %dma_wait3A_92 = tpu.memref_slice %arg3[%dma_wait3A_91, %mul3A_85] : memref<2x320000xi32, #tpu.memory_space<hbm>> -> memref<2x128xi32, #tpu.memory_space<hbm>>
    %dma_wait3A_93 = arith.constant 0 : i32
    %dma_wait3A_94 = arith.constant 0 : i32
    %dma_wait3A_95 = tpu.memref_slice %arg6[%dma_wait3A_86, %dma_wait3A_93, %dma_wait3A_94] : memref<6x2x128xi32, #tpu.memory_space<vmem>> -> memref<1x2x128xi32, #tpu.memory_space<vmem>>
    %dma_wait3A_96 = tpu.memref_squeeze %dma_wait3A_95 : memref<1x2x128xi32, #tpu.memory_space<vmem>> -> memref<2x128xi32, #tpu.memory_space<vmem>>
    %dma_wait3A_97 = arith.constant 0 : i32
    %dma_wait3A_98 = tpu.memref_slice %arg3[%dma_wait3A_97, %mul3A_85] : memref<2x320000xi32, #tpu.memory_space<hbm>> -> memref<2x128xi32, #tpu.memory_space<hbm>>
    tpu.wait_dma2 semaphore(%arg10 : memref<!tpu.dma_semaphore, #tpu.memory_space<semaphore_mem>>) src(%dma_wait3A_98 : memref<2x128xi32, #tpu.memory_space<hbm>>) dst(%dma_wait3A_96 : memref<2x128xi32, #tpu.memory_space<vmem>>)
    %dma_start3A_99 = arith.constant 1 : i32
    %dma_start3A_100 = arith.constant 0 : i32
    %dma_start3A_101 = arith.constant 1 : i32
    %dma_start3A_102 = arith.constant 0 : i32
    %dma_start3A_103 = arith.constant 0 : i32
    %dma_start3A_104 = tpu.memref_slice %arg7[%dma_start3A_101, %dma_start3A_102, %dma_start3A_103] : memref<3x128x128xf32, #tpu.memory_space<vmem>> -> memref<1x128x128xf32, #tpu.memory_space<vmem>>
    %dma_start3A_105 = tpu.memref_squeeze %dma_start3A_104 : memref<1x128x128xf32, #tpu.memory_space<vmem>> -> memref<128x128xf32, #tpu.memory_space<vmem>>
    %dma_start3A_106 = arith.constant 0 : i32
    %dma_start3A_107 = tpu.memref_slice %arg6[%dma_start3A_99, %dma_start3A_100, %dma_start3A_106] : memref<6x2x128xi32, #tpu.memory_space<vmem>> -> memref<1x1x128xi32, #tpu.memory_space<vmem>>
    %dma_start3A_108 = tpu.memref_squeeze %dma_start3A_107 : memref<1x1x128xi32, #tpu.memory_space<vmem>> -> memref<128xi32, #tpu.memory_space<vmem>>
    %dma_start3A_109 = arith.constant 0 : i32
    %dma_start3A_110 = arith.constant 0 : i32
    %dma_start3A_111 = tpu.memref_slice %arg2[%dma_start3A_109, %dma_start3A_110] : memref<10000x128xf32, #tpu.memory_space<hbm>> -> memref<10000x128xf32, #tpu.memory_space<hbm>>
    tpu.enqueue_indirect_dma source(%dma_start3A_111 : memref<10000x128xf32, #tpu.memory_space<hbm>>) target(%dma_start3A_105 : memref<128x128xf32, #tpu.memory_space<vmem>>) offsets(%dma_start3A_108 : memref<128xi32, #tpu.memory_space<vmem>>) semaphore(%arg16 : memref<!tpu.dma_semaphore, #tpu.memory_space<semaphore_mem>>)
    %scan3A = arith.constant 0 : i32
    %scan3A_112 = arith.constant 14 : i32
    %scan3A_113 = arith.addi %scan3A, %scan3A_112 : i32
    %scan3A_114 = arith.constant 1 : i32
    scf.for %scan3A_122 = %scan3A to %scan3A_113 step %scan3A_114  : i32 {
      %mul3A_123 = arith.constant 6 : i32
      %mul3A_124 = arith.muli %scan3A_122, %mul3A_123 : i32
      %add3A_125 = arith.constant 0 : i32
      %add3A_126 = arith.addi %add3A_125, %mul3A_124 : i32
      %add3A_127 = arith.constant 0 : i32
      %add3A_128 = arith.addi %add3A_126, %add3A_127 : i32
      %ge3A = arith.constant 1 : i32
      %ge3A_129 = arith.cmpi sge, %add3A_128, %ge3A : i32
      %sub3A = arith.constant 1 : i32
      %sub3A_130 = arith.subi %add3A_128, %sub3A : i32
      %mul3A_131 = arith.constant 32 : i32
      %mul3A_132 = arith.muli %mul3A_131, %sub3A_130 : i32
      %add3A_133 = arith.addi %add3A, %mul3A_132 : i32
      %lt3A_134 = arith.constant 2500 : i32
      %lt3A_135 = arith.cmpi slt, %add3A_133, %lt3A_134 : i32
      %and3A = arith.andi %ge3A_129, %lt3A_135 : i1
      %convert_element_type3A_136 = arith.extui %and3A : i1 to i32
      %cond3A_137 = arith.constant 0 : i32
      %cond3A_138 = arith.cmpi ne, %convert_element_type3A_136, %cond3A_137 : i32
      scf.if %cond3A_138 {
        %dma_wait3A_382 = arith.constant 2 : i32
        %dma_wait3A_383 = arith.constant 5 : i32
        %dma_wait3A_384 = arith.constant 1 : i32
        %dma_wait3A_385 = arith.constant 0 : i32
        %dma_wait3A_386 = arith.constant 0 : i32
        %dma_wait3A_387 = tpu.memref_slice %arg7[%dma_wait3A_382, %dma_wait3A_385, %dma_wait3A_386] : memref<3x128x128xf32, #tpu.memory_space<vmem>> -> memref<1x128x128xf32, #tpu.memory_space<vmem>>
        %dma_wait3A_388 = tpu.memref_squeeze %dma_wait3A_387 : memref<1x128x128xf32, #tpu.memory_space<vmem>> -> memref<128x128xf32, #tpu.memory_space<vmem>>
        %dma_wait3A_389 = arith.constant 0 : i32
        %dma_wait3A_390 = tpu.memref_slice %arg6[%dma_wait3A_383, %dma_wait3A_384, %dma_wait3A_389] : memref<6x2x128xi32, #tpu.memory_space<vmem>> -> memref<1x1x128xi32, #tpu.memory_space<vmem>>
        %dma_wait3A_391 = tpu.memref_squeeze %dma_wait3A_390 : memref<1x1x128xi32, #tpu.memory_space<vmem>> -> memref<128xi32, #tpu.memory_space<vmem>>
        %dma_wait3A_392 = arith.constant 0 : i32
        %dma_wait3A_393 = arith.constant 0 : i32
        %dma_wait3A_394 = tpu.memref_slice %arg8[%dma_wait3A_392, %dma_wait3A_393] : memref<10000x128xf32, #tpu.memory_space<vmem_shared>> -> memref<10000x128xf32, #tpu.memory_space<vmem_shared>>
        tpu.wait_indirect_dma semaphore(%arg20 : memref<!tpu.dma_semaphore, #tpu.memory_space<semaphore_mem>>) src(%dma_wait3A_388 : memref<128x128xf32, #tpu.memory_space<vmem>>) dst(%dma_wait3A_394 : memref<10000x128xf32, #tpu.memory_space<vmem_shared>>)
      } else {
      }
      %add3A_139 = arith.constant 2 : i32
      %add3A_140 = arith.addi %add3A_128, %add3A_139 : i32
      %mul3A_141 = arith.constant 32 : i32
      %mul3A_142 = arith.muli %mul3A_141, %add3A_140 : i32
      %add3A_143 = arith.addi %add3A, %mul3A_142 : i32
      %lt3A_144 = arith.constant 2500 : i32
      %lt3A_145 = arith.cmpi slt, %add3A_143, %lt3A_144 : i32
      %convert_element_type3A_146 = arith.extui %lt3A_145 : i1 to i32
      %cond3A_147 = arith.constant 0 : i32
      %cond3A_148 = arith.cmpi ne, %convert_element_type3A_146, %cond3A_147 : i32
      scf.if %cond3A_148 {
        %add3A_382 = arith.constant 2 : i32
        %add3A_383 = arith.addi %add3A_128, %add3A_382 : i32
        %mul3A_384 = arith.constant 32 : i32
        %mul3A_385 = arith.muli %mul3A_384, %add3A_383 : i32
        %add3A_386 = arith.addi %add3A, %mul3A_385 : i32
        %mul3A_387 = arith.constant 128 : i32
        %mul3A_388 = arith.muli %add3A_386, %mul3A_387 : i32
        %dma_wait3A_389 = arith.constant 2 : i32
        %dma_wait3A_390 = arith.constant 0 : i32
        %dma_wait3A_391 = arith.constant 0 : i32
        %dma_wait3A_392 = tpu.memref_slice %arg6[%dma_wait3A_389, %dma_wait3A_390, %dma_wait3A_391] : memref<6x2x128xi32, #tpu.memory_space<vmem>> -> memref<1x2x128xi32, #tpu.memory_space<vmem>>
        %dma_wait3A_393 = tpu.memref_squeeze %dma_wait3A_392 : memref<1x2x128xi32, #tpu.memory_space<vmem>> -> memref<2x128xi32, #tpu.memory_space<vmem>>
        %dma_wait3A_394 = arith.constant 0 : i32
        %dma_wait3A_395 = tpu.memref_slice %arg3[%dma_wait3A_394, %mul3A_388] : memref<2x320000xi32, #tpu.memory_space<hbm>> -> memref<2x128xi32, #tpu.memory_space<hbm>>
        %dma_wait3A_396 = arith.constant 0 : i32
        %dma_wait3A_397 = arith.constant 0 : i32
        %dma_wait3A_398 = tpu.memref_slice %arg6[%dma_wait3A_389, %dma_wait3A_396, %dma_wait3A_397] : memref<6x2x128xi32, #tpu.memory_space<vmem>> -> memref<1x2x128xi32, #tpu.memory_space<vmem>>
        %dma_wait3A_399 = tpu.memref_squeeze %dma_wait3A_398 : memref<1x2x128xi32, #tpu.memory_space<vmem>> -> memref<2x128xi32, #tpu.memory_space<vmem>>
        %dma_wait3A_400 = arith.constant 0 : i32
        %dma_wait3A_401 = tpu.memref_slice %arg3[%dma_wait3A_400, %mul3A_388] : memref<2x320000xi32, #tpu.memory_space<hbm>> -> memref<2x128xi32, #tpu.memory_space<hbm>>
        tpu.wait_dma2 semaphore(%arg11 : memref<!tpu.dma_semaphore, #tpu.memory_space<semaphore_mem>>) src(%dma_wait3A_401 : memref<2x128xi32, #tpu.memory_space<hbm>>) dst(%dma_wait3A_399 : memref<2x128xi32, #tpu.memory_space<vmem>>)
        %dma_start3A_402 = arith.constant 2 : i32
        %dma_start3A_403 = arith.constant 0 : i32
        %dma_start3A_404 = arith.constant 2 : i32
        %dma_start3A_405 = arith.constant 0 : i32
        %dma_start3A_406 = arith.constant 0 : i32
        %dma_start3A_407 = tpu.memref_slice %arg7[%dma_start3A_404, %dma_start3A_405, %dma_start3A_406] : memref<3x128x128xf32, #tpu.memory_space<vmem>> -> memref<1x128x128xf32, #tpu.memory_space<vmem>>
        %dma_start3A_408 = tpu.memref_squeeze %dma_start3A_407 : memref<1x128x128xf32, #tpu.memory_space<vmem>> -> memref<128x128xf32, #tpu.memory_space<vmem>>
        %dma_start3A_409 = arith.constant 0 : i32
        %dma_start3A_410 = tpu.memref_slice %arg6[%dma_start3A_402, %dma_start3A_403, %dma_start3A_409] : memref<6x2x128xi32, #tpu.memory_space<vmem>> -> memref<1x1x128xi32, #tpu.memory_space<vmem>>
        %dma_start3A_411 = tpu.memref_squeeze %dma_start3A_410 : memref<1x1x128xi32, #tpu.memory_space<vmem>> -> memref<128xi32, #tpu.memory_space<vmem>>
        %dma_start3A_412 = arith.constant 0 : i32
        %dma_start3A_413 = arith.constant 0 : i32
        %dma_start3A_414 = tpu.memref_slice %arg2[%dma_start3A_412, %dma_start3A_413] : memref<10000x128xf32, #tpu.memory_space<hbm>> -> memref<10000x128xf32, #tpu.memory_space<hbm>>
        tpu.enqueue_indirect_dma source(%dma_start3A_414 : memref<10000x128xf32, #tpu.memory_space<hbm>>) target(%dma_start3A_408 : memref<128x128xf32, #tpu.memory_space<vmem>>) offsets(%dma_start3A_411 : memref<128xi32, #tpu.memory_space<vmem>>) semaphore(%arg17 : memref<!tpu.dma_semaphore, #tpu.memory_space<semaphore_mem>>)
      } else {
      }
      %add3A_149 = arith.constant 3 : i32
      %add3A_150 = arith.addi %add3A_128, %add3A_149 : i32
      %mul3A_151 = arith.constant 32 : i32
      %mul3A_152 = arith.muli %mul3A_151, %add3A_150 : i32
      %add3A_153 = arith.addi %add3A, %mul3A_152 : i32
      %lt3A_154 = arith.constant 2500 : i32
      %lt3A_155 = arith.cmpi slt, %add3A_153, %lt3A_154 : i32
      %convert_element_type3A_156 = arith.extui %lt3A_155 : i1 to i32
      %cond3A_157 = arith.constant 0 : i32
      %cond3A_158 = arith.cmpi ne, %convert_element_type3A_156, %cond3A_157 : i32
      scf.if %cond3A_158 {
        %add3A_382 = arith.constant 3 : i32
        %add3A_383 = arith.addi %add3A_128, %add3A_382 : i32
        %mul3A_384 = arith.constant 32 : i32
        %mul3A_385 = arith.muli %mul3A_384, %add3A_383 : i32
        %add3A_386 = arith.addi %add3A, %mul3A_385 : i32
        %mul3A_387 = arith.constant 128 : i32
        %mul3A_388 = arith.muli %add3A_386, %mul3A_387 : i32
        %dma_start3A_389 = arith.constant 3 : i32
        %dma_start3A_390 = arith.constant 0 : i32
        %dma_start3A_391 = arith.constant 0 : i32
        %dma_start3A_392 = tpu.memref_slice %arg6[%dma_start3A_389, %dma_start3A_390, %dma_start3A_391] : memref<6x2x128xi32, #tpu.memory_space<vmem>> -> memref<1x2x128xi32, #tpu.memory_space<vmem>>
        %dma_start3A_393 = tpu.memref_squeeze %dma_start3A_392 : memref<1x2x128xi32, #tpu.memory_space<vmem>> -> memref<2x128xi32, #tpu.memory_space<vmem>>
        %dma_start3A_394 = arith.constant 0 : i32
        %dma_start3A_395 = tpu.memref_slice %arg3[%dma_start3A_394, %mul3A_388] : memref<2x320000xi32, #tpu.memory_space<hbm>> -> memref<2x128xi32, #tpu.memory_space<hbm>>
        %dma_start3A_396 = arith.constant 0 : i32
        %dma_start3A_397 = arith.constant 0 : i32
        %dma_start3A_398 = tpu.memref_slice %arg6[%dma_start3A_389, %dma_start3A_396, %dma_start3A_397] : memref<6x2x128xi32, #tpu.memory_space<vmem>> -> memref<1x2x128xi32, #tpu.memory_space<vmem>>
        %dma_start3A_399 = tpu.memref_squeeze %dma_start3A_398 : memref<1x2x128xi32, #tpu.memory_space<vmem>> -> memref<2x128xi32, #tpu.memory_space<vmem>>
        %dma_start3A_400 = arith.constant 0 : i32
        %dma_start3A_401 = tpu.memref_slice %arg3[%dma_start3A_400, %mul3A_388] : memref<2x320000xi32, #tpu.memory_space<hbm>> -> memref<2x128xi32, #tpu.memory_space<hbm>>
        tpu.enqueue_dma source(%dma_start3A_401 : memref<2x128xi32, #tpu.memory_space<hbm>>) target(%dma_start3A_399 : memref<2x128xi32, #tpu.memory_space<vmem>>) target_semaphore(%arg12 : memref<!tpu.dma_semaphore, #tpu.memory_space<semaphore_mem>>)
      } else {
      }
      %mul3A_159 = arith.constant 32 : i32
      %mul3A_160 = arith.muli %mul3A_159, %add3A_128 : i32
      %add3A_161 = arith.addi %add3A, %mul3A_160 : i32
      %lt3A_162 = arith.constant 2500 : i32
      %lt3A_163 = arith.cmpi slt, %add3A_161, %lt3A_162 : i32
      %convert_element_type3A_164 = arith.extui %lt3A_163 : i1 to i32
      %cond3A_165 = arith.constant 0 : i32
      %cond3A_166 = arith.cmpi ne, %convert_element_type3A_164, %cond3A_165 : i32
      scf.if %cond3A_166 {
        %dma_wait3A_382 = arith.constant 0 : i32
        %dma_wait3A_383 = arith.constant 0 : i32
        %dma_wait3A_384 = arith.constant 0 : i32
        %dma_wait3A_385 = arith.constant 0 : i32
        %dma_wait3A_386 = arith.constant 0 : i32
        %dma_wait3A_387 = tpu.memref_slice %arg7[%dma_wait3A_384, %dma_wait3A_385, %dma_wait3A_386] : memref<3x128x128xf32, #tpu.memory_space<vmem>> -> memref<1x128x128xf32, #tpu.memory_space<vmem>>
        %dma_wait3A_388 = tpu.memref_squeeze %dma_wait3A_387 : memref<1x128x128xf32, #tpu.memory_space<vmem>> -> memref<128x128xf32, #tpu.memory_space<vmem>>
        %dma_wait3A_389 = arith.constant 0 : i32
        %dma_wait3A_390 = tpu.memref_slice %arg6[%dma_wait3A_382, %dma_wait3A_383, %dma_wait3A_389] : memref<6x2x128xi32, #tpu.memory_space<vmem>> -> memref<1x1x128xi32, #tpu.memory_space<vmem>>
        %dma_wait3A_391 = tpu.memref_squeeze %dma_wait3A_390 : memref<1x1x128xi32, #tpu.memory_space<vmem>> -> memref<128xi32, #tpu.memory_space<vmem>>
        %dma_wait3A_392 = arith.constant 0 : i32
        %dma_wait3A_393 = arith.constant 0 : i32
        %dma_wait3A_394 = tpu.memref_slice %arg2[%dma_wait3A_392, %dma_wait3A_393] : memref<10000x128xf32, #tpu.memory_space<hbm>> -> memref<10000x128xf32, #tpu.memory_space<hbm>>
        tpu.wait_indirect_dma semaphore(%arg15 : memref<!tpu.dma_semaphore, #tpu.memory_space<semaphore_mem>>) src(%dma_wait3A_394 : memref<10000x128xf32, #tpu.memory_space<hbm>>) dst(%dma_wait3A_388 : memref<128x128xf32, #tpu.memory_space<vmem>>)
        %dma_start3A_395 = arith.constant 0 : i32
        %dma_start3A_396 = arith.constant 0 : i32
        %dma_start3A_397 = arith.constant 1 : i32
        %dma_start3A_398 = arith.constant 0 : i32
        %dma_start3A_399 = arith.constant 0 : i32
        %dma_start3A_400 = tpu.memref_slice %arg7[%dma_start3A_395, %dma_start3A_398, %dma_start3A_399] : memref<3x128x128xf32, #tpu.memory_space<vmem>> -> memref<1x128x128xf32, #tpu.memory_space<vmem>>
        %dma_start3A_401 = tpu.memref_squeeze %dma_start3A_400 : memref<1x128x128xf32, #tpu.memory_space<vmem>> -> memref<128x128xf32, #tpu.memory_space<vmem>>
        %dma_start3A_402 = arith.constant 0 : i32
        %dma_start3A_403 = tpu.memref_slice %arg6[%dma_start3A_396, %dma_start3A_397, %dma_start3A_402] : memref<6x2x128xi32, #tpu.memory_space<vmem>> -> memref<1x1x128xi32, #tpu.memory_space<vmem>>
        %dma_start3A_404 = tpu.memref_squeeze %dma_start3A_403 : memref<1x1x128xi32, #tpu.memory_space<vmem>> -> memref<128xi32, #tpu.memory_space<vmem>>
        %dma_start3A_405 = arith.constant 0 : i32
        %dma_start3A_406 = arith.constant 0 : i32
        %dma_start3A_407 = tpu.memref_slice %arg8[%dma_start3A_405, %dma_start3A_406] : memref<10000x128xf32, #tpu.memory_space<vmem_shared>> -> memref<10000x128xf32, #tpu.memory_space<vmem_shared>>
        tpu.enqueue_indirect_dma source(%dma_start3A_401 : memref<128x128xf32, #tpu.memory_space<vmem>>) target(%dma_start3A_407 : memref<10000x128xf32, #tpu.memory_space<vmem_shared>>) offsets(%dma_start3A_404 : memref<128xi32, #tpu.memory_space<vmem>>) semaphore(%arg18 : memref<!tpu.dma_semaphore, #tpu.memory_space<semaphore_mem>>) {add = true}
      } else {
      }
      %add3A_167 = arith.constant 1 : i32
      %add3A_168 = arith.addi %add3A_126, %add3A_167 : i32
      %ge3A_169 = arith.constant 1 : i32
      %ge3A_170 = arith.cmpi sge, %add3A_168, %ge3A_169 : i32
      %sub3A_171 = arith.constant 1 : i32
      %sub3A_172 = arith.subi %add3A_168, %sub3A_171 : i32
      %mul3A_173 = arith.constant 32 : i32
      %mul3A_174 = arith.muli %mul3A_173, %sub3A_172 : i32
      %add3A_175 = arith.addi %add3A, %mul3A_174 : i32
      %lt3A_176 = arith.constant 2500 : i32
      %lt3A_177 = arith.cmpi slt, %add3A_175, %lt3A_176 : i32
      %and3A_178 = arith.andi %ge3A_170, %lt3A_177 : i1
      %convert_element_type3A_179 = arith.extui %and3A_178 : i1 to i32
      %cond3A_180 = arith.constant 0 : i32
      %cond3A_181 = arith.cmpi ne, %convert_element_type3A_179, %cond3A_180 : i32
      scf.if %cond3A_181 {
        %dma_wait3A_382 = arith.constant 0 : i32
        %dma_wait3A_383 = arith.constant 0 : i32
        %dma_wait3A_384 = arith.constant 1 : i32
        %dma_wait3A_385 = arith.constant 0 : i32
        %dma_wait3A_386 = arith.constant 0 : i32
        %dma_wait3A_387 = tpu.memref_slice %arg7[%dma_wait3A_382, %dma_wait3A_385, %dma_wait3A_386] : memref<3x128x128xf32, #tpu.memory_space<vmem>> -> memref<1x128x128xf32, #tpu.memory_space<vmem>>
        %dma_wait3A_388 = tpu.memref_squeeze %dma_wait3A_387 : memref<1x128x128xf32, #tpu.memory_space<vmem>> -> memref<128x128xf32, #tpu.memory_space<vmem>>
        %dma_wait3A_389 = arith.constant 0 : i32
        %dma_wait3A_390 = tpu.memref_slice %arg6[%dma_wait3A_383, %dma_wait3A_384, %dma_wait3A_389] : memref<6x2x128xi32, #tpu.memory_space<vmem>> -> memref<1x1x128xi32, #tpu.memory_space<vmem>>
        %dma_wait3A_391 = tpu.memref_squeeze %dma_wait3A_390 : memref<1x1x128xi32, #tpu.memory_space<vmem>> -> memref<128xi32, #tpu.memory_space<vmem>>
        %dma_wait3A_392 = arith.constant 0 : i32
        %dma_wait3A_393 = arith.constant 0 : i32
        %dma_wait3A_394 = tpu.memref_slice %arg8[%dma_wait3A_392, %dma_wait3A_393] : memref<10000x128xf32, #tpu.memory_space<vmem_shared>> -> memref<10000x128xf32, #tpu.memory_space<vmem_shared>>
        tpu.wait_indirect_dma semaphore(%arg18 : memref<!tpu.dma_semaphore, #tpu.memory_space<semaphore_mem>>) src(%dma_wait3A_388 : memref<128x128xf32, #tpu.memory_space<vmem>>) dst(%dma_wait3A_394 : memref<10000x128xf32, #tpu.memory_space<vmem_shared>>)
      } else {
      }
      %add3A_182 = arith.constant 2 : i32
      %add3A_183 = arith.addi %add3A_168, %add3A_182 : i32
      %mul3A_184 = arith.constant 32 : i32
      %mul3A_185 = arith.muli %mul3A_184, %add3A_183 : i32
      %add3A_186 = arith.addi %add3A, %mul3A_185 : i32
      %lt3A_187 = arith.constant 2500 : i32
      %lt3A_188 = arith.cmpi slt, %add3A_186, %lt3A_187 : i32
      %convert_element_type3A_189 = arith.extui %lt3A_188 : i1 to i32
      %cond3A_190 = arith.constant 0 : i32
      %cond3A_191 = arith.cmpi ne, %convert_element_type3A_189, %cond3A_190 : i32
      scf.if %cond3A_191 {
        %add3A_382 = arith.constant 2 : i32
        %add3A_383 = arith.addi %add3A_168, %add3A_382 : i32
        %mul3A_384 = arith.constant 32 : i32
        %mul3A_385 = arith.muli %mul3A_384, %add3A_383 : i32
        %add3A_386 = arith.addi %add3A, %mul3A_385 : i32
        %mul3A_387 = arith.constant 128 : i32
        %mul3A_388 = arith.muli %add3A_386, %mul3A_387 : i32
        %dma_wait3A_389 = arith.constant 3 : i32
        %dma_wait3A_390 = arith.constant 0 : i32
        %dma_wait3A_391 = arith.constant 0 : i32
        %dma_wait3A_392 = tpu.memref_slice %arg6[%dma_wait3A_389, %dma_wait3A_390, %dma_wait3A_391] : memref<6x2x128xi32, #tpu.memory_space<vmem>> -> memref<1x2x128xi32, #tpu.memory_space<vmem>>
        %dma_wait3A_393 = tpu.memref_squeeze %dma_wait3A_392 : memref<1x2x128xi32, #tpu.memory_space<vmem>> -> memref<2x128xi32, #tpu.memory_space<vmem>>
        %dma_wait3A_394 = arith.constant 0 : i32
        %dma_wait3A_395 = tpu.memref_slice %arg3[%dma_wait3A_394, %mul3A_388] : memref<2x320000xi32, #tpu.memory_space<hbm>> -> memref<2x128xi32, #tpu.memory_space<hbm>>
        %dma_wait3A_396 = arith.constant 0 : i32
        %dma_wait3A_397 = arith.constant 0 : i32
        %dma_wait3A_398 = tpu.memref_slice %arg6[%dma_wait3A_389, %dma_wait3A_396, %dma_wait3A_397] : memref<6x2x128xi32, #tpu.memory_space<vmem>> -> memref<1x2x128xi32, #tpu.memory_space<vmem>>
        %dma_wait3A_399 = tpu.memref_squeeze %dma_wait3A_398 : memref<1x2x128xi32, #tpu.memory_space<vmem>> -> memref<2x128xi32, #tpu.memory_space<vmem>>
        %dma_wait3A_400 = arith.constant 0 : i32
        %dma_wait3A_401 = tpu.memref_slice %arg3[%dma_wait3A_400, %mul3A_388] : memref<2x320000xi32, #tpu.memory_space<hbm>> -> memref<2x128xi32, #tpu.memory_space<hbm>>
        tpu.wait_dma2 semaphore(%arg12 : memref<!tpu.dma_semaphore, #tpu.memory_space<semaphore_mem>>) src(%dma_wait3A_401 : memref<2x128xi32, #tpu.memory_space<hbm>>) dst(%dma_wait3A_399 : memref<2x128xi32, #tpu.memory_space<vmem>>)
        %dma_start3A_402 = arith.constant 3 : i32
        %dma_start3A_403 = arith.constant 0 : i32
        %dma_start3A_404 = arith.constant 0 : i32
        %dma_start3A_405 = arith.constant 0 : i32
        %dma_start3A_406 = arith.constant 0 : i32
        %dma_start3A_407 = tpu.memref_slice %arg7[%dma_start3A_404, %dma_start3A_405, %dma_start3A_406] : memref<3x128x128xf32, #tpu.memory_space<vmem>> -> memref<1x128x128xf32, #tpu.memory_space<vmem>>
        %dma_start3A_408 = tpu.memref_squeeze %dma_start3A_407 : memref<1x128x128xf32, #tpu.memory_space<vmem>> -> memref<128x128xf32, #tpu.memory_space<vmem>>
        %dma_start3A_409 = arith.constant 0 : i32
        %dma_start3A_410 = tpu.memref_slice %arg6[%dma_start3A_402, %dma_start3A_403, %dma_start3A_409] : memref<6x2x128xi32, #tpu.memory_space<vmem>> -> memref<1x1x128xi32, #tpu.memory_space<vmem>>
        %dma_start3A_411 = tpu.memref_squeeze %dma_start3A_410 : memref<1x1x128xi32, #tpu.memory_space<vmem>> -> memref<128xi32, #tpu.memory_space<vmem>>
        %dma_start3A_412 = arith.constant 0 : i32
        %dma_start3A_413 = arith.constant 0 : i32
        %dma_start3A_414 = tpu.memref_slice %arg2[%dma_start3A_412, %dma_start3A_413] : memref<10000x128xf32, #tpu.memory_space<hbm>> -> memref<10000x128xf32, #tpu.memory_space<hbm>>
        tpu.enqueue_indirect_dma source(%dma_start3A_414 : memref<10000x128xf32, #tpu.memory_space<hbm>>) target(%dma_start3A_408 : memref<128x128xf32, #tpu.memory_space<vmem>>) offsets(%dma_start3A_411 : memref<128xi32, #tpu.memory_space<vmem>>) semaphore(%arg15 : memref<!tpu.dma_semaphore, #tpu.memory_space<semaphore_mem>>)
      } else {
      }
      %add3A_192 = arith.constant 3 : i32
      %add3A_193 = arith.addi %add3A_168, %add3A_192 : i32
      %mul3A_194 = arith.constant 32 : i32
      %mul3A_195 = arith.muli %mul3A_194, %add3A_193 : i32
      %add3A_196 = arith.addi %add3A, %mul3A_195 : i32
      %lt3A_197 = arith.constant 2500 : i32
      %lt3A_198 = arith.cmpi slt, %add3A_196, %lt3A_197 : i32
      %convert_element_type3A_199 = arith.extui %lt3A_198 : i1 to i32
      %cond3A_200 = arith.constant 0 : i32
      %cond3A_201 = arith.cmpi ne, %convert_element_type3A_199, %cond3A_200 : i32
      scf.if %cond3A_201 {
        %add3A_382 = arith.constant 3 : i32
        %add3A_383 = arith.addi %add3A_168, %add3A_382 : i32
        %mul3A_384 = arith.constant 32 : i32
        %mul3A_385 = arith.muli %mul3A_384, %add3A_383 : i32
        %add3A_386 = arith.addi %add3A, %mul3A_385 : i32
        %mul3A_387 = arith.constant 128 : i32
        %mul3A_388 = arith.muli %add3A_386, %mul3A_387 : i32
        %dma_start3A_389 = arith.constant 4 : i32
        %dma_start3A_390 = arith.constant 0 : i32
        %dma_start3A_391 = arith.constant 0 : i32
        %dma_start3A_392 = tpu.memref_slice %arg6[%dma_start3A_389, %dma_start3A_390, %dma_start3A_391] : memref<6x2x128xi32, #tpu.memory_space<vmem>> -> memref<1x2x128xi32, #tpu.memory_space<vmem>>
        %dma_start3A_393 = tpu.memref_squeeze %dma_start3A_392 : memref<1x2x128xi32, #tpu.memory_space<vmem>> -> memref<2x128xi32, #tpu.memory_space<vmem>>
        %dma_start3A_394 = arith.constant 0 : i32
        %dma_start3A_395 = tpu.memref_slice %arg3[%dma_start3A_394, %mul3A_388] : memref<2x320000xi32, #tpu.memory_space<hbm>> -> memref<2x128xi32, #tpu.memory_space<hbm>>
        %dma_start3A_396 = arith.constant 0 : i32
        %dma_start3A_397 = arith.constant 0 : i32
        %dma_start3A_398 = tpu.memref_slice %arg6[%dma_start3A_389, %dma_start3A_396, %dma_start3A_397] : memref<6x2x128xi32, #tpu.memory_space<vmem>> -> memref<1x2x128xi32, #tpu.memory_space<vmem>>
        %dma_start3A_399 = tpu.memref_squeeze %dma_start3A_398 : memref<1x2x128xi32, #tpu.memory_space<vmem>> -> memref<2x128xi32, #tpu.memory_space<vmem>>
        %dma_start3A_400 = arith.constant 0 : i32
        %dma_start3A_401 = tpu.memref_slice %arg3[%dma_start3A_400, %mul3A_388] : memref<2x320000xi32, #tpu.memory_space<hbm>> -> memref<2x128xi32, #tpu.memory_space<hbm>>
        tpu.enqueue_dma source(%dma_start3A_401 : memref<2x128xi32, #tpu.memory_space<hbm>>) target(%dma_start3A_399 : memref<2x128xi32, #tpu.memory_space<vmem>>) target_semaphore(%arg13 : memref<!tpu.dma_semaphore, #tpu.memory_space<semaphore_mem>>)
      } else {
      }
      %mul3A_202 = arith.constant 32 : i32
      %mul3A_203 = arith.muli %mul3A_202, %add3A_168 : i32
      %add3A_204 = arith.addi %add3A, %mul3A_203 : i32
      %lt3A_205 = arith.constant 2500 : i32
      %lt3A_206 = arith.cmpi slt, %add3A_204, %lt3A_205 : i32
      %convert_element_type3A_207 = arith.extui %lt3A_206 : i1 to i32
      %cond3A_208 = arith.constant 0 : i32
      %cond3A_209 = arith.cmpi ne, %convert_element_type3A_207, %cond3A_208 : i32
      scf.if %cond3A_209 {
        %dma_wait3A_382 = arith.constant 1 : i32
        %dma_wait3A_383 = arith.constant 0 : i32
        %dma_wait3A_384 = arith.constant 1 : i32
        %dma_wait3A_385 = arith.constant 0 : i32
        %dma_wait3A_386 = arith.constant 0 : i32
        %dma_wait3A_387 = tpu.memref_slice %arg7[%dma_wait3A_384, %dma_wait3A_385, %dma_wait3A_386] : memref<3x128x128xf32, #tpu.memory_space<vmem>> -> memref<1x128x128xf32, #tpu.memory_space<vmem>>
        %dma_wait3A_388 = tpu.memref_squeeze %dma_wait3A_387 : memref<1x128x128xf32, #tpu.memory_space<vmem>> -> memref<128x128xf32, #tpu.memory_space<vmem>>
        %dma_wait3A_389 = arith.constant 0 : i32
        %dma_wait3A_390 = tpu.memref_slice %arg6[%dma_wait3A_382, %dma_wait3A_383, %dma_wait3A_389] : memref<6x2x128xi32, #tpu.memory_space<vmem>> -> memref<1x1x128xi32, #tpu.memory_space<vmem>>
        %dma_wait3A_391 = tpu.memref_squeeze %dma_wait3A_390 : memref<1x1x128xi32, #tpu.memory_space<vmem>> -> memref<128xi32, #tpu.memory_space<vmem>>
        %dma_wait3A_392 = arith.constant 0 : i32
        %dma_wait3A_393 = arith.constant 0 : i32
        %dma_wait3A_394 = tpu.memref_slice %arg2[%dma_wait3A_392, %dma_wait3A_393] : memref<10000x128xf32, #tpu.memory_space<hbm>> -> memref<10000x128xf32, #tpu.memory_space<hbm>>
        tpu.wait_indirect_dma semaphore(%arg16 : memref<!tpu.dma_semaphore, #tpu.memory_space<semaphore_mem>>) src(%dma_wait3A_394 : memref<10000x128xf32, #tpu.memory_space<hbm>>) dst(%dma_wait3A_388 : memref<128x128xf32, #tpu.memory_space<vmem>>)
        %dma_start3A_395 = arith.constant 1 : i32
        %dma_start3A_396 = arith.constant 1 : i32
        %dma_start3A_397 = arith.constant 1 : i32
        %dma_start3A_398 = arith.constant 0 : i32
        %dma_start3A_399 = arith.constant 0 : i32
        %dma_start3A_400 = tpu.memref_slice %arg7[%dma_start3A_395, %dma_start3A_398, %dma_start3A_399] : memref<3x128x128xf32, #tpu.memory_space<vmem>> -> memref<1x128x128xf32, #tpu.memory_space<vmem>>
        %dma_start3A_401 = tpu.memref_squeeze %dma_start3A_400 : memref<1x128x128xf32, #tpu.memory_space<vmem>> -> memref<128x128xf32, #tpu.memory_space<vmem>>
        %dma_start3A_402 = arith.constant 0 : i32
        %dma_start3A_403 = tpu.memref_slice %arg6[%dma_start3A_396, %dma_start3A_397, %dma_start3A_402] : memref<6x2x128xi32, #tpu.memory_space<vmem>> -> memref<1x1x128xi32, #tpu.memory_space<vmem>>
        %dma_start3A_404 = tpu.memref_squeeze %dma_start3A_403 : memref<1x1x128xi32, #tpu.memory_space<vmem>> -> memref<128xi32, #tpu.memory_space<vmem>>
        %dma_start3A_405 = arith.constant 0 : i32
        %dma_start3A_406 = arith.constant 0 : i32
        %dma_start3A_407 = tpu.memref_slice %arg8[%dma_start3A_405, %dma_start3A_406] : memref<10000x128xf32, #tpu.memory_space<vmem_shared>> -> memref<10000x128xf32, #tpu.memory_space<vmem_shared>>
        tpu.enqueue_indirect_dma source(%dma_start3A_401 : memref<128x128xf32, #tpu.memory_space<vmem>>) target(%dma_start3A_407 : memref<10000x128xf32, #tpu.memory_space<vmem_shared>>) offsets(%dma_start3A_404 : memref<128xi32, #tpu.memory_space<vmem>>) semaphore(%arg19 : memref<!tpu.dma_semaphore, #tpu.memory_space<semaphore_mem>>) {add = true}
      } else {
      }
      %add3A_210 = arith.constant 2 : i32
      %add3A_211 = arith.addi %add3A_126, %add3A_210 : i32
      %ge3A_212 = arith.constant 1 : i32
      %ge3A_213 = arith.cmpi sge, %add3A_211, %ge3A_212 : i32
      %sub3A_214 = arith.constant 1 : i32
      %sub3A_215 = arith.subi %add3A_211, %sub3A_214 : i32
      %mul3A_216 = arith.constant 32 : i32
      %mul3A_217 = arith.muli %mul3A_216, %sub3A_215 : i32
      %add3A_218 = arith.addi %add3A, %mul3A_217 : i32
      %lt3A_219 = arith.constant 2500 : i32
      %lt3A_220 = arith.cmpi slt, %add3A_218, %lt3A_219 : i32
      %and3A_221 = arith.andi %ge3A_213, %lt3A_220 : i1
      %convert_element_type3A_222 = arith.extui %and3A_221 : i1 to i32
      %cond3A_223 = arith.constant 0 : i32
      %cond3A_224 = arith.cmpi ne, %convert_element_type3A_222, %cond3A_223 : i32
      scf.if %cond3A_224 {
        %dma_wait3A_382 = arith.constant 1 : i32
        %dma_wait3A_383 = arith.constant 1 : i32
        %dma_wait3A_384 = arith.constant 1 : i32
        %dma_wait3A_385 = arith.constant 0 : i32
        %dma_wait3A_386 = arith.constant 0 : i32
        %dma_wait3A_387 = tpu.memref_slice %arg7[%dma_wait3A_382, %dma_wait3A_385, %dma_wait3A_386] : memref<3x128x128xf32, #tpu.memory_space<vmem>> -> memref<1x128x128xf32, #tpu.memory_space<vmem>>
        %dma_wait3A_388 = tpu.memref_squeeze %dma_wait3A_387 : memref<1x128x128xf32, #tpu.memory_space<vmem>> -> memref<128x128xf32, #tpu.memory_space<vmem>>
        %dma_wait3A_389 = arith.constant 0 : i32
        %dma_wait3A_390 = tpu.memref_slice %arg6[%dma_wait3A_383, %dma_wait3A_384, %dma_wait3A_389] : memref<6x2x128xi32, #tpu.memory_space<vmem>> -> memref<1x1x128xi32, #tpu.memory_space<vmem>>
        %dma_wait3A_391 = tpu.memref_squeeze %dma_wait3A_390 : memref<1x1x128xi32, #tpu.memory_space<vmem>> -> memref<128xi32, #tpu.memory_space<vmem>>
        %dma_wait3A_392 = arith.constant 0 : i32
        %dma_wait3A_393 = arith.constant 0 : i32
        %dma_wait3A_394 = tpu.memref_slice %arg8[%dma_wait3A_392, %dma_wait3A_393] : memref<10000x128xf32, #tpu.memory_space<vmem_shared>> -> memref<10000x128xf32, #tpu.memory_space<vmem_shared>>
        tpu.wait_indirect_dma semaphore(%arg19 : memref<!tpu.dma_semaphore, #tpu.memory_space<semaphore_mem>>) src(%dma_wait3A_388 : memref<128x128xf32, #tpu.memory_space<vmem>>) dst(%dma_wait3A_394 : memref<10000x128xf32, #tpu.memory_space<vmem_shared>>)
      } else {
      }
      %add3A_225 = arith.constant 2 : i32
      %add3A_226 = arith.addi %add3A_211, %add3A_225 : i32
      %mul3A_227 = arith.constant 32 : i32
      %mul3A_228 = arith.muli %mul3A_227, %add3A_226 : i32
      %add3A_229 = arith.addi %add3A, %mul3A_228 : i32
      %lt3A_230 = arith.constant 2500 : i32
      %lt3A_231 = arith.cmpi slt, %add3A_229, %lt3A_230 : i32
      %convert_element_type3A_232 = arith.extui %lt3A_231 : i1 to i32
      %cond3A_233 = arith.constant 0 : i32
      %cond3A_234 = arith.cmpi ne, %convert_element_type3A_232, %cond3A_233 : i32
      scf.if %cond3A_234 {
        %add3A_382 = arith.constant 2 : i32
        %add3A_383 = arith.addi %add3A_211, %add3A_382 : i32
        %mul3A_384 = arith.constant 32 : i32
        %mul3A_385 = arith.muli %mul3A_384, %add3A_383 : i32
        %add3A_386 = arith.addi %add3A, %mul3A_385 : i32
        %mul3A_387 = arith.constant 128 : i32
        %mul3A_388 = arith.muli %add3A_386, %mul3A_387 : i32
        %dma_wait3A_389 = arith.constant 4 : i32
        %dma_wait3A_390 = arith.constant 0 : i32
        %dma_wait3A_391 = arith.constant 0 : i32
        %dma_wait3A_392 = tpu.memref_slice %arg6[%dma_wait3A_389, %dma_wait3A_390, %dma_wait3A_391] : memref<6x2x128xi32, #tpu.memory_space<vmem>> -> memref<1x2x128xi32, #tpu.memory_space<vmem>>
        %dma_wait3A_393 = tpu.memref_squeeze %dma_wait3A_392 : memref<1x2x128xi32, #tpu.memory_space<vmem>> -> memref<2x128xi32, #tpu.memory_space<vmem>>
        %dma_wait3A_394 = arith.constant 0 : i32
        %dma_wait3A_395 = tpu.memref_slice %arg3[%dma_wait3A_394, %mul3A_388] : memref<2x320000xi32, #tpu.memory_space<hbm>> -> memref<2x128xi32, #tpu.memory_space<hbm>>
        %dma_wait3A_396 = arith.constant 0 : i32
        %dma_wait3A_397 = arith.constant 0 : i32
        %dma_wait3A_398 = tpu.memref_slice %arg6[%dma_wait3A_389, %dma_wait3A_396, %dma_wait3A_397] : memref<6x2x128xi32, #tpu.memory_space<vmem>> -> memref<1x2x128xi32, #tpu.memory_space<vmem>>
        %dma_wait3A_399 = tpu.memref_squeeze %dma_wait3A_398 : memref<1x2x128xi32, #tpu.memory_space<vmem>> -> memref<2x128xi32, #tpu.memory_space<vmem>>
        %dma_wait3A_400 = arith.constant 0 : i32
        %dma_wait3A_401 = tpu.memref_slice %arg3[%dma_wait3A_400, %mul3A_388] : memref<2x320000xi32, #tpu.memory_space<hbm>> -> memref<2x128xi32, #tpu.memory_space<hbm>>
        tpu.wait_dma2 semaphore(%arg13 : memref<!tpu.dma_semaphore, #tpu.memory_space<semaphore_mem>>) src(%dma_wait3A_401 : memref<2x128xi32, #tpu.memory_space<hbm>>) dst(%dma_wait3A_399 : memref<2x128xi32, #tpu.memory_space<vmem>>)
        %dma_start3A_402 = arith.constant 4 : i32
        %dma_start3A_403 = arith.constant 0 : i32
        %dma_start3A_404 = arith.constant 1 : i32
        %dma_start3A_405 = arith.constant 0 : i32
        %dma_start3A_406 = arith.constant 0 : i32
        %dma_start3A_407 = tpu.memref_slice %arg7[%dma_start3A_404, %dma_start3A_405, %dma_start3A_406] : memref<3x128x128xf32, #tpu.memory_space<vmem>> -> memref<1x128x128xf32, #tpu.memory_space<vmem>>
        %dma_start3A_408 = tpu.memref_squeeze %dma_start3A_407 : memref<1x128x128xf32, #tpu.memory_space<vmem>> -> memref<128x128xf32, #tpu.memory_space<vmem>>
        %dma_start3A_409 = arith.constant 0 : i32
        %dma_start3A_410 = tpu.memref_slice %arg6[%dma_start3A_402, %dma_start3A_403, %dma_start3A_409] : memref<6x2x128xi32, #tpu.memory_space<vmem>> -> memref<1x1x128xi32, #tpu.memory_space<vmem>>
        %dma_start3A_411 = tpu.memref_squeeze %dma_start3A_410 : memref<1x1x128xi32, #tpu.memory_space<vmem>> -> memref<128xi32, #tpu.memory_space<vmem>>
        %dma_start3A_412 = arith.constant 0 : i32
        %dma_start3A_413 = arith.constant 0 : i32
        %dma_start3A_414 = tpu.memref_slice %arg2[%dma_start3A_412, %dma_start3A_413] : memref<10000x128xf32, #tpu.memory_space<hbm>> -> memref<10000x128xf32, #tpu.memory_space<hbm>>
        tpu.enqueue_indirect_dma source(%dma_start3A_414 : memref<10000x128xf32, #tpu.memory_space<hbm>>) target(%dma_start3A_408 : memref<128x128xf32, #tpu.memory_space<vmem>>) offsets(%dma_start3A_411 : memref<128xi32, #tpu.memory_space<vmem>>) semaphore(%arg16 : memref<!tpu.dma_semaphore, #tpu.memory_space<semaphore_mem>>)
      } else {
      }
      %add3A_235 = arith.constant 3 : i32
      %add3A_236 = arith.addi %add3A_211, %add3A_235 : i32
      %mul3A_237 = arith.constant 32 : i32
      %mul3A_238 = arith.muli %mul3A_237, %add3A_236 : i32
      %add3A_239 = arith.addi %add3A, %mul3A_238 : i32
      %lt3A_240 = arith.constant 2500 : i32
      %lt3A_241 = arith.cmpi slt, %add3A_239, %lt3A_240 : i32
      %convert_element_type3A_242 = arith.extui %lt3A_241 : i1 to i32
      %cond3A_243 = arith.constant 0 : i32
      %cond3A_244 = arith.cmpi ne, %convert_element_type3A_242, %cond3A_243 : i32
      scf.if %cond3A_244 {
        %add3A_382 = arith.constant 3 : i32
        %add3A_383 = arith.addi %add3A_211, %add3A_382 : i32
        %mul3A_384 = arith.constant 32 : i32
        %mul3A_385 = arith.muli %mul3A_384, %add3A_383 : i32
        %add3A_386 = arith.addi %add3A, %mul3A_385 : i32
        %mul3A_387 = arith.constant 128 : i32
        %mul3A_388 = arith.muli %add3A_386, %mul3A_387 : i32
        %dma_start3A_389 = arith.constant 5 : i32
        %dma_start3A_390 = arith.constant 0 : i32
        %dma_start3A_391 = arith.constant 0 : i32
        %dma_start3A_392 = tpu.memref_slice %arg6[%dma_start3A_389, %dma_start3A_390, %dma_start3A_391] : memref<6x2x128xi32, #tpu.memory_space<vmem>> -> memref<1x2x128xi32, #tpu.memory_space<vmem>>
        %dma_start3A_393 = tpu.memref_squeeze %dma_start3A_392 : memref<1x2x128xi32, #tpu.memory_space<vmem>> -> memref<2x128xi32, #tpu.memory_space<vmem>>
        %dma_start3A_394 = arith.constant 0 : i32
        %dma_start3A_395 = tpu.memref_slice %arg3[%dma_start3A_394, %mul3A_388] : memref<2x320000xi32, #tpu.memory_space<hbm>> -> memref<2x128xi32, #tpu.memory_space<hbm>>
        %dma_start3A_396 = arith.constant 0 : i32
        %dma_start3A_397 = arith.constant 0 : i32
        %dma_start3A_398 = tpu.memref_slice %arg6[%dma_start3A_389, %dma_start3A_396, %dma_start3A_397] : memref<6x2x128xi32, #tpu.memory_space<vmem>> -> memref<1x2x128xi32, #tpu.memory_space<vmem>>
        %dma_start3A_399 = tpu.memref_squeeze %dma_start3A_398 : memref<1x2x128xi32, #tpu.memory_space<vmem>> -> memref<2x128xi32, #tpu.memory_space<vmem>>
        %dma_start3A_400 = arith.constant 0 : i32
        %dma_start3A_401 = tpu.memref_slice %arg3[%dma_start3A_400, %mul3A_388] : memref<2x320000xi32, #tpu.memory_space<hbm>> -> memref<2x128xi32, #tpu.memory_space<hbm>>
        tpu.enqueue_dma source(%dma_start3A_401 : memref<2x128xi32, #tpu.memory_space<hbm>>) target(%dma_start3A_399 : memref<2x128xi32, #tpu.memory_space<vmem>>) target_semaphore(%arg14 : memref<!tpu.dma_semaphore, #tpu.memory_space<semaphore_mem>>)
      } else {
      }
      %mul3A_245 = arith.constant 32 : i32
      %mul3A_246 = arith.muli %mul3A_245, %add3A_211 : i32
      %add3A_247 = arith.addi %add3A, %mul3A_246 : i32
      %lt3A_248 = arith.constant 2500 : i32
      %lt3A_249 = arith.cmpi slt, %add3A_247, %lt3A_248 : i32
      %convert_element_type3A_250 = arith.extui %lt3A_249 : i1 to i32
      %cond3A_251 = arith.constant 0 : i32
      %cond3A_252 = arith.cmpi ne, %convert_element_type3A_250, %cond3A_251 : i32
      scf.if %cond3A_252 {
        %dma_wait3A_382 = arith.constant 2 : i32
        %dma_wait3A_383 = arith.constant 0 : i32
        %dma_wait3A_384 = arith.constant 2 : i32
        %dma_wait3A_385 = arith.constant 0 : i32
        %dma_wait3A_386 = arith.constant 0 : i32
        %dma_wait3A_387 = tpu.memref_slice %arg7[%dma_wait3A_384, %dma_wait3A_385, %dma_wait3A_386] : memref<3x128x128xf32, #tpu.memory_space<vmem>> -> memref<1x128x128xf32, #tpu.memory_space<vmem>>
        %dma_wait3A_388 = tpu.memref_squeeze %dma_wait3A_387 : memref<1x128x128xf32, #tpu.memory_space<vmem>> -> memref<128x128xf32, #tpu.memory_space<vmem>>
        %dma_wait3A_389 = arith.constant 0 : i32
        %dma_wait3A_390 = tpu.memref_slice %arg6[%dma_wait3A_382, %dma_wait3A_383, %dma_wait3A_389] : memref<6x2x128xi32, #tpu.memory_space<vmem>> -> memref<1x1x128xi32, #tpu.memory_space<vmem>>
        %dma_wait3A_391 = tpu.memref_squeeze %dma_wait3A_390 : memref<1x1x128xi32, #tpu.memory_space<vmem>> -> memref<128xi32, #tpu.memory_space<vmem>>
        %dma_wait3A_392 = arith.constant 0 : i32
        %dma_wait3A_393 = arith.constant 0 : i32
        %dma_wait3A_394 = tpu.memref_slice %arg2[%dma_wait3A_392, %dma_wait3A_393] : memref<10000x128xf32, #tpu.memory_space<hbm>> -> memref<10000x128xf32, #tpu.memory_space<hbm>>
        tpu.wait_indirect_dma semaphore(%arg17 : memref<!tpu.dma_semaphore, #tpu.memory_space<semaphore_mem>>) src(%dma_wait3A_394 : memref<10000x128xf32, #tpu.memory_space<hbm>>) dst(%dma_wait3A_388 : memref<128x128xf32, #tpu.memory_space<vmem>>)
        %dma_start3A_395 = arith.constant 2 : i32
        %dma_start3A_396 = arith.constant 2 : i32
        %dma_start3A_397 = arith.constant 1 : i32
        %dma_start3A_398 = arith.constant 0 : i32
        %dma_start3A_399 = arith.constant 0 : i32
        %dma_start3A_400 = tpu.memref_slice %arg7[%dma_start3A_395, %dma_start3A_398, %dma_start3A_399] : memref<3x128x128xf32, #tpu.memory_space<vmem>> -> memref<1x128x128xf32, #tpu.memory_space<vmem>>
        %dma_start3A_401 = tpu.memref_squeeze %dma_start3A_400 : memref<1x128x128xf32, #tpu.memory_space<vmem>> -> memref<128x128xf32, #tpu.memory_space<vmem>>
        %dma_start3A_402 = arith.constant 0 : i32
        %dma_start3A_403 = tpu.memref_slice %arg6[%dma_start3A_396, %dma_start3A_397, %dma_start3A_402] : memref<6x2x128xi32, #tpu.memory_space<vmem>> -> memref<1x1x128xi32, #tpu.memory_space<vmem>>
        %dma_start3A_404 = tpu.memref_squeeze %dma_start3A_403 : memref<1x1x128xi32, #tpu.memory_space<vmem>> -> memref<128xi32, #tpu.memory_space<vmem>>
        %dma_start3A_405 = arith.constant 0 : i32
        %dma_start3A_406 = arith.constant 0 : i32
        %dma_start3A_407 = tpu.memref_slice %arg8[%dma_start3A_405, %dma_start3A_406] : memref<10000x128xf32, #tpu.memory_space<vmem_shared>> -> memref<10000x128xf32, #tpu.memory_space<vmem_shared>>
        tpu.enqueue_indirect_dma source(%dma_start3A_401 : memref<128x128xf32, #tpu.memory_space<vmem>>) target(%dma_start3A_407 : memref<10000x128xf32, #tpu.memory_space<vmem_shared>>) offsets(%dma_start3A_404 : memref<128xi32, #tpu.memory_space<vmem>>) semaphore(%arg20 : memref<!tpu.dma_semaphore, #tpu.memory_space<semaphore_mem>>) {add = true}
      } else {
      }
      %add3A_253 = arith.constant 3 : i32
      %add3A_254 = arith.addi %add3A_126, %add3A_253 : i32
      %ge3A_255 = arith.constant 1 : i32
      %ge3A_256 = arith.cmpi sge, %add3A_254, %ge3A_255 : i32
      %sub3A_257 = arith.constant 1 : i32
      %sub3A_258 = arith.subi %add3A_254, %sub3A_257 : i32
      %mul3A_259 = arith.constant 32 : i32
      %mul3A_260 = arith.muli %mul3A_259, %sub3A_258 : i32
      %add3A_261 = arith.addi %add3A, %mul3A_260 : i32
      %lt3A_262 = arith.constant 2500 : i32
      %lt3A_263 = arith.cmpi slt, %add3A_261, %lt3A_262 : i32
      %and3A_264 = arith.andi %ge3A_256, %lt3A_263 : i1
      %convert_element_type3A_265 = arith.extui %and3A_264 : i1 to i32
      %cond3A_266 = arith.constant 0 : i32
      %cond3A_267 = arith.cmpi ne, %convert_element_type3A_265, %cond3A_266 : i32
      scf.if %cond3A_267 {
        %dma_wait3A_382 = arith.constant 2 : i32
        %dma_wait3A_383 = arith.constant 2 : i32
        %dma_wait3A_384 = arith.constant 1 : i32
        %dma_wait3A_385 = arith.constant 0 : i32
        %dma_wait3A_386 = arith.constant 0 : i32
        %dma_wait3A_387 = tpu.memref_slice %arg7[%dma_wait3A_382, %dma_wait3A_385, %dma_wait3A_386] : memref<3x128x128xf32, #tpu.memory_space<vmem>> -> memref<1x128x128xf32, #tpu.memory_space<vmem>>
        %dma_wait3A_388 = tpu.memref_squeeze %dma_wait3A_387 : memref<1x128x128xf32, #tpu.memory_space<vmem>> -> memref<128x128xf32, #tpu.memory_space<vmem>>
        %dma_wait3A_389 = arith.constant 0 : i32
        %dma_wait3A_390 = tpu.memref_slice %arg6[%dma_wait3A_383, %dma_wait3A_384, %dma_wait3A_389] : memref<6x2x128xi32, #tpu.memory_space<vmem>> -> memref<1x1x128xi32, #tpu.memory_space<vmem>>
        %dma_wait3A_391 = tpu.memref_squeeze %dma_wait3A_390 : memref<1x1x128xi32, #tpu.memory_space<vmem>> -> memref<128xi32, #tpu.memory_space<vmem>>
        %dma_wait3A_392 = arith.constant 0 : i32
        %dma_wait3A_393 = arith.constant 0 : i32
        %dma_wait3A_394 = tpu.memref_slice %arg8[%dma_wait3A_392, %dma_wait3A_393] : memref<10000x128xf32, #tpu.memory_space<vmem_shared>> -> memref<10000x128xf32, #tpu.memory_space<vmem_shared>>
        tpu.wait_indirect_dma semaphore(%arg20 : memref<!tpu.dma_semaphore, #tpu.memory_space<semaphore_mem>>) src(%dma_wait3A_388 : memref<128x128xf32, #tpu.memory_space<vmem>>) dst(%dma_wait3A_394 : memref<10000x128xf32, #tpu.memory_space<vmem_shared>>)
      } else {
      }
      %add3A_268 = arith.constant 2 : i32
      %add3A_269 = arith.addi %add3A_254, %add3A_268 : i32
      %mul3A_270 = arith.constant 32 : i32
      %mul3A_271 = arith.muli %mul3A_270, %add3A_269 : i32
      %add3A_272 = arith.addi %add3A, %mul3A_271 : i32
      %lt3A_273 = arith.constant 2500 : i32
      %lt3A_274 = arith.cmpi slt, %add3A_272, %lt3A_273 : i32
      %convert_element_type3A_275 = arith.extui %lt3A_274 : i1 to i32
      %cond3A_276 = arith.constant 0 : i32
      %cond3A_277 = arith.cmpi ne, %convert_element_type3A_275, %cond3A_276 : i32
      scf.if %cond3A_277 {
        %add3A_382 = arith.constant 2 : i32
        %add3A_383 = arith.addi %add3A_254, %add3A_382 : i32
        %mul3A_384 = arith.constant 32 : i32
        %mul3A_385 = arith.muli %mul3A_384, %add3A_383 : i32
        %add3A_386 = arith.addi %add3A, %mul3A_385 : i32
        %mul3A_387 = arith.constant 128 : i32
        %mul3A_388 = arith.muli %add3A_386, %mul3A_387 : i32
        %dma_wait3A_389 = arith.constant 5 : i32
        %dma_wait3A_390 = arith.constant 0 : i32
        %dma_wait3A_391 = arith.constant 0 : i32
        %dma_wait3A_392 = tpu.memref_slice %arg6[%dma_wait3A_389, %dma_wait3A_390, %dma_wait3A_391] : memref<6x2x128xi32, #tpu.memory_space<vmem>> -> memref<1x2x128xi32, #tpu.memory_space<vmem>>
        %dma_wait3A_393 = tpu.memref_squeeze %dma_wait3A_392 : memref<1x2x128xi32, #tpu.memory_space<vmem>> -> memref<2x128xi32, #tpu.memory_space<vmem>>
        %dma_wait3A_394 = arith.constant 0 : i32
        %dma_wait3A_395 = tpu.memref_slice %arg3[%dma_wait3A_394, %mul3A_388] : memref<2x320000xi32, #tpu.memory_space<hbm>> -> memref<2x128xi32, #tpu.memory_space<hbm>>
        %dma_wait3A_396 = arith.constant 0 : i32
        %dma_wait3A_397 = arith.constant 0 : i32
        %dma_wait3A_398 = tpu.memref_slice %arg6[%dma_wait3A_389, %dma_wait3A_396, %dma_wait3A_397] : memref<6x2x128xi32, #tpu.memory_space<vmem>> -> memref<1x2x128xi32, #tpu.memory_space<vmem>>
        %dma_wait3A_399 = tpu.memref_squeeze %dma_wait3A_398 : memref<1x2x128xi32, #tpu.memory_space<vmem>> -> memref<2x128xi32, #tpu.memory_space<vmem>>
        %dma_wait3A_400 = arith.constant 0 : i32
        %dma_wait3A_401 = tpu.memref_slice %arg3[%dma_wait3A_400, %mul3A_388] : memref<2x320000xi32, #tpu.memory_space<hbm>> -> memref<2x128xi32, #tpu.memory_space<hbm>>
        tpu.wait_dma2 semaphore(%arg14 : memref<!tpu.dma_semaphore, #tpu.memory_space<semaphore_mem>>) src(%dma_wait3A_401 : memref<2x128xi32, #tpu.memory_space<hbm>>) dst(%dma_wait3A_399 : memref<2x128xi32, #tpu.memory_space<vmem>>)
        %dma_start3A_402 = arith.constant 5 : i32
        %dma_start3A_403 = arith.constant 0 : i32
        %dma_start3A_404 = arith.constant 2 : i32
        %dma_start3A_405 = arith.constant 0 : i32
        %dma_start3A_406 = arith.constant 0 : i32
        %dma_start3A_407 = tpu.memref_slice %arg7[%dma_start3A_404, %dma_start3A_405, %dma_start3A_406] : memref<3x128x128xf32, #tpu.memory_space<vmem>> -> memref<1x128x128xf32, #tpu.memory_space<vmem>>
        %dma_start3A_408 = tpu.memref_squeeze %dma_start3A_407 : memref<1x128x128xf32, #tpu.memory_space<vmem>> -> memref<128x128xf32, #tpu.memory_space<vmem>>
        %dma_start3A_409 = arith.constant 0 : i32
        %dma_start3A_410 = tpu.memref_slice %arg6[%dma_start3A_402, %dma_start3A_403, %dma_start3A_409] : memref<6x2x128xi32, #tpu.memory_space<vmem>> -> memref<1x1x128xi32, #tpu.memory_space<vmem>>
        %dma_start3A_411 = tpu.memref_squeeze %dma_start3A_410 : memref<1x1x128xi32, #tpu.memory_space<vmem>> -> memref<128xi32, #tpu.memory_space<vmem>>
        %dma_start3A_412 = arith.constant 0 : i32
        %dma_start3A_413 = arith.constant 0 : i32
        %dma_start3A_414 = tpu.memref_slice %arg2[%dma_start3A_412, %dma_start3A_413] : memref<10000x128xf32, #tpu.memory_space<hbm>> -> memref<10000x128xf32, #tpu.memory_space<hbm>>
        tpu.enqueue_indirect_dma source(%dma_start3A_414 : memref<10000x128xf32, #tpu.memory_space<hbm>>) target(%dma_start3A_408 : memref<128x128xf32, #tpu.memory_space<vmem>>) offsets(%dma_start3A_411 : memref<128xi32, #tpu.memory_space<vmem>>) semaphore(%arg17 : memref<!tpu.dma_semaphore, #tpu.memory_space<semaphore_mem>>)
      } else {
      }
      %add3A_278 = arith.constant 3 : i32
      %add3A_279 = arith.addi %add3A_254, %add3A_278 : i32
      %mul3A_280 = arith.constant 32 : i32
      %mul3A_281 = arith.muli %mul3A_280, %add3A_279 : i32
      %add3A_282 = arith.addi %add3A, %mul3A_281 : i32
      %lt3A_283 = arith.constant 2500 : i32
      %lt3A_284 = arith.cmpi slt, %add3A_282, %lt3A_283 : i32
      %convert_element_type3A_285 = arith.extui %lt3A_284 : i1 to i32
      %cond3A_286 = arith.constant 0 : i32
      %cond3A_287 = arith.cmpi ne, %convert_element_type3A_285, %cond3A_286 : i32
      scf.if %cond3A_287 {
        %add3A_382 = arith.constant 3 : i32
        %add3A_383 = arith.addi %add3A_254, %add3A_382 : i32
        %mul3A_384 = arith.constant 32 : i32
        %mul3A_385 = arith.muli %mul3A_384, %add3A_383 : i32
        %add3A_386 = arith.addi %add3A, %mul3A_385 : i32
        %mul3A_387 = arith.constant 128 : i32
        %mul3A_388 = arith.muli %add3A_386, %mul3A_387 : i32
        %dma_start3A_389 = arith.constant 0 : i32
        %dma_start3A_390 = arith.constant 0 : i32
        %dma_start3A_391 = arith.constant 0 : i32
        %dma_start3A_392 = tpu.memref_slice %arg6[%dma_start3A_389, %dma_start3A_390, %dma_start3A_391] : memref<6x2x128xi32, #tpu.memory_space<vmem>> -> memref<1x2x128xi32, #tpu.memory_space<vmem>>
        %dma_start3A_393 = tpu.memref_squeeze %dma_start3A_392 : memref<1x2x128xi32, #tpu.memory_space<vmem>> -> memref<2x128xi32, #tpu.memory_space<vmem>>
        %dma_start3A_394 = arith.constant 0 : i32
        %dma_start3A_395 = tpu.memref_slice %arg3[%dma_start3A_394, %mul3A_388] : memref<2x320000xi32, #tpu.memory_space<hbm>> -> memref<2x128xi32, #tpu.memory_space<hbm>>
        %dma_start3A_396 = arith.constant 0 : i32
        %dma_start3A_397 = arith.constant 0 : i32
        %dma_start3A_398 = tpu.memref_slice %arg6[%dma_start3A_389, %dma_start3A_396, %dma_start3A_397] : memref<6x2x128xi32, #tpu.memory_space<vmem>> -> memref<1x2x128xi32, #tpu.memory_space<vmem>>
        %dma_start3A_399 = tpu.memref_squeeze %dma_start3A_398 : memref<1x2x128xi32, #tpu.memory_space<vmem>> -> memref<2x128xi32, #tpu.memory_space<vmem>>
        %dma_start3A_400 = arith.constant 0 : i32
        %dma_start3A_401 = tpu.memref_slice %arg3[%dma_start3A_400, %mul3A_388] : memref<2x320000xi32, #tpu.memory_space<hbm>> -> memref<2x128xi32, #tpu.memory_space<hbm>>
        tpu.enqueue_dma source(%dma_start3A_401 : memref<2x128xi32, #tpu.memory_space<hbm>>) target(%dma_start3A_399 : memref<2x128xi32, #tpu.memory_space<vmem>>) target_semaphore(%arg9 : memref<!tpu.dma_semaphore, #tpu.memory_space<semaphore_mem>>)
      } else {
      }
      %mul3A_288 = arith.constant 32 : i32
      %mul3A_289 = arith.muli %mul3A_288, %add3A_254 : i32
      %add3A_290 = arith.addi %add3A, %mul3A_289 : i32
      %lt3A_291 = arith.constant 2500 : i32
      %lt3A_292 = arith.cmpi slt, %add3A_290, %lt3A_291 : i32
      %convert_element_type3A_293 = arith.extui %lt3A_292 : i1 to i32
      %cond3A_294 = arith.constant 0 : i32
      %cond3A_295 = arith.cmpi ne, %convert_element_type3A_293, %cond3A_294 : i32
      scf.if %cond3A_295 {
        %dma_wait3A_382 = arith.constant 3 : i32
        %dma_wait3A_383 = arith.constant 0 : i32
        %dma_wait3A_384 = arith.constant 0 : i32
        %dma_wait3A_385 = arith.constant 0 : i32
        %dma_wait3A_386 = arith.constant 0 : i32
        %dma_wait3A_387 = tpu.memref_slice %arg7[%dma_wait3A_384, %dma_wait3A_385, %dma_wait3A_386] : memref<3x128x128xf32, #tpu.memory_space<vmem>> -> memref<1x128x128xf32, #tpu.memory_space<vmem>>
        %dma_wait3A_388 = tpu.memref_squeeze %dma_wait3A_387 : memref<1x128x128xf32, #tpu.memory_space<vmem>> -> memref<128x128xf32, #tpu.memory_space<vmem>>
        %dma_wait3A_389 = arith.constant 0 : i32
        %dma_wait3A_390 = tpu.memref_slice %arg6[%dma_wait3A_382, %dma_wait3A_383, %dma_wait3A_389] : memref<6x2x128xi32, #tpu.memory_space<vmem>> -> memref<1x1x128xi32, #tpu.memory_space<vmem>>
        %dma_wait3A_391 = tpu.memref_squeeze %dma_wait3A_390 : memref<1x1x128xi32, #tpu.memory_space<vmem>> -> memref<128xi32, #tpu.memory_space<vmem>>
        %dma_wait3A_392 = arith.constant 0 : i32
        %dma_wait3A_393 = arith.constant 0 : i32
        %dma_wait3A_394 = tpu.memref_slice %arg2[%dma_wait3A_392, %dma_wait3A_393] : memref<10000x128xf32, #tpu.memory_space<hbm>> -> memref<10000x128xf32, #tpu.memory_space<hbm>>
        tpu.wait_indirect_dma semaphore(%arg15 : memref<!tpu.dma_semaphore, #tpu.memory_space<semaphore_mem>>) src(%dma_wait3A_394 : memref<10000x128xf32, #tpu.memory_space<hbm>>) dst(%dma_wait3A_388 : memref<128x128xf32, #tpu.memory_space<vmem>>)
        %dma_start3A_395 = arith.constant 0 : i32
        %dma_start3A_396 = arith.constant 3 : i32
        %dma_start3A_397 = arith.constant 1 : i32
        %dma_start3A_398 = arith.constant 0 : i32
        %dma_start3A_399 = arith.constant 0 : i32
        %dma_start3A_400 = tpu.memref_slice %arg7[%dma_start3A_395, %dma_start3A_398, %dma_start3A_399] : memref<3x128x128xf32, #tpu.memory_space<vmem>> -> memref<1x128x128xf32, #tpu.memory_space<vmem>>
        %dma_start3A_401 = tpu.memref_squeeze %dma_start3A_400 : memref<1x128x128xf32, #tpu.memory_space<vmem>> -> memref<128x128xf32, #tpu.memory_space<vmem>>
        %dma_start3A_402 = arith.constant 0 : i32
        %dma_start3A_403 = tpu.memref_slice %arg6[%dma_start3A_396, %dma_start3A_397, %dma_start3A_402] : memref<6x2x128xi32, #tpu.memory_space<vmem>> -> memref<1x1x128xi32, #tpu.memory_space<vmem>>
        %dma_start3A_404 = tpu.memref_squeeze %dma_start3A_403 : memref<1x1x128xi32, #tpu.memory_space<vmem>> -> memref<128xi32, #tpu.memory_space<vmem>>
        %dma_start3A_405 = arith.constant 0 : i32
        %dma_start3A_406 = arith.constant 0 : i32
        %dma_start3A_407 = tpu.memref_slice %arg8[%dma_start3A_405, %dma_start3A_406] : memref<10000x128xf32, #tpu.memory_space<vmem_shared>> -> memref<10000x128xf32, #tpu.memory_space<vmem_shared>>
        tpu.enqueue_indirect_dma source(%dma_start3A_401 : memref<128x128xf32, #tpu.memory_space<vmem>>) target(%dma_start3A_407 : memref<10000x128xf32, #tpu.memory_space<vmem_shared>>) offsets(%dma_start3A_404 : memref<128xi32, #tpu.memory_space<vmem>>) semaphore(%arg18 : memref<!tpu.dma_semaphore, #tpu.memory_space<semaphore_mem>>) {add = true}
      } else {
      }
      %add3A_296 = arith.constant 4 : i32
      %add3A_297 = arith.addi %add3A_126, %add3A_296 : i32
      %ge3A_298 = arith.constant 1 : i32
      %ge3A_299 = arith.cmpi sge, %add3A_297, %ge3A_298 : i32
      %sub3A_300 = arith.constant 1 : i32
      %sub3A_301 = arith.subi %add3A_297, %sub3A_300 : i32
      %mul3A_302 = arith.constant 32 : i32
      %mul3A_303 = arith.muli %mul3A_302, %sub3A_301 : i32
      %add3A_304 = arith.addi %add3A, %mul3A_303 : i32
      %lt3A_305 = arith.constant 2500 : i32
      %lt3A_306 = arith.cmpi slt, %add3A_304, %lt3A_305 : i32
      %and3A_307 = arith.andi %ge3A_299, %lt3A_306 : i1
      %convert_element_type3A_308 = arith.extui %and3A_307 : i1 to i32
      %cond3A_309 = arith.constant 0 : i32
      %cond3A_310 = arith.cmpi ne, %convert_element_type3A_308, %cond3A_309 : i32
      scf.if %cond3A_310 {
        %dma_wait3A_382 = arith.constant 0 : i32
        %dma_wait3A_383 = arith.constant 3 : i32
        %dma_wait3A_384 = arith.constant 1 : i32
        %dma_wait3A_385 = arith.constant 0 : i32
        %dma_wait3A_386 = arith.constant 0 : i32
        %dma_wait3A_387 = tpu.memref_slice %arg7[%dma_wait3A_382, %dma_wait3A_385, %dma_wait3A_386] : memref<3x128x128xf32, #tpu.memory_space<vmem>> -> memref<1x128x128xf32, #tpu.memory_space<vmem>>
        %dma_wait3A_388 = tpu.memref_squeeze %dma_wait3A_387 : memref<1x128x128xf32, #tpu.memory_space<vmem>> -> memref<128x128xf32, #tpu.memory_space<vmem>>
        %dma_wait3A_389 = arith.constant 0 : i32
        %dma_wait3A_390 = tpu.memref_slice %arg6[%dma_wait3A_383, %dma_wait3A_384, %dma_wait3A_389] : memref<6x2x128xi32, #tpu.memory_space<vmem>> -> memref<1x1x128xi32, #tpu.memory_space<vmem>>
        %dma_wait3A_391 = tpu.memref_squeeze %dma_wait3A_390 : memref<1x1x128xi32, #tpu.memory_space<vmem>> -> memref<128xi32, #tpu.memory_space<vmem>>
        %dma_wait3A_392 = arith.constant 0 : i32
        %dma_wait3A_393 = arith.constant 0 : i32
        %dma_wait3A_394 = tpu.memref_slice %arg8[%dma_wait3A_392, %dma_wait3A_393] : memref<10000x128xf32, #tpu.memory_space<vmem_shared>> -> memref<10000x128xf32, #tpu.memory_space<vmem_shared>>
        tpu.wait_indirect_dma semaphore(%arg18 : memref<!tpu.dma_semaphore, #tpu.memory_space<semaphore_mem>>) src(%dma_wait3A_388 : memref<128x128xf32, #tpu.memory_space<vmem>>) dst(%dma_wait3A_394 : memref<10000x128xf32, #tpu.memory_space<vmem_shared>>)
      } else {
      }
      %add3A_311 = arith.constant 2 : i32
      %add3A_312 = arith.addi %add3A_297, %add3A_311 : i32
      %mul3A_313 = arith.constant 32 : i32
      %mul3A_314 = arith.muli %mul3A_313, %add3A_312 : i32
      %add3A_315 = arith.addi %add3A, %mul3A_314 : i32
      %lt3A_316 = arith.constant 2500 : i32
      %lt3A_317 = arith.cmpi slt, %add3A_315, %lt3A_316 : i32
      %convert_element_type3A_318 = arith.extui %lt3A_317 : i1 to i32
      %cond3A_319 = arith.constant 0 : i32
      %cond3A_320 = arith.cmpi ne, %convert_element_type3A_318, %cond3A_319 : i32
      scf.if %cond3A_320 {
        %add3A_382 = arith.constant 2 : i32
        %add3A_383 = arith.addi %add3A_297, %add3A_382 : i32
        %mul3A_384 = arith.constant 32 : i32
        %mul3A_385 = arith.muli %mul3A_384, %add3A_383 : i32
        %add3A_386 = arith.addi %add3A, %mul3A_385 : i32
        %mul3A_387 = arith.constant 128 : i32
        %mul3A_388 = arith.muli %add3A_386, %mul3A_387 : i32
        %dma_wait3A_389 = arith.constant 0 : i32
        %dma_wait3A_390 = arith.constant 0 : i32
        %dma_wait3A_391 = arith.constant 0 : i32
        %dma_wait3A_392 = tpu.memref_slice %arg6[%dma_wait3A_389, %dma_wait3A_390, %dma_wait3A_391] : memref<6x2x128xi32, #tpu.memory_space<vmem>> -> memref<1x2x128xi32, #tpu.memory_space<vmem>>
        %dma_wait3A_393 = tpu.memref_squeeze %dma_wait3A_392 : memref<1x2x128xi32, #tpu.memory_space<vmem>> -> memref<2x128xi32, #tpu.memory_space<vmem>>
        %dma_wait3A_394 = arith.constant 0 : i32
        %dma_wait3A_395 = tpu.memref_slice %arg3[%dma_wait3A_394, %mul3A_388] : memref<2x320000xi32, #tpu.memory_space<hbm>> -> memref<2x128xi32, #tpu.memory_space<hbm>>
        %dma_wait3A_396 = arith.constant 0 : i32
        %dma_wait3A_397 = arith.constant 0 : i32
        %dma_wait3A_398 = tpu.memref_slice %arg6[%dma_wait3A_389, %dma_wait3A_396, %dma_wait3A_397] : memref<6x2x128xi32, #tpu.memory_space<vmem>> -> memref<1x2x128xi32, #tpu.memory_space<vmem>>
        %dma_wait3A_399 = tpu.memref_squeeze %dma_wait3A_398 : memref<1x2x128xi32, #tpu.memory_space<vmem>> -> memref<2x128xi32, #tpu.memory_space<vmem>>
        %dma_wait3A_400 = arith.constant 0 : i32
        %dma_wait3A_401 = tpu.memref_slice %arg3[%dma_wait3A_400, %mul3A_388] : memref<2x320000xi32, #tpu.memory_space<hbm>> -> memref<2x128xi32, #tpu.memory_space<hbm>>
        tpu.wait_dma2 semaphore(%arg9 : memref<!tpu.dma_semaphore, #tpu.memory_space<semaphore_mem>>) src(%dma_wait3A_401 : memref<2x128xi32, #tpu.memory_space<hbm>>) dst(%dma_wait3A_399 : memref<2x128xi32, #tpu.memory_space<vmem>>)
        %dma_start3A_402 = arith.constant 0 : i32
        %dma_start3A_403 = arith.constant 0 : i32
        %dma_start3A_404 = arith.constant 0 : i32
        %dma_start3A_405 = arith.constant 0 : i32
        %dma_start3A_406 = arith.constant 0 : i32
        %dma_start3A_407 = tpu.memref_slice %arg7[%dma_start3A_404, %dma_start3A_405, %dma_start3A_406] : memref<3x128x128xf32, #tpu.memory_space<vmem>> -> memref<1x128x128xf32, #tpu.memory_space<vmem>>
        %dma_start3A_408 = tpu.memref_squeeze %dma_start3A_407 : memref<1x128x128xf32, #tpu.memory_space<vmem>> -> memref<128x128xf32, #tpu.memory_space<vmem>>
        %dma_start3A_409 = arith.constant 0 : i32
        %dma_start3A_410 = tpu.memref_slice %arg6[%dma_start3A_402, %dma_start3A_403, %dma_start3A_409] : memref<6x2x128xi32, #tpu.memory_space<vmem>> -> memref<1x1x128xi32, #tpu.memory_space<vmem>>
        %dma_start3A_411 = tpu.memref_squeeze %dma_start3A_410 : memref<1x1x128xi32, #tpu.memory_space<vmem>> -> memref<128xi32, #tpu.memory_space<vmem>>
        %dma_start3A_412 = arith.constant 0 : i32
        %dma_start3A_413 = arith.constant 0 : i32
        %dma_start3A_414 = tpu.memref_slice %arg2[%dma_start3A_412, %dma_start3A_413] : memref<10000x128xf32, #tpu.memory_space<hbm>> -> memref<10000x128xf32, #tpu.memory_space<hbm>>
        tpu.enqueue_indirect_dma source(%dma_start3A_414 : memref<10000x128xf32, #tpu.memory_space<hbm>>) target(%dma_start3A_408 : memref<128x128xf32, #tpu.memory_space<vmem>>) offsets(%dma_start3A_411 : memref<128xi32, #tpu.memory_space<vmem>>) semaphore(%arg15 : memref<!tpu.dma_semaphore, #tpu.memory_space<semaphore_mem>>)
      } else {
      }
      %add3A_321 = arith.constant 3 : i32
      %add3A_322 = arith.addi %add3A_297, %add3A_321 : i32
      %mul3A_323 = arith.constant 32 : i32
      %mul3A_324 = arith.muli %mul3A_323, %add3A_322 : i32
      %add3A_325 = arith.addi %add3A, %mul3A_324 : i32
      %lt3A_326 = arith.constant 2500 : i32
      %lt3A_327 = arith.cmpi slt, %add3A_325, %lt3A_326 : i32
      %convert_element_type3A_328 = arith.extui %lt3A_327 : i1 to i32
      %cond3A_329 = arith.constant 0 : i32
      %cond3A_330 = arith.cmpi ne, %convert_element_type3A_328, %cond3A_329 : i32
      scf.if %cond3A_330 {
        %add3A_382 = arith.constant 3 : i32
        %add3A_383 = arith.addi %add3A_297, %add3A_382 : i32
        %mul3A_384 = arith.constant 32 : i32
        %mul3A_385 = arith.muli %mul3A_384, %add3A_383 : i32
        %add3A_386 = arith.addi %add3A, %mul3A_385 : i32
        %mul3A_387 = arith.constant 128 : i32
        %mul3A_388 = arith.muli %add3A_386, %mul3A_387 : i32
        %dma_start3A_389 = arith.constant 1 : i32
        %dma_start3A_390 = arith.constant 0 : i32
        %dma_start3A_391 = arith.constant 0 : i32
        %dma_start3A_392 = tpu.memref_slice %arg6[%dma_start3A_389, %dma_start3A_390, %dma_start3A_391] : memref<6x2x128xi32, #tpu.memory_space<vmem>> -> memref<1x2x128xi32, #tpu.memory_space<vmem>>
        %dma_start3A_393 = tpu.memref_squeeze %dma_start3A_392 : memref<1x2x128xi32, #tpu.memory_space<vmem>> -> memref<2x128xi32, #tpu.memory_space<vmem>>
        %dma_start3A_394 = arith.constant 0 : i32
        %dma_start3A_395 = tpu.memref_slice %arg3[%dma_start3A_394, %mul3A_388] : memref<2x320000xi32, #tpu.memory_space<hbm>> -> memref<2x128xi32, #tpu.memory_space<hbm>>
        %dma_start3A_396 = arith.constant 0 : i32
        %dma_start3A_397 = arith.constant 0 : i32
        %dma_start3A_398 = tpu.memref_slice %arg6[%dma_start3A_389, %dma_start3A_396, %dma_start3A_397] : memref<6x2x128xi32, #tpu.memory_space<vmem>> -> memref<1x2x128xi32, #tpu.memory_space<vmem>>
        %dma_start3A_399 = tpu.memref_squeeze %dma_start3A_398 : memref<1x2x128xi32, #tpu.memory_space<vmem>> -> memref<2x128xi32, #tpu.memory_space<vmem>>
        %dma_start3A_400 = arith.constant 0 : i32
        %dma_start3A_401 = tpu.memref_slice %arg3[%dma_start3A_400, %mul3A_388] : memref<2x320000xi32, #tpu.memory_space<hbm>> -> memref<2x128xi32, #tpu.memory_space<hbm>>
        tpu.enqueue_dma source(%dma_start3A_401 : memref<2x128xi32, #tpu.memory_space<hbm>>) target(%dma_start3A_399 : memref<2x128xi32, #tpu.memory_space<vmem>>) target_semaphore(%arg10 : memref<!tpu.dma_semaphore, #tpu.memory_space<semaphore_mem>>)
      } else {
      }
      %mul3A_331 = arith.constant 32 : i32
      %mul3A_332 = arith.muli %mul3A_331, %add3A_297 : i32
      %add3A_333 = arith.addi %add3A, %mul3A_332 : i32
      %lt3A_334 = arith.constant 2500 : i32
      %lt3A_335 = arith.cmpi slt, %add3A_333, %lt3A_334 : i32
      %convert_element_type3A_336 = arith.extui %lt3A_335 : i1 to i32
      %cond3A_337 = arith.constant 0 : i32
      %cond3A_338 = arith.cmpi ne, %convert_element_type3A_336, %cond3A_337 : i32
      scf.if %cond3A_338 {
        %dma_wait3A_382 = arith.constant 4 : i32
        %dma_wait3A_383 = arith.constant 0 : i32
        %dma_wait3A_384 = arith.constant 1 : i32
        %dma_wait3A_385 = arith.constant 0 : i32
        %dma_wait3A_386 = arith.constant 0 : i32
        %dma_wait3A_387 = tpu.memref_slice %arg7[%dma_wait3A_384, %dma_wait3A_385, %dma_wait3A_386] : memref<3x128x128xf32, #tpu.memory_space<vmem>> -> memref<1x128x128xf32, #tpu.memory_space<vmem>>
        %dma_wait3A_388 = tpu.memref_squeeze %dma_wait3A_387 : memref<1x128x128xf32, #tpu.memory_space<vmem>> -> memref<128x128xf32, #tpu.memory_space<vmem>>
        %dma_wait3A_389 = arith.constant 0 : i32
        %dma_wait3A_390 = tpu.memref_slice %arg6[%dma_wait3A_382, %dma_wait3A_383, %dma_wait3A_389] : memref<6x2x128xi32, #tpu.memory_space<vmem>> -> memref<1x1x128xi32, #tpu.memory_space<vmem>>
        %dma_wait3A_391 = tpu.memref_squeeze %dma_wait3A_390 : memref<1x1x128xi32, #tpu.memory_space<vmem>> -> memref<128xi32, #tpu.memory_space<vmem>>
        %dma_wait3A_392 = arith.constant 0 : i32
        %dma_wait3A_393 = arith.constant 0 : i32
        %dma_wait3A_394 = tpu.memref_slice %arg2[%dma_wait3A_392, %dma_wait3A_393] : memref<10000x128xf32, #tpu.memory_space<hbm>> -> memref<10000x128xf32, #tpu.memory_space<hbm>>
        tpu.wait_indirect_dma semaphore(%arg16 : memref<!tpu.dma_semaphore, #tpu.memory_space<semaphore_mem>>) src(%dma_wait3A_394 : memref<10000x128xf32, #tpu.memory_space<hbm>>) dst(%dma_wait3A_388 : memref<128x128xf32, #tpu.memory_space<vmem>>)
        %dma_start3A_395 = arith.constant 1 : i32
        %dma_start3A_396 = arith.constant 4 : i32
        %dma_start3A_397 = arith.constant 1 : i32
        %dma_start3A_398 = arith.constant 0 : i32
        %dma_start3A_399 = arith.constant 0 : i32
        %dma_start3A_400 = tpu.memref_slice %arg7[%dma_start3A_395, %dma_start3A_398, %dma_start3A_399] : memref<3x128x128xf32, #tpu.memory_space<vmem>> -> memref<1x128x128xf32, #tpu.memory_space<vmem>>
        %dma_start3A_401 = tpu.memref_squeeze %dma_start3A_400 : memref<1x128x128xf32, #tpu.memory_space<vmem>> -> memref<128x128xf32, #tpu.memory_space<vmem>>
        %dma_start3A_402 = arith.constant 0 : i32
        %dma_start3A_403 = tpu.memref_slice %arg6[%dma_start3A_396, %dma_start3A_397, %dma_start3A_402] : memref<6x2x128xi32, #tpu.memory_space<vmem>> -> memref<1x1x128xi32, #tpu.memory_space<vmem>>
        %dma_start3A_404 = tpu.memref_squeeze %dma_start3A_403 : memref<1x1x128xi32, #tpu.memory_space<vmem>> -> memref<128xi32, #tpu.memory_space<vmem>>
        %dma_start3A_405 = arith.constant 0 : i32
        %dma_start3A_406 = arith.constant 0 : i32
        %dma_start3A_407 = tpu.memref_slice %arg8[%dma_start3A_405, %dma_start3A_406] : memref<10000x128xf32, #tpu.memory_space<vmem_shared>> -> memref<10000x128xf32, #tpu.memory_space<vmem_shared>>
        tpu.enqueue_indirect_dma source(%dma_start3A_401 : memref<128x128xf32, #tpu.memory_space<vmem>>) target(%dma_start3A_407 : memref<10000x128xf32, #tpu.memory_space<vmem_shared>>) offsets(%dma_start3A_404 : memref<128xi32, #tpu.memory_space<vmem>>) semaphore(%arg19 : memref<!tpu.dma_semaphore, #tpu.memory_space<semaphore_mem>>) {add = true}
      } else {
      }
      %add3A_339 = arith.constant 5 : i32
      %add3A_340 = arith.addi %add3A_126, %add3A_339 : i32
      %ge3A_341 = arith.constant 1 : i32
      %ge3A_342 = arith.cmpi sge, %add3A_340, %ge3A_341 : i32
      %sub3A_343 = arith.constant 1 : i32
      %sub3A_344 = arith.subi %add3A_340, %sub3A_343 : i32
      %mul3A_345 = arith.constant 32 : i32
      %mul3A_346 = arith.muli %mul3A_345, %sub3A_344 : i32
      %add3A_347 = arith.addi %add3A, %mul3A_346 : i32
      %lt3A_348 = arith.constant 2500 : i32
      %lt3A_349 = arith.cmpi slt, %add3A_347, %lt3A_348 : i32
      %and3A_350 = arith.andi %ge3A_342, %lt3A_349 : i1
      %convert_element_type3A_351 = arith.extui %and3A_350 : i1 to i32
      %cond3A_352 = arith.constant 0 : i32
      %cond3A_353 = arith.cmpi ne, %convert_element_type3A_351, %cond3A_352 : i32
      scf.if %cond3A_353 {
        %dma_wait3A_382 = arith.constant 1 : i32
        %dma_wait3A_383 = arith.constant 4 : i32
        %dma_wait3A_384 = arith.constant 1 : i32
        %dma_wait3A_385 = arith.constant 0 : i32
        %dma_wait3A_386 = arith.constant 0 : i32
        %dma_wait3A_387 = tpu.memref_slice %arg7[%dma_wait3A_382, %dma_wait3A_385, %dma_wait3A_386] : memref<3x128x128xf32, #tpu.memory_space<vmem>> -> memref<1x128x128xf32, #tpu.memory_space<vmem>>
        %dma_wait3A_388 = tpu.memref_squeeze %dma_wait3A_387 : memref<1x128x128xf32, #tpu.memory_space<vmem>> -> memref<128x128xf32, #tpu.memory_space<vmem>>
        %dma_wait3A_389 = arith.constant 0 : i32
        %dma_wait3A_390 = tpu.memref_slice %arg6[%dma_wait3A_383, %dma_wait3A_384, %dma_wait3A_389] : memref<6x2x128xi32, #tpu.memory_space<vmem>> -> memref<1x1x128xi32, #tpu.memory_space<vmem>>
        %dma_wait3A_391 = tpu.memref_squeeze %dma_wait3A_390 : memref<1x1x128xi32, #tpu.memory_space<vmem>> -> memref<128xi32, #tpu.memory_space<vmem>>
        %dma_wait3A_392 = arith.constant 0 : i32
        %dma_wait3A_393 = arith.constant 0 : i32
        %dma_wait3A_394 = tpu.memref_slice %arg8[%dma_wait3A_392, %dma_wait3A_393] : memref<10000x128xf32, #tpu.memory_space<vmem_shared>> -> memref<10000x128xf32, #tpu.memory_space<vmem_shared>>
        tpu.wait_indirect_dma semaphore(%arg19 : memref<!tpu.dma_semaphore, #tpu.memory_space<semaphore_mem>>) src(%dma_wait3A_388 : memref<128x128xf32, #tpu.memory_space<vmem>>) dst(%dma_wait3A_394 : memref<10000x128xf32, #tpu.memory_space<vmem_shared>>)
      } else {
      }
      %add3A_354 = arith.constant 2 : i32
      %add3A_355 = arith.addi %add3A_340, %add3A_354 : i32
      %mul3A_356 = arith.constant 32 : i32
      %mul3A_357 = arith.muli %mul3A_356, %add3A_355 : i32
      %add3A_358 = arith.addi %add3A, %mul3A_357 : i32
      %lt3A_359 = arith.constant 2500 : i32
      %lt3A_360 = arith.cmpi slt, %add3A_358, %lt3A_359 : i32
      %convert_element_type3A_361 = arith.extui %lt3A_360 : i1 to i32
      %cond3A_362 = arith.constant 0 : i32
      %cond3A_363 = arith.cmpi ne, %convert_element_type3A_361, %cond3A_362 : i32
      scf.if %cond3A_363 {
        %add3A_382 = arith.constant 2 : i32
        %add3A_383 = arith.addi %add3A_340, %add3A_382 : i32
        %mul3A_384 = arith.constant 32 : i32
        %mul3A_385 = arith.muli %mul3A_384, %add3A_383 : i32
        %add3A_386 = arith.addi %add3A, %mul3A_385 : i32
        %mul3A_387 = arith.constant 128 : i32
        %mul3A_388 = arith.muli %add3A_386, %mul3A_387 : i32
        %dma_wait3A_389 = arith.constant 1 : i32
        %dma_wait3A_390 = arith.constant 0 : i32
        %dma_wait3A_391 = arith.constant 0 : i32
        %dma_wait3A_392 = tpu.memref_slice %arg6[%dma_wait3A_389, %dma_wait3A_390, %dma_wait3A_391] : memref<6x2x128xi32, #tpu.memory_space<vmem>> -> memref<1x2x128xi32, #tpu.memory_space<vmem>>
        %dma_wait3A_393 = tpu.memref_squeeze %dma_wait3A_392 : memref<1x2x128xi32, #tpu.memory_space<vmem>> -> memref<2x128xi32, #tpu.memory_space<vmem>>
        %dma_wait3A_394 = arith.constant 0 : i32
        %dma_wait3A_395 = tpu.memref_slice %arg3[%dma_wait3A_394, %mul3A_388] : memref<2x320000xi32, #tpu.memory_space<hbm>> -> memref<2x128xi32, #tpu.memory_space<hbm>>
        %dma_wait3A_396 = arith.constant 0 : i32
        %dma_wait3A_397 = arith.constant 0 : i32
        %dma_wait3A_398 = tpu.memref_slice %arg6[%dma_wait3A_389, %dma_wait3A_396, %dma_wait3A_397] : memref<6x2x128xi32, #tpu.memory_space<vmem>> -> memref<1x2x128xi32, #tpu.memory_space<vmem>>
        %dma_wait3A_399 = tpu.memref_squeeze %dma_wait3A_398 : memref<1x2x128xi32, #tpu.memory_space<vmem>> -> memref<2x128xi32, #tpu.memory_space<vmem>>
        %dma_wait3A_400 = arith.constant 0 : i32
        %dma_wait3A_401 = tpu.memref_slice %arg3[%dma_wait3A_400, %mul3A_388] : memref<2x320000xi32, #tpu.memory_space<hbm>> -> memref<2x128xi32, #tpu.memory_space<hbm>>
        tpu.wait_dma2 semaphore(%arg10 : memref<!tpu.dma_semaphore, #tpu.memory_space<semaphore_mem>>) src(%dma_wait3A_401 : memref<2x128xi32, #tpu.memory_space<hbm>>) dst(%dma_wait3A_399 : memref<2x128xi32, #tpu.memory_space<vmem>>)
        %dma_start3A_402 = arith.constant 1 : i32
        %dma_start3A_403 = arith.constant 0 : i32
        %dma_start3A_404 = arith.constant 1 : i32
        %dma_start3A_405 = arith.constant 0 : i32
        %dma_start3A_406 = arith.constant 0 : i32
        %dma_start3A_407 = tpu.memref_slice %arg7[%dma_start3A_404, %dma_start3A_405, %dma_start3A_406] : memref<3x128x128xf32, #tpu.memory_space<vmem>> -> memref<1x128x128xf32, #tpu.memory_space<vmem>>
        %dma_start3A_408 = tpu.memref_squeeze %dma_start3A_407 : memref<1x128x128xf32, #tpu.memory_space<vmem>> -> memref<128x128xf32, #tpu.memory_space<vmem>>
        %dma_start3A_409 = arith.constant 0 : i32
        %dma_start3A_410 = tpu.memref_slice %arg6[%dma_start3A_402, %dma_start3A_403, %dma_start3A_409] : memref<6x2x128xi32, #tpu.memory_space<vmem>> -> memref<1x1x128xi32, #tpu.memory_space<vmem>>
        %dma_start3A_411 = tpu.memref_squeeze %dma_start3A_410 : memref<1x1x128xi32, #tpu.memory_space<vmem>> -> memref<128xi32, #tpu.memory_space<vmem>>
        %dma_start3A_412 = arith.constant 0 : i32
        %dma_start3A_413 = arith.constant 0 : i32
        %dma_start3A_414 = tpu.memref_slice %arg2[%dma_start3A_412, %dma_start3A_413] : memref<10000x128xf32, #tpu.memory_space<hbm>> -> memref<10000x128xf32, #tpu.memory_space<hbm>>
        tpu.enqueue_indirect_dma source(%dma_start3A_414 : memref<10000x128xf32, #tpu.memory_space<hbm>>) target(%dma_start3A_408 : memref<128x128xf32, #tpu.memory_space<vmem>>) offsets(%dma_start3A_411 : memref<128xi32, #tpu.memory_space<vmem>>) semaphore(%arg16 : memref<!tpu.dma_semaphore, #tpu.memory_space<semaphore_mem>>)
      } else {
      }
      %add3A_364 = arith.constant 3 : i32
      %add3A_365 = arith.addi %add3A_340, %add3A_364 : i32
      %mul3A_366 = arith.constant 32 : i32
      %mul3A_367 = arith.muli %mul3A_366, %add3A_365 : i32
      %add3A_368 = arith.addi %add3A, %mul3A_367 : i32
      %lt3A_369 = arith.constant 2500 : i32
      %lt3A_370 = arith.cmpi slt, %add3A_368, %lt3A_369 : i32
      %convert_element_type3A_371 = arith.extui %lt3A_370 : i1 to i32
      %cond3A_372 = arith.constant 0 : i32
      %cond3A_373 = arith.cmpi ne, %convert_element_type3A_371, %cond3A_372 : i32
      scf.if %cond3A_373 {
        %add3A_382 = arith.constant 3 : i32
        %add3A_383 = arith.addi %add3A_340, %add3A_382 : i32
        %mul3A_384 = arith.constant 32 : i32
        %mul3A_385 = arith.muli %mul3A_384, %add3A_383 : i32
        %add3A_386 = arith.addi %add3A, %mul3A_385 : i32
        %mul3A_387 = arith.constant 128 : i32
        %mul3A_388 = arith.muli %add3A_386, %mul3A_387 : i32
        %dma_start3A_389 = arith.constant 2 : i32
        %dma_start3A_390 = arith.constant 0 : i32
        %dma_start3A_391 = arith.constant 0 : i32
        %dma_start3A_392 = tpu.memref_slice %arg6[%dma_start3A_389, %dma_start3A_390, %dma_start3A_391] : memref<6x2x128xi32, #tpu.memory_space<vmem>> -> memref<1x2x128xi32, #tpu.memory_space<vmem>>
        %dma_start3A_393 = tpu.memref_squeeze %dma_start3A_392 : memref<1x2x128xi32, #tpu.memory_space<vmem>> -> memref<2x128xi32, #tpu.memory_space<vmem>>
        %dma_start3A_394 = arith.constant 0 : i32
        %dma_start3A_395 = tpu.memref_slice %arg3[%dma_start3A_394, %mul3A_388] : memref<2x320000xi32, #tpu.memory_space<hbm>> -> memref<2x128xi32, #tpu.memory_space<hbm>>
        %dma_start3A_396 = arith.constant 0 : i32
        %dma_start3A_397 = arith.constant 0 : i32
        %dma_start3A_398 = tpu.memref_slice %arg6[%dma_start3A_389, %dma_start3A_396, %dma_start3A_397] : memref<6x2x128xi32, #tpu.memory_space<vmem>> -> memref<1x2x128xi32, #tpu.memory_space<vmem>>
        %dma_start3A_399 = tpu.memref_squeeze %dma_start3A_398 : memref<1x2x128xi32, #tpu.memory_space<vmem>> -> memref<2x128xi32, #tpu.memory_space<vmem>>
        %dma_start3A_400 = arith.constant 0 : i32
        %dma_start3A_401 = tpu.memref_slice %arg3[%dma_start3A_400, %mul3A_388] : memref<2x320000xi32, #tpu.memory_space<hbm>> -> memref<2x128xi32, #tpu.memory_space<hbm>>
        tpu.enqueue_dma source(%dma_start3A_401 : memref<2x128xi32, #tpu.memory_space<hbm>>) target(%dma_start3A_399 : memref<2x128xi32, #tpu.memory_space<vmem>>) target_semaphore(%arg11 : memref<!tpu.dma_semaphore, #tpu.memory_space<semaphore_mem>>)
      } else {
      }
      %mul3A_374 = arith.constant 32 : i32
      %mul3A_375 = arith.muli %mul3A_374, %add3A_340 : i32
      %add3A_376 = arith.addi %add3A, %mul3A_375 : i32
      %lt3A_377 = arith.constant 2500 : i32
      %lt3A_378 = arith.cmpi slt, %add3A_376, %lt3A_377 : i32
      %convert_element_type3A_379 = arith.extui %lt3A_378 : i1 to i32
      %cond3A_380 = arith.constant 0 : i32
      %cond3A_381 = arith.cmpi ne, %convert_element_type3A_379, %cond3A_380 : i32
      scf.if %cond3A_381 {
        %dma_wait3A_382 = arith.constant 5 : i32
        %dma_wait3A_383 = arith.constant 0 : i32
        %dma_wait3A_384 = arith.constant 2 : i32
        %dma_wait3A_385 = arith.constant 0 : i32
        %dma_wait3A_386 = arith.constant 0 : i32
        %dma_wait3A_387 = tpu.memref_slice %arg7[%dma_wait3A_384, %dma_wait3A_385, %dma_wait3A_386] : memref<3x128x128xf32, #tpu.memory_space<vmem>> -> memref<1x128x128xf32, #tpu.memory_space<vmem>>
        %dma_wait3A_388 = tpu.memref_squeeze %dma_wait3A_387 : memref<1x128x128xf32, #tpu.memory_space<vmem>> -> memref<128x128xf32, #tpu.memory_space<vmem>>
        %dma_wait3A_389 = arith.constant 0 : i32
        %dma_wait3A_390 = tpu.memref_slice %arg6[%dma_wait3A_382, %dma_wait3A_383, %dma_wait3A_389] : memref<6x2x128xi32, #tpu.memory_space<vmem>> -> memref<1x1x128xi32, #tpu.memory_space<vmem>>
        %dma_wait3A_391 = tpu.memref_squeeze %dma_wait3A_390 : memref<1x1x128xi32, #tpu.memory_space<vmem>> -> memref<128xi32, #tpu.memory_space<vmem>>
        %dma_wait3A_392 = arith.constant 0 : i32
        %dma_wait3A_393 = arith.constant 0 : i32
        %dma_wait3A_394 = tpu.memref_slice %arg2[%dma_wait3A_392, %dma_wait3A_393] : memref<10000x128xf32, #tpu.memory_space<hbm>> -> memref<10000x128xf32, #tpu.memory_space<hbm>>
        tpu.wait_indirect_dma semaphore(%arg17 : memref<!tpu.dma_semaphore, #tpu.memory_space<semaphore_mem>>) src(%dma_wait3A_394 : memref<10000x128xf32, #tpu.memory_space<hbm>>) dst(%dma_wait3A_388 : memref<128x128xf32, #tpu.memory_space<vmem>>)
        %dma_start3A_395 = arith.constant 2 : i32
        %dma_start3A_396 = arith.constant 5 : i32
        %dma_start3A_397 = arith.constant 1 : i32
        %dma_start3A_398 = arith.constant 0 : i32
        %dma_start3A_399 = arith.constant 0 : i32
        %dma_start3A_400 = tpu.memref_slice %arg7[%dma_start3A_395, %dma_start3A_398, %dma_start3A_399] : memref<3x128x128xf32, #tpu.memory_space<vmem>> -> memref<1x128x128xf32, #tpu.memory_space<vmem>>
        %dma_start3A_401 = tpu.memref_squeeze %dma_start3A_400 : memref<1x128x128xf32, #tpu.memory_space<vmem>> -> memref<128x128xf32, #tpu.memory_space<vmem>>
        %dma_start3A_402 = arith.constant 0 : i32
        %dma_start3A_403 = tpu.memref_slice %arg6[%dma_start3A_396, %dma_start3A_397, %dma_start3A_402] : memref<6x2x128xi32, #tpu.memory_space<vmem>> -> memref<1x1x128xi32, #tpu.memory_space<vmem>>
        %dma_start3A_404 = tpu.memref_squeeze %dma_start3A_403 : memref<1x1x128xi32, #tpu.memory_space<vmem>> -> memref<128xi32, #tpu.memory_space<vmem>>
        %dma_start3A_405 = arith.constant 0 : i32
        %dma_start3A_406 = arith.constant 0 : i32
        %dma_start3A_407 = tpu.memref_slice %arg8[%dma_start3A_405, %dma_start3A_406] : memref<10000x128xf32, #tpu.memory_space<vmem_shared>> -> memref<10000x128xf32, #tpu.memory_space<vmem_shared>>
        tpu.enqueue_indirect_dma source(%dma_start3A_401 : memref<128x128xf32, #tpu.memory_space<vmem>>) target(%dma_start3A_407 : memref<10000x128xf32, #tpu.memory_space<vmem_shared>>) offsets(%dma_start3A_404 : memref<128xi32, #tpu.memory_space<vmem>>) semaphore(%arg20 : memref<!tpu.dma_semaphore, #tpu.memory_space<semaphore_mem>>) {add = true}
      } else {
      }
    }
    %scan3A_115 = arith.constant 14 : i32
    %barrier3A_116 = arith.constant 0 : index
    tpu.barrier barrier_id(%barrier3A_116)
    %lt3A_117 = arith.constant 10 : i32
    %lt3A_118 = arith.cmpi slt, %arg1, %lt3A_117 : i32
    %convert_element_type3A_119 = arith.extui %lt3A_118 : i1 to i32
    %cond3A_120 = arith.constant 0 : i32
    %cond3A_121 = arith.cmpi ne, %convert_element_type3A_119, %cond3A_120 : i32
    scf.if %cond3A_121 {
      %mul3A_122 = arith.constant 1000 : i32
      %mul3A_123 = arith.muli %arg1, %mul3A_122 : i32
      %mul3A_124 = arith.constant 1000 : i32
      %mul3A_125 = arith.muli %arg1, %mul3A_124 : i32
      "tpu.region"() ({
        %run_scoped3A = tpu.sem_alloc : memref<!tpu.dma_semaphore, #tpu.memory_space<semaphore_mem>>
        %dma_start3A_126 = arith.constant 0 : i32
        %dma_start3A_127 = tpu.memref_slice %arg5[%arg0, %mul3A_125, %dma_start3A_126] : memref<2x10000x128xf32, #tpu.memory_space<hbm>> -> memref<1x1000x128xf32, #tpu.memory_space<hbm>>
        %dma_start3A_128 = tpu.memref_squeeze %dma_start3A_127 : memref<1x1000x128xf32, #tpu.memory_space<hbm>> -> memref<1000x128xf32, #tpu.memory_space<hbm>>
        %dma_start3A_129 = arith.constant 0 : i32
        %dma_start3A_130 = tpu.memref_slice %arg8[%mul3A_123, %dma_start3A_129] : memref<10000x128xf32, #tpu.memory_space<vmem_shared>> -> memref<1000x128xf32, #tpu.memory_space<vmem_shared>>
        tpu.enqueue_dma source(%dma_start3A_130 : memref<1000x128xf32, #tpu.memory_space<vmem_shared>>) target(%dma_start3A_128 : memref<1000x128xf32, #tpu.memory_space<hbm>>) target_semaphore(%run_scoped3A : memref<!tpu.dma_semaphore, #tpu.memory_space<semaphore_mem>>)
        %dma_wait3A_131 = arith.constant 0 : i32
        %dma_wait3A_132 = tpu.memref_slice %arg5[%arg0, %mul3A_125, %dma_wait3A_131] : memref<2x10000x128xf32, #tpu.memory_space<hbm>> -> memref<1x1000x128xf32, #tpu.memory_space<hbm>>
        %dma_wait3A_133 = tpu.memref_squeeze %dma_wait3A_132 : memref<1x1000x128xf32, #tpu.memory_space<hbm>> -> memref<1000x128xf32, #tpu.memory_space<hbm>>
        %dma_wait3A_134 = arith.constant 0 : i32
        %dma_wait3A_135 = tpu.memref_slice %arg8[%mul3A_123, %dma_wait3A_134] : memref<10000x128xf32, #tpu.memory_space<vmem_shared>> -> memref<1000x128xf32, #tpu.memory_space<vmem_shared>>
        tpu.wait_dma2 semaphore(%run_scoped3A : memref<!tpu.dma_semaphore, #tpu.memory_space<semaphore_mem>>) src(%dma_wait3A_135 : memref<1000x128xf32, #tpu.memory_space<vmem_shared>>) dst(%dma_wait3A_133 : memref<1000x128xf32, #tpu.memory_space<hbm>>)
        tpu.yield
      }) : () -> ()
    } else {
    }
    return
  }
}

#map = affine_map<(d0, d1) -> (0, 0)>
#map1 = affine_map<(d0, d1) -> (0)>
module attributes {stable_mosaic.version = 14 : i64} {
  func.func @_sc_degrees(%arg0: i32, %arg1: i32, %arg2: memref<2x320000xi32, #tpu.memory_space<hbm>>, %arg3: memref<640xf32, #tpu.memory_space<hbm>>, %arg4: memref<40960xf32, #tpu.memory_space<hbm>>, %arg5: memref<6x2x128xi32, #tpu.memory_space<vmem>>, %arg6: memref<128xf32, #tpu.memory_space<vmem>>, %arg7: memref<10240xf32, #tpu.memory_space<vmem_shared>>, %arg8: memref<10240xf32, #tpu.memory_space<vmem_shared>>, %arg9: memref<!tpu.dma_semaphore, #tpu.memory_space<semaphore_mem>>, %arg10: memref<!tpu.dma_semaphore, #tpu.memory_space<semaphore_mem>>, %arg11: memref<!tpu.dma_semaphore, #tpu.memory_space<semaphore_mem>>, %arg12: memref<!tpu.dma_semaphore, #tpu.memory_space<semaphore_mem>>, %arg13: memref<!tpu.dma_semaphore, #tpu.memory_space<semaphore_mem>>, %arg14: memref<!tpu.dma_semaphore, #tpu.memory_space<semaphore_mem>>, %arg15: memref<!tpu.dma_semaphore, #tpu.memory_space<semaphore_mem>>, %arg16: memref<!tpu.dma_semaphore, #tpu.memory_space<semaphore_mem>>, %arg17: memref<!tpu.dma_semaphore, #tpu.memory_space<semaphore_mem>>, %arg18: memref<!tpu.dma_semaphore, #tpu.memory_space<semaphore_mem>>, %arg19: memref<!tpu.dma_semaphore, #tpu.memory_space<semaphore_mem>>, %arg20: memref<!tpu.dma_semaphore, #tpu.memory_space<semaphore_mem>>) attributes {dimension_semantics = [#tpu.dimension_semantics<core_parallel>, #tpu.dimension_semantics<subcore_parallel>], iteration_bounds = array<i64: 2, 16>, scalar_prefetch = 0 : i64, scratch_operands = 16 : i64, tpu.core_type = #tpu.core_type<sc_vector_subcore>, window_params = [{transform_indices = #map}, {transform_indices = #map1}, {transform_indices = #map1}]} {
    %mul3A = arith.constant 16 : i32
    %mul3A_0 = arith.muli %arg0, %mul3A : i32
    %add3A = arith.addi %mul3A_0, %arg1 : i32
    %broadcast_in_dim3A = arith.constant 1.000000e+00 : f32
    %broadcast_in_dim3A_1 = vector.broadcast %broadcast_in_dim3A : f32 to vector<16xf32>
    %swap3A = arith.constant 0 : index
    %swap3A_2 = tpu.vector_load %arg6[%swap3A] {strides = array<i32>} : memref<128xf32, #tpu.memory_space<vmem>>, vector<16xf32>,
    %swap3A_3 = vector.shape_cast %swap3A_2 : vector<16xf32> to vector<16xf32>
    %swap3A_4 = vector.shape_cast %broadcast_in_dim3A_1 : vector<16xf32> to vector<16xf32>
    tpu.vector_store %arg6[%swap3A], %swap3A_4 {strides = array<i32>} : memref<128xf32, #tpu.memory_space<vmem>>, vector<16xf32>,
    %swap3A_5 = arith.constant 16 : index
    %swap3A_6 = tpu.vector_load %arg6[%swap3A_5] {strides = array<i32>} : memref<128xf32, #tpu.memory_space<vmem>>, vector<16xf32>,
    %swap3A_7 = vector.shape_cast %swap3A_6 : vector<16xf32> to vector<16xf32>
    %swap3A_8 = vector.shape_cast %broadcast_in_dim3A_1 : vector<16xf32> to vector<16xf32>
    tpu.vector_store %arg6[%swap3A_5], %swap3A_8 {strides = array<i32>} : memref<128xf32, #tpu.memory_space<vmem>>, vector<16xf32>,
    %swap3A_9 = arith.constant 32 : index
    %swap3A_10 = tpu.vector_load %arg6[%swap3A_9] {strides = array<i32>} : memref<128xf32, #tpu.memory_space<vmem>>, vector<16xf32>,
    %swap3A_11 = vector.shape_cast %swap3A_10 : vector<16xf32> to vector<16xf32>
    %swap3A_12 = vector.shape_cast %broadcast_in_dim3A_1 : vector<16xf32> to vector<16xf32>
    tpu.vector_store %arg6[%swap3A_9], %swap3A_12 {strides = array<i32>} : memref<128xf32, #tpu.memory_space<vmem>>, vector<16xf32>,
    %swap3A_13 = arith.constant 48 : index
    %swap3A_14 = tpu.vector_load %arg6[%swap3A_13] {strides = array<i32>} : memref<128xf32, #tpu.memory_space<vmem>>, vector<16xf32>,
    %swap3A_15 = vector.shape_cast %swap3A_14 : vector<16xf32> to vector<16xf32>
    %swap3A_16 = vector.shape_cast %broadcast_in_dim3A_1 : vector<16xf32> to vector<16xf32>
    tpu.vector_store %arg6[%swap3A_13], %swap3A_16 {strides = array<i32>} : memref<128xf32, #tpu.memory_space<vmem>>, vector<16xf32>,
    %swap3A_17 = arith.constant 64 : index
    %swap3A_18 = tpu.vector_load %arg6[%swap3A_17] {strides = array<i32>} : memref<128xf32, #tpu.memory_space<vmem>>, vector<16xf32>,
    %swap3A_19 = vector.shape_cast %swap3A_18 : vector<16xf32> to vector<16xf32>
    %swap3A_20 = vector.shape_cast %broadcast_in_dim3A_1 : vector<16xf32> to vector<16xf32>
    tpu.vector_store %arg6[%swap3A_17], %swap3A_20 {strides = array<i32>} : memref<128xf32, #tpu.memory_space<vmem>>, vector<16xf32>,
    %swap3A_21 = arith.constant 80 : index
    %swap3A_22 = tpu.vector_load %arg6[%swap3A_21] {strides = array<i32>} : memref<128xf32, #tpu.memory_space<vmem>>, vector<16xf32>,
    %swap3A_23 = vector.shape_cast %swap3A_22 : vector<16xf32> to vector<16xf32>
    %swap3A_24 = vector.shape_cast %broadcast_in_dim3A_1 : vector<16xf32> to vector<16xf32>
    tpu.vector_store %arg6[%swap3A_21], %swap3A_24 {strides = array<i32>} : memref<128xf32, #tpu.memory_space<vmem>>, vector<16xf32>,
    %swap3A_25 = arith.constant 96 : index
    %swap3A_26 = tpu.vector_load %arg6[%swap3A_25] {strides = array<i32>} : memref<128xf32, #tpu.memory_space<vmem>>, vector<16xf32>,
    %swap3A_27 = vector.shape_cast %swap3A_26 : vector<16xf32> to vector<16xf32>
    %swap3A_28 = vector.shape_cast %broadcast_in_dim3A_1 : vector<16xf32> to vector<16xf32>
    tpu.vector_store %arg6[%swap3A_25], %swap3A_28 {strides = array<i32>} : memref<128xf32, #tpu.memory_space<vmem>>, vector<16xf32>,
    %swap3A_29 = arith.constant 112 : index
    %swap3A_30 = tpu.vector_load %arg6[%swap3A_29] {strides = array<i32>} : memref<128xf32, #tpu.memory_space<vmem>>, vector<16xf32>,
    %swap3A_31 = vector.shape_cast %swap3A_30 : vector<16xf32> to vector<16xf32>
    %swap3A_32 = vector.shape_cast %broadcast_in_dim3A_1 : vector<16xf32> to vector<16xf32>
    tpu.vector_store %arg6[%swap3A_29], %swap3A_32 {strides = array<i32>} : memref<128xf32, #tpu.memory_space<vmem>>, vector<16xf32>,
    %mul3A_33 = arith.constant 640 : i32
    %mul3A_34 = arith.muli %arg1, %mul3A_33 : i32
    "tpu.region"() ({
      %run_scoped3A = tpu.sem_alloc : memref<!tpu.dma_semaphore, #tpu.memory_space<semaphore_mem>>
      %dma_start3A_91 = tpu.memref_slice %arg7[%mul3A_34] : memref<10240xf32, #tpu.memory_space<vmem_shared>> -> memref<640xf32, #tpu.memory_space<vmem_shared>>
      tpu.enqueue_dma source(%arg3 : memref<640xf32, #tpu.memory_space<hbm>>) target(%dma_start3A_91 : memref<640xf32, #tpu.memory_space<vmem_shared>>) target_semaphore(%run_scoped3A : memref<!tpu.dma_semaphore, #tpu.memory_space<semaphore_mem>>)
      %dma_wait3A = tpu.memref_slice %arg7[%mul3A_34] : memref<10240xf32, #tpu.memory_space<vmem_shared>> -> memref<640xf32, #tpu.memory_space<vmem_shared>>
      tpu.wait_dma2 semaphore(%run_scoped3A : memref<!tpu.dma_semaphore, #tpu.memory_space<semaphore_mem>>) src(%arg3 : memref<640xf32, #tpu.memory_space<hbm>>) dst(%dma_wait3A : memref<640xf32, #tpu.memory_space<vmem_shared>>)
      tpu.yield
    }) : () -> ()
    %mul3A_35 = arith.constant 640 : i32
    %mul3A_36 = arith.muli %arg1, %mul3A_35 : i32
    "tpu.region"() ({
      %run_scoped3A = tpu.sem_alloc : memref<!tpu.dma_semaphore, #tpu.memory_space<semaphore_mem>>
      %dma_start3A_91 = tpu.memref_slice %arg8[%mul3A_36] : memref<10240xf32, #tpu.memory_space<vmem_shared>> -> memref<640xf32, #tpu.memory_space<vmem_shared>>
      tpu.enqueue_dma source(%arg3 : memref<640xf32, #tpu.memory_space<hbm>>) target(%dma_start3A_91 : memref<640xf32, #tpu.memory_space<vmem_shared>>) target_semaphore(%run_scoped3A : memref<!tpu.dma_semaphore, #tpu.memory_space<semaphore_mem>>)
      %dma_wait3A = tpu.memref_slice %arg8[%mul3A_36] : memref<10240xf32, #tpu.memory_space<vmem_shared>> -> memref<640xf32, #tpu.memory_space<vmem_shared>>
      tpu.wait_dma2 semaphore(%run_scoped3A : memref<!tpu.dma_semaphore, #tpu.memory_space<semaphore_mem>>) src(%arg3 : memref<640xf32, #tpu.memory_space<hbm>>) dst(%dma_wait3A : memref<640xf32, #tpu.memory_space<vmem_shared>>)
      tpu.yield
    }) : () -> ()
    %barrier3A = arith.constant 0 : index
    tpu.barrier barrier_id(%barrier3A)
    %add3A_37 = arith.constant 0 : i32
    %add3A_38 = arith.addi %add3A, %add3A_37 : i32
    %mul3A_39 = arith.constant 128 : i32
    %mul3A_40 = arith.muli %add3A_38, %mul3A_39 : i32
    %dma_start3A = arith.constant 0 : i32
    %dma_start3A_41 = arith.constant 0 : i32
    %dma_start3A_42 = arith.constant 0 : i32
    %dma_start3A_43 = tpu.memref_slice %arg5[%dma_start3A, %dma_start3A_41, %dma_start3A_42] : memref<6x2x128xi32, #tpu.memory_space<vmem>> -> memref<1x2x128xi32, #tpu.memory_space<vmem>>
    %dma_start3A_44 = tpu.memref_squeeze %dma_start3A_43 : memref<1x2x128xi32, #tpu.memory_space<vmem>> -> memref<2x128xi32, #tpu.memory_space<vmem>>
    %dma_start3A_45 = arith.constant 0 : i32
    %dma_start3A_46 = tpu.memref_slice %arg2[%dma_start3A_45, %mul3A_40] : memref<2x320000xi32, #tpu.memory_space<hbm>> -> memref<2x128xi32, #tpu.memory_space<hbm>>
    %dma_start3A_47 = arith.constant 0 : i32
    %dma_start3A_48 = arith.constant 0 : i32
    %dma_start3A_49 = tpu.memref_slice %arg5[%dma_start3A, %dma_start3A_47, %dma_start3A_48] : memref<6x2x128xi32, #tpu.memory_space<vmem>> -> memref<1x2x128xi32, #tpu.memory_space<vmem>>
    %dma_start3A_50 = tpu.memref_squeeze %dma_start3A_49 : memref<1x2x128xi32, #tpu.memory_space<vmem>> -> memref<2x128xi32, #tpu.memory_space<vmem>>
    %dma_start3A_51 = arith.constant 0 : i32
    %dma_start3A_52 = tpu.memref_slice %arg2[%dma_start3A_51, %mul3A_40] : memref<2x320000xi32, #tpu.memory_space<hbm>> -> memref<2x128xi32, #tpu.memory_space<hbm>>
    tpu.enqueue_dma source(%dma_start3A_52 : memref<2x128xi32, #tpu.memory_space<hbm>>) target(%dma_start3A_50 : memref<2x128xi32, #tpu.memory_space<vmem>>) target_semaphore(%arg9 : memref<!tpu.dma_semaphore, #tpu.memory_space<semaphore_mem>>)
    %add3A_53 = arith.constant 32 : i32
    %add3A_54 = arith.addi %add3A, %add3A_53 : i32
    %mul3A_55 = arith.constant 128 : i32
    %mul3A_56 = arith.muli %add3A_54, %mul3A_55 : i32
    %dma_start3A_57 = arith.constant 1 : i32
    %dma_start3A_58 = arith.constant 0 : i32
    %dma_start3A_59 = arith.constant 0 : i32
    %dma_start3A_60 = tpu.memref_slice %arg5[%dma_start3A_57, %dma_start3A_58, %dma_start3A_59] : memref<6x2x128xi32, #tpu.memory_space<vmem>> -> memref<1x2x128xi32, #tpu.memory_space<vmem>>
    %dma_start3A_61 = tpu.memref_squeeze %dma_start3A_60 : memref<1x2x128xi32, #tpu.memory_space<vmem>> -> memref<2x128xi32, #tpu.memory_space<vmem>>
    %dma_start3A_62 = arith.constant 0 : i32
    %dma_start3A_63 = tpu.memref_slice %arg2[%dma_start3A_62, %mul3A_56] : memref<2x320000xi32, #tpu.memory_space<hbm>> -> memref<2x128xi32, #tpu.memory_space<hbm>>
    %dma_start3A_64 = arith.constant 0 : i32
    %dma_start3A_65 = arith.constant 0 : i32
    %dma_start3A_66 = tpu.memref_slice %arg5[%dma_start3A_57, %dma_start3A_64, %dma_start3A_65] : memref<6x2x128xi32, #tpu.memory_space<vmem>> -> memref<1x2x128xi32, #tpu.memory_space<vmem>>
    %dma_start3A_67 = tpu.memref_squeeze %dma_start3A_66 : memref<1x2x128xi32, #tpu.memory_space<vmem>> -> memref<2x128xi32, #tpu.memory_space<vmem>>
    %dma_start3A_68 = arith.constant 0 : i32
    %dma_start3A_69 = tpu.memref_slice %arg2[%dma_start3A_68, %mul3A_56] : memref<2x320000xi32, #tpu.memory_space<hbm>> -> memref<2x128xi32, #tpu.memory_space<hbm>>
    tpu.enqueue_dma source(%dma_start3A_69 : memref<2x128xi32, #tpu.memory_space<hbm>>) target(%dma_start3A_67 : memref<2x128xi32, #tpu.memory_space<vmem>>) target_semaphore(%arg10 : memref<!tpu.dma_semaphore, #tpu.memory_space<semaphore_mem>>)
    %scan3A = arith.constant 0 : i32
    %scan3A_70 = arith.constant 14 : i32
    %scan3A_71 = arith.addi %scan3A, %scan3A_70 : i32
    %scan3A_72 = arith.constant 1 : i32
    scf.for %scan3A_91 = %scan3A to %scan3A_71 step %scan3A_72  : i32 {
      %mul3A_92 = arith.constant 6 : i32
      %mul3A_93 = arith.muli %scan3A_91, %mul3A_92 : i32
      %add3A_94 = arith.constant 0 : i32
      %add3A_95 = arith.addi %add3A_94, %mul3A_93 : i32
      %add3A_96 = arith.constant 0 : i32
      %add3A_97 = arith.addi %add3A_95, %add3A_96 : i32
      %ge3A = arith.constant 4 : i32
      %ge3A_98 = arith.cmpi sge, %add3A_97, %ge3A : i32
      %sub3A = arith.constant 4 : i32
      %sub3A_99 = arith.subi %add3A_97, %sub3A : i32
      %mul3A_100 = arith.constant 32 : i32
      %mul3A_101 = arith.muli %mul3A_100, %sub3A_99 : i32
      %add3A_102 = arith.addi %add3A, %mul3A_101 : i32
      %lt3A = arith.constant 2500 : i32
      %lt3A_103 = arith.cmpi slt, %add3A_102, %lt3A : i32
      %and3A = arith.andi %ge3A_98, %lt3A_103 : i1
      %convert_element_type3A = arith.extui %and3A : i1 to i32
      %cond3A = arith.constant 0 : i32
      %cond3A_104 = arith.cmpi ne, %convert_element_type3A, %cond3A : i32
      scf.if %cond3A_104 {
        %sub3A_288 = arith.constant 4 : i32
        %sub3A_289 = arith.subi %add3A_97, %sub3A_288 : i32
        %dma_wait3A = arith.constant 2 : i32
        %dma_wait3A_290 = arith.constant 0 : i32
        %dma_wait3A_291 = arith.constant 0 : i32
        %dma_wait3A_292 = tpu.memref_slice %arg5[%dma_wait3A, %dma_wait3A_290, %dma_wait3A_291] : memref<6x2x128xi32, #tpu.memory_space<vmem>> -> memref<1x1x128xi32, #tpu.memory_space<vmem>>
        %dma_wait3A_293 = tpu.memref_squeeze %dma_wait3A_292 : memref<1x1x128xi32, #tpu.memory_space<vmem>> -> memref<128xi32, #tpu.memory_space<vmem>>
        %dma_wait3A_294 = arith.constant 0 : i32
        %dma_wait3A_295 = tpu.memref_slice %arg7[%dma_wait3A_294] : memref<10240xf32, #tpu.memory_space<vmem_shared>> -> memref<10240xf32, #tpu.memory_space<vmem_shared>>
        tpu.wait_indirect_dma semaphore(%arg17 : memref<!tpu.dma_semaphore, #tpu.memory_space<semaphore_mem>>) src(%arg6 : memref<128xf32, #tpu.memory_space<vmem>>) dst(%dma_wait3A_295 : memref<10240xf32, #tpu.memory_space<vmem_shared>>)
        %dma_wait3A_296 = arith.constant 2 : i32
        %dma_wait3A_297 = arith.constant 1 : i32
        %dma_wait3A_298 = arith.constant 0 : i32
        %dma_wait3A_299 = tpu.memref_slice %arg5[%dma_wait3A_296, %dma_wait3A_297, %dma_wait3A_298] : memref<6x2x128xi32, #tpu.memory_space<vmem>> -> memref<1x1x128xi32, #tpu.memory_space<vmem>>
        %dma_wait3A_300 = tpu.memref_squeeze %dma_wait3A_299 : memref<1x1x128xi32, #tpu.memory_space<vmem>> -> memref<128xi32, #tpu.memory_space<vmem>>
        %dma_wait3A_301 = arith.constant 0 : i32
        %dma_wait3A_302 = tpu.memref_slice %arg8[%dma_wait3A_301] : memref<10240xf32, #tpu.memory_space<vmem_shared>> -> memref<10240xf32, #tpu.memory_space<vmem_shared>>
        tpu.wait_indirect_dma semaphore(%arg17 : memref<!tpu.dma_semaphore, #tpu.memory_space<semaphore_mem>>) src(%arg6 : memref<128xf32, #tpu.memory_space<vmem>>) dst(%dma_wait3A_302 : memref<10240xf32, #tpu.memory_space<vmem_shared>>)
      } else {
      }
      %add3A_105 = arith.constant 2 : i32
      %add3A_106 = arith.addi %add3A_97, %add3A_105 : i32
      %mul3A_107 = arith.constant 32 : i32
      %mul3A_108 = arith.muli %mul3A_107, %add3A_106 : i32
      %add3A_109 = arith.addi %add3A, %mul3A_108 : i32
      %lt3A_110 = arith.constant 2500 : i32
      %lt3A_111 = arith.cmpi slt, %add3A_109, %lt3A_110 : i32
      %convert_element_type3A_112 = arith.extui %lt3A_111 : i1 to i32
      %cond3A_113 = arith.constant 0 : i32
      %cond3A_114 = arith.cmpi ne, %convert_element_type3A_112, %cond3A_113 : i32
      scf.if %cond3A_114 {
        %add3A_288 = arith.constant 2 : i32
        %add3A_289 = arith.addi %add3A_97, %add3A_288 : i32
        %mul3A_290 = arith.constant 32 : i32
        %mul3A_291 = arith.muli %mul3A_290, %add3A_289 : i32
        %add3A_292 = arith.addi %add3A, %mul3A_291 : i32
        %mul3A_293 = arith.constant 128 : i32
        %mul3A_294 = arith.muli %add3A_292, %mul3A_293 : i32
        %dma_start3A_295 = arith.constant 2 : i32
        %dma_start3A_296 = arith.constant 0 : i32
        %dma_start3A_297 = arith.constant 0 : i32
        %dma_start3A_298 = tpu.memref_slice %arg5[%dma_start3A_295, %dma_start3A_296, %dma_start3A_297] : memref<6x2x128xi32, #tpu.memory_space<vmem>> -> memref<1x2x128xi32, #tpu.memory_space<vmem>>
        %dma_start3A_299 = tpu.memref_squeeze %dma_start3A_298 : memref<1x2x128xi32, #tpu.memory_space<vmem>> -> memref<2x128xi32, #tpu.memory_space<vmem>>
        %dma_start3A_300 = arith.constant 0 : i32
        %dma_start3A_301 = tpu.memref_slice %arg2[%dma_start3A_300, %mul3A_294] : memref<2x320000xi32, #tpu.memory_space<hbm>> -> memref<2x128xi32, #tpu.memory_space<hbm>>
        %dma_start3A_302 = arith.constant 0 : i32
        %dma_start3A_303 = arith.constant 0 : i32
        %dma_start3A_304 = tpu.memref_slice %arg5[%dma_start3A_295, %dma_start3A_302, %dma_start3A_303] : memref<6x2x128xi32, #tpu.memory_space<vmem>> -> memref<1x2x128xi32, #tpu.memory_space<vmem>>
        %dma_start3A_305 = tpu.memref_squeeze %dma_start3A_304 : memref<1x2x128xi32, #tpu.memory_space<vmem>> -> memref<2x128xi32, #tpu.memory_space<vmem>>
        %dma_start3A_306 = arith.constant 0 : i32
        %dma_start3A_307 = tpu.memref_slice %arg2[%dma_start3A_306, %mul3A_294] : memref<2x320000xi32, #tpu.memory_space<hbm>> -> memref<2x128xi32, #tpu.memory_space<hbm>>
        tpu.enqueue_dma source(%dma_start3A_307 : memref<2x128xi32, #tpu.memory_space<hbm>>) target(%dma_start3A_305 : memref<2x128xi32, #tpu.memory_space<vmem>>) target_semaphore(%arg11 : memref<!tpu.dma_semaphore, #tpu.memory_space<semaphore_mem>>)
      } else {
      }
      %mul3A_115 = arith.constant 32 : i32
      %mul3A_116 = arith.muli %mul3A_115, %add3A_97 : i32
      %add3A_117 = arith.addi %add3A, %mul3A_116 : i32
      %lt3A_118 = arith.constant 2500 : i32
      %lt3A_119 = arith.cmpi slt, %add3A_117, %lt3A_118 : i32
      %convert_element_type3A_120 = arith.extui %lt3A_119 : i1 to i32
      %cond3A_121 = arith.constant 0 : i32
      %cond3A_122 = arith.cmpi ne, %convert_element_type3A_120, %cond3A_121 : i32
      scf.if %cond3A_122 {
        %mul3A_288 = arith.constant 32 : i32
        %mul3A_289 = arith.muli %mul3A_288, %add3A_97 : i32
        %add3A_290 = arith.addi %add3A, %mul3A_289 : i32
        %mul3A_291 = arith.constant 128 : i32
        %mul3A_292 = arith.muli %add3A_290, %mul3A_291 : i32
        %dma_wait3A = arith.constant 0 : i32
        %dma_wait3A_293 = arith.constant 0 : i32
        %dma_wait3A_294 = arith.constant 0 : i32
        %dma_wait3A_295 = tpu.memref_slice %arg5[%dma_wait3A, %dma_wait3A_293, %dma_wait3A_294] : memref<6x2x128xi32, #tpu.memory_space<vmem>> -> memref<1x2x128xi32, #tpu.memory_space<vmem>>
        %dma_wait3A_296 = tpu.memref_squeeze %dma_wait3A_295 : memref<1x2x128xi32, #tpu.memory_space<vmem>> -> memref<2x128xi32, #tpu.memory_space<vmem>>
        %dma_wait3A_297 = arith.constant 0 : i32
        %dma_wait3A_298 = tpu.memref_slice %arg2[%dma_wait3A_297, %mul3A_292] : memref<2x320000xi32, #tpu.memory_space<hbm>> -> memref<2x128xi32, #tpu.memory_space<hbm>>
        %dma_wait3A_299 = arith.constant 0 : i32
        %dma_wait3A_300 = arith.constant 0 : i32
        %dma_wait3A_301 = tpu.memref_slice %arg5[%dma_wait3A, %dma_wait3A_299, %dma_wait3A_300] : memref<6x2x128xi32, #tpu.memory_space<vmem>> -> memref<1x2x128xi32, #tpu.memory_space<vmem>>
        %dma_wait3A_302 = tpu.memref_squeeze %dma_wait3A_301 : memref<1x2x128xi32, #tpu.memory_space<vmem>> -> memref<2x128xi32, #tpu.memory_space<vmem>>
        %dma_wait3A_303 = arith.constant 0 : i32
        %dma_wait3A_304 = tpu.memref_slice %arg2[%dma_wait3A_303, %mul3A_292] : memref<2x320000xi32, #tpu.memory_space<hbm>> -> memref<2x128xi32, #tpu.memory_space<hbm>>
        tpu.wait_dma2 semaphore(%arg9 : memref<!tpu.dma_semaphore, #tpu.memory_space<semaphore_mem>>) src(%dma_wait3A_304 : memref<2x128xi32, #tpu.memory_space<hbm>>) dst(%dma_wait3A_302 : memref<2x128xi32, #tpu.memory_space<vmem>>)
        %dma_start3A_305 = arith.constant 0 : i32
        %dma_start3A_306 = arith.constant 0 : i32
        %dma_start3A_307 = arith.constant 0 : i32
        %dma_start3A_308 = tpu.memref_slice %arg5[%dma_start3A_305, %dma_start3A_306, %dma_start3A_307] : memref<6x2x128xi32, #tpu.memory_space<vmem>> -> memref<1x1x128xi32, #tpu.memory_space<vmem>>
        %dma_start3A_309 = tpu.memref_squeeze %dma_start3A_308 : memref<1x1x128xi32, #tpu.memory_space<vmem>> -> memref<128xi32, #tpu.memory_space<vmem>>
        %dma_start3A_310 = arith.constant 0 : i32
        %dma_start3A_311 = tpu.memref_slice %arg7[%dma_start3A_310] : memref<10240xf32, #tpu.memory_space<vmem_shared>> -> memref<10240xf32, #tpu.memory_space<vmem_shared>>
        tpu.enqueue_indirect_dma source(%arg6 : memref<128xf32, #tpu.memory_space<vmem>>) target(%dma_start3A_311 : memref<10240xf32, #tpu.memory_space<vmem_shared>>) offsets(%dma_start3A_309 : memref<128xi32, #tpu.memory_space<vmem>>) semaphore(%arg15 : memref<!tpu.dma_semaphore, #tpu.memory_space<semaphore_mem>>) {add = true}
        %dma_start3A_312 = arith.constant 0 : i32
        %dma_start3A_313 = arith.constant 1 : i32
        %dma_start3A_314 = arith.constant 0 : i32
        %dma_start3A_315 = tpu.memref_slice %arg5[%dma_start3A_312, %dma_start3A_313, %dma_start3A_314] : memref<6x2x128xi32, #tpu.memory_space<vmem>> -> memref<1x1x128xi32, #tpu.memory_space<vmem>>
        %dma_start3A_316 = tpu.memref_squeeze %dma_start3A_315 : memref<1x1x128xi32, #tpu.memory_space<vmem>> -> memref<128xi32, #tpu.memory_space<vmem>>
        %dma_start3A_317 = arith.constant 0 : i32
        %dma_start3A_318 = tpu.memref_slice %arg8[%dma_start3A_317] : memref<10240xf32, #tpu.memory_space<vmem_shared>> -> memref<10240xf32, #tpu.memory_space<vmem_shared>>
        tpu.enqueue_indirect_dma source(%arg6 : memref<128xf32, #tpu.memory_space<vmem>>) target(%dma_start3A_318 : memref<10240xf32, #tpu.memory_space<vmem_shared>>) offsets(%dma_start3A_316 : memref<128xi32, #tpu.memory_space<vmem>>) semaphore(%arg15 : memref<!tpu.dma_semaphore, #tpu.memory_space<semaphore_mem>>) {add = true}
      } else {
      }
      %add3A_123 = arith.constant 1 : i32
      %add3A_124 = arith.addi %add3A_95, %add3A_123 : i32
      %ge3A_125 = arith.constant 4 : i32
      %ge3A_126 = arith.cmpi sge, %add3A_124, %ge3A_125 : i32
      %sub3A_127 = arith.constant 4 : i32
      %sub3A_128 = arith.subi %add3A_124, %sub3A_127 : i32
      %mul3A_129 = arith.constant 32 : i32
      %mul3A_130 = arith.muli %mul3A_129, %sub3A_128 : i32
      %add3A_131 = arith.addi %add3A, %mul3A_130 : i32
      %lt3A_132 = arith.constant 2500 : i32
      %lt3A_133 = arith.cmpi slt, %add3A_131, %lt3A_132 : i32
      %and3A_134 = arith.andi %ge3A_126, %lt3A_133 : i1
      %convert_element_type3A_135 = arith.extui %and3A_134 : i1 to i32
      %cond3A_136 = arith.constant 0 : i32
      %cond3A_137 = arith.cmpi ne, %convert_element_type3A_135, %cond3A_136 : i32
      scf.if %cond3A_137 {
        %sub3A_288 = arith.constant 4 : i32
        %sub3A_289 = arith.subi %add3A_124, %sub3A_288 : i32
        %dma_wait3A = arith.constant 3 : i32
        %dma_wait3A_290 = arith.constant 0 : i32
        %dma_wait3A_291 = arith.constant 0 : i32
        %dma_wait3A_292 = tpu.memref_slice %arg5[%dma_wait3A, %dma_wait3A_290, %dma_wait3A_291] : memref<6x2x128xi32, #tpu.memory_space<vmem>> -> memref<1x1x128xi32, #tpu.memory_space<vmem>>
        %dma_wait3A_293 = tpu.memref_squeeze %dma_wait3A_292 : memref<1x1x128xi32, #tpu.memory_space<vmem>> -> memref<128xi32, #tpu.memory_space<vmem>>
        %dma_wait3A_294 = arith.constant 0 : i32
        %dma_wait3A_295 = tpu.memref_slice %arg7[%dma_wait3A_294] : memref<10240xf32, #tpu.memory_space<vmem_shared>> -> memref<10240xf32, #tpu.memory_space<vmem_shared>>
        tpu.wait_indirect_dma semaphore(%arg18 : memref<!tpu.dma_semaphore, #tpu.memory_space<semaphore_mem>>) src(%arg6 : memref<128xf32, #tpu.memory_space<vmem>>) dst(%dma_wait3A_295 : memref<10240xf32, #tpu.memory_space<vmem_shared>>)
        %dma_wait3A_296 = arith.constant 3 : i32
        %dma_wait3A_297 = arith.constant 1 : i32
        %dma_wait3A_298 = arith.constant 0 : i32
        %dma_wait3A_299 = tpu.memref_slice %arg5[%dma_wait3A_296, %dma_wait3A_297, %dma_wait3A_298] : memref<6x2x128xi32, #tpu.memory_space<vmem>> -> memref<1x1x128xi32, #tpu.memory_space<vmem>>
        %dma_wait3A_300 = tpu.memref_squeeze %dma_wait3A_299 : memref<1x1x128xi32, #tpu.memory_space<vmem>> -> memref<128xi32, #tpu.memory_space<vmem>>
        %dma_wait3A_301 = arith.constant 0 : i32
        %dma_wait3A_302 = tpu.memref_slice %arg8[%dma_wait3A_301] : memref<10240xf32, #tpu.memory_space<vmem_shared>> -> memref<10240xf32, #tpu.memory_space<vmem_shared>>
        tpu.wait_indirect_dma semaphore(%arg18 : memref<!tpu.dma_semaphore, #tpu.memory_space<semaphore_mem>>) src(%arg6 : memref<128xf32, #tpu.memory_space<vmem>>) dst(%dma_wait3A_302 : memref<10240xf32, #tpu.memory_space<vmem_shared>>)
      } else {
      }
      %add3A_138 = arith.constant 2 : i32
      %add3A_139 = arith.addi %add3A_124, %add3A_138 : i32
      %mul3A_140 = arith.constant 32 : i32
      %mul3A_141 = arith.muli %mul3A_140, %add3A_139 : i32
      %add3A_142 = arith.addi %add3A, %mul3A_141 : i32
      %lt3A_143 = arith.constant 2500 : i32
      %lt3A_144 = arith.cmpi slt, %add3A_142, %lt3A_143 : i32
      %convert_element_type3A_145 = arith.extui %lt3A_144 : i1 to i32
      %cond3A_146 = arith.constant 0 : i32
      %cond3A_147 = arith.cmpi ne, %convert_element_type3A_145, %cond3A_146 : i32
      scf.if %cond3A_147 {
        %add3A_288 = arith.constant 2 : i32
        %add3A_289 = arith.addi %add3A_124, %add3A_288 : i32
        %mul3A_290 = arith.constant 32 : i32
        %mul3A_291 = arith.muli %mul3A_290, %add3A_289 : i32
        %add3A_292 = arith.addi %add3A, %mul3A_291 : i32
        %mul3A_293 = arith.constant 128 : i32
        %mul3A_294 = arith.muli %add3A_292, %mul3A_293 : i32
        %dma_start3A_295 = arith.constant 3 : i32
        %dma_start3A_296 = arith.constant 0 : i32
        %dma_start3A_297 = arith.constant 0 : i32
        %dma_start3A_298 = tpu.memref_slice %arg5[%dma_start3A_295, %dma_start3A_296, %dma_start3A_297] : memref<6x2x128xi32, #tpu.memory_space<vmem>> -> memref<1x2x128xi32, #tpu.memory_space<vmem>>
        %dma_start3A_299 = tpu.memref_squeeze %dma_start3A_298 : memref<1x2x128xi32, #tpu.memory_space<vmem>> -> memref<2x128xi32, #tpu.memory_space<vmem>>
        %dma_start3A_300 = arith.constant 0 : i32
        %dma_start3A_301 = tpu.memref_slice %arg2[%dma_start3A_300, %mul3A_294] : memref<2x320000xi32, #tpu.memory_space<hbm>> -> memref<2x128xi32, #tpu.memory_space<hbm>>
        %dma_start3A_302 = arith.constant 0 : i32
        %dma_start3A_303 = arith.constant 0 : i32
        %dma_start3A_304 = tpu.memref_slice %arg5[%dma_start3A_295, %dma_start3A_302, %dma_start3A_303] : memref<6x2x128xi32, #tpu.memory_space<vmem>> -> memref<1x2x128xi32, #tpu.memory_space<vmem>>
        %dma_start3A_305 = tpu.memref_squeeze %dma_start3A_304 : memref<1x2x128xi32, #tpu.memory_space<vmem>> -> memref<2x128xi32, #tpu.memory_space<vmem>>
        %dma_start3A_306 = arith.constant 0 : i32
        %dma_start3A_307 = tpu.memref_slice %arg2[%dma_start3A_306, %mul3A_294] : memref<2x320000xi32, #tpu.memory_space<hbm>> -> memref<2x128xi32, #tpu.memory_space<hbm>>
        tpu.enqueue_dma source(%dma_start3A_307 : memref<2x128xi32, #tpu.memory_space<hbm>>) target(%dma_start3A_305 : memref<2x128xi32, #tpu.memory_space<vmem>>) target_semaphore(%arg12 : memref<!tpu.dma_semaphore, #tpu.memory_space<semaphore_mem>>)
      } else {
      }
      %mul3A_148 = arith.constant 32 : i32
      %mul3A_149 = arith.muli %mul3A_148, %add3A_124 : i32
      %add3A_150 = arith.addi %add3A, %mul3A_149 : i32
      %lt3A_151 = arith.constant 2500 : i32
      %lt3A_152 = arith.cmpi slt, %add3A_150, %lt3A_151 : i32
      %convert_element_type3A_153 = arith.extui %lt3A_152 : i1 to i32
      %cond3A_154 = arith.constant 0 : i32
      %cond3A_155 = arith.cmpi ne, %convert_element_type3A_153, %cond3A_154 : i32
      scf.if %cond3A_155 {
        %mul3A_288 = arith.constant 32 : i32
        %mul3A_289 = arith.muli %mul3A_288, %add3A_124 : i32
        %add3A_290 = arith.addi %add3A, %mul3A_289 : i32
        %mul3A_291 = arith.constant 128 : i32
        %mul3A_292 = arith.muli %add3A_290, %mul3A_291 : i32
        %dma_wait3A = arith.constant 1 : i32
        %dma_wait3A_293 = arith.constant 0 : i32
        %dma_wait3A_294 = arith.constant 0 : i32
        %dma_wait3A_295 = tpu.memref_slice %arg5[%dma_wait3A, %dma_wait3A_293, %dma_wait3A_294] : memref<6x2x128xi32, #tpu.memory_space<vmem>> -> memref<1x2x128xi32, #tpu.memory_space<vmem>>
        %dma_wait3A_296 = tpu.memref_squeeze %dma_wait3A_295 : memref<1x2x128xi32, #tpu.memory_space<vmem>> -> memref<2x128xi32, #tpu.memory_space<vmem>>
        %dma_wait3A_297 = arith.constant 0 : i32
        %dma_wait3A_298 = tpu.memref_slice %arg2[%dma_wait3A_297, %mul3A_292] : memref<2x320000xi32, #tpu.memory_space<hbm>> -> memref<2x128xi32, #tpu.memory_space<hbm>>
        %dma_wait3A_299 = arith.constant 0 : i32
        %dma_wait3A_300 = arith.constant 0 : i32
        %dma_wait3A_301 = tpu.memref_slice %arg5[%dma_wait3A, %dma_wait3A_299, %dma_wait3A_300] : memref<6x2x128xi32, #tpu.memory_space<vmem>> -> memref<1x2x128xi32, #tpu.memory_space<vmem>>
        %dma_wait3A_302 = tpu.memref_squeeze %dma_wait3A_301 : memref<1x2x128xi32, #tpu.memory_space<vmem>> -> memref<2x128xi32, #tpu.memory_space<vmem>>
        %dma_wait3A_303 = arith.constant 0 : i32
        %dma_wait3A_304 = tpu.memref_slice %arg2[%dma_wait3A_303, %mul3A_292] : memref<2x320000xi32, #tpu.memory_space<hbm>> -> memref<2x128xi32, #tpu.memory_space<hbm>>
        tpu.wait_dma2 semaphore(%arg10 : memref<!tpu.dma_semaphore, #tpu.memory_space<semaphore_mem>>) src(%dma_wait3A_304 : memref<2x128xi32, #tpu.memory_space<hbm>>) dst(%dma_wait3A_302 : memref<2x128xi32, #tpu.memory_space<vmem>>)
        %dma_start3A_305 = arith.constant 1 : i32
        %dma_start3A_306 = arith.constant 0 : i32
        %dma_start3A_307 = arith.constant 0 : i32
        %dma_start3A_308 = tpu.memref_slice %arg5[%dma_start3A_305, %dma_start3A_306, %dma_start3A_307] : memref<6x2x128xi32, #tpu.memory_space<vmem>> -> memref<1x1x128xi32, #tpu.memory_space<vmem>>
        %dma_start3A_309 = tpu.memref_squeeze %dma_start3A_308 : memref<1x1x128xi32, #tpu.memory_space<vmem>> -> memref<128xi32, #tpu.memory_space<vmem>>
        %dma_start3A_310 = arith.constant 0 : i32
        %dma_start3A_311 = tpu.memref_slice %arg7[%dma_start3A_310] : memref<10240xf32, #tpu.memory_space<vmem_shared>> -> memref<10240xf32, #tpu.memory_space<vmem_shared>>
        tpu.enqueue_indirect_dma source(%arg6 : memref<128xf32, #tpu.memory_space<vmem>>) target(%dma_start3A_311 : memref<10240xf32, #tpu.memory_space<vmem_shared>>) offsets(%dma_start3A_309 : memref<128xi32, #tpu.memory_space<vmem>>) semaphore(%arg16 : memref<!tpu.dma_semaphore, #tpu.memory_space<semaphore_mem>>) {add = true}
        %dma_start3A_312 = arith.constant 1 : i32
        %dma_start3A_313 = arith.constant 1 : i32
        %dma_start3A_314 = arith.constant 0 : i32
        %dma_start3A_315 = tpu.memref_slice %arg5[%dma_start3A_312, %dma_start3A_313, %dma_start3A_314] : memref<6x2x128xi32, #tpu.memory_space<vmem>> -> memref<1x1x128xi32, #tpu.memory_space<vmem>>
        %dma_start3A_316 = tpu.memref_squeeze %dma_start3A_315 : memref<1x1x128xi32, #tpu.memory_space<vmem>> -> memref<128xi32, #tpu.memory_space<vmem>>
        %dma_start3A_317 = arith.constant 0 : i32
        %dma_start3A_318 = tpu.memref_slice %arg8[%dma_start3A_317] : memref<10240xf32, #tpu.memory_space<vmem_shared>> -> memref<10240xf32, #tpu.memory_space<vmem_shared>>
        tpu.enqueue_indirect_dma source(%arg6 : memref<128xf32, #tpu.memory_space<vmem>>) target(%dma_start3A_318 : memref<10240xf32, #tpu.memory_space<vmem_shared>>) offsets(%dma_start3A_316 : memref<128xi32, #tpu.memory_space<vmem>>) semaphore(%arg16 : memref<!tpu.dma_semaphore, #tpu.memory_space<semaphore_mem>>) {add = true}
      } else {
      }
      %add3A_156 = arith.constant 2 : i32
      %add3A_157 = arith.addi %add3A_95, %add3A_156 : i32
      %ge3A_158 = arith.constant 4 : i32
      %ge3A_159 = arith.cmpi sge, %add3A_157, %ge3A_158 : i32
      %sub3A_160 = arith.constant 4 : i32
      %sub3A_161 = arith.subi %add3A_157, %sub3A_160 : i32
      %mul3A_162 = arith.constant 32 : i32
      %mul3A_163 = arith.muli %mul3A_162, %sub3A_161 : i32
      %add3A_164 = arith.addi %add3A, %mul3A_163 : i32
      %lt3A_165 = arith.constant 2500 : i32
      %lt3A_166 = arith.cmpi slt, %add3A_164, %lt3A_165 : i32
      %and3A_167 = arith.andi %ge3A_159, %lt3A_166 : i1
      %convert_element_type3A_168 = arith.extui %and3A_167 : i1 to i32
      %cond3A_169 = arith.constant 0 : i32
      %cond3A_170 = arith.cmpi ne, %convert_element_type3A_168, %cond3A_169 : i32
      scf.if %cond3A_170 {
        %sub3A_288 = arith.constant 4 : i32
        %sub3A_289 = arith.subi %add3A_157, %sub3A_288 : i32
        %dma_wait3A = arith.constant 4 : i32
        %dma_wait3A_290 = arith.constant 0 : i32
        %dma_wait3A_291 = arith.constant 0 : i32
        %dma_wait3A_292 = tpu.memref_slice %arg5[%dma_wait3A, %dma_wait3A_290, %dma_wait3A_291] : memref<6x2x128xi32, #tpu.memory_space<vmem>> -> memref<1x1x128xi32, #tpu.memory_space<vmem>>
        %dma_wait3A_293 = tpu.memref_squeeze %dma_wait3A_292 : memref<1x1x128xi32, #tpu.memory_space<vmem>> -> memref<128xi32, #tpu.memory_space<vmem>>
        %dma_wait3A_294 = arith.constant 0 : i32
        %dma_wait3A_295 = tpu.memref_slice %arg7[%dma_wait3A_294] : memref<10240xf32, #tpu.memory_space<vmem_shared>> -> memref<10240xf32, #tpu.memory_space<vmem_shared>>
        tpu.wait_indirect_dma semaphore(%arg19 : memref<!tpu.dma_semaphore, #tpu.memory_space<semaphore_mem>>) src(%arg6 : memref<128xf32, #tpu.memory_space<vmem>>) dst(%dma_wait3A_295 : memref<10240xf32, #tpu.memory_space<vmem_shared>>)
        %dma_wait3A_296 = arith.constant 4 : i32
        %dma_wait3A_297 = arith.constant 1 : i32
        %dma_wait3A_298 = arith.constant 0 : i32
        %dma_wait3A_299 = tpu.memref_slice %arg5[%dma_wait3A_296, %dma_wait3A_297, %dma_wait3A_298] : memref<6x2x128xi32, #tpu.memory_space<vmem>> -> memref<1x1x128xi32, #tpu.memory_space<vmem>>
        %dma_wait3A_300 = tpu.memref_squeeze %dma_wait3A_299 : memref<1x1x128xi32, #tpu.memory_space<vmem>> -> memref<128xi32, #tpu.memory_space<vmem>>
        %dma_wait3A_301 = arith.constant 0 : i32
        %dma_wait3A_302 = tpu.memref_slice %arg8[%dma_wait3A_301] : memref<10240xf32, #tpu.memory_space<vmem_shared>> -> memref<10240xf32, #tpu.memory_space<vmem_shared>>
        tpu.wait_indirect_dma semaphore(%arg19 : memref<!tpu.dma_semaphore, #tpu.memory_space<semaphore_mem>>) src(%arg6 : memref<128xf32, #tpu.memory_space<vmem>>) dst(%dma_wait3A_302 : memref<10240xf32, #tpu.memory_space<vmem_shared>>)
      } else {
      }
      %add3A_171 = arith.constant 2 : i32
      %add3A_172 = arith.addi %add3A_157, %add3A_171 : i32
      %mul3A_173 = arith.constant 32 : i32
      %mul3A_174 = arith.muli %mul3A_173, %add3A_172 : i32
      %add3A_175 = arith.addi %add3A, %mul3A_174 : i32
      %lt3A_176 = arith.constant 2500 : i32
      %lt3A_177 = arith.cmpi slt, %add3A_175, %lt3A_176 : i32
      %convert_element_type3A_178 = arith.extui %lt3A_177 : i1 to i32
      %cond3A_179 = arith.constant 0 : i32
      %cond3A_180 = arith.cmpi ne, %convert_element_type3A_178, %cond3A_179 : i32
      scf.if %cond3A_180 {
        %add3A_288 = arith.constant 2 : i32
        %add3A_289 = arith.addi %add3A_157, %add3A_288 : i32
        %mul3A_290 = arith.constant 32 : i32
        %mul3A_291 = arith.muli %mul3A_290, %add3A_289 : i32
        %add3A_292 = arith.addi %add3A, %mul3A_291 : i32
        %mul3A_293 = arith.constant 128 : i32
        %mul3A_294 = arith.muli %add3A_292, %mul3A_293 : i32
        %dma_start3A_295 = arith.constant 4 : i32
        %dma_start3A_296 = arith.constant 0 : i32
        %dma_start3A_297 = arith.constant 0 : i32
        %dma_start3A_298 = tpu.memref_slice %arg5[%dma_start3A_295, %dma_start3A_296, %dma_start3A_297] : memref<6x2x128xi32, #tpu.memory_space<vmem>> -> memref<1x2x128xi32, #tpu.memory_space<vmem>>
        %dma_start3A_299 = tpu.memref_squeeze %dma_start3A_298 : memref<1x2x128xi32, #tpu.memory_space<vmem>> -> memref<2x128xi32, #tpu.memory_space<vmem>>
        %dma_start3A_300 = arith.constant 0 : i32
        %dma_start3A_301 = tpu.memref_slice %arg2[%dma_start3A_300, %mul3A_294] : memref<2x320000xi32, #tpu.memory_space<hbm>> -> memref<2x128xi32, #tpu.memory_space<hbm>>
        %dma_start3A_302 = arith.constant 0 : i32
        %dma_start3A_303 = arith.constant 0 : i32
        %dma_start3A_304 = tpu.memref_slice %arg5[%dma_start3A_295, %dma_start3A_302, %dma_start3A_303] : memref<6x2x128xi32, #tpu.memory_space<vmem>> -> memref<1x2x128xi32, #tpu.memory_space<vmem>>
        %dma_start3A_305 = tpu.memref_squeeze %dma_start3A_304 : memref<1x2x128xi32, #tpu.memory_space<vmem>> -> memref<2x128xi32, #tpu.memory_space<vmem>>
        %dma_start3A_306 = arith.constant 0 : i32
        %dma_start3A_307 = tpu.memref_slice %arg2[%dma_start3A_306, %mul3A_294] : memref<2x320000xi32, #tpu.memory_space<hbm>> -> memref<2x128xi32, #tpu.memory_space<hbm>>
        tpu.enqueue_dma source(%dma_start3A_307 : memref<2x128xi32, #tpu.memory_space<hbm>>) target(%dma_start3A_305 : memref<2x128xi32, #tpu.memory_space<vmem>>) target_semaphore(%arg13 : memref<!tpu.dma_semaphore, #tpu.memory_space<semaphore_mem>>)
      } else {
      }
      %mul3A_181 = arith.constant 32 : i32
      %mul3A_182 = arith.muli %mul3A_181, %add3A_157 : i32
      %add3A_183 = arith.addi %add3A, %mul3A_182 : i32
      %lt3A_184 = arith.constant 2500 : i32
      %lt3A_185 = arith.cmpi slt, %add3A_183, %lt3A_184 : i32
      %convert_element_type3A_186 = arith.extui %lt3A_185 : i1 to i32
      %cond3A_187 = arith.constant 0 : i32
      %cond3A_188 = arith.cmpi ne, %convert_element_type3A_186, %cond3A_187 : i32
      scf.if %cond3A_188 {
        %mul3A_288 = arith.constant 32 : i32
        %mul3A_289 = arith.muli %mul3A_288, %add3A_157 : i32
        %add3A_290 = arith.addi %add3A, %mul3A_289 : i32
        %mul3A_291 = arith.constant 128 : i32
        %mul3A_292 = arith.muli %add3A_290, %mul3A_291 : i32
        %dma_wait3A = arith.constant 2 : i32
        %dma_wait3A_293 = arith.constant 0 : i32
        %dma_wait3A_294 = arith.constant 0 : i32
        %dma_wait3A_295 = tpu.memref_slice %arg5[%dma_wait3A, %dma_wait3A_293, %dma_wait3A_294] : memref<6x2x128xi32, #tpu.memory_space<vmem>> -> memref<1x2x128xi32, #tpu.memory_space<vmem>>
        %dma_wait3A_296 = tpu.memref_squeeze %dma_wait3A_295 : memref<1x2x128xi32, #tpu.memory_space<vmem>> -> memref<2x128xi32, #tpu.memory_space<vmem>>
        %dma_wait3A_297 = arith.constant 0 : i32
        %dma_wait3A_298 = tpu.memref_slice %arg2[%dma_wait3A_297, %mul3A_292] : memref<2x320000xi32, #tpu.memory_space<hbm>> -> memref<2x128xi32, #tpu.memory_space<hbm>>
        %dma_wait3A_299 = arith.constant 0 : i32
        %dma_wait3A_300 = arith.constant 0 : i32
        %dma_wait3A_301 = tpu.memref_slice %arg5[%dma_wait3A, %dma_wait3A_299, %dma_wait3A_300] : memref<6x2x128xi32, #tpu.memory_space<vmem>> -> memref<1x2x128xi32, #tpu.memory_space<vmem>>
        %dma_wait3A_302 = tpu.memref_squeeze %dma_wait3A_301 : memref<1x2x128xi32, #tpu.memory_space<vmem>> -> memref<2x128xi32, #tpu.memory_space<vmem>>
        %dma_wait3A_303 = arith.constant 0 : i32
        %dma_wait3A_304 = tpu.memref_slice %arg2[%dma_wait3A_303, %mul3A_292] : memref<2x320000xi32, #tpu.memory_space<hbm>> -> memref<2x128xi32, #tpu.memory_space<hbm>>
        tpu.wait_dma2 semaphore(%arg11 : memref<!tpu.dma_semaphore, #tpu.memory_space<semaphore_mem>>) src(%dma_wait3A_304 : memref<2x128xi32, #tpu.memory_space<hbm>>) dst(%dma_wait3A_302 : memref<2x128xi32, #tpu.memory_space<vmem>>)
        %dma_start3A_305 = arith.constant 2 : i32
        %dma_start3A_306 = arith.constant 0 : i32
        %dma_start3A_307 = arith.constant 0 : i32
        %dma_start3A_308 = tpu.memref_slice %arg5[%dma_start3A_305, %dma_start3A_306, %dma_start3A_307] : memref<6x2x128xi32, #tpu.memory_space<vmem>> -> memref<1x1x128xi32, #tpu.memory_space<vmem>>
        %dma_start3A_309 = tpu.memref_squeeze %dma_start3A_308 : memref<1x1x128xi32, #tpu.memory_space<vmem>> -> memref<128xi32, #tpu.memory_space<vmem>>
        %dma_start3A_310 = arith.constant 0 : i32
        %dma_start3A_311 = tpu.memref_slice %arg7[%dma_start3A_310] : memref<10240xf32, #tpu.memory_space<vmem_shared>> -> memref<10240xf32, #tpu.memory_space<vmem_shared>>
        tpu.enqueue_indirect_dma source(%arg6 : memref<128xf32, #tpu.memory_space<vmem>>) target(%dma_start3A_311 : memref<10240xf32, #tpu.memory_space<vmem_shared>>) offsets(%dma_start3A_309 : memref<128xi32, #tpu.memory_space<vmem>>) semaphore(%arg17 : memref<!tpu.dma_semaphore, #tpu.memory_space<semaphore_mem>>) {add = true}
        %dma_start3A_312 = arith.constant 2 : i32
        %dma_start3A_313 = arith.constant 1 : i32
        %dma_start3A_314 = arith.constant 0 : i32
        %dma_start3A_315 = tpu.memref_slice %arg5[%dma_start3A_312, %dma_start3A_313, %dma_start3A_314] : memref<6x2x128xi32, #tpu.memory_space<vmem>> -> memref<1x1x128xi32, #tpu.memory_space<vmem>>
        %dma_start3A_316 = tpu.memref_squeeze %dma_start3A_315 : memref<1x1x128xi32, #tpu.memory_space<vmem>> -> memref<128xi32, #tpu.memory_space<vmem>>
        %dma_start3A_317 = arith.constant 0 : i32
        %dma_start3A_318 = tpu.memref_slice %arg8[%dma_start3A_317] : memref<10240xf32, #tpu.memory_space<vmem_shared>> -> memref<10240xf32, #tpu.memory_space<vmem_shared>>
        tpu.enqueue_indirect_dma source(%arg6 : memref<128xf32, #tpu.memory_space<vmem>>) target(%dma_start3A_318 : memref<10240xf32, #tpu.memory_space<vmem_shared>>) offsets(%dma_start3A_316 : memref<128xi32, #tpu.memory_space<vmem>>) semaphore(%arg17 : memref<!tpu.dma_semaphore, #tpu.memory_space<semaphore_mem>>) {add = true}
      } else {
      }
      %add3A_189 = arith.constant 3 : i32
      %add3A_190 = arith.addi %add3A_95, %add3A_189 : i32
      %ge3A_191 = arith.constant 4 : i32
      %ge3A_192 = arith.cmpi sge, %add3A_190, %ge3A_191 : i32
      %sub3A_193 = arith.constant 4 : i32
      %sub3A_194 = arith.subi %add3A_190, %sub3A_193 : i32
      %mul3A_195 = arith.constant 32 : i32
      %mul3A_196 = arith.muli %mul3A_195, %sub3A_194 : i32
      %add3A_197 = arith.addi %add3A, %mul3A_196 : i32
      %lt3A_198 = arith.constant 2500 : i32
      %lt3A_199 = arith.cmpi slt, %add3A_197, %lt3A_198 : i32
      %and3A_200 = arith.andi %ge3A_192, %lt3A_199 : i1
      %convert_element_type3A_201 = arith.extui %and3A_200 : i1 to i32
      %cond3A_202 = arith.constant 0 : i32
      %cond3A_203 = arith.cmpi ne, %convert_element_type3A_201, %cond3A_202 : i32
      scf.if %cond3A_203 {
        %sub3A_288 = arith.constant 4 : i32
        %sub3A_289 = arith.subi %add3A_190, %sub3A_288 : i32
        %dma_wait3A = arith.constant 5 : i32
        %dma_wait3A_290 = arith.constant 0 : i32
        %dma_wait3A_291 = arith.constant 0 : i32
        %dma_wait3A_292 = tpu.memref_slice %arg5[%dma_wait3A, %dma_wait3A_290, %dma_wait3A_291] : memref<6x2x128xi32, #tpu.memory_space<vmem>> -> memref<1x1x128xi32, #tpu.memory_space<vmem>>
        %dma_wait3A_293 = tpu.memref_squeeze %dma_wait3A_292 : memref<1x1x128xi32, #tpu.memory_space<vmem>> -> memref<128xi32, #tpu.memory_space<vmem>>
        %dma_wait3A_294 = arith.constant 0 : i32
        %dma_wait3A_295 = tpu.memref_slice %arg7[%dma_wait3A_294] : memref<10240xf32, #tpu.memory_space<vmem_shared>> -> memref<10240xf32, #tpu.memory_space<vmem_shared>>
        tpu.wait_indirect_dma semaphore(%arg20 : memref<!tpu.dma_semaphore, #tpu.memory_space<semaphore_mem>>) src(%arg6 : memref<128xf32, #tpu.memory_space<vmem>>) dst(%dma_wait3A_295 : memref<10240xf32, #tpu.memory_space<vmem_shared>>)
        %dma_wait3A_296 = arith.constant 5 : i32
        %dma_wait3A_297 = arith.constant 1 : i32
        %dma_wait3A_298 = arith.constant 0 : i32
        %dma_wait3A_299 = tpu.memref_slice %arg5[%dma_wait3A_296, %dma_wait3A_297, %dma_wait3A_298] : memref<6x2x128xi32, #tpu.memory_space<vmem>> -> memref<1x1x128xi32, #tpu.memory_space<vmem>>
        %dma_wait3A_300 = tpu.memref_squeeze %dma_wait3A_299 : memref<1x1x128xi32, #tpu.memory_space<vmem>> -> memref<128xi32, #tpu.memory_space<vmem>>
        %dma_wait3A_301 = arith.constant 0 : i32
        %dma_wait3A_302 = tpu.memref_slice %arg8[%dma_wait3A_301] : memref<10240xf32, #tpu.memory_space<vmem_shared>> -> memref<10240xf32, #tpu.memory_space<vmem_shared>>
        tpu.wait_indirect_dma semaphore(%arg20 : memref<!tpu.dma_semaphore, #tpu.memory_space<semaphore_mem>>) src(%arg6 : memref<128xf32, #tpu.memory_space<vmem>>) dst(%dma_wait3A_302 : memref<10240xf32, #tpu.memory_space<vmem_shared>>)
      } else {
      }
      %add3A_204 = arith.constant 2 : i32
      %add3A_205 = arith.addi %add3A_190, %add3A_204 : i32
      %mul3A_206 = arith.constant 32 : i32
      %mul3A_207 = arith.muli %mul3A_206, %add3A_205 : i32
      %add3A_208 = arith.addi %add3A, %mul3A_207 : i32
      %lt3A_209 = arith.constant 2500 : i32
      %lt3A_210 = arith.cmpi slt, %add3A_208, %lt3A_209 : i32
      %convert_element_type3A_211 = arith.extui %lt3A_210 : i1 to i32
      %cond3A_212 = arith.constant 0 : i32
      %cond3A_213 = arith.cmpi ne, %convert_element_type3A_211, %cond3A_212 : i32
      scf.if %cond3A_213 {
        %add3A_288 = arith.constant 2 : i32
        %add3A_289 = arith.addi %add3A_190, %add3A_288 : i32
        %mul3A_290 = arith.constant 32 : i32
        %mul3A_291 = arith.muli %mul3A_290, %add3A_289 : i32
        %add3A_292 = arith.addi %add3A, %mul3A_291 : i32
        %mul3A_293 = arith.constant 128 : i32
        %mul3A_294 = arith.muli %add3A_292, %mul3A_293 : i32
        %dma_start3A_295 = arith.constant 5 : i32
        %dma_start3A_296 = arith.constant 0 : i32
        %dma_start3A_297 = arith.constant 0 : i32
        %dma_start3A_298 = tpu.memref_slice %arg5[%dma_start3A_295, %dma_start3A_296, %dma_start3A_297] : memref<6x2x128xi32, #tpu.memory_space<vmem>> -> memref<1x2x128xi32, #tpu.memory_space<vmem>>
        %dma_start3A_299 = tpu.memref_squeeze %dma_start3A_298 : memref<1x2x128xi32, #tpu.memory_space<vmem>> -> memref<2x128xi32, #tpu.memory_space<vmem>>
        %dma_start3A_300 = arith.constant 0 : i32
        %dma_start3A_301 = tpu.memref_slice %arg2[%dma_start3A_300, %mul3A_294] : memref<2x320000xi32, #tpu.memory_space<hbm>> -> memref<2x128xi32, #tpu.memory_space<hbm>>
        %dma_start3A_302 = arith.constant 0 : i32
        %dma_start3A_303 = arith.constant 0 : i32
        %dma_start3A_304 = tpu.memref_slice %arg5[%dma_start3A_295, %dma_start3A_302, %dma_start3A_303] : memref<6x2x128xi32, #tpu.memory_space<vmem>> -> memref<1x2x128xi32, #tpu.memory_space<vmem>>
        %dma_start3A_305 = tpu.memref_squeeze %dma_start3A_304 : memref<1x2x128xi32, #tpu.memory_space<vmem>> -> memref<2x128xi32, #tpu.memory_space<vmem>>
        %dma_start3A_306 = arith.constant 0 : i32
        %dma_start3A_307 = tpu.memref_slice %arg2[%dma_start3A_306, %mul3A_294] : memref<2x320000xi32, #tpu.memory_space<hbm>> -> memref<2x128xi32, #tpu.memory_space<hbm>>
        tpu.enqueue_dma source(%dma_start3A_307 : memref<2x128xi32, #tpu.memory_space<hbm>>) target(%dma_start3A_305 : memref<2x128xi32, #tpu.memory_space<vmem>>) target_semaphore(%arg14 : memref<!tpu.dma_semaphore, #tpu.memory_space<semaphore_mem>>)
      } else {
      }
      %mul3A_214 = arith.constant 32 : i32
      %mul3A_215 = arith.muli %mul3A_214, %add3A_190 : i32
      %add3A_216 = arith.addi %add3A, %mul3A_215 : i32
      %lt3A_217 = arith.constant 2500 : i32
      %lt3A_218 = arith.cmpi slt, %add3A_216, %lt3A_217 : i32
      %convert_element_type3A_219 = arith.extui %lt3A_218 : i1 to i32
      %cond3A_220 = arith.constant 0 : i32
      %cond3A_221 = arith.cmpi ne, %convert_element_type3A_219, %cond3A_220 : i32
      scf.if %cond3A_221 {
        %mul3A_288 = arith.constant 32 : i32
        %mul3A_289 = arith.muli %mul3A_288, %add3A_190 : i32
        %add3A_290 = arith.addi %add3A, %mul3A_289 : i32
        %mul3A_291 = arith.constant 128 : i32
        %mul3A_292 = arith.muli %add3A_290, %mul3A_291 : i32
        %dma_wait3A = arith.constant 3 : i32
        %dma_wait3A_293 = arith.constant 0 : i32
        %dma_wait3A_294 = arith.constant 0 : i32
        %dma_wait3A_295 = tpu.memref_slice %arg5[%dma_wait3A, %dma_wait3A_293, %dma_wait3A_294] : memref<6x2x128xi32, #tpu.memory_space<vmem>> -> memref<1x2x128xi32, #tpu.memory_space<vmem>>
        %dma_wait3A_296 = tpu.memref_squeeze %dma_wait3A_295 : memref<1x2x128xi32, #tpu.memory_space<vmem>> -> memref<2x128xi32, #tpu.memory_space<vmem>>
        %dma_wait3A_297 = arith.constant 0 : i32
        %dma_wait3A_298 = tpu.memref_slice %arg2[%dma_wait3A_297, %mul3A_292] : memref<2x320000xi32, #tpu.memory_space<hbm>> -> memref<2x128xi32, #tpu.memory_space<hbm>>
        %dma_wait3A_299 = arith.constant 0 : i32
        %dma_wait3A_300 = arith.constant 0 : i32
        %dma_wait3A_301 = tpu.memref_slice %arg5[%dma_wait3A, %dma_wait3A_299, %dma_wait3A_300] : memref<6x2x128xi32, #tpu.memory_space<vmem>> -> memref<1x2x128xi32, #tpu.memory_space<vmem>>
        %dma_wait3A_302 = tpu.memref_squeeze %dma_wait3A_301 : memref<1x2x128xi32, #tpu.memory_space<vmem>> -> memref<2x128xi32, #tpu.memory_space<vmem>>
        %dma_wait3A_303 = arith.constant 0 : i32
        %dma_wait3A_304 = tpu.memref_slice %arg2[%dma_wait3A_303, %mul3A_292] : memref<2x320000xi32, #tpu.memory_space<hbm>> -> memref<2x128xi32, #tpu.memory_space<hbm>>
        tpu.wait_dma2 semaphore(%arg12 : memref<!tpu.dma_semaphore, #tpu.memory_space<semaphore_mem>>) src(%dma_wait3A_304 : memref<2x128xi32, #tpu.memory_space<hbm>>) dst(%dma_wait3A_302 : memref<2x128xi32, #tpu.memory_space<vmem>>)
        %dma_start3A_305 = arith.constant 3 : i32
        %dma_start3A_306 = arith.constant 0 : i32
        %dma_start3A_307 = arith.constant 0 : i32
        %dma_start3A_308 = tpu.memref_slice %arg5[%dma_start3A_305, %dma_start3A_306, %dma_start3A_307] : memref<6x2x128xi32, #tpu.memory_space<vmem>> -> memref<1x1x128xi32, #tpu.memory_space<vmem>>
        %dma_start3A_309 = tpu.memref_squeeze %dma_start3A_308 : memref<1x1x128xi32, #tpu.memory_space<vmem>> -> memref<128xi32, #tpu.memory_space<vmem>>
        %dma_start3A_310 = arith.constant 0 : i32
        %dma_start3A_311 = tpu.memref_slice %arg7[%dma_start3A_310] : memref<10240xf32, #tpu.memory_space<vmem_shared>> -> memref<10240xf32, #tpu.memory_space<vmem_shared>>
        tpu.enqueue_indirect_dma source(%arg6 : memref<128xf32, #tpu.memory_space<vmem>>) target(%dma_start3A_311 : memref<10240xf32, #tpu.memory_space<vmem_shared>>) offsets(%dma_start3A_309 : memref<128xi32, #tpu.memory_space<vmem>>) semaphore(%arg18 : memref<!tpu.dma_semaphore, #tpu.memory_space<semaphore_mem>>) {add = true}
        %dma_start3A_312 = arith.constant 3 : i32
        %dma_start3A_313 = arith.constant 1 : i32
        %dma_start3A_314 = arith.constant 0 : i32
        %dma_start3A_315 = tpu.memref_slice %arg5[%dma_start3A_312, %dma_start3A_313, %dma_start3A_314] : memref<6x2x128xi32, #tpu.memory_space<vmem>> -> memref<1x1x128xi32, #tpu.memory_space<vmem>>
        %dma_start3A_316 = tpu.memref_squeeze %dma_start3A_315 : memref<1x1x128xi32, #tpu.memory_space<vmem>> -> memref<128xi32, #tpu.memory_space<vmem>>
        %dma_start3A_317 = arith.constant 0 : i32
        %dma_start3A_318 = tpu.memref_slice %arg8[%dma_start3A_317] : memref<10240xf32, #tpu.memory_space<vmem_shared>> -> memref<10240xf32, #tpu.memory_space<vmem_shared>>
        tpu.enqueue_indirect_dma source(%arg6 : memref<128xf32, #tpu.memory_space<vmem>>) target(%dma_start3A_318 : memref<10240xf32, #tpu.memory_space<vmem_shared>>) offsets(%dma_start3A_316 : memref<128xi32, #tpu.memory_space<vmem>>) semaphore(%arg18 : memref<!tpu.dma_semaphore, #tpu.memory_space<semaphore_mem>>) {add = true}
      } else {
      }
      %add3A_222 = arith.constant 4 : i32
      %add3A_223 = arith.addi %add3A_95, %add3A_222 : i32
      %ge3A_224 = arith.constant 4 : i32
      %ge3A_225 = arith.cmpi sge, %add3A_223, %ge3A_224 : i32
      %sub3A_226 = arith.constant 4 : i32
      %sub3A_227 = arith.subi %add3A_223, %sub3A_226 : i32
      %mul3A_228 = arith.constant 32 : i32
      %mul3A_229 = arith.muli %mul3A_228, %sub3A_227 : i32
      %add3A_230 = arith.addi %add3A, %mul3A_229 : i32
      %lt3A_231 = arith.constant 2500 : i32
      %lt3A_232 = arith.cmpi slt, %add3A_230, %lt3A_231 : i32
      %and3A_233 = arith.andi %ge3A_225, %lt3A_232 : i1
      %convert_element_type3A_234 = arith.extui %and3A_233 : i1 to i32
      %cond3A_235 = arith.constant 0 : i32
      %cond3A_236 = arith.cmpi ne, %convert_element_type3A_234, %cond3A_235 : i32
      scf.if %cond3A_236 {
        %sub3A_288 = arith.constant 4 : i32
        %sub3A_289 = arith.subi %add3A_223, %sub3A_288 : i32
        %dma_wait3A = arith.constant 0 : i32
        %dma_wait3A_290 = arith.constant 0 : i32
        %dma_wait3A_291 = arith.constant 0 : i32
        %dma_wait3A_292 = tpu.memref_slice %arg5[%dma_wait3A, %dma_wait3A_290, %dma_wait3A_291] : memref<6x2x128xi32, #tpu.memory_space<vmem>> -> memref<1x1x128xi32, #tpu.memory_space<vmem>>
        %dma_wait3A_293 = tpu.memref_squeeze %dma_wait3A_292 : memref<1x1x128xi32, #tpu.memory_space<vmem>> -> memref<128xi32, #tpu.memory_space<vmem>>
        %dma_wait3A_294 = arith.constant 0 : i32
        %dma_wait3A_295 = tpu.memref_slice %arg7[%dma_wait3A_294] : memref<10240xf32, #tpu.memory_space<vmem_shared>> -> memref<10240xf32, #tpu.memory_space<vmem_shared>>
        tpu.wait_indirect_dma semaphore(%arg15 : memref<!tpu.dma_semaphore, #tpu.memory_space<semaphore_mem>>) src(%arg6 : memref<128xf32, #tpu.memory_space<vmem>>) dst(%dma_wait3A_295 : memref<10240xf32, #tpu.memory_space<vmem_shared>>)
        %dma_wait3A_296 = arith.constant 0 : i32
        %dma_wait3A_297 = arith.constant 1 : i32
        %dma_wait3A_298 = arith.constant 0 : i32
        %dma_wait3A_299 = tpu.memref_slice %arg5[%dma_wait3A_296, %dma_wait3A_297, %dma_wait3A_298] : memref<6x2x128xi32, #tpu.memory_space<vmem>> -> memref<1x1x128xi32, #tpu.memory_space<vmem>>
        %dma_wait3A_300 = tpu.memref_squeeze %dma_wait3A_299 : memref<1x1x128xi32, #tpu.memory_space<vmem>> -> memref<128xi32, #tpu.memory_space<vmem>>
        %dma_wait3A_301 = arith.constant 0 : i32
        %dma_wait3A_302 = tpu.memref_slice %arg8[%dma_wait3A_301] : memref<10240xf32, #tpu.memory_space<vmem_shared>> -> memref<10240xf32, #tpu.memory_space<vmem_shared>>
        tpu.wait_indirect_dma semaphore(%arg15 : memref<!tpu.dma_semaphore, #tpu.memory_space<semaphore_mem>>) src(%arg6 : memref<128xf32, #tpu.memory_space<vmem>>) dst(%dma_wait3A_302 : memref<10240xf32, #tpu.memory_space<vmem_shared>>)
      } else {
      }
      %add3A_237 = arith.constant 2 : i32
      %add3A_238 = arith.addi %add3A_223, %add3A_237 : i32
      %mul3A_239 = arith.constant 32 : i32
      %mul3A_240 = arith.muli %mul3A_239, %add3A_238 : i32
      %add3A_241 = arith.addi %add3A, %mul3A_240 : i32
      %lt3A_242 = arith.constant 2500 : i32
      %lt3A_243 = arith.cmpi slt, %add3A_241, %lt3A_242 : i32
      %convert_element_type3A_244 = arith.extui %lt3A_243 : i1 to i32
      %cond3A_245 = arith.constant 0 : i32
      %cond3A_246 = arith.cmpi ne, %convert_element_type3A_244, %cond3A_245 : i32
      scf.if %cond3A_246 {
        %add3A_288 = arith.constant 2 : i32
        %add3A_289 = arith.addi %add3A_223, %add3A_288 : i32
        %mul3A_290 = arith.constant 32 : i32
        %mul3A_291 = arith.muli %mul3A_290, %add3A_289 : i32
        %add3A_292 = arith.addi %add3A, %mul3A_291 : i32
        %mul3A_293 = arith.constant 128 : i32
        %mul3A_294 = arith.muli %add3A_292, %mul3A_293 : i32
        %dma_start3A_295 = arith.constant 0 : i32
        %dma_start3A_296 = arith.constant 0 : i32
        %dma_start3A_297 = arith.constant 0 : i32
        %dma_start3A_298 = tpu.memref_slice %arg5[%dma_start3A_295, %dma_start3A_296, %dma_start3A_297] : memref<6x2x128xi32, #tpu.memory_space<vmem>> -> memref<1x2x128xi32, #tpu.memory_space<vmem>>
        %dma_start3A_299 = tpu.memref_squeeze %dma_start3A_298 : memref<1x2x128xi32, #tpu.memory_space<vmem>> -> memref<2x128xi32, #tpu.memory_space<vmem>>
        %dma_start3A_300 = arith.constant 0 : i32
        %dma_start3A_301 = tpu.memref_slice %arg2[%dma_start3A_300, %mul3A_294] : memref<2x320000xi32, #tpu.memory_space<hbm>> -> memref<2x128xi32, #tpu.memory_space<hbm>>
        %dma_start3A_302 = arith.constant 0 : i32
        %dma_start3A_303 = arith.constant 0 : i32
        %dma_start3A_304 = tpu.memref_slice %arg5[%dma_start3A_295, %dma_start3A_302, %dma_start3A_303] : memref<6x2x128xi32, #tpu.memory_space<vmem>> -> memref<1x2x128xi32, #tpu.memory_space<vmem>>
        %dma_start3A_305 = tpu.memref_squeeze %dma_start3A_304 : memref<1x2x128xi32, #tpu.memory_space<vmem>> -> memref<2x128xi32, #tpu.memory_space<vmem>>
        %dma_start3A_306 = arith.constant 0 : i32
        %dma_start3A_307 = tpu.memref_slice %arg2[%dma_start3A_306, %mul3A_294] : memref<2x320000xi32, #tpu.memory_space<hbm>> -> memref<2x128xi32, #tpu.memory_space<hbm>>
        tpu.enqueue_dma source(%dma_start3A_307 : memref<2x128xi32, #tpu.memory_space<hbm>>) target(%dma_start3A_305 : memref<2x128xi32, #tpu.memory_space<vmem>>) target_semaphore(%arg9 : memref<!tpu.dma_semaphore, #tpu.memory_space<semaphore_mem>>)
      } else {
      }
      %mul3A_247 = arith.constant 32 : i32
      %mul3A_248 = arith.muli %mul3A_247, %add3A_223 : i32
      %add3A_249 = arith.addi %add3A, %mul3A_248 : i32
      %lt3A_250 = arith.constant 2500 : i32
      %lt3A_251 = arith.cmpi slt, %add3A_249, %lt3A_250 : i32
      %convert_element_type3A_252 = arith.extui %lt3A_251 : i1 to i32
      %cond3A_253 = arith.constant 0 : i32
      %cond3A_254 = arith.cmpi ne, %convert_element_type3A_252, %cond3A_253 : i32
      scf.if %cond3A_254 {
        %mul3A_288 = arith.constant 32 : i32
        %mul3A_289 = arith.muli %mul3A_288, %add3A_223 : i32
        %add3A_290 = arith.addi %add3A, %mul3A_289 : i32
        %mul3A_291 = arith.constant 128 : i32
        %mul3A_292 = arith.muli %add3A_290, %mul3A_291 : i32
        %dma_wait3A = arith.constant 4 : i32
        %dma_wait3A_293 = arith.constant 0 : i32
        %dma_wait3A_294 = arith.constant 0 : i32
        %dma_wait3A_295 = tpu.memref_slice %arg5[%dma_wait3A, %dma_wait3A_293, %dma_wait3A_294] : memref<6x2x128xi32, #tpu.memory_space<vmem>> -> memref<1x2x128xi32, #tpu.memory_space<vmem>>
        %dma_wait3A_296 = tpu.memref_squeeze %dma_wait3A_295 : memref<1x2x128xi32, #tpu.memory_space<vmem>> -> memref<2x128xi32, #tpu.memory_space<vmem>>
        %dma_wait3A_297 = arith.constant 0 : i32
        %dma_wait3A_298 = tpu.memref_slice %arg2[%dma_wait3A_297, %mul3A_292] : memref<2x320000xi32, #tpu.memory_space<hbm>> -> memref<2x128xi32, #tpu.memory_space<hbm>>
        %dma_wait3A_299 = arith.constant 0 : i32
        %dma_wait3A_300 = arith.constant 0 : i32
        %dma_wait3A_301 = tpu.memref_slice %arg5[%dma_wait3A, %dma_wait3A_299, %dma_wait3A_300] : memref<6x2x128xi32, #tpu.memory_space<vmem>> -> memref<1x2x128xi32, #tpu.memory_space<vmem>>
        %dma_wait3A_302 = tpu.memref_squeeze %dma_wait3A_301 : memref<1x2x128xi32, #tpu.memory_space<vmem>> -> memref<2x128xi32, #tpu.memory_space<vmem>>
        %dma_wait3A_303 = arith.constant 0 : i32
        %dma_wait3A_304 = tpu.memref_slice %arg2[%dma_wait3A_303, %mul3A_292] : memref<2x320000xi32, #tpu.memory_space<hbm>> -> memref<2x128xi32, #tpu.memory_space<hbm>>
        tpu.wait_dma2 semaphore(%arg13 : memref<!tpu.dma_semaphore, #tpu.memory_space<semaphore_mem>>) src(%dma_wait3A_304 : memref<2x128xi32, #tpu.memory_space<hbm>>) dst(%dma_wait3A_302 : memref<2x128xi32, #tpu.memory_space<vmem>>)
        %dma_start3A_305 = arith.constant 4 : i32
        %dma_start3A_306 = arith.constant 0 : i32
        %dma_start3A_307 = arith.constant 0 : i32
        %dma_start3A_308 = tpu.memref_slice %arg5[%dma_start3A_305, %dma_start3A_306, %dma_start3A_307] : memref<6x2x128xi32, #tpu.memory_space<vmem>> -> memref<1x1x128xi32, #tpu.memory_space<vmem>>
        %dma_start3A_309 = tpu.memref_squeeze %dma_start3A_308 : memref<1x1x128xi32, #tpu.memory_space<vmem>> -> memref<128xi32, #tpu.memory_space<vmem>>
        %dma_start3A_310 = arith.constant 0 : i32
        %dma_start3A_311 = tpu.memref_slice %arg7[%dma_start3A_310] : memref<10240xf32, #tpu.memory_space<vmem_shared>> -> memref<10240xf32, #tpu.memory_space<vmem_shared>>
        tpu.enqueue_indirect_dma source(%arg6 : memref<128xf32, #tpu.memory_space<vmem>>) target(%dma_start3A_311 : memref<10240xf32, #tpu.memory_space<vmem_shared>>) offsets(%dma_start3A_309 : memref<128xi32, #tpu.memory_space<vmem>>) semaphore(%arg19 : memref<!tpu.dma_semaphore, #tpu.memory_space<semaphore_mem>>) {add = true}
        %dma_start3A_312 = arith.constant 4 : i32
        %dma_start3A_313 = arith.constant 1 : i32
        %dma_start3A_314 = arith.constant 0 : i32
        %dma_start3A_315 = tpu.memref_slice %arg5[%dma_start3A_312, %dma_start3A_313, %dma_start3A_314] : memref<6x2x128xi32, #tpu.memory_space<vmem>> -> memref<1x1x128xi32, #tpu.memory_space<vmem>>
        %dma_start3A_316 = tpu.memref_squeeze %dma_start3A_315 : memref<1x1x128xi32, #tpu.memory_space<vmem>> -> memref<128xi32, #tpu.memory_space<vmem>>
        %dma_start3A_317 = arith.constant 0 : i32
        %dma_start3A_318 = tpu.memref_slice %arg8[%dma_start3A_317] : memref<10240xf32, #tpu.memory_space<vmem_shared>> -> memref<10240xf32, #tpu.memory_space<vmem_shared>>
        tpu.enqueue_indirect_dma source(%arg6 : memref<128xf32, #tpu.memory_space<vmem>>) target(%dma_start3A_318 : memref<10240xf32, #tpu.memory_space<vmem_shared>>) offsets(%dma_start3A_316 : memref<128xi32, #tpu.memory_space<vmem>>) semaphore(%arg19 : memref<!tpu.dma_semaphore, #tpu.memory_space<semaphore_mem>>) {add = true}
      } else {
      }
      %add3A_255 = arith.constant 5 : i32
      %add3A_256 = arith.addi %add3A_95, %add3A_255 : i32
      %ge3A_257 = arith.constant 4 : i32
      %ge3A_258 = arith.cmpi sge, %add3A_256, %ge3A_257 : i32
      %sub3A_259 = arith.constant 4 : i32
      %sub3A_260 = arith.subi %add3A_256, %sub3A_259 : i32
      %mul3A_261 = arith.constant 32 : i32
      %mul3A_262 = arith.muli %mul3A_261, %sub3A_260 : i32
      %add3A_263 = arith.addi %add3A, %mul3A_262 : i32
      %lt3A_264 = arith.constant 2500 : i32
      %lt3A_265 = arith.cmpi slt, %add3A_263, %lt3A_264 : i32
      %and3A_266 = arith.andi %ge3A_258, %lt3A_265 : i1
      %convert_element_type3A_267 = arith.extui %and3A_266 : i1 to i32
      %cond3A_268 = arith.constant 0 : i32
      %cond3A_269 = arith.cmpi ne, %convert_element_type3A_267, %cond3A_268 : i32
      scf.if %cond3A_269 {
        %sub3A_288 = arith.constant 4 : i32
        %sub3A_289 = arith.subi %add3A_256, %sub3A_288 : i32
        %dma_wait3A = arith.constant 1 : i32
        %dma_wait3A_290 = arith.constant 0 : i32
        %dma_wait3A_291 = arith.constant 0 : i32
        %dma_wait3A_292 = tpu.memref_slice %arg5[%dma_wait3A, %dma_wait3A_290, %dma_wait3A_291] : memref<6x2x128xi32, #tpu.memory_space<vmem>> -> memref<1x1x128xi32, #tpu.memory_space<vmem>>
        %dma_wait3A_293 = tpu.memref_squeeze %dma_wait3A_292 : memref<1x1x128xi32, #tpu.memory_space<vmem>> -> memref<128xi32, #tpu.memory_space<vmem>>
        %dma_wait3A_294 = arith.constant 0 : i32
        %dma_wait3A_295 = tpu.memref_slice %arg7[%dma_wait3A_294] : memref<10240xf32, #tpu.memory_space<vmem_shared>> -> memref<10240xf32, #tpu.memory_space<vmem_shared>>
        tpu.wait_indirect_dma semaphore(%arg16 : memref<!tpu.dma_semaphore, #tpu.memory_space<semaphore_mem>>) src(%arg6 : memref<128xf32, #tpu.memory_space<vmem>>) dst(%dma_wait3A_295 : memref<10240xf32, #tpu.memory_space<vmem_shared>>)
        %dma_wait3A_296 = arith.constant 1 : i32
        %dma_wait3A_297 = arith.constant 1 : i32
        %dma_wait3A_298 = arith.constant 0 : i32
        %dma_wait3A_299 = tpu.memref_slice %arg5[%dma_wait3A_296, %dma_wait3A_297, %dma_wait3A_298] : memref<6x2x128xi32, #tpu.memory_space<vmem>> -> memref<1x1x128xi32, #tpu.memory_space<vmem>>
        %dma_wait3A_300 = tpu.memref_squeeze %dma_wait3A_299 : memref<1x1x128xi32, #tpu.memory_space<vmem>> -> memref<128xi32, #tpu.memory_space<vmem>>
        %dma_wait3A_301 = arith.constant 0 : i32
        %dma_wait3A_302 = tpu.memref_slice %arg8[%dma_wait3A_301] : memref<10240xf32, #tpu.memory_space<vmem_shared>> -> memref<10240xf32, #tpu.memory_space<vmem_shared>>
        tpu.wait_indirect_dma semaphore(%arg16 : memref<!tpu.dma_semaphore, #tpu.memory_space<semaphore_mem>>) src(%arg6 : memref<128xf32, #tpu.memory_space<vmem>>) dst(%dma_wait3A_302 : memref<10240xf32, #tpu.memory_space<vmem_shared>>)
      } else {
      }
      %add3A_270 = arith.constant 2 : i32
      %add3A_271 = arith.addi %add3A_256, %add3A_270 : i32
      %mul3A_272 = arith.constant 32 : i32
      %mul3A_273 = arith.muli %mul3A_272, %add3A_271 : i32
      %add3A_274 = arith.addi %add3A, %mul3A_273 : i32
      %lt3A_275 = arith.constant 2500 : i32
      %lt3A_276 = arith.cmpi slt, %add3A_274, %lt3A_275 : i32
      %convert_element_type3A_277 = arith.extui %lt3A_276 : i1 to i32
      %cond3A_278 = arith.constant 0 : i32
      %cond3A_279 = arith.cmpi ne, %convert_element_type3A_277, %cond3A_278 : i32
      scf.if %cond3A_279 {
        %add3A_288 = arith.constant 2 : i32
        %add3A_289 = arith.addi %add3A_256, %add3A_288 : i32
        %mul3A_290 = arith.constant 32 : i32
        %mul3A_291 = arith.muli %mul3A_290, %add3A_289 : i32
        %add3A_292 = arith.addi %add3A, %mul3A_291 : i32
        %mul3A_293 = arith.constant 128 : i32
        %mul3A_294 = arith.muli %add3A_292, %mul3A_293 : i32
        %dma_start3A_295 = arith.constant 1 : i32
        %dma_start3A_296 = arith.constant 0 : i32
        %dma_start3A_297 = arith.constant 0 : i32
        %dma_start3A_298 = tpu.memref_slice %arg5[%dma_start3A_295, %dma_start3A_296, %dma_start3A_297] : memref<6x2x128xi32, #tpu.memory_space<vmem>> -> memref<1x2x128xi32, #tpu.memory_space<vmem>>
        %dma_start3A_299 = tpu.memref_squeeze %dma_start3A_298 : memref<1x2x128xi32, #tpu.memory_space<vmem>> -> memref<2x128xi32, #tpu.memory_space<vmem>>
        %dma_start3A_300 = arith.constant 0 : i32
        %dma_start3A_301 = tpu.memref_slice %arg2[%dma_start3A_300, %mul3A_294] : memref<2x320000xi32, #tpu.memory_space<hbm>> -> memref<2x128xi32, #tpu.memory_space<hbm>>
        %dma_start3A_302 = arith.constant 0 : i32
        %dma_start3A_303 = arith.constant 0 : i32
        %dma_start3A_304 = tpu.memref_slice %arg5[%dma_start3A_295, %dma_start3A_302, %dma_start3A_303] : memref<6x2x128xi32, #tpu.memory_space<vmem>> -> memref<1x2x128xi32, #tpu.memory_space<vmem>>
        %dma_start3A_305 = tpu.memref_squeeze %dma_start3A_304 : memref<1x2x128xi32, #tpu.memory_space<vmem>> -> memref<2x128xi32, #tpu.memory_space<vmem>>
        %dma_start3A_306 = arith.constant 0 : i32
        %dma_start3A_307 = tpu.memref_slice %arg2[%dma_start3A_306, %mul3A_294] : memref<2x320000xi32, #tpu.memory_space<hbm>> -> memref<2x128xi32, #tpu.memory_space<hbm>>
        tpu.enqueue_dma source(%dma_start3A_307 : memref<2x128xi32, #tpu.memory_space<hbm>>) target(%dma_start3A_305 : memref<2x128xi32, #tpu.memory_space<vmem>>) target_semaphore(%arg10 : memref<!tpu.dma_semaphore, #tpu.memory_space<semaphore_mem>>)
      } else {
      }
      %mul3A_280 = arith.constant 32 : i32
      %mul3A_281 = arith.muli %mul3A_280, %add3A_256 : i32
      %add3A_282 = arith.addi %add3A, %mul3A_281 : i32
      %lt3A_283 = arith.constant 2500 : i32
      %lt3A_284 = arith.cmpi slt, %add3A_282, %lt3A_283 : i32
      %convert_element_type3A_285 = arith.extui %lt3A_284 : i1 to i32
      %cond3A_286 = arith.constant 0 : i32
      %cond3A_287 = arith.cmpi ne, %convert_element_type3A_285, %cond3A_286 : i32
      scf.if %cond3A_287 {
        %mul3A_288 = arith.constant 32 : i32
        %mul3A_289 = arith.muli %mul3A_288, %add3A_256 : i32
        %add3A_290 = arith.addi %add3A, %mul3A_289 : i32
        %mul3A_291 = arith.constant 128 : i32
        %mul3A_292 = arith.muli %add3A_290, %mul3A_291 : i32
        %dma_wait3A = arith.constant 5 : i32
        %dma_wait3A_293 = arith.constant 0 : i32
        %dma_wait3A_294 = arith.constant 0 : i32
        %dma_wait3A_295 = tpu.memref_slice %arg5[%dma_wait3A, %dma_wait3A_293, %dma_wait3A_294] : memref<6x2x128xi32, #tpu.memory_space<vmem>> -> memref<1x2x128xi32, #tpu.memory_space<vmem>>
        %dma_wait3A_296 = tpu.memref_squeeze %dma_wait3A_295 : memref<1x2x128xi32, #tpu.memory_space<vmem>> -> memref<2x128xi32, #tpu.memory_space<vmem>>
        %dma_wait3A_297 = arith.constant 0 : i32
        %dma_wait3A_298 = tpu.memref_slice %arg2[%dma_wait3A_297, %mul3A_292] : memref<2x320000xi32, #tpu.memory_space<hbm>> -> memref<2x128xi32, #tpu.memory_space<hbm>>
        %dma_wait3A_299 = arith.constant 0 : i32
        %dma_wait3A_300 = arith.constant 0 : i32
        %dma_wait3A_301 = tpu.memref_slice %arg5[%dma_wait3A, %dma_wait3A_299, %dma_wait3A_300] : memref<6x2x128xi32, #tpu.memory_space<vmem>> -> memref<1x2x128xi32, #tpu.memory_space<vmem>>
        %dma_wait3A_302 = tpu.memref_squeeze %dma_wait3A_301 : memref<1x2x128xi32, #tpu.memory_space<vmem>> -> memref<2x128xi32, #tpu.memory_space<vmem>>
        %dma_wait3A_303 = arith.constant 0 : i32
        %dma_wait3A_304 = tpu.memref_slice %arg2[%dma_wait3A_303, %mul3A_292] : memref<2x320000xi32, #tpu.memory_space<hbm>> -> memref<2x128xi32, #tpu.memory_space<hbm>>
        tpu.wait_dma2 semaphore(%arg14 : memref<!tpu.dma_semaphore, #tpu.memory_space<semaphore_mem>>) src(%dma_wait3A_304 : memref<2x128xi32, #tpu.memory_space<hbm>>) dst(%dma_wait3A_302 : memref<2x128xi32, #tpu.memory_space<vmem>>)
        %dma_start3A_305 = arith.constant 5 : i32
        %dma_start3A_306 = arith.constant 0 : i32
        %dma_start3A_307 = arith.constant 0 : i32
        %dma_start3A_308 = tpu.memref_slice %arg5[%dma_start3A_305, %dma_start3A_306, %dma_start3A_307] : memref<6x2x128xi32, #tpu.memory_space<vmem>> -> memref<1x1x128xi32, #tpu.memory_space<vmem>>
        %dma_start3A_309 = tpu.memref_squeeze %dma_start3A_308 : memref<1x1x128xi32, #tpu.memory_space<vmem>> -> memref<128xi32, #tpu.memory_space<vmem>>
        %dma_start3A_310 = arith.constant 0 : i32
        %dma_start3A_311 = tpu.memref_slice %arg7[%dma_start3A_310] : memref<10240xf32, #tpu.memory_space<vmem_shared>> -> memref<10240xf32, #tpu.memory_space<vmem_shared>>
        tpu.enqueue_indirect_dma source(%arg6 : memref<128xf32, #tpu.memory_space<vmem>>) target(%dma_start3A_311 : memref<10240xf32, #tpu.memory_space<vmem_shared>>) offsets(%dma_start3A_309 : memref<128xi32, #tpu.memory_space<vmem>>) semaphore(%arg20 : memref<!tpu.dma_semaphore, #tpu.memory_space<semaphore_mem>>) {add = true}
        %dma_start3A_312 = arith.constant 5 : i32
        %dma_start3A_313 = arith.constant 1 : i32
        %dma_start3A_314 = arith.constant 0 : i32
        %dma_start3A_315 = tpu.memref_slice %arg5[%dma_start3A_312, %dma_start3A_313, %dma_start3A_314] : memref<6x2x128xi32, #tpu.memory_space<vmem>> -> memref<1x1x128xi32, #tpu.memory_space<vmem>>
        %dma_start3A_316 = tpu.memref_squeeze %dma_start3A_315 : memref<1x1x128xi32, #tpu.memory_space<vmem>> -> memref<128xi32, #tpu.memory_space<vmem>>
        %dma_start3A_317 = arith.constant 0 : i32
        %dma_start3A_318 = tpu.memref_slice %arg8[%dma_start3A_317] : memref<10240xf32, #tpu.memory_space<vmem_shared>> -> memref<10240xf32, #tpu.memory_space<vmem_shared>>
        tpu.enqueue_indirect_dma source(%arg6 : memref<128xf32, #tpu.memory_space<vmem>>) target(%dma_start3A_318 : memref<10240xf32, #tpu.memory_space<vmem_shared>>) offsets(%dma_start3A_316 : memref<128xi32, #tpu.memory_space<vmem>>) semaphore(%arg20 : memref<!tpu.dma_semaphore, #tpu.memory_space<semaphore_mem>>) {add = true}
      } else {
      }
    }
    %scan3A_73 = arith.constant 14 : i32
    %barrier3A_74 = arith.constant 0 : index
    tpu.barrier barrier_id(%barrier3A_74)
    %mul3A_75 = arith.constant 640 : i32
    %mul3A_76 = arith.muli %arg1, %mul3A_75 : i32
    %mul3A_77 = arith.constant 2 : i32
    %mul3A_78 = arith.muli %arg0, %mul3A_77 : i32
    %add3A_79 = arith.constant 0 : i32
    %add3A_80 = arith.addi %mul3A_78, %add3A_79 : i32
    %mul3A_81 = arith.constant 10240 : i32
    %mul3A_82 = arith.muli %add3A_80, %mul3A_81 : i32
    %add3A_83 = arith.addi %mul3A_82, %mul3A_76 : i32
    "tpu.region"() ({
      %run_scoped3A = tpu.sem_alloc : memref<!tpu.dma_semaphore, #tpu.memory_space<semaphore_mem>>
      %dma_start3A_91 = tpu.memref_slice %arg4[%add3A_83] : memref<40960xf32, #tpu.memory_space<hbm>> -> memref<640xf32, #tpu.memory_space<hbm>>
      %dma_start3A_92 = tpu.memref_slice %arg7[%mul3A_76] : memref<10240xf32, #tpu.memory_space<vmem_shared>> -> memref<640xf32, #tpu.memory_space<vmem_shared>>
      tpu.enqueue_dma source(%dma_start3A_92 : memref<640xf32, #tpu.memory_space<vmem_shared>>) target(%dma_start3A_91 : memref<640xf32, #tpu.memory_space<hbm>>) target_semaphore(%run_scoped3A : memref<!tpu.dma_semaphore, #tpu.memory_space<semaphore_mem>>)
      %dma_wait3A = tpu.memref_slice %arg4[%add3A_83] : memref<40960xf32, #tpu.memory_space<hbm>> -> memref<640xf32, #tpu.memory_space<hbm>>
      %dma_wait3A_93 = tpu.memref_slice %arg7[%mul3A_76] : memref<10240xf32, #tpu.memory_space<vmem_shared>> -> memref<640xf32, #tpu.memory_space<vmem_shared>>
      tpu.wait_dma2 semaphore(%run_scoped3A : memref<!tpu.dma_semaphore, #tpu.memory_space<semaphore_mem>>) src(%dma_wait3A_93 : memref<640xf32, #tpu.memory_space<vmem_shared>>) dst(%dma_wait3A : memref<640xf32, #tpu.memory_space<hbm>>)
      tpu.yield
    }) : () -> ()
    %mul3A_84 = arith.constant 2 : i32
    %mul3A_85 = arith.muli %arg0, %mul3A_84 : i32
    %add3A_86 = arith.constant 1 : i32
    %add3A_87 = arith.addi %mul3A_85, %add3A_86 : i32
    %mul3A_88 = arith.constant 10240 : i32
    %mul3A_89 = arith.muli %add3A_87, %mul3A_88 : i32
    %add3A_90 = arith.addi %mul3A_89, %mul3A_76 : i32
    "tpu.region"() ({
      %run_scoped3A = tpu.sem_alloc : memref<!tpu.dma_semaphore, #tpu.memory_space<semaphore_mem>>
      %dma_start3A_91 = tpu.memref_slice %arg4[%add3A_90] : memref<40960xf32, #tpu.memory_space<hbm>> -> memref<640xf32, #tpu.memory_space<hbm>>
      %dma_start3A_92 = tpu.memref_slice %arg8[%mul3A_76] : memref<10240xf32, #tpu.memory_space<vmem_shared>> -> memref<640xf32, #tpu.memory_space<vmem_shared>>
      tpu.enqueue_dma source(%dma_start3A_92 : memref<640xf32, #tpu.memory_space<vmem_shared>>) target(%dma_start3A_91 : memref<640xf32, #tpu.memory_space<hbm>>) target_semaphore(%run_scoped3A : memref<!tpu.dma_semaphore, #tpu.memory_space<semaphore_mem>>)
      %dma_wait3A = tpu.memref_slice %arg4[%add3A_90] : memref<40960xf32, #tpu.memory_space<hbm>> -> memref<640xf32, #tpu.memory_space<hbm>>
      %dma_wait3A_93 = tpu.memref_slice %arg8[%mul3A_76] : memref<10240xf32, #tpu.memory_space<vmem_shared>> -> memref<640xf32, #tpu.memory_space<vmem_shared>>
      tpu.wait_dma2 semaphore(%run_scoped3A : memref<!tpu.dma_semaphore, #tpu.memory_space<semaphore_mem>>) src(%dma_wait3A_93 : memref<640xf32, #tpu.memory_space<vmem_shared>>) dst(%dma_wait3A : memref<640xf32, #tpu.memory_space<hbm>>)
      tpu.yield
    }) : () -> ()
    return
  }
}

module attributes {stable_mosaic.version = 14 : i64} {
  func.func @_prep_body(%arg0: memref<10000x128xf32, #tpu.memory_space<vmem>>, %arg1: memref<40960xf32, #tpu.memory_space<vmem>>, %arg2: memref<10000x128xf32, #tpu.memory_space<vmem>>, %arg3: memref<10000x1xf32, #tpu.memory_space<vmem>>, %arg4: memref<10000x1xf32, #tpu.memory_space<vmem>>) attributes {dimension_semantics = [], scalar_prefetch = 0 : i64, scratch_operands = 0 : i64, tpu.core_type = #tpu.core_type<tc>} {
    %get3A = arith.constant 0 : index
    %get3A_0 = vector.load %arg1[%get3A] : memref<40960xf32, #tpu.memory_space<vmem>>, vector<10240xf32>
    %get3A_1 = arith.constant 20480 : index
    %get3A_2 = vector.load %arg1[%get3A_1] : memref<40960xf32, #tpu.memory_space<vmem>>, vector<10240xf32>
    %add3A = arith.addf %get3A_0, %get3A_2 : vector<10240xf32>
    %get3A_3 = arith.constant 10240 : index
    %get3A_4 = vector.load %arg1[%get3A_3] : memref<40960xf32, #tpu.memory_space<vmem>>, vector<10240xf32>
    %get3A_5 = arith.constant 30720 : index
    %get3A_6 = vector.load %arg1[%get3A_5] : memref<40960xf32, #tpu.memory_space<vmem>>, vector<10240xf32>
    %add3A_7 = arith.addf %get3A_4, %get3A_6 : vector<10240xf32>
    %max3A = arith.constant 1.000000e+00 : f32
    %max3A_8 = vector.broadcast %max3A : f32 to vector<10240xf32>
    %max3A_9 = arith.maximumf %add3A, %max3A_8 : vector<10240xf32>
    %rsqrt3A = math.rsqrt %max3A_9 : vector<10240xf32>
    %reshape3A = vector.shape_cast %rsqrt3A : vector<10240xf32> to vector<10240x1xf32>
    %slice3A = vector.extract_strided_slice %reshape3A {offsets = [0, 0], sizes = [10000, 1], strides = [1, 1]} : vector<10240x1xf32> to vector<10000x1xf32>
    %max3A_10 = arith.constant 1.000000e+00 : f32
    %max3A_11 = vector.broadcast %max3A_10 : f32 to vector<10240xf32>
    %max3A_12 = arith.maximumf %add3A_7, %max3A_11 : vector<10240xf32>
    %rsqrt3A_13 = math.rsqrt %max3A_12 : vector<10240xf32>
    %reshape3A_14 = vector.shape_cast %rsqrt3A_13 : vector<10240xf32> to vector<10240x1xf32>
    %slice3A_15 = vector.extract_strided_slice %reshape3A_14 {offsets = [0, 0], sizes = [10000, 1], strides = [1, 1]} : vector<10240x1xf32> to vector<10000x1xf32>
    %swap3A = arith.constant 0 : index
    %swap3A_16 = arith.constant 0 : index
    %swap3A_17 = vector.load %arg3[%swap3A, %swap3A_16] : memref<10000x1xf32, #tpu.memory_space<vmem>>, vector<10000x1xf32>
    tpu.vector_store %arg3[%swap3A, %swap3A_16], %slice3A {strides = array<i32>} : memref<10000x1xf32, #tpu.memory_space<vmem>>, vector<10000x1xf32>,
    %swap3A_18 = arith.constant 0 : index
    %swap3A_19 = arith.constant 0 : index
    %swap3A_20 = vector.load %arg4[%swap3A_18, %swap3A_19] : memref<10000x1xf32, #tpu.memory_space<vmem>>, vector<10000x1xf32>
    tpu.vector_store %arg4[%swap3A_18, %swap3A_19], %slice3A_15 {strides = array<i32>} : memref<10000x1xf32, #tpu.memory_space<vmem>>, vector<10000x1xf32>,
    %get3A_21 = arith.constant 0 : index
    %get3A_22 = arith.constant 0 : index
    %get3A_23 = vector.load %arg0[%get3A_21, %get3A_22] : memref<10000x128xf32, #tpu.memory_space<vmem>>, vector<10000x128xf32>
    %mul3A = vector.broadcast %slice3A : vector<10000x1xf32> to vector<10000x128xf32>
    %mul3A_24 = arith.mulf %get3A_23, %mul3A : vector<10000x128xf32>
    %swap3A_25 = arith.constant 0 : index
    %swap3A_26 = arith.constant 0 : index
    %swap3A_27 = vector.load %arg2[%swap3A_25, %swap3A_26] : memref<10000x128xf32, #tpu.memory_space<vmem>>, vector<10000x128xf32>
    tpu.vector_store %arg2[%swap3A_25, %swap3A_26], %mul3A_24 {strides = array<i32>} : memref<10000x128xf32, #tpu.memory_space<vmem>>, vector<10000x128xf32>,
    return
  }
}

module attributes {stable_mosaic.version = 14 : i64} {
  func.func @_layer_body(%arg0: i32, %arg1: memref<2x1000x128xf32, #tpu.memory_space<vmem>>, %arg2: memref<1000x1xf32, #tpu.memory_space<vmem>>, %arg3: memref<1000x1xf32, #tpu.memory_space<vmem>>, %arg4: memref<128x128xf32, #tpu.memory_space<vmem>>, %arg5: memref<1x128xf32, #tpu.memory_space<vmem>>, %arg6: memref<1000x128xf32, #tpu.memory_space<vmem>>) attributes {dimension_semantics = [#tpu.dimension_semantics<arbitrary>], iteration_bounds = array<i64: 10>, scalar_prefetch = 0 : i64, scratch_operands = 0 : i64, tpu.core_type = #tpu.core_type<tc>, window_params = [{transform_indices = @transform_0, window_bounds = array<i64: 2, 1000, 128>}, {transform_indices = @transform_1, window_bounds = array<i64: 1000, 1>}, {transform_indices = @transform_2, window_bounds = array<i64: 1000, 1>}, {pipeline_mode = #tpu.pipeline_mode<synchronous>, transform_indices = @transform_3, window_bounds = array<i64: 128, 128>}, {pipeline_mode = #tpu.pipeline_mode<synchronous>, transform_indices = @transform_4, window_bounds = array<i64: 1, 128>}, {transform_indices = @transform_5, window_bounds = array<i64: 1000, 128>}]} {
    %get3A = arith.constant 0 : index
    %get3A_0 = arith.constant 0 : index
    %get3A_1 = arith.constant 0 : index
    %get3A_2 = vector.load %arg1[%get3A, %get3A_0, %get3A_1] : memref<2x1000x128xf32, #tpu.memory_space<vmem>>, vector<1x1000x128xf32>
    %get3A_3 = vector.shape_cast %get3A_2 : vector<1x1000x128xf32> to vector<1000x128xf32>
    %get3A_4 = arith.constant 1 : index
    %get3A_5 = arith.constant 0 : index
    %get3A_6 = arith.constant 0 : index
    %get3A_7 = vector.load %arg1[%get3A_4, %get3A_5, %get3A_6] : memref<2x1000x128xf32, #tpu.memory_space<vmem>>, vector<1x1000x128xf32>
    %get3A_8 = vector.shape_cast %get3A_7 : vector<1x1000x128xf32> to vector<1000x128xf32>
    %add3A = arith.addf %get3A_3, %get3A_8 : vector<1000x128xf32>
    %get3A_9 = arith.constant 0 : index
    %get3A_10 = arith.constant 0 : index
    %get3A_11 = vector.load %arg2[%get3A_9, %get3A_10] : memref<1000x1xf32, #tpu.memory_space<vmem>>, vector<1000x1xf32>
    %mul3A = vector.broadcast %get3A_11 : vector<1000x1xf32> to vector<1000x128xf32>
    %mul3A_12 = arith.mulf %add3A, %mul3A : vector<1000x128xf32>
    %get3A_13 = arith.constant 0 : index
    %get3A_14 = arith.constant 0 : index
    %get3A_15 = vector.load %arg4[%get3A_13, %get3A_14] : memref<128x128xf32, #tpu.memory_space<vmem>>, vector<128x128xf32>
    %dot_general3A = arith.constant dense<0.000000e+00> : vector<1000x128xf32>
    %dot_general3A_16 = tpu.matmul %mul3A_12, %get3A_15, %dot_general3A {dimension_numbers = #tpu.dot_dimension_numbers<[1], [0], [0], [1], [0, 0, 1, 1], [], []>, transpose_lhs_hint = false} : vector<1000x128xf32>, vector<128x128xf32>, vector<1000x128xf32> -> vector<1000x128xf32>
    %get3A_17 = arith.constant 0 : index
    %get3A_18 = arith.constant 0 : index
    %get3A_19 = vector.load %arg5[%get3A_17, %get3A_18] : memref<1x128xf32, #tpu.memory_space<vmem>>, vector<1x128xf32>
    %add3A_20 = vector.broadcast %get3A_19 : vector<1x128xf32> to vector<1000x128xf32>
    %add3A_21 = arith.addf %dot_general3A_16, %add3A_20 : vector<1000x128xf32>
    %max3A = arith.constant 0.000000e+00 : f32
    %max3A_22 = vector.broadcast %max3A : f32 to vector<1000x128xf32>
    %max3A_23 = arith.maximumf %add3A_21, %max3A_22 : vector<1000x128xf32>
    %get3A_24 = arith.constant 0 : index
    %get3A_25 = arith.constant 0 : index
    %get3A_26 = vector.load %arg3[%get3A_24, %get3A_25] : memref<1000x1xf32, #tpu.memory_space<vmem>>, vector<1000x1xf32>
    %mul3A_27 = vector.broadcast %get3A_26 : vector<1000x1xf32> to vector<1000x128xf32>
    %mul3A_28 = arith.mulf %max3A_23, %mul3A_27 : vector<1000x128xf32>
    %swap3A = arith.constant 0 : index
    %swap3A_29 = arith.constant 0 : index
    %swap3A_30 = vector.load %arg6[%swap3A, %swap3A_29] : memref<1000x128xf32, #tpu.memory_space<vmem>>, vector<1000x128xf32>
    tpu.vector_store %arg6[%swap3A, %swap3A_29], %mul3A_28 {strides = array<i32>} : memref<1000x128xf32, #tpu.memory_space<vmem>>, vector<1000x128xf32>,
    return
  }
  func.func @transform_0(%arg0: i32) -> (i32, i32, i32) {
    %c0_i32 = arith.constant 0 : i32
    %c0_i32_0 = arith.constant 0 : i32
    %c0_i32_1 = arith.constant 0 : i32
    return %c0_i32, %arg0, %c0_i32_0 : i32, i32, i32
  }
  func.func @transform_1(%arg0: i32) -> (i32, i32) {
    %c0_i32 = arith.constant 0 : i32
    %c0_i32_0 = arith.constant 0 : i32
    return %arg0, %c0_i32 : i32, i32
  }
  func.func @transform_2(%arg0: i32) -> (i32, i32) {
    %c0_i32 = arith.constant 0 : i32
    %c0_i32_0 = arith.constant 0 : i32
    return %arg0, %c0_i32 : i32, i32
  }
  func.func @transform_3(%arg0: i32) -> (i32, i32) {
    %c0_i32 = arith.constant 0 : i32
    %c0_i32_0 = arith.constant 0 : i32
    %c0_i32_1 = arith.constant 0 : i32
    return %c0_i32, %c0_i32_0 : i32, i32
  }
  func.func @transform_4(%arg0: i32) -> (i32, i32) {
    %c0_i32 = arith.constant 0 : i32
    %c0_i32_0 = arith.constant 0 : i32
    %c0_i32_1 = arith.constant 0 : i32
    return %c0_i32, %c0_i32_0 : i32, i32
  }
  func.func @transform_5(%arg0: i32) -> (i32, i32) {
    %c0_i32 = arith.constant 0 : i32
    %c0_i32_0 = arith.constant 0 : i32
    return %arg0, %c0_i32 : i32, i32
  }
}

module attributes {stable_mosaic.version = 14 : i64} {
  func.func @_final_body(%arg0: i32, %arg1: memref<2x1000x128xf32, #tpu.memory_space<vmem>>, %arg2: memref<1000x1xf32, #tpu.memory_space<vmem>>, %arg3: memref<128x128xf32, #tpu.memory_space<vmem>>, %arg4: memref<1x128xf32, #tpu.memory_space<vmem>>, %arg5: memref<128x128xf32, #tpu.memory_space<vmem>>, %arg6: memref<1x128xf32, #tpu.memory_space<vmem>>, %arg7: memref<128x128xf32, #tpu.memory_space<vmem>>, %arg8: memref<1x128xf32, #tpu.memory_space<vmem>>, %arg9: memref<1000x128xf32, #tpu.memory_space<vmem>>) attributes {dimension_semantics = [#tpu.dimension_semantics<arbitrary>], iteration_bounds = array<i64: 10>, scalar_prefetch = 0 : i64, scratch_operands = 0 : i64, tpu.core_type = #tpu.core_type<tc>, window_params = [{transform_indices = @transform_0, window_bounds = array<i64: 2, 1000, 128>}, {transform_indices = @transform_1, window_bounds = array<i64: 1000, 1>}, {pipeline_mode = #tpu.pipeline_mode<synchronous>, transform_indices = @transform_2, window_bounds = array<i64: 128, 128>}, {pipeline_mode = #tpu.pipeline_mode<synchronous>, transform_indices = @transform_3, window_bounds = array<i64: 1, 128>}, {pipeline_mode = #tpu.pipeline_mode<synchronous>, transform_indices = @transform_4, window_bounds = array<i64: 128, 128>}, {pipeline_mode = #tpu.pipeline_mode<synchronous>, transform_indices = @transform_5, window_bounds = array<i64: 1, 128>}, {pipeline_mode = #tpu.pipeline_mode<synchronous>, transform_indices = @transform_6, window_bounds = array<i64: 128, 128>}, {pipeline_mode = #tpu.pipeline_mode<synchronous>, transform_indices = @transform_7, window_bounds = array<i64: 1, 128>}, {transform_indices = @transform_8, window_bounds = array<i64: 1000, 128>}]} {
    %get3A = arith.constant 0 : index
    %get3A_0 = arith.constant 0 : index
    %get3A_1 = arith.constant 0 : index
    %get3A_2 = vector.load %arg1[%get3A, %get3A_0, %get3A_1] : memref<2x1000x128xf32, #tpu.memory_space<vmem>>, vector<1x1000x128xf32>
    %get3A_3 = vector.shape_cast %get3A_2 : vector<1x1000x128xf32> to vector<1000x128xf32>
    %get3A_4 = arith.constant 1 : index
    %get3A_5 = arith.constant 0 : index
    %get3A_6 = arith.constant 0 : index
    %get3A_7 = vector.load %arg1[%get3A_4, %get3A_5, %get3A_6] : memref<2x1000x128xf32, #tpu.memory_space<vmem>>, vector<1x1000x128xf32>
    %get3A_8 = vector.shape_cast %get3A_7 : vector<1x1000x128xf32> to vector<1000x128xf32>
    %add3A = arith.addf %get3A_3, %get3A_8 : vector<1000x128xf32>
    %get3A_9 = arith.constant 0 : index
    %get3A_10 = arith.constant 0 : index
    %get3A_11 = vector.load %arg2[%get3A_9, %get3A_10] : memref<1000x1xf32, #tpu.memory_space<vmem>>, vector<1000x1xf32>
    %mul3A = vector.broadcast %get3A_11 : vector<1000x1xf32> to vector<1000x128xf32>
    %mul3A_12 = arith.mulf %add3A, %mul3A : vector<1000x128xf32>
    %get3A_13 = arith.constant 0 : index
    %get3A_14 = arith.constant 0 : index
    %get3A_15 = vector.load %arg3[%get3A_13, %get3A_14] : memref<128x128xf32, #tpu.memory_space<vmem>>, vector<128x128xf32>
    %dot_general3A = arith.constant dense<0.000000e+00> : vector<1000x128xf32>
    %dot_general3A_16 = tpu.matmul %mul3A_12, %get3A_15, %dot_general3A {dimension_numbers = #tpu.dot_dimension_numbers<[1], [0], [0], [1], [0, 0, 1, 1], [], []>, transpose_lhs_hint = false} : vector<1000x128xf32>, vector<128x128xf32>, vector<1000x128xf32> -> vector<1000x128xf32>
    %get3A_17 = arith.constant 0 : index
    %get3A_18 = arith.constant 0 : index
    %get3A_19 = vector.load %arg4[%get3A_17, %get3A_18] : memref<1x128xf32, #tpu.memory_space<vmem>>, vector<1x128xf32>
    %add3A_20 = vector.broadcast %get3A_19 : vector<1x128xf32> to vector<1000x128xf32>
    %add3A_21 = arith.addf %dot_general3A_16, %add3A_20 : vector<1000x128xf32>
    %max3A = arith.constant 0.000000e+00 : f32
    %max3A_22 = vector.broadcast %max3A : f32 to vector<1000x128xf32>
    %max3A_23 = arith.maximumf %add3A_21, %max3A_22 : vector<1000x128xf32>
    %get3A_24 = arith.constant 0 : index
    %get3A_25 = arith.constant 0 : index
    %get3A_26 = vector.load %arg5[%get3A_24, %get3A_25] : memref<128x128xf32, #tpu.memory_space<vmem>>, vector<128x128xf32>
    %dot_general3A_27 = arith.constant dense<0.000000e+00> : vector<1000x128xf32>
    %dot_general3A_28 = tpu.matmul %max3A_23, %get3A_26, %dot_general3A_27 {dimension_numbers = #tpu.dot_dimension_numbers<[1], [0], [0], [1], [0, 0, 1, 1], [], []>, transpose_lhs_hint = false} : vector<1000x128xf32>, vector<128x128xf32>, vector<1000x128xf32> -> vector<1000x128xf32>
    %get3A_29 = arith.constant 0 : index
    %get3A_30 = arith.constant 0 : index
    %get3A_31 = vector.load %arg6[%get3A_29, %get3A_30] : memref<1x128xf32, #tpu.memory_space<vmem>>, vector<1x128xf32>
    %add3A_32 = vector.broadcast %get3A_31 : vector<1x128xf32> to vector<1000x128xf32>
    %add3A_33 = arith.addf %dot_general3A_28, %add3A_32 : vector<1000x128xf32>
    %max3A_34 = arith.constant 0.000000e+00 : f32
    %max3A_35 = vector.broadcast %max3A_34 : f32 to vector<1000x128xf32>
    %max3A_36 = arith.maximumf %add3A_33, %max3A_35 : vector<1000x128xf32>
    %get3A_37 = arith.constant 0 : index
    %get3A_38 = arith.constant 0 : index
    %get3A_39 = vector.load %arg7[%get3A_37, %get3A_38] : memref<128x128xf32, #tpu.memory_space<vmem>>, vector<128x128xf32>
    %dot_general3A_40 = arith.constant dense<0.000000e+00> : vector<1000x128xf32>
    %dot_general3A_41 = tpu.matmul %max3A_36, %get3A_39, %dot_general3A_40 {dimension_numbers = #tpu.dot_dimension_numbers<[1], [0], [0], [1], [0, 0, 1, 1], [], []>, transpose_lhs_hint = false} : vector<1000x128xf32>, vector<128x128xf32>, vector<1000x128xf32> -> vector<1000x128xf32>
    %get3A_42 = arith.constant 0 : index
    %get3A_43 = arith.constant 0 : index
    %get3A_44 = vector.load %arg8[%get3A_42, %get3A_43] : memref<1x128xf32, #tpu.memory_space<vmem>>, vector<1x128xf32>
    %add3A_45 = vector.broadcast %get3A_44 : vector<1x128xf32> to vector<1000x128xf32>
    %add3A_46 = arith.addf %dot_general3A_41, %add3A_45 : vector<1000x128xf32>
    %swap3A = arith.constant 0 : index
    %swap3A_47 = arith.constant 0 : index
    %swap3A_48 = vector.load %arg9[%swap3A, %swap3A_47] : memref<1000x128xf32, #tpu.memory_space<vmem>>, vector<1000x128xf32>
    tpu.vector_store %arg9[%swap3A, %swap3A_47], %add3A_46 {strides = array<i32>} : memref<1000x128xf32, #tpu.memory_space<vmem>>, vector<1000x128xf32>,
    return
  }
  func.func @transform_0(%arg0: i32) -> (i32, i32, i32) {
    %c0_i32 = arith.constant 0 : i32
    %c0_i32_0 = arith.constant 0 : i32
    %c0_i32_1 = arith.constant 0 : i32
    return %c0_i32, %arg0, %c0_i32_0 : i32, i32, i32
  }
  func.func @transform_1(%arg0: i32) -> (i32, i32) {
    %c0_i32 = arith.constant 0 : i32
    %c0_i32_0 = arith.constant 0 : i32
    return %arg0, %c0_i32 : i32, i32
  }
  func.func @transform_2(%arg0: i32) -> (i32, i32) {
    %c0_i32 = arith.constant 0 : i32
    %c0_i32_0 = arith.constant 0 : i32
    %c0_i32_1 = arith.constant 0 : i32
    return %c0_i32, %c0_i32_0 : i32, i32
  }
  func.func @transform_3(%arg0: i32) -> (i32, i32) {
    %c0_i32 = arith.constant 0 : i32
    %c0_i32_0 = arith.constant 0 : i32
    %c0_i32_1 = arith.constant 0 : i32
    return %c0_i32, %c0_i32_0 : i32, i32
  }
  func.func @transform_4(%arg0: i32) -> (i32, i32) {
    %c0_i32 = arith.constant 0 : i32
    %c0_i32_0 = arith.constant 0 : i32
    %c0_i32_1 = arith.constant 0 : i32
    return %c0_i32, %c0_i32_0 : i32, i32
  }
  func.func @transform_5(%arg0: i32) -> (i32, i32) {
    %c0_i32 = arith.constant 0 : i32
    %c0_i32_0 = arith.constant 0 : i32
    %c0_i32_1 = arith.constant 0 : i32
    return %c0_i32, %c0_i32_0 : i32, i32
  }
  func.func @transform_6(%arg0: i32) -> (i32, i32) {
    %c0_i32 = arith.constant 0 : i32
    %c0_i32_0 = arith.constant 0 : i32
    %c0_i32_1 = arith.constant 0 : i32
    return %c0_i32, %c0_i32_0 : i32, i32
  }
  func.func @transform_7(%arg0: i32) -> (i32, i32) {
    %c0_i32 = arith.constant 0 : i32
    %c0_i32_0 = arith.constant 0 : i32
    %c0_i32_1 = arith.constant 0 : i32
    return %c0_i32, %c0_i32_0 : i32, i32
  }
  func.func @transform_8(%arg0: i32) -> (i32, i32) {
    %c0_i32 = arith.constant 0 : i32
    %c0_i32_0 = arith.constant 0 : i32
    return %arg0, %c0_i32 : i32, i32
  }
}

</mosaic_0001>

<sc_bundles>
// kernel: kernel.11.cloned.1.call-start
scs
__scs_entry_jumppad:
0x0: {  	(pc) =	sbr.rel $0x88, $3  }
0x1: {  	(tag) =	ssettag $0x0;
	lr =	simm.s32 $0x1  }
0x2: {  	[smem:$0x3F97] =	sst lr;
	_ =	strace $0xD0000000  }
0x3: {  	_ = 	snop  }
0x4: {  	_ = 	snop  }
0x5: {  	_ = 	snop  }
0x6: {  	_ = 	snop  }
0x7: {  	_ = 	snop  }
__scs_overlays_trampoline_lowered:
0x8: {  	[smem:$0x3FA6] =	sst s0  }
0x9: {  	[smem:$0x3FA7] =	sst s1  }
0xa: {  	[smem:$0x3FA8] =	sst s2  }
0xb: {  	[smem:$0x3FA9] =	sst s3  }
0xc: {  	[smem:$0x3FAA] =	sst s4  }
0xd: {  	[smem:$0x3FAB] =	sst s5  }
0xe: {  	[smem:$0x3FAC] =	sst s6  }
0xf: {  	[smem:$0x3FAD] =	sst s7  }
0x10: {  	[smem:$0x3FAE] =	sst s8  }
0x11: {  	[smem:$0x3FAF] =	sst s9;
	s0 =	simm.s32 @!p0 $0x0  }
0x12: {  	s1 =	sld [smem:$0x3F95];
	s0 =	simm.s32 @p0 $0x1  }
0x13: {  	[smem:$0x3FB0] =	sst s0;
	s0 =	simm.s32 @!p1 $0x0  }
0x14: {  	s2 =	sld [smem:$0x3F94];
	s0 =	simm.s32 @p1 $0x1  }
0x15: {  	[smem:$0x3FB1] =	sst s0;
	s0 =	simm.s32 @!p2 $0x0  }
0x16: {  	s3 =	sld [smem:$0x3FDB];
	s0 =	simm.s32 @p2 $0x1  }
0x17: {  	s4 =	simm.s32 $0x1BF5;
	[smem:$0x3FB3] =	sst s0  }
0x18: {  	s0 =	sld [smem:$0x3F96];
	_ =	swait.ge [sflag:s4], $0x0  }
0x19: {  	s7 =	sld [smem:$0x3F97]  }
0x1a: {  	s8 =	sadd.s32 $0xFFFFE003, lr  }
0x1b: {  	s9 =	sadd.s32 $0xFFFFFEF7, lr;
	s5 =	simm.s32 $0xFFFFFFFF;
	p2 =	slt.u32 s8, $0xFFFFF086  }
0x1c: {  	p1 =	slt.u32 s9, $0xF7A;
	s5 =	simm.s32 @!p2 $0x0  }
0x1d: {  	s5 =	simm.s32 @p1 $0x1;
	p0 =	seq.s32 s7, s2  }
0x1e: {  	s7 =	smul.u32 @!p0 $0xF7A, s2;
	p2 =	seq.s32 @!p0 s5, $0x0  }
0x1f: {  	s9 =	smul.u32 $0xF7A, s1;
	s8 =	simm.s32 @!p0 $0x1BF5;
	p2 =	por !p2, p0  }
0x20: {  	[sflag:s8] =	ssyncset.s32 @!p0 $0xFFFFF086;
	s6 =	sadd.s32 @!p0 s3, s7;
	s7 =	simm.s32 @!p0 $0x108  }
0x21: {  	s3 =	sadd.s32 s3, s9;
	s6 =	sadd.s32 @!p0 $0x88, s6;
	s7 =	simm.s32 @p2 $0x1082  }
0x22: {  	[simem:s7], [sflag:s8] =	dma.local @!p0 [hbm:s6], $0xF7A  }
0x23: {  	s9 =	sor.u32 $0xD0000000, s2;
	s6 =	simm.s32 $0x108;
	_ =	swait.ge @!p0 [sflag:s8], $0x0  }
0x24: {  	s3 =	sadd.s32 $0x88, s3;
	s6 =	simm.s32 @!p1 $0x1082;
	[sflag:s4] =	ssyncset.s32 $0xFFFFF086  }
0x25: {  	[simem:s6], [sflag:s4] =	dma.local [hbm:s3], $0xF7A  }
0x26: {  	[smem:$0x3F97] =	sst s1;
	(tag) =	ssettag s2;
	_ =	strace s9  }
0x27: {  	s1 =	sld [smem:$0x3FA7]  }
0x28: {  	s2 =	sld [smem:$0x3FA8]  }
0x29: {  	s4 =	sld [smem:$0x3FAA]  }
0x2a: {  	p0 =	seq.s32 s5, $0x0;
	s5 =	sld [smem:$0x3FAB]  }
0x2b: {  	s6 =	sld [smem:$0x3FAC]  }
0x2c: {  	s7 =	sld [smem:$0x3FAD]  }
0x2d: {  	s3 =	simm.s32 $0x108;
	s8 =	sld [smem:$0x3FAE]  }
0x2e: {  	s3 =	simm.s32 @!p0 $0x1082;
	s9 =	sld [smem:$0x3FAF]  }
0x2f: {  	lr =	sadd.s32 s0, s3;
	s0 =	sld [smem:$0x3FA6]  }
0x30: {  	s3 =	sld [smem:$0x3FA9]  }
0x31: {  	[smem:$0x3FB2] =	sst s10  }
0x32: {  	s10 =	sld [smem:$0x3FB0];
	_ =	sdelay $0x3  }
0x33: {  	p0 =	seq.s32 s10, $0x1;
	s10 =	sld [smem:$0x3FB2];
	_ =	sdelay $0x3  }
0x34: {  	[smem:$0x3FB2] =	sst s10  }
0x35: {  	s10 =	sld [smem:$0x3FB1];
	_ =	sdelay $0x3  }
0x36: {  	p1 =	seq.s32 s10, $0x1;
	s10 =	sld [smem:$0x3FB2];
	_ =	sdelay $0x3  }
0x37: {  	[smem:$0x3FB2] =	sst s10  }
0x38: {  	s10 =	sld [smem:$0x3FB3]  }
0x39: {  	_ = 	snop;
	(pc) =	sbr.ind lr, $3  }
0x3a: {  	_ = 	snop  }
0x3b: {  	_ = 	snop  }
0x3c: {  	p2 =	seq.s32 s10, $0x1;
	s10 =	sld [smem:$0x3FB2]  }
0x3d: {  	_ =	shalt  }
0x3e: {  	_ =	shalt  }
0x3f: {  	_ =	shalt  }
0x40: {  	_ =	shalt  }
0x41: {  	_ =	shalt  }
0x42: {  	_ =	shalt  }
0x43: {  	_ =	shalt  }
0x44: {  	_ =	shalt  }
0x45: {  	_ =	shalt  }
0x46: {  	_ =	shalt  }
0x47: {  	_ =	shalt  }
0x48: {  	_ =	shalt  }
0x49: {  	_ =	shalt  }
0x4a: {  	_ =	shalt  }
0x4b: {  	_ =	shalt  }
0x4c: {  	_ =	shalt  }
0x4d: {  	_ =	shalt  }
0x4e: {  	_ =	shalt  }
0x4f: {  	_ =	shalt  }
0x50: {  	_ =	shalt  }
0x51: {  	_ =	shalt  }
0x52: {  	_ =	shalt  }
0x53: {  	_ =	shalt  }
0x54: {  	_ =	shalt  }
0x55: {  	_ =	shalt  }
0x56: {  	_ =	shalt  }
0x57: {  	_ =	shalt  }
0x58: {  	_ =	shalt  }
0x59: {  	_ =	shalt  }
0x5a: {  	_ =	shalt  }
0x5b: {  	_ =	shalt  }
0x5c: {  	_ =	shalt  }
0x5d: {  	_ =	shalt  }
0x5e: {  	_ =	shalt  }
0x5f: {  	_ =	shalt  }
0x60: {  	_ =	shalt  }
0x61: {  	_ =	shalt  }
0x62: {  	_ =	shalt  }
0x63: {  	_ =	shalt  }
0x64: {  	_ =	shalt  }
0x65: {  	_ =	shalt  }
0x66: {  	_ =	shalt  }
0x67: {  	_ =	shalt  }
0x68: {  	_ =	shalt  }
0x69: {  	_ =	shalt  }
0x6a: {  	_ =	shalt  }
0x6b: {  	_ =	shalt  }
0x6c: {  	_ =	shalt  }
0x6d: {  	_ =	shalt  }
0x6e: {  	_ =	shalt  }
0x6f: {  	_ =	shalt  }
0x70: {  	_ =	shalt  }
0x71: {  	_ =	shalt  }
0x72: {  	_ =	shalt  }
0x73: {  	_ =	shalt  }
0x74: {  	_ =	shalt  }
0x75: {  	_ =	shalt  }
0x76: {  	_ =	shalt  }
0x77: {  	_ =	shalt  }
0x78: {  	_ =	shalt  }
0x79: {  	_ =	shalt  }
0x7a: {  	_ =	shalt  }
0x7b: {  	_ =	shalt  }
0x7c: {  	_ =	shalt  }
0x7d: {  	_ =	shalt  }
0x7e: {  	_ =	shalt  }
0x7f: {  	_ =	shalt  }
0x80: {  	_ =	shalt  }
0x81: {  	_ =	shalt  }
0x82: {  	_ =	shalt  }
0x83: {  	_ =	shalt  }
0x84: {  	_ =	shalt  }
0x85: {  	_ =	shalt  }
0x86: {  	_ =	shalt  }
0x87: {  	_ =	shalt  }
.Lfunc_end0:
.L_simem_size_0:
called_computation.1_lowered:
.L_overlay_start_0:
0x88: {  	s2 =	sld [smem:$0x3FD9]  }
0x89: {  	s3 =	sld [smem:$0x3FFE];
	_ =	sdelay $0x1  }
0x8a: {  	s1 =	srdreg.scid  }
0x8b: {  	s0 =	sand.u32 $0x1, s1  }
0x8c: {  	s17 =	sshll.u32 s0, $0xA;
	s2 =	sadd.s32 s3, s2  }
0x8d: {  	s2 =	sadd.s32 s2, s17  }
0x8e: {  	[smem:$0x3FBE] =	sst s2  }
0x8f: {  	_ = 	snop  }
0x90: {  	s2 =	sld [smem:$0x3FC8]  }
0x91: {  	s18 =	sld [smem:$0x3FD0];
	(tm) =	ssettm $0x1  }
0x92: {  	s4 =	sld [smem:$0x3FFB];
	_ =	sdelay $0x3  }
0x93: {  	_ =	strace s4  }
0x94: {  	s4 =	sld [smem:$0x3FFC];
	_ =	sdelay $0x3  }
0x95: {  	_ =	strace s4  }
0x96: {  	s4 =	sld [smem:$0x3FFD];
	_ =	sdelay $0x3  }
0x97: {  	_ =	strace s4  }
0x98: {  	_ =	strace $0x8FFFFFFF  }
0x99: {  	s19 =	sld [smem:$0x3FDB];
	_ =	sdelay $0x1  }
0x9a: {  	s5 =	simm.s32 $_scs_section_size  }
0x9b: {  	s6 =	simm.s32 $_size__tile_overlayer_lowered;
	s7 =	simm.s32 $_tile_overlayer_lowered  }
0x9c: {  	s22 =	simm.s32 $0x1BFF;
	s21 =	sshll.u32 s7, $0x1;
	s4 =	sadd.s32 s5, s19  }
0x9d: {  	s8 =	simm.s32 $0x0;
	s20 =	sshll.u32 s6, $0x1;
	s6 =	sadd.s32 s21, s4  }
0x9e: {  	[timem:s8], [sflag:s22] =	dma.local [hbm:s6], s20  }
0x9f: {  	_ =	swait.ge [sflag:s22], s20  }
0xa0: {  	s5 =	ssub.s32 $0x0, s20;
	[sflag:s22] =	ssyncset.done $0x0  }
0xa1: {  	[sflag:s22] =	ssyncadd.s32 s5;
	_ =	sdelay $0x1  }
0xa2: {  	s23 =	simm.s32 $0x1B8B  }
0xa3: {  	_ =	swait.ge [sflag:s23], $0x1  }
0xa4: {  	[sflag:s23] =	ssyncset.done $0x0  }
0xa5: {  	s25 =	simm.s32 $0x1B8E;
	s24 =	sld [smem:$0x3FFE];
	[sflag:s23] =	ssyncadd.s32 $0xFFFFFFFF  }
0xa6: {  	s26 =	simm.s32 $execute0_lowered;
	[smem:$0x3FD2] =	sst s25  }
0xa7: {  	s6 =	sshll.u32 s26, $0x1;
	_ =	strace $0x80000049;
	[dreg:$0x1] =	wrdreg $0xFFFFFFFF  }
0xa8: {  	s28 =	simm.s32 $_size_execute0_lowered;
	s4 =	sadd.s32 s4, s6;
	[dreg:$0x0] =	wrdreg $0x0  }
0xa9: {  	s6 =	sshll.u32 s28, $0x1;
	[dreg:$0x2] =	wrdreg s4  }
0xaa: {  	[dreg:$0x3] =	wrdreg s6  }
0xab: {  	[dreg:$0x4] =	wrdreg $0xC0  }
0xac: {  	_ =	task [dreg:s8], $0x5FFFF  }
0xad: {  	[dreg:$0x1] =	wrdreg $0xFFFFFFFF  }
0xae: {  	[dreg:$0x0] =	wrdreg $0x60  }
0xaf: {  	[dreg:$0x2] =	wrdreg s18  }
0xb0: {  	[dreg:$0x3] =	wrdreg s2  }
0xb1: {  	[dreg:$0x4] =	wrdreg s24  }
0xb2: {  	[dreg:$0x5] =	wrdreg $0xC6000  }
0xb3: {  	[dreg:$0x6] =	wrdreg $0x9  }
0xb4: {  	_ =	task.clear_ibuf [dreg:s8], $0x7FFFF;
	_ =	strace $0x90000049  }
0xb5: {  	s29 =	simm.s32 $0x9;
	_ =	strace $0x8000004B  }
0xb6: {  	_ =	swait.ge [sflag:s29], $0x1  }
0xb7: {  	[sflag:s29] =	ssyncadd.s32 $0xFFFFFFFF  }
0xb8: {  	_ =	strace $0x9000004B  }
0xb9: {  	_ =	sfence  }
0xba: {  	s30 =	sld [smem:$0x0];
	_ =	sdelay $0x2  }
0xbb: {  	s31 =	sshll.u32 s1, $0xD;
	s1 =	sshrl.u32 s1, $0x2  }
0xbc: {  	s3 =	sand.u32 $0x4000, s31;
	s1 =	sadd.s32 s1, s30  }
0xbd: {  	s0 =	sor.u32 s3, s0;
	s1 =	sshll.u32 s1, $0x11  }
0xbe: {  	s0 =	sor.u32 s1, s0  }
0xbf: {  	s0 =	sadd.s32 $0x8F2B, s0  }
0xc0: {  	[sflag:s0] =	ssyncadd.remote.s32 $0x1  }
0xc1: {  	_ =	sfence.sel $0xFFFF  }
0xc2: {  	[dreg:$0x0] =	wrdreg $0xFFFFFFFF;
	(pc) =	sbr.abs _section_cstart, $3  }
0xc3: {  	[dreg:$0x1] =	wrdreg $0xFFFFFFFF  }
0xc4: {  	_ =	task.clear_ibuf [dreg:s8], $0x2FFFF;
	_ =	strace $0x9FFFFFFF  }
0xc5: {  	(tm) =	ssettm $0x7FFFFFFF  }
tec
execute0_lowered:
.L_overlay_start_1:
0x0: {  	(tag) =	ssettag $0x1  }
0x1: {  	s0 =	rddreg [dreg:$0x0]  }
0x2: {  	s1 =	rddreg [dreg:$0x1]  }
0x3: {  	s2 =	rddreg [dreg:$0x2];
	s4 =	srdreg.scid  }
0x4: {  	s3 =	rddreg [dreg:$0x3];
	s12 =	stileid.u32  }
0x5: {  	s17 =	simm.s32 $0x1;
	s18 =	simm.s32 $0x80;
	s20 =	simm.s32 $0x2  }
0x6: {  	s5 =	sand.u32 $0x1, s4;
	s4 =	simm.s32 $0x0;
	s7 =	smul.u32 $0x1F400, s12  }
0x7: {  	s8 =	sadd.s32 $0x2800, s2;
	s22 =	smul.u32 $0x7D000, s12;
	s30 =	sshll.u32 s12, $0x5  }
0x8: {  	p0 =	sgt.u32 s12, $0x9;
	s6 =	smul.u32 $0x138800, s5;
	[smem:$0x7FF] =	sst s4  }
0x9: {  	s21 =	ssub.s32 $0x2, s5;
	s9 =	sshll.u32 s5, $0x4;
	s5 =	sshll.u32 s5, $0x9  }
0xa: {  	_ =	strace $0x8000004A;
	[dreg:$0x8] =	wrdreg s8;
	s23 =	sshrl.u32 s21, $0x1  }
0xb: {  	s24 =	sshrl.u32 s22, $0x2;
	s22 =	simm.s32 $0x0;
	s6 =	sadd.s32 s7, s6  }
0xc: {  	s11 =	ssub.s32 s21, s23;
	s14 =	sadd.s32 s24, s3;
	s6 =	sshrl.u32 s6, $0x3  }
0xd: {  	s31 =	smax.u32 s11, $0x1;
	s2 =	sadd.s32 s6, s2;
	s6 =	sor.u32 s12, s9  }
0xe: {  	s14 =	sshrl.u32 @!p0 s14, $0x3;
	[dreg:$0xc] =	wrdreg s31;
	s26 =	ssub.s32 $0x984, s6  }
0xf: {  	s25 =	sshll.u32 s6, $0x5;
	s9 =	ssub.s32 $0x9C4, s6;
	[dreg:$0x5] =	wrdreg s26  }
0x10: {  	s10 =	ssub.s32 $0x9A4, s6;
	s2 =	sadd.s32 $0x6800, s2;
	[dreg:$0x6] =	wrdreg s9  }
0x11: {  	s7 =	sadd.s32 s1, s25;
	[dreg:$0x7] =	wrdreg s10;
	s1 =	sadd.s32 s5, s1  }
0x12: {  	[dreg:$0xb] =	wrdreg s2;
	s2 =	sshll.u32 @!p0 s12, $0x6;
	s28 =	sadd.s32 $0x400, s7  }
0x13: {  	s29 =	sadd.s32 $0x800, s7;
	s1 =	sadd.s32 s30, s1;
	[dreg:$0x9] =	wrdreg s28  }
0x14: {  	s13 =	sor.u32 @!p0 $0x1C0D, s2;
	[dreg:$0xa] =	wrdreg s29;
	s12 =	sadd.s32 $0x2000, s1  }
.LBB2_1:
0x15: {  	s1 =	rddreg [dreg:$0x8]  }
0x16: {  	[spmem:s14], [sflag:s13] =	dma.local @!p0 [hbm:s1], $0x3E80  }
0x17: {  	s1 =	simm.s32 @!p0 $0xD  }
0x18: {  	_ =	swait.ge @!p0 [sflag:s1], $0x3E80  }
0x19: {  	[sflag:s1] =	ssyncset.done @!p0 $0x0  }
0x1a: {  	[sflag:s1] =	ssyncadd.s32 @!p0 $0xFFFFC180  }
0x1b: {  	[bflag:$0x0] =	sbarrier.arrive $0xFFFF  }
0x1c: {  	[tilespmem:s4], [sflag:$0x1] =	stream.linear.gather [hbm4b:s7+s4], $0x100, $0x38;
	[tilespmem:$0x1FE80] =	vst v63  }
0x1d: {  	s2 =	simm.s32 $0x100;
	s26 =	rddreg [dreg:$0x9]  }
0x1e: {  	[tilespmem:s2], [sflag:$0x2] =	stream.linear.gather [hbm4b:s26+s4], $0x100, $0x38;
	[tilespmem:$0x1FE80] =	vst v63  }
0x1f: {  	s5 =	simm.s32 $0x200;
	s28 =	rddreg [dreg:$0xa]  }
0x20: {  	[tilespmem:s5], [sflag:$0x3] =	stream.linear.gather [hbm4b:s28+s4], $0x100, $0x38;
	[tilespmem:$0x1FE80] =	vst v63  }
0x21: {  	_ =	swait.ge [sflag:s17], $0x100  }
0x22: {  	[sflag:s17] =	ssyncset.done $0x0  }
0x23: {  	s5 =	simm.s32 $0x600;
	[sflag:s17] =	ssyncadd.s32 $0xFFFFFF00  }
0x24: {  	[tilespmem:s5], [sflag:$0x7] =	stream.indirect.gather [hbm4b:s0+s18], $0x80, s4, s18, $0xb8;
	[tilespmem:$0x1FE80] =	vst v63  }
0x25: {  	_ =	swait.ge [sflag:s20], $0x100  }
0x26: {  	p1 =	por $0x1, $0x1;
	[sflag:s20] =	ssyncset.done $0x0  }
0x27: {  	s8 =	simm.s32 $0x4600;
	s1 =	simm.s32 @!p1 $0xC;
	[sflag:s20] =	ssyncadd.s32 $0xFFFFFF00  }
0x28: {  	[tilespmem:s8], [sflag:$0x8] =	stream.indirect.gather [hbm4b:s0+s18], $0x80, s2, s18, $0xb8;
	[tilespmem:$0x1FE80] =	vst v63  }
0x29: {  	_ =	swait.ge @!p1 [sflag:s1], $0x4000  }
0x2a: {  	s10 =	sadd.s32 $0x0, s6;
	s9 =	rddreg [dreg:$0x5]  }
0x2b: {  	s16 =	sadd.s32 $0x60, s10;
	[sflag:s1] =	ssyncset.done @!p1 $0x0;
	p4 =	sle.u32 s9, $0x0  }
0x2c: {  	p3 =	sgt.u32 s16, $0x9C3;
	[sflag:s1] =	ssyncadd.s32 @!p1 $0xFFFFC000;
	s5 =	simm.s32 @!p4 $0x3  }
0x2d: {  	s16 =	simm.s32 @!p3 $0x0;
	_ =	swait.ge @!p4 [sflag:s5], $0x100  }
0x2e: {  	s1 =	simm.s32 @!p4 $0x8600;
	s21 =	simm.s32 @!p4 $0x200;
	[sflag:s5] =	ssyncset.done @!p4 $0x0  }
0x2f: {  	s19 =	rddreg [dreg:$0x6];
	[sflag:s5] =	ssyncadd.s32 @!p4 $0xFFFFFF00;
	s5 =	simm.s32 @!p4 $0x80  }
0x30: {  	[tilespmem:s1], [sflag:$0x9] =	stream.indirect.gather @!p4 [hbm4b:s0+s5], $0x80, s21, s5, $0xb8;
	[tilespmem:$0x1FE80] =	vst v63  }
0x31: {  	s23 =	simm.s32 @!p3 $0x300;
	p1 =	sle.u32 s19, $0x0;
	s21 =	sadd.s32 @!p3 $0xFFFFEC00, s12  }
0x32: {  	[tilespmem:s23], [sflag:$0x4] =	stream.linear.gather @!p3 [hbm4b:s21+s16], $0x100, $0x38;
	[tilespmem:$0x1FE80] =	vst v63  }
0x33: {  	s16 =	simm.s32 @!p1 $0x7  }
0x34: {  	_ =	swait.ge @!p1 [sflag:s16], $0x4000  }
0x35: {  	s19 =	simm.s32 @!p1 $0x80;
	[sflag:s16] =	ssyncset.done @!p1 $0x0  }
0x36: {  	s21 =	simm.s32 @!p1 $0x600;
	[sflag:s16] =	ssyncadd.s32 @!p1 $0xFFFFC000;
	s16 =	simm.s32 @!p1 $0xA  }
0x37: {  	[spmem:s3] =	stream.indirect.scatter.add.f32 @!p1 [tilespmem:s21], [sflag:$0xA], $0x80, s19, s19, $0xb8;
	[tilespmem:$0x1FE80] =	vst v63  }
0x38: {  	_ =	swait.ge @!p1 [sflag:s16], $0x4000  }
0x39: {  	[sflag:s16] =	ssyncset.done @!p1 $0x0  }
0x3a: {  	s11 =	sadd.s32 $0x80, s10;
	s21 =	simm.s32 @!p3 $0x4;
	[sflag:s16] =	ssyncadd.s32 @!p1 $0xFFFFC000  }
0x3b: {  	p1 =	sgt.u32 s11, $0x9C3;
	s16 =	simm.s32 @!p3 $0x80;
	_ =	swait.ge @!p3 [sflag:s21], $0x100  }
0x3c: {  	s24 =	simm.s32 @!p1 $0x400;
	[sflag:s21] =	ssyncset.done @!p3 $0x0;
	s15 =	rddreg [dreg:$0x7]  }
0x3d: {  	[sflag:s21] =	ssyncadd.s32 @!p3 $0xFFFFFF00;
	s21 =	simm.s32 @!p3 $0x600;
	p2 =	sle.u32 s15, $0x0  }
0x3e: {  	[tilespmem:s21], [sflag:$0x7] =	stream.indirect.gather @!p3 [hbm4b:s0+s16], $0x80, s23, s16, $0xb8;
	[tilespmem:$0x1FE80] =	vst v63  }
0x3f: {  	s25 =	simm.s32 @!p1 $0x0;
	s23 =	sadd.s32 @!p1 $0xFFFFF000, s12;
	s19 =	simm.s32 @!p2 $0x8  }
0x40: {  	[tilespmem:s24], [sflag:$0x5] =	stream.linear.gather @!p1 [hbm4b:s23+s25], $0x100, $0x38;
	[tilespmem:$0x1FE80] =	vst v63  }
0x41: {  	_ =	swait.ge @!p2 [sflag:s19], $0x4000  }
0x42: {  	s26 =	simm.s32 @!p2 $0x180;
	s28 =	simm.s32 @!p2 $0xB;
	[sflag:s19] =	ssyncset.done @!p2 $0x0  }
0x43: {  	s23 =	simm.s32 @!p2 $0x4600;
	s25 =	simm.s32 @!p2 $0x80;
	[sflag:s19] =	ssyncadd.s32 @!p2 $0xFFFFC000  }
0x44: {  	[spmem:s3] =	stream.indirect.scatter.add.f32 @!p2 [tilespmem:s23], [sflag:$0xB], $0x80, s26, s25, $0xb8;
	[tilespmem:$0x1FE80] =	vst v63  }
0x45: {  	_ =	swait.ge @!p2 [sflag:s28], $0x4000  }
0x46: {  	[sflag:s28] =	ssyncset.done @!p2 $0x0  }
0x47: {  	s23 =	simm.s32 @!p1 $0x5;
	[sflag:s28] =	ssyncadd.s32 @!p2 $0xFFFFC000  }
0x48: {  	s29 =	simm.s32 @!p1 $0x80;
	_ =	swait.ge @!p1 [sflag:s23], $0x100  }
0x49: {  	s30 =	simm.s32 @!p1 $0x4600;
	s25 =	sadd.s32 $0xA0, s10;
	[sflag:s23] =	ssyncset.done @!p1 $0x0  }
0x4a: {  	p2 =	sgt.u32 s25, $0x9C3;
	s25 =	simm.s32 @!p4 $0x9;
	[sflag:s23] =	ssyncadd.s32 @!p1 $0xFFFFFF00  }
0x4b: {  	[tilespmem:s30], [sflag:$0x8] =	stream.indirect.gather @!p1 [hbm4b:s0+s29], $0x80, s24, s29, $0xb8;
	[tilespmem:$0x1FE80] =	vst v63  }
0x4c: {  	s19 =	simm.s32 @!p2 $0x0;
	s23 =	sadd.s32 @!p2 $0xFFFFF400, s12;
	s24 =	simm.s32 @!p2 $0x500  }
0x4d: {  	[tilespmem:s24], [sflag:$0x6] =	stream.linear.gather @!p2 [hbm4b:s23+s19], $0x100, $0x38;
	[tilespmem:$0x1FE80] =	vst v63  }
0x4e: {  	_ =	swait.ge @!p4 [sflag:s25], $0x4000  }
0x4f: {  	[sflag:s25] =	ssyncset.done @!p4 $0x0  }
0x50: {  	s19 =	simm.s32 @!p4 $0x280;
	s23 =	simm.s32 @!p4 $0xC;
	[sflag:s25] =	ssyncadd.s32 @!p4 $0xFFFFC000  }
0x51: {  	[spmem:s3] =	stream.indirect.scatter.add.f32 @!p4 [tilespmem:s1], [sflag:$0xC], $0x80, s19, s5, $0xb8;
	[tilespmem:$0x1FE80] =	vst v63  }
0x52: {  	_ =	swait.ge @!p4 [sflag:s23], $0x4000  }
0x53: {  	[sflag:s23] =	ssyncset.done @!p4 $0x0  }
0x54: {  	s5 =	simm.s32 @!p2 $0x6;
	[sflag:s23] =	ssyncadd.s32 @!p4 $0xFFFFC000  }
0x55: {  	_ =	swait.ge @!p2 [sflag:s5], $0x100  }
0x56: {  	s26 =	sadd.s32 $0xC0, s10;
	s31 =	simm.s32 @!p2 $0x80;
	[sflag:s5] =	ssyncset.done @!p2 $0x0  }
0x57: {  	s1 =	simm.s32 @!p2 $0x8600;
	p4 =	sgt.u32 s26, $0x9C3;
	[sflag:s5] =	ssyncadd.s32 @!p2 $0xFFFFFF00  }
0x58: {  	[tilespmem:s1], [sflag:$0x9] =	stream.indirect.gather @!p2 [hbm4b:s0+s31], $0x80, s24, s31, $0xb8;
	[tilespmem:$0x1FE80] =	vst v63  }
0x59: {  	s23 =	simm.s32 @!p3 $0x7;
	s19 =	sadd.s32 @!p4 $0xFFFFF800, s12;
	s5 =	simm.s32 @!p4 $0x0  }
0x5a: {  	[tilespmem:s5], [sflag:$0x1] =	stream.linear.gather @!p4 [hbm4b:s19+s5], $0x100, $0x38;
	[tilespmem:$0x1FE80] =	vst v63  }
0x5b: {  	_ =	swait.ge @!p3 [sflag:s23], $0x4000  }
0x5c: {  	[sflag:s23] =	ssyncset.done @!p3 $0x0  }
0x5d: {  	s24 =	simm.s32 @!p3 $0x380;
	s19 =	simm.s32 @!p3 $0xA;
	[sflag:s23] =	ssyncadd.s32 @!p3 $0xFFFFC000  }
0x5e: {  	[spmem:s3] =	stream.indirect.scatter.add.f32 @!p3 [tilespmem:s21], [sflag:$0xA], $0x80, s24, s16, $0xb8;
	[tilespmem:$0x1FE80] =	vst v63  }
0x5f: {  	s28 =	sadd.s32 $0xE0, s10;
	_ =	swait.ge @!p3 [sflag:s19], $0x4000  }
0x60: {  	p5 =	sgt.u32 s28, $0x9C3;
	s25 =	smov.u32 s12;
	[sflag:s19] =	ssyncset.done @!p3 $0x0  }
0x61: {  	s26 =	sadd.s32 $0x1800, s12;
	s16 =	simm.s32 @!p4 $0x1;
	[sflag:s19] =	ssyncadd.s32 @!p3 $0xFFFFC000  }
0x62: {  	s2 =	simm.s32 @!p4 $0x80;
	s23 =	sadd.s32 $0x100, s10;
	_ =	swait.ge @!p4 [sflag:s16], $0x100  }
0x63: {  	s24 =	simm.s32 $0xC0;
	s21 =	simm.s32 @!p4 $0x600;
	[sflag:s16] =	ssyncset.done @!p4 $0x0  }
0x64: {  	s19 =	simm.s32 @!p5 $0x0;
	[sflag:s16] =	ssyncadd.s32 @!p4 $0xFFFFFF00;
	s16 =	simm.s32 @!p1 $0xB  }
0x65: {  	[tilespmem:s21], [sflag:$0x7] =	stream.indirect.gather @!p4 [hbm4b:s0+s2], $0x80, s5, s2, $0xb8;
	[tilespmem:$0x1FE80] =	vst v63  }
0x66: {  	s2 =	simm.s32 @!p1 $0x8;
	s21 =	sadd.s32 @!p5 $0xFFFFFC00, s12;
	s5 =	simm.s32 @!p5 $0x100  }
.LBB2_2:
0x67: {  	[tilespmem:s5], [sflag:$0x2] =	stream.linear.gather @!p5 [hbm4b:s21+s19], $0x100, $0x38;
	[tilespmem:$0x1FE80] =	vst v63  }
0x68: {  	_ =	swait.ge @!p1 [sflag:s2], $0x4000  }
0x69: {  	[sflag:s2] =	ssyncset.done @!p1 $0x0  }
0x6a: {  	s21 =	simm.s32 @!p1 $0x480;
	[sflag:s2] =	ssyncadd.s32 @!p1 $0xFFFFC000  }
0x6b: {  	[spmem:s3] =	stream.indirect.scatter.add.f32 @!p1 [tilespmem:s30], [sflag:$0xB], $0x80, s21, s29, $0xb8;
	[tilespmem:$0x1FE80] =	vst v63  }
0x6c: {  	_ =	swait.ge @!p1 [sflag:s16], $0x4000  }
0x6d: {  	[sflag:s16] =	ssyncset.done @!p1 $0x0  }
0x6e: {  	s2 =	simm.s32 @!p5 $0x2;
	[sflag:s16] =	ssyncadd.s32 @!p1 $0xFFFFC000  }
0x6f: {  	_ =	swait.ge @!p5 [sflag:s2], $0x100  }
0x70: {  	s28 =	simm.s32 @!p5 $0x4600;
	[sflag:s2] =	ssyncset.done @!p5 $0x0  }
0x71: {  	s21 =	simm.s32 @!p5 $0x80;
	p1 =	sgt.u32 s23, $0x9C3;
	[sflag:s2] =	ssyncadd.s32 @!p5 $0xFFFFFF00  }
0x72: {  	[tilespmem:s28], [sflag:$0x8] =	stream.indirect.gather @!p5 [hbm4b:s0+s21], $0x80, s5, s21, $0xb8;
	[tilespmem:$0x1FE80] =	vst v63  }
0x73: {  	s29 =	simm.s32 @!p2 $0x9;
	s2 =	simm.s32 @!p1 $0x0;
	s5 =	simm.s32 @!p1 $0x200  }
0x74: {  	[tilespmem:s5], [sflag:$0x3] =	stream.linear.gather @!p1 [hbm4b:s25+s2], $0x100, $0x38;
	[tilespmem:$0x1FE80] =	vst v63  }
0x75: {  	s19 =	smov.u32 s24;
	_ =	swait.ge @!p2 [sflag:s29], $0x4000  }
0x76: {  	p1 =	seq.s32 s19, $0x0;
	[sflag:s29] =	ssyncset.done @!p2 $0x0  }
0x77: {  	s2 =	simm.s32 @!p2 $0x580;
	s5 =	simm.s32 @!p1 $0xC;
	[sflag:s29] =	ssyncadd.s32 @!p2 $0xFFFFC000  }
0x78: {  	[spmem:s3] =	stream.indirect.scatter.add.f32 @!p2 [tilespmem:s1], [sflag:$0xC], $0x80, s2, s31, $0xb8;
	[tilespmem:$0x1FE80] =	vst v63  }
0x79: {  	_ =	swait.ge @!p1 [sflag:s5], $0x4000  }
0x7a: {  	s16 =	sadd.s32 s19, s6;
	s9 =	rddreg [dreg:$0x5]  }
0x7b: {  	s10 =	sadd.s32 $0x60, s16;
	[sflag:s5] =	ssyncset.done @!p1 $0x0;
	p5 =	sge.u32 s19, s9  }
0x7c: {  	p4 =	sgt.u32 s10, $0x9C3;
	[sflag:s5] =	ssyncadd.s32 @!p1 $0xFFFFC000;
	s5 =	simm.s32 @!p5 $0x3  }
0x7d: {  	s30 =	simm.s32 @!p4 $0x300;
	_ =	swait.ge @!p5 [sflag:s5], $0x100  }
0x7e: {  	s1 =	simm.s32 @!p5 $0x8600;
	s31 =	simm.s32 @!p5 $0x80;
	[sflag:s5] =	ssyncset.done @!p5 $0x0  }
0x7f: {  	s11 =	rddreg [dreg:$0x6];
	[sflag:s5] =	ssyncadd.s32 @!p5 $0xFFFFFF00;
	s5 =	simm.s32 @!p5 $0x200  }
0x80: {  	[tilespmem:s1], [sflag:$0x9] =	stream.indirect.gather @!p5 [hbm4b:s0+s31], $0x80, s5, s31, $0xb8;
	[tilespmem:$0x1FE80] =	vst v63  }
0x81: {  	s2 =	simm.s32 @!p4 $0x0;
	p2 =	sge.u32 s19, s11;
	s5 =	sadd.s32 @!p4 $0xFFFFEC00, s26  }
0x82: {  	[tilespmem:s30], [sflag:$0x4] =	stream.linear.gather @!p4 [hbm4b:s5+s2], $0x100, $0x38;
	[tilespmem:$0x1FE80] =	vst v63  }
0x83: {  	s2 =	simm.s32 @!p2 $0x7  }
0x84: {  	_ =	swait.ge @!p2 [sflag:s2], $0x4000  }
0x85: {  	s21 =	simm.s32 @!p2 $0x80;
	[sflag:s2] =	ssyncset.done @!p2 $0x0  }
0x86: {  	s8 =	simm.s32 @!p2 $0x600;
	[sflag:s2] =	ssyncadd.s32 @!p2 $0xFFFFC000;
	s2 =	simm.s32 @!p2 $0xA  }
0x87: {  	[spmem:s3] =	stream.indirect.scatter.add.f32 @!p2 [tilespmem:s8], [sflag:$0xA], $0x80, s21, s21, $0xb8;
	[tilespmem:$0x1FE80] =	vst v63  }
0x88: {  	_ =	swait.ge @!p2 [sflag:s2], $0x4000  }
0x89: {  	s15 =	sadd.s32 $0x80, s16;
	[sflag:s2] =	ssyncset.done @!p2 $0x0  }
0x8a: {  	s9 =	simm.s32 @!p4 $0x4;
	p1 =	sgt.u32 s15, $0x9C3;
	[sflag:s2] =	ssyncadd.s32 @!p2 $0xFFFFC000  }
0x8b: {  	s10 =	sadd.s32 @!p1 $0xFFFFF000, s26;
	_ =	swait.ge @!p4 [sflag:s9], $0x100  }
0x8c: {  	s5 =	simm.s32 @!p4 $0x600;
	[sflag:s9] =	ssyncset.done @!p4 $0x0;
	s11 =	rddreg [dreg:$0x7]  }
0x8d: {  	s21 =	simm.s32 @!p4 $0x80;
	[sflag:s9] =	ssyncadd.s32 @!p4 $0xFFFFFF00;
	p6 =	sge.u32 s19, s11  }
0x8e: {  	[tilespmem:s5], [sflag:$0x7] =	stream.indirect.gather @!p4 [hbm4b:s0+s21], $0x80, s30, s21, $0xb8;
	[tilespmem:$0x1FE80] =	vst v63  }
0x8f: {  	s15 =	simm.s32 @!p1 $0x0;
	s8 =	simm.s32 @!p1 $0x400;
	s9 =	simm.s32 @!p6 $0x8  }
0x90: {  	[tilespmem:s8], [sflag:$0x5] =	stream.linear.gather @!p1 [hbm4b:s10+s15], $0x100, $0x38;
	[tilespmem:$0x1FE80] =	vst v63  }
0x91: {  	_ =	swait.ge @!p6 [sflag:s9], $0x4000  }
0x92: {  	s11 =	simm.s32 @!p6 $0x80;
	s19 =	simm.s32 @!p6 $0xB;
	[sflag:s9] =	ssyncset.done @!p6 $0x0  }
0x93: {  	s10 =	simm.s32 @!p6 $0x4600;
	s15 =	simm.s32 @!p6 $0x180;
	[sflag:s9] =	ssyncadd.s32 @!p6 $0xFFFFC000  }
0x94: {  	[spmem:s3] =	stream.indirect.scatter.add.f32 @!p6 [tilespmem:s10], [sflag:$0xB], $0x80, s15, s11, $0xb8;
	[tilespmem:$0x1FE80] =	vst v63  }
0x95: {  	_ =	swait.ge @!p6 [sflag:s19], $0x4000  }
0x96: {  	[sflag:s19] =	ssyncset.done @!p6 $0x0  }
0x97: {  	s9 =	simm.s32 @!p1 $0x5;
	[sflag:s19] =	ssyncadd.s32 @!p6 $0xFFFFC000  }
0x98: {  	s29 =	sadd.s32 $0xA0, s16;
	_ =	swait.ge @!p1 [sflag:s9], $0x100  }
0x99: {  	p2 =	sgt.u32 s29, $0x9C3;
	s29 =	simm.s32 @!p1 $0x80;
	[sflag:s9] =	ssyncset.done @!p1 $0x0  }
0x9a: {  	s30 =	simm.s32 @!p1 $0x4600;
	s10 =	simm.s32 @!p2 $0x0;
	[sflag:s9] =	ssyncadd.s32 @!p1 $0xFFFFFF00  }
0x9b: {  	[tilespmem:s30], [sflag:$0x8] =	stream.indirect.gather @!p1 [hbm4b:s0+s29], $0x80, s8, s29, $0xb8;
	[tilespmem:$0x1FE80] =	vst v63  }
0x9c: {  	s11 =	sadd.s32 @!p2 $0xFFFFF400, s26;
	s15 =	simm.s32 @!p2 $0x500;
	s9 =	simm.s32 @!p5 $0x9  }
0x9d: {  	[tilespmem:s15], [sflag:$0x6] =	stream.linear.gather @!p2 [hbm4b:s11+s10], $0x100, $0x38;
	[tilespmem:$0x1FE80] =	vst v63  }
0x9e: {  	_ =	swait.ge @!p5 [sflag:s9], $0x4000  }
0x9f: {  	[sflag:s9] =	ssyncset.done @!p5 $0x0  }
0xa0: {  	s8 =	simm.s32 @!p5 $0xC;
	s10 =	simm.s32 @!p5 $0x280;
	[sflag:s9] =	ssyncadd.s32 @!p5 $0xFFFFC000  }
0xa1: {  	[spmem:s3] =	stream.indirect.scatter.add.f32 @!p5 [tilespmem:s1], [sflag:$0xC], $0x80, s10, s31, $0xb8;
	[tilespmem:$0x1FE80] =	vst v63  }
0xa2: {  	_ =	swait.ge @!p5 [sflag:s8], $0x4000  }
0xa3: {  	[sflag:s8] =	ssyncset.done @!p5 $0x0  }
0xa4: {  	s10 =	simm.s32 @!p2 $0x6;
	[sflag:s8] =	ssyncadd.s32 @!p5 $0xFFFFC000  }
0xa5: {  	s19 =	sadd.s32 $0xC0, s16;
	_ =	swait.ge @!p2 [sflag:s10], $0x100  }
0xa6: {  	s24 =	sadd.s32 $0xC0, s24;
	p6 =	sgt.u32 s19, $0x9C3;
	[sflag:s10] =	ssyncset.done @!p2 $0x0  }
0xa7: {  	s31 =	simm.s32 @!p2 $0x80;
	s1 =	simm.s32 @!p2 $0x8600;
	[sflag:s10] =	ssyncadd.s32 @!p2 $0xFFFFFF00  }
0xa8: {  	[tilespmem:s1], [sflag:$0x9] =	stream.indirect.gather @!p2 [hbm4b:s0+s31], $0x80, s15, s31, $0xb8;
	[tilespmem:$0x1FE80] =	vst v63  }
0xa9: {  	s11 =	sadd.s32 @!p6 $0xFFFFF800, s26;
	s9 =	simm.s32 @!p6 $0x0;
	s8 =	simm.s32 @!p4 $0x7  }
0xaa: {  	[tilespmem:s9], [sflag:$0x1] =	stream.linear.gather @!p6 [hbm4b:s11+s9], $0x100, $0x38;
	[tilespmem:$0x1FE80] =	vst v63  }
0xab: {  	p3 =	sne.s32 s24, $0xA80;
	_ =	swait.ge @!p4 [sflag:s8], $0x4000  }
0xac: {  	s23 =	sadd.s32 $0x100, s16;
	s28 =	sadd.s32 $0xE0, s16;
	[sflag:s8] =	ssyncset.done @!p4 $0x0  }
0xad: {  	s10 =	simm.s32 @!p4 $0xA;
	s11 =	simm.s32 @!p4 $0x380;
	[sflag:s8] =	ssyncadd.s32 @!p4 $0xFFFFC000  }
0xae: {  	[spmem:s3] =	stream.indirect.scatter.add.f32 @!p4 [tilespmem:s5], [sflag:$0xA], $0x80, s11, s21, $0xb8;
	[tilespmem:$0x1FE80] =	vst v63  }
0xaf: {  	s25 =	smov.u32 s26;
	s2 =	simm.s32 @!p1 $0x8;
	_ =	swait.ge @!p4 [sflag:s10], $0x4000  }
0xb0: {  	s16 =	simm.s32 @!p1 $0xB;
	p5 =	sgt.u32 s28, $0x9C3;
	[sflag:s10] =	ssyncset.done @!p4 $0x0  }
.Ltmp0:
0xb1: {  	s8 =	simm.s32 @!p6 $0x1;
	[sflag:s10] =	ssyncadd.s32 @!p4 $0xFFFFC000;
	(pc) =	sbr.rel @p3 .LBB2_2-.Ltmp0, $4  }
0xb2: {  	s19 =	simm.s32 @!p5 $0x0;
	s15 =	simm.s32 @!p6 $0x600;
	_ =	swait.ge @!p6 [sflag:s8], $0x100  }
0xb3: {  	s11 =	simm.s32 @!p6 $0x80;
	s21 =	sadd.s32 @!p5 $0xFFFFFC00, s26;
	[sflag:s8] =	ssyncset.done @!p6 $0x0  }
0xb4: {  	s5 =	simm.s32 @!p5 $0x100;
	s26 =	sadd.s32 $0x1800, s26;
	[sflag:s8] =	ssyncadd.s32 @!p6 $0xFFFFFF00  }
0xb5: {  	[tilespmem:s15], [sflag:$0x7] =	stream.indirect.gather @!p6 [hbm4b:s0+s11], $0x80, s9, s11, $0xb8;
	[tilespmem:$0x1FE80] =	vst v63  }
0xb6: {  	[tilespmem:s5], [sflag:$0x2] =	stream.linear.gather @!p5 [hbm4b:s21+s19], $0x100, $0x38;
	[tilespmem:$0x1FE80] =	vst v63  }
0xb7: {  	_ =	swait.ge @!p1 [sflag:s2], $0x4000  }
0xb8: {  	[sflag:s2] =	ssyncset.done @!p1 $0x0  }
0xb9: {  	s8 =	simm.s32 @!p1 $0x480;
	[sflag:s2] =	ssyncadd.s32 @!p1 $0xFFFFC000  }
0xba: {  	[spmem:s3] =	stream.indirect.scatter.add.f32 @!p1 [tilespmem:s30], [sflag:$0xB], $0x80, s8, s29, $0xb8;
	[tilespmem:$0x1FE80] =	vst v63  }
0xbb: {  	_ =	swait.ge @!p1 [sflag:s16], $0x4000  }
0xbc: {  	[sflag:s16] =	ssyncset.done @!p1 $0x0  }
0xbd: {  	s2 =	simm.s32 @!p5 $0x2;
	[sflag:s16] =	ssyncadd.s32 @!p1 $0xFFFFC000  }
0xbe: {  	_ =	swait.ge @!p5 [sflag:s2], $0x100  }
0xbf: {  	s9 =	simm.s32 @!p5 $0x4600;
	[sflag:s2] =	ssyncset.done @!p5 $0x0  }
0xc0: {  	s8 =	simm.s32 @!p5 $0x80;
	p1 =	sgt.u32 s23, $0x9C3;
	[sflag:s2] =	ssyncadd.s32 @!p5 $0xFFFFFF00  }
0xc1: {  	[tilespmem:s9], [sflag:$0x8] =	stream.indirect.gather @!p5 [hbm4b:s0+s8], $0x80, s5, s8, $0xb8;
	[tilespmem:$0x1FE80] =	vst v63  }
0xc2: {  	s2 =	simm.s32 @!p2 $0x9;
	s5 =	simm.s32 @!p1 $0x0;
	s8 =	simm.s32 @!p1 $0x200  }
0xc3: {  	[tilespmem:s8], [sflag:$0x3] =	stream.linear.gather @!p1 [hbm4b:s25+s5], $0x100, $0x38;
	[tilespmem:$0x1FE80] =	vst v63  }
0xc4: {  	_ =	swait.ge @!p2 [sflag:s2], $0x4000  }
0xc5: {  	[sflag:s2] =	ssyncset.done @!p2 $0x0  }
0xc6: {  	s5 =	simm.s32 @!p2 $0x580;
	[sflag:s2] =	ssyncadd.s32 @!p2 $0xFFFFC000  }
0xc7: {  	[spmem:s3] =	stream.indirect.scatter.add.f32 @!p2 [tilespmem:s1], [sflag:$0xC], $0x80, s5, s31, $0xb8;
	[tilespmem:$0x1FE80] =	vst v63  }
0xc8: {  	[bflag:$0x0] =	sbarrier.arrive $0xFFFF  }
0xc9: {  	s1 =	rddreg [dreg:$0xb]  }
0xca: {  	[hbm:s1], [sflag:s13] =	dma.local @!p0 [spmem:s14], $0x3E80  }
0xcb: {  	s1 =	simm.s32 @!p0 $0xD  }
0xcc: {  	_ =	swait.ge @!p0 [sflag:s1], $0x3E80  }
0xcd: {  	s22 =	sadd.s32 $0x1, s22;
	s31 =	rddreg [dreg:$0xc]  }
0xce: {  	p1 =	sne.s32 s22, s31  }
.Ltmp1:
0xcf: {  	_ = 	snop;
	(pc) =	sbr.rel @p1 .LBB2_1-.Ltmp1, $3  }
0xd0: {  	_ =	sdelay $0x1  }
0xd1: {  	[sflag:s1] =	ssyncset.done @!p0 $0x0  }
0xd2: {  	[sflag:s1] =	ssyncadd.s32 @!p0 $0xFFFFC180  }
0xd3: {  	_ =	sfence.sel $0x180000  }
0xd4: {  	[bflag:$0x0] =	sbarrier.arrive $0xFFFF  }
0xd5: {  	_ =	strace $0x9000004A  }
0xd6: {  	s0 =	stileid.u32;
	[bflag:$0x2] =	sbarrier.arrive $0xFFFF  }
0xd7: {  	p0 =	sne.s32 s0, $0x0;
	s0 =	rddreg [dreg:$0x4]  }
0xd8: {  	s0 =	sadd.s32 @!p0 $0x100000, s0  }
0xd9: {  	[sflag:s0] =	ssyncadd.tile.s32 @!p0 $0x1;
	_ =	shalt  }
.Lfunc_end2:
_tile_overlayer_lowered:
.L_overlay_start_2:
0xda: {  	(tag) =	ssettag $0x2  }
0xdb: {  	s0 =	rddreg [dreg:$0x0];
	s2 =	stileid.u32  }
0xdc: {  	s1 =	rddreg [dreg:$0x1];
	p0 =	sne.s32 s2, $0x0  }
0xdd: {  	s3 =	rddreg [dreg:$0x2];
	[bflag:$0x3] =	sbarrier.arrive $0xFFFF;
	s2 =	simm.s32 @!p0 $0x1C0D  }
0xde: {  	[timem:s3], [sflag:s2] =	dma.local @!p0 [hbm:s0], s1  }
0xdf: {  	s0 =	simm.s32 @!p0 $0xD  }
0xe0: {  	_ =	swait.ge @!p0 [sflag:s0], s1  }
0xe1: {  	s1 =	ssub.s32 @!p0 $0x0, s1;
	[sflag:s0] =	ssyncset.done @!p0 $0x0  }
0xe2: {  	[sflag:s0] =	ssyncadd.s32 @!p0 s1  }
0xe3: {  	[bflag:$0x3] =	sbarrier.arrive $0xFFFF  }
0xe4: {  	_ =	shalt  }

// kernel: kernel.14.cloned.1.call-start
scs
__scs_entry_jumppad:
0x0: {  	(pc) =	sbr.rel $0x88, $3  }
0x1: {  	(tag) =	ssettag $0x0;
	lr =	simm.s32 $0x1  }
0x2: {  	[smem:$0x3F97] =	sst lr;
	_ =	strace $0xD0000000  }
0x3: {  	_ = 	snop  }
0x4: {  	_ = 	snop  }
0x5: {  	_ = 	snop  }
0x6: {  	_ = 	snop  }
0x7: {  	_ = 	snop  }
__scs_overlays_trampoline_lowered:
0x8: {  	[smem:$0x3FA6] =	sst s0  }
0x9: {  	[smem:$0x3FA7] =	sst s1  }
0xa: {  	[smem:$0x3FA8] =	sst s2  }
0xb: {  	[smem:$0x3FA9] =	sst s3  }
0xc: {  	[smem:$0x3FAA] =	sst s4  }
0xd: {  	[smem:$0x3FAB] =	sst s5  }
0xe: {  	[smem:$0x3FAC] =	sst s6  }
0xf: {  	[smem:$0x3FAD] =	sst s7  }
0x10: {  	[smem:$0x3FAE] =	sst s8  }
0x11: {  	[smem:$0x3FAF] =	sst s9;
	s0 =	simm.s32 @!p0 $0x0  }
0x12: {  	s1 =	sld [smem:$0x3F95];
	s0 =	simm.s32 @p0 $0x1  }
0x13: {  	[smem:$0x3FB0] =	sst s0;
	s0 =	simm.s32 @!p1 $0x0  }
0x14: {  	s2 =	sld [smem:$0x3F94];
	s0 =	simm.s32 @p1 $0x1  }
0x15: {  	[smem:$0x3FB1] =	sst s0;
	s0 =	simm.s32 @!p2 $0x0  }
0x16: {  	s3 =	sld [smem:$0x3FDB];
	s0 =	simm.s32 @p2 $0x1  }
0x17: {  	s4 =	simm.s32 $0x1BF5;
	[smem:$0x3FB3] =	sst s0  }
0x18: {  	s0 =	sld [smem:$0x3F96];
	_ =	swait.ge [sflag:s4], $0x0  }
0x19: {  	s7 =	sld [smem:$0x3F97]  }
0x1a: {  	s8 =	sadd.s32 $0xFFFFE003, lr  }
0x1b: {  	s9 =	sadd.s32 $0xFFFFFEF7, lr;
	s5 =	simm.s32 $0xFFFFFFFF;
	p2 =	slt.u32 s8, $0xFFFFF086  }
0x1c: {  	p1 =	slt.u32 s9, $0xF7A;
	s5 =	simm.s32 @!p2 $0x0  }
0x1d: {  	s5 =	simm.s32 @p1 $0x1;
	p0 =	seq.s32 s7, s2  }
0x1e: {  	s7 =	smul.u32 @!p0 $0xF7A, s2;
	p2 =	seq.s32 @!p0 s5, $0x0  }
0x1f: {  	s9 =	smul.u32 $0xF7A, s1;
	s8 =	simm.s32 @!p0 $0x1BF5;
	p2 =	por !p2, p0  }
0x20: {  	[sflag:s8] =	ssyncset.s32 @!p0 $0xFFFFF086;
	s6 =	sadd.s32 @!p0 s3, s7;
	s7 =	simm.s32 @!p0 $0x108  }
0x21: {  	s3 =	sadd.s32 s3, s9;
	s6 =	sadd.s32 @!p0 $0x88, s6;
	s7 =	simm.s32 @p2 $0x1082  }
0x22: {  	[simem:s7], [sflag:s8] =	dma.local @!p0 [hbm:s6], $0xF7A  }
0x23: {  	s9 =	sor.u32 $0xD0000000, s2;
	s6 =	simm.s32 $0x108;
	_ =	swait.ge @!p0 [sflag:s8], $0x0  }
0x24: {  	s3 =	sadd.s32 $0x88, s3;
	s6 =	simm.s32 @!p1 $0x1082;
	[sflag:s4] =	ssyncset.s32 $0xFFFFF086  }
0x25: {  	[simem:s6], [sflag:s4] =	dma.local [hbm:s3], $0xF7A  }
0x26: {  	[smem:$0x3F97] =	sst s1;
	(tag) =	ssettag s2;
	_ =	strace s9  }
0x27: {  	s1 =	sld [smem:$0x3FA7]  }
0x28: {  	s2 =	sld [smem:$0x3FA8]  }
0x29: {  	s4 =	sld [smem:$0x3FAA]  }
0x2a: {  	p0 =	seq.s32 s5, $0x0;
	s5 =	sld [smem:$0x3FAB]  }
0x2b: {  	s6 =	sld [smem:$0x3FAC]  }
0x2c: {  	s7 =	sld [smem:$0x3FAD]  }
0x2d: {  	s3 =	simm.s32 $0x108;
	s8 =	sld [smem:$0x3FAE]  }
0x2e: {  	s3 =	simm.s32 @!p0 $0x1082;
	s9 =	sld [smem:$0x3FAF]  }
0x2f: {  	lr =	sadd.s32 s0, s3;
	s0 =	sld [smem:$0x3FA6]  }
0x30: {  	s3 =	sld [smem:$0x3FA9]  }
0x31: {  	[smem:$0x3FB2] =	sst s10  }
0x32: {  	s10 =	sld [smem:$0x3FB0];
	_ =	sdelay $0x3  }
0x33: {  	p0 =	seq.s32 s10, $0x1;
	s10 =	sld [smem:$0x3FB2];
	_ =	sdelay $0x3  }
0x34: {  	[smem:$0x3FB2] =	sst s10  }
0x35: {  	s10 =	sld [smem:$0x3FB1];
	_ =	sdelay $0x3  }
0x36: {  	p1 =	seq.s32 s10, $0x1;
	s10 =	sld [smem:$0x3FB2];
	_ =	sdelay $0x3  }
0x37: {  	[smem:$0x3FB2] =	sst s10  }
0x38: {  	s10 =	sld [smem:$0x3FB3]  }
0x39: {  	_ = 	snop;
	(pc) =	sbr.ind lr, $3  }
0x3a: {  	_ = 	snop  }
0x3b: {  	_ = 	snop  }
0x3c: {  	p2 =	seq.s32 s10, $0x1;
	s10 =	sld [smem:$0x3FB2]  }
0x3d: {  	_ =	shalt  }
0x3e: {  	_ =	shalt  }
0x3f: {  	_ =	shalt  }
0x40: {  	_ =	shalt  }
0x41: {  	_ =	shalt  }
0x42: {  	_ =	shalt  }
0x43: {  	_ =	shalt  }
0x44: {  	_ =	shalt  }
0x45: {  	_ =	shalt  }
0x46: {  	_ =	shalt  }
0x47: {  	_ =	shalt  }
0x48: {  	_ =	shalt  }
0x49: {  	_ =	shalt  }
0x4a: {  	_ =	shalt  }
0x4b: {  	_ =	shalt  }
0x4c: {  	_ =	shalt  }
0x4d: {  	_ =	shalt  }
0x4e: {  	_ =	shalt  }
0x4f: {  	_ =	shalt  }
0x50: {  	_ =	shalt  }
0x51: {  	_ =	shalt  }
0x52: {  	_ =	shalt  }
0x53: {  	_ =	shalt  }
0x54: {  	_ =	shalt  }
0x55: {  	_ =	shalt  }
0x56: {  	_ =	shalt  }
0x57: {  	_ =	shalt  }
0x58: {  	_ =	shalt  }
0x59: {  	_ =	shalt  }
0x5a: {  	_ =	shalt  }
0x5b: {  	_ =	shalt  }
0x5c: {  	_ =	shalt  }
0x5d: {  	_ =	shalt  }
0x5e: {  	_ =	shalt  }
0x5f: {  	_ =	shalt  }
0x60: {  	_ =	shalt  }
0x61: {  	_ =	shalt  }
0x62: {  	_ =	shalt  }
0x63: {  	_ =	shalt  }
0x64: {  	_ =	shalt  }
0x65: {  	_ =	shalt  }
0x66: {  	_ =	shalt  }
0x67: {  	_ =	shalt  }
0x68: {  	_ =	shalt  }
0x69: {  	_ =	shalt  }
0x6a: {  	_ =	shalt  }
0x6b: {  	_ =	shalt  }
0x6c: {  	_ =	shalt  }
0x6d: {  	_ =	shalt  }
0x6e: {  	_ =	shalt  }
0x6f: {  	_ =	shalt  }
0x70: {  	_ =	shalt  }
0x71: {  	_ =	shalt  }
0x72: {  	_ =	shalt  }
0x73: {  	_ =	shalt  }
0x74: {  	_ =	shalt  }
0x75: {  	_ =	shalt  }
0x76: {  	_ =	shalt  }
0x77: {  	_ =	shalt  }
0x78: {  	_ =	shalt  }
0x79: {  	_ =	shalt  }
0x7a: {  	_ =	shalt  }
0x7b: {  	_ =	shalt  }
0x7c: {  	_ =	shalt  }
0x7d: {  	_ =	shalt  }
0x7e: {  	_ =	shalt  }
0x7f: {  	_ =	shalt  }
0x80: {  	_ =	shalt  }
0x81: {  	_ =	shalt  }
0x82: {  	_ =	shalt  }
0x83: {  	_ =	shalt  }
0x84: {  	_ =	shalt  }
0x85: {  	_ =	shalt  }
0x86: {  	_ =	shalt  }
0x87: {  	_ =	shalt  }
.Lfunc_end0:
.L_simem_size_0:
called_computation.2_lowered:
.L_overlay_start_0:
0x88: {  	s2 =	sld [smem:$0x3FD9]  }
0x89: {  	s3 =	sld [smem:$0x3FFE];
	_ =	sdelay $0x1  }
0x8a: {  	s1 =	srdreg.scid  }
0x8b: {  	s0 =	sand.u32 $0x1, s1  }
0x8c: {  	s17 =	sshll.u32 s0, $0xA;
	s2 =	sadd.s32 s3, s2  }
0x8d: {  	s2 =	sadd.s32 s2, s17  }
0x8e: {  	[smem:$0x3FBE] =	sst s2  }
0x8f: {  	_ = 	snop  }
0x90: {  	s2 =	sld [smem:$0x3FC8]  }
0x91: {  	s18 =	sld [smem:$0x3FD0];
	(tm) =	ssettm $0x1  }
0x92: {  	s4 =	sld [smem:$0x3FFB];
	_ =	sdelay $0x3  }
0x93: {  	_ =	strace s4  }
0x94: {  	s4 =	sld [smem:$0x3FFC];
	_ =	sdelay $0x3  }
0x95: {  	_ =	strace s4  }
0x96: {  	s4 =	sld [smem:$0x3FFD];
	_ =	sdelay $0x3  }
0x97: {  	_ =	strace s4  }
0x98: {  	_ =	strace $0x8FFFFFFF  }
0x99: {  	s19 =	sld [smem:$0x3FDB];
	_ =	sdelay $0x1  }
0x9a: {  	s5 =	simm.s32 $_scs_section_size  }
0x9b: {  	s6 =	simm.s32 $_size__tile_overlayer_lowered;
	s7 =	simm.s32 $_tile_overlayer_lowered  }
0x9c: {  	s22 =	simm.s32 $0x1BFF;
	s21 =	sshll.u32 s7, $0x1;
	s4 =	sadd.s32 s5, s19  }
0x9d: {  	s8 =	simm.s32 $0x0;
	s20 =	sshll.u32 s6, $0x1;
	s6 =	sadd.s32 s21, s4  }
0x9e: {  	[timem:s8], [sflag:s22] =	dma.local [hbm:s6], s20  }
0x9f: {  	_ =	swait.ge [sflag:s22], s20  }
0xa0: {  	s5 =	ssub.s32 $0x0, s20;
	[sflag:s22] =	ssyncset.done $0x0  }
0xa1: {  	[sflag:s22] =	ssyncadd.s32 s5;
	_ =	sdelay $0x1  }
0xa2: {  	s23 =	simm.s32 $0x1B8B  }
0xa3: {  	_ =	swait.ge [sflag:s23], $0x1  }
0xa4: {  	[sflag:s23] =	ssyncset.done $0x0  }
0xa5: {  	s25 =	simm.s32 $0x1B8E;
	s24 =	sld [smem:$0x3FFE];
	[sflag:s23] =	ssyncadd.s32 $0xFFFFFFFF  }
0xa6: {  	s26 =	simm.s32 $execute0_lowered;
	[smem:$0x3FD2] =	sst s25  }
0xa7: {  	s6 =	sshll.u32 s26, $0x1;
	_ =	strace $0x8000004C;
	[dreg:$0x1] =	wrdreg $0xFFFFFFFF  }
0xa8: {  	s28 =	simm.s32 $_size_execute0_lowered;
	s4 =	sadd.s32 s4, s6;
	[dreg:$0x0] =	wrdreg $0x0  }
0xa9: {  	s6 =	sshll.u32 s28, $0x1;
	[dreg:$0x2] =	wrdreg s4  }
0xaa: {  	[dreg:$0x3] =	wrdreg s6  }
0xab: {  	[dreg:$0x4] =	wrdreg $0xC0  }
0xac: {  	_ =	task [dreg:s8], $0x5FFFF  }
0xad: {  	[dreg:$0x1] =	wrdreg $0xFFFFFFFF  }
0xae: {  	[dreg:$0x0] =	wrdreg $0x60  }
0xaf: {  	[dreg:$0x2] =	wrdreg s18  }
0xb0: {  	[dreg:$0x3] =	wrdreg s2  }
0xb1: {  	[dreg:$0x4] =	wrdreg s24  }
0xb2: {  	[dreg:$0x5] =	wrdreg $0xC6000  }
0xb3: {  	[dreg:$0x6] =	wrdreg $0x9  }
0xb4: {  	_ =	task.clear_ibuf [dreg:s8], $0x7FFFF;
	_ =	strace $0x9000004C  }
0xb5: {  	s29 =	simm.s32 $0x9;
	_ =	strace $0x8000004E  }
0xb6: {  	_ =	swait.ge [sflag:s29], $0x1  }
0xb7: {  	[sflag:s29] =	ssyncadd.s32 $0xFFFFFFFF  }
0xb8: {  	_ =	strace $0x9000004E  }
0xb9: {  	_ =	sfence  }
0xba: {  	s30 =	sld [smem:$0x0];
	_ =	sdelay $0x2  }
0xbb: {  	s31 =	sshll.u32 s1, $0xD;
	s1 =	sshrl.u32 s1, $0x2  }
0xbc: {  	s3 =	sand.u32 $0x4000, s31;
	s1 =	sadd.s32 s1, s30  }
0xbd: {  	s0 =	sor.u32 s3, s0;
	s1 =	sshll.u32 s1, $0x11  }
0xbe: {  	s0 =	sor.u32 s1, s0  }
0xbf: {  	s0 =	sadd.s32 $0x8F2B, s0  }
0xc0: {  	[sflag:s0] =	ssyncadd.remote.s32 $0x1  }
0xc1: {  	_ =	sfence.sel $0xFFFF  }
0xc2: {  	[dreg:$0x0] =	wrdreg $0xFFFFFFFF;
	(pc) =	sbr.abs _section_cstart, $3  }
0xc3: {  	[dreg:$0x1] =	wrdreg $0xFFFFFFFF  }
0xc4: {  	_ =	task.clear_ibuf [dreg:s8], $0x2FFFF;
	_ =	strace $0x9FFFFFFF  }
0xc5: {  	(tm) =	ssettm $0x7FFFFFFF  }
tec
execute0_lowered:
.L_overlay_start_1:
0x0: {  	(tag) =	ssettag $0x1  }
0x1: {  	s0 =	rddreg [dreg:$0x0]  }
0x2: {  	s1 =	rddreg [dreg:$0x1]  }
0x3: {  	s2 =	rddreg [dreg:$0x2];
	s4 =	srdreg.scid  }
0x4: {  	s3 =	rddreg [dreg:$0x3];
	s12 =	stileid.u32  }
0x5: {  	s17 =	simm.s32 $0x1;
	s18 =	simm.s32 $0x80;
	s20 =	simm.s32 $0x2  }
0x6: {  	s5 =	sand.u32 $0x1, s4;
	s4 =	simm.s32 $0x0;
	s7 =	smul.u32 $0x1F400, s12  }
0x7: {  	s8 =	sadd.s32 $0x2800, s2;
	s22 =	smul.u32 $0x7D000, s12;
	s30 =	sshll.u32 s12, $0x5  }
0x8: {  	p0 =	sgt.u32 s12, $0x9;
	s6 =	smul.u32 $0x138800, s5;
	[smem:$0x7FF] =	sst s4  }
0x9: {  	s21 =	ssub.s32 $0x2, s5;
	s9 =	sshll.u32 s5, $0x4;
	s5 =	sshll.u32 s5, $0x9  }
0xa: {  	_ =	strace $0x8000004D;
	[dreg:$0x8] =	wrdreg s8;
	s23 =	sshrl.u32 s21, $0x1  }
0xb: {  	s24 =	sshrl.u32 s22, $0x2;
	s22 =	simm.s32 $0x0;
	s6 =	sadd.s32 s7, s6  }
0xc: {  	s11 =	ssub.s32 s21, s23;
	s14 =	sadd.s32 s24, s3;
	s6 =	sshrl.u32 s6, $0x3  }
0xd: {  	s31 =	smax.u32 s11, $0x1;
	s2 =	sadd.s32 s6, s2;
	s6 =	sor.u32 s12, s9  }
0xe: {  	s14 =	sshrl.u32 @!p0 s14, $0x3;
	[dreg:$0xc] =	wrdreg s31;
	s26 =	ssub.s32 $0x984, s6  }
0xf: {  	s25 =	sshll.u32 s6, $0x5;
	s9 =	ssub.s32 $0x9C4, s6;
	[dreg:$0x5] =	wrdreg s26  }
0x10: {  	s10 =	ssub.s32 $0x9A4, s6;
	s2 =	sadd.s32 $0x6800, s2;
	[dreg:$0x6] =	wrdreg s9  }
0x11: {  	s7 =	sadd.s32 s1, s25;
	[dreg:$0x7] =	wrdreg s10;
	s1 =	sadd.s32 s5, s1  }
0x12: {  	[dreg:$0xb] =	wrdreg s2;
	s2 =	sshll.u32 @!p0 s12, $0x6;
	s28 =	sadd.s32 $0x400, s7  }
0x13: {  	s29 =	sadd.s32 $0x800, s7;
	s1 =	sadd.s32 s30, s1;
	[dreg:$0x9] =	wrdreg s28  }
0x14: {  	s13 =	sor.u32 @!p0 $0x1C0D, s2;
	[dreg:$0xa] =	wrdreg s29;
	s12 =	sadd.s32 $0x2000, s1  }
.LBB2_1:
0x15: {  	s1 =	rddreg [dreg:$0x8]  }
0x16: {  	[spmem:s14], [sflag:s13] =	dma.local @!p0 [hbm:s1], $0x3E80  }
0x17: {  	s1 =	simm.s32 @!p0 $0xD  }
0x18: {  	_ =	swait.ge @!p0 [sflag:s1], $0x3E80  }
0x19: {  	[sflag:s1] =	ssyncset.done @!p0 $0x0  }
0x1a: {  	[sflag:s1] =	ssyncadd.s32 @!p0 $0xFFFFC180  }
0x1b: {  	[bflag:$0x0] =	sbarrier.arrive $0xFFFF  }
0x1c: {  	[tilespmem:s4], [sflag:$0x1] =	stream.linear.gather [hbm4b:s7+s4], $0x100, $0x38;
	[tilespmem:$0x1FE80] =	vst v63  }
0x1d: {  	s2 =	simm.s32 $0x100;
	s26 =	rddreg [dreg:$0x9]  }
0x1e: {  	[tilespmem:s2], [sflag:$0x2] =	stream.linear.gather [hbm4b:s26+s4], $0x100, $0x38;
	[tilespmem:$0x1FE80] =	vst v63  }
0x1f: {  	s5 =	simm.s32 $0x200;
	s28 =	rddreg [dreg:$0xa]  }
0x20: {  	[tilespmem:s5], [sflag:$0x3] =	stream.linear.gather [hbm4b:s28+s4], $0x100, $0x38;
	[tilespmem:$0x1FE80] =	vst v63  }
0x21: {  	_ =	swait.ge [sflag:s17], $0x100  }
0x22: {  	[sflag:s17] =	ssyncset.done $0x0  }
0x23: {  	s5 =	simm.s32 $0x600;
	[sflag:s17] =	ssyncadd.s32 $0xFFFFFF00  }
0x24: {  	[tilespmem:s5], [sflag:$0x7] =	stream.indirect.gather [hbm4b:s0+s18], $0x80, s4, s18, $0xb8;
	[tilespmem:$0x1FE80] =	vst v63  }
0x25: {  	_ =	swait.ge [sflag:s20], $0x100  }
0x26: {  	p1 =	por $0x1, $0x1;
	[sflag:s20] =	ssyncset.done $0x0  }
0x27: {  	s8 =	simm.s32 $0x4600;
	s1 =	simm.s32 @!p1 $0xC;
	[sflag:s20] =	ssyncadd.s32 $0xFFFFFF00  }
0x28: {  	[tilespmem:s8], [sflag:$0x8] =	stream.indirect.gather [hbm4b:s0+s18], $0x80, s2, s18, $0xb8;
	[tilespmem:$0x1FE80] =	vst v63  }
0x29: {  	_ =	swait.ge @!p1 [sflag:s1], $0x4000  }
0x2a: {  	s10 =	sadd.s32 $0x0, s6;
	s9 =	rddreg [dreg:$0x5]  }
0x2b: {  	s16 =	sadd.s32 $0x60, s10;
	[sflag:s1] =	ssyncset.done @!p1 $0x0;
	p4 =	sle.u32 s9, $0x0  }
0x2c: {  	p3 =	sgt.u32 s16, $0x9C3;
	[sflag:s1] =	ssyncadd.s32 @!p1 $0xFFFFC000;
	s5 =	simm.s32 @!p4 $0x3  }
0x2d: {  	s16 =	simm.s32 @!p3 $0x0;
	_ =	swait.ge @!p4 [sflag:s5], $0x100  }
0x2e: {  	s1 =	simm.s32 @!p4 $0x8600;
	s21 =	simm.s32 @!p4 $0x200;
	[sflag:s5] =	ssyncset.done @!p4 $0x0  }
0x2f: {  	s19 =	rddreg [dreg:$0x6];
	[sflag:s5] =	ssyncadd.s32 @!p4 $0xFFFFFF00;
	s5 =	simm.s32 @!p4 $0x80  }
0x30: {  	[tilespmem:s1], [sflag:$0x9] =	stream.indirect.gather @!p4 [hbm4b:s0+s5], $0x80, s21, s5, $0xb8;
	[tilespmem:$0x1FE80] =	vst v63  }
0x31: {  	s23 =	simm.s32 @!p3 $0x300;
	p1 =	sle.u32 s19, $0x0;
	s21 =	sadd.s32 @!p3 $0xFFFFEC00, s12  }
0x32: {  	[tilespmem:s23], [sflag:$0x4] =	stream.linear.gather @!p3 [hbm4b:s21+s16], $0x100, $0x38;
	[tilespmem:$0x1FE80] =	vst v63  }
0x33: {  	s16 =	simm.s32 @!p1 $0x7  }
0x34: {  	_ =	swait.ge @!p1 [sflag:s16], $0x4000  }
0x35: {  	s19 =	simm.s32 @!p1 $0x80;
	[sflag:s16] =	ssyncset.done @!p1 $0x0  }
0x36: {  	s21 =	simm.s32 @!p1 $0x600;
	[sflag:s16] =	ssyncadd.s32 @!p1 $0xFFFFC000;
	s16 =	simm.s32 @!p1 $0xA  }
0x37: {  	[spmem:s3] =	stream.indirect.scatter.add.f32 @!p1 [tilespmem:s21], [sflag:$0xA], $0x80, s19, s19, $0xb8;
	[tilespmem:$0x1FE80] =	vst v63  }
0x38: {  	_ =	swait.ge @!p1 [sflag:s16], $0x4000  }
0x39: {  	[sflag:s16] =	ssyncset.done @!p1 $0x0  }
0x3a: {  	s11 =	sadd.s32 $0x80, s10;
	s21 =	simm.s32 @!p3 $0x4;
	[sflag:s16] =	ssyncadd.s32 @!p1 $0xFFFFC000  }
0x3b: {  	p1 =	sgt.u32 s11, $0x9C3;
	s16 =	simm.s32 @!p3 $0x80;
	_ =	swait.ge @!p3 [sflag:s21], $0x100  }
0x3c: {  	s24 =	simm.s32 @!p1 $0x400;
	[sflag:s21] =	ssyncset.done @!p3 $0x0;
	s15 =	rddreg [dreg:$0x7]  }
0x3d: {  	[sflag:s21] =	ssyncadd.s32 @!p3 $0xFFFFFF00;
	s21 =	simm.s32 @!p3 $0x600;
	p2 =	sle.u32 s15, $0x0  }
0x3e: {  	[tilespmem:s21], [sflag:$0x7] =	stream.indirect.gather @!p3 [hbm4b:s0+s16], $0x80, s23, s16, $0xb8;
	[tilespmem:$0x1FE80] =	vst v63  }
0x3f: {  	s25 =	simm.s32 @!p1 $0x0;
	s23 =	sadd.s32 @!p1 $0xFFFFF000, s12;
	s19 =	simm.s32 @!p2 $0x8  }
0x40: {  	[tilespmem:s24], [sflag:$0x5] =	stream.linear.gather @!p1 [hbm4b:s23+s25], $0x100, $0x38;
	[tilespmem:$0x1FE80] =	vst v63  }
0x41: {  	_ =	swait.ge @!p2 [sflag:s19], $0x4000  }
0x42: {  	s26 =	simm.s32 @!p2 $0x180;
	s28 =	simm.s32 @!p2 $0xB;
	[sflag:s19] =	ssyncset.done @!p2 $0x0  }
0x43: {  	s23 =	simm.s32 @!p2 $0x4600;
	s25 =	simm.s32 @!p2 $0x80;
	[sflag:s19] =	ssyncadd.s32 @!p2 $0xFFFFC000  }
0x44: {  	[spmem:s3] =	stream.indirect.scatter.add.f32 @!p2 [tilespmem:s23], [sflag:$0xB], $0x80, s26, s25, $0xb8;
	[tilespmem:$0x1FE80] =	vst v63  }
0x45: {  	_ =	swait.ge @!p2 [sflag:s28], $0x4000  }
0x46: {  	[sflag:s28] =	ssyncset.done @!p2 $0x0  }
0x47: {  	s23 =	simm.s32 @!p1 $0x5;
	[sflag:s28] =	ssyncadd.s32 @!p2 $0xFFFFC000  }
0x48: {  	s29 =	simm.s32 @!p1 $0x80;
	_ =	swait.ge @!p1 [sflag:s23], $0x100  }
0x49: {  	s30 =	simm.s32 @!p1 $0x4600;
	s25 =	sadd.s32 $0xA0, s10;
	[sflag:s23] =	ssyncset.done @!p1 $0x0  }
0x4a: {  	p2 =	sgt.u32 s25, $0x9C3;
	s25 =	simm.s32 @!p4 $0x9;
	[sflag:s23] =	ssyncadd.s32 @!p1 $0xFFFFFF00  }
0x4b: {  	[tilespmem:s30], [sflag:$0x8] =	stream.indirect.gather @!p1 [hbm4b:s0+s29], $0x80, s24, s29, $0xb8;
	[tilespmem:$0x1FE80] =	vst v63  }
0x4c: {  	s19 =	simm.s32 @!p2 $0x0;
	s23 =	sadd.s32 @!p2 $0xFFFFF400, s12;
	s24 =	simm.s32 @!p2 $0x500  }
0x4d: {  	[tilespmem:s24], [sflag:$0x6] =	stream.linear.gather @!p2 [hbm4b:s23+s19], $0x100, $0x38;
	[tilespmem:$0x1FE80] =	vst v63  }
0x4e: {  	_ =	swait.ge @!p4 [sflag:s25], $0x4000  }
0x4f: {  	[sflag:s25] =	ssyncset.done @!p4 $0x0  }
0x50: {  	s19 =	simm.s32 @!p4 $0x280;
	s23 =	simm.s32 @!p4 $0xC;
	[sflag:s25] =	ssyncadd.s32 @!p4 $0xFFFFC000  }
0x51: {  	[spmem:s3] =	stream.indirect.scatter.add.f32 @!p4 [tilespmem:s1], [sflag:$0xC], $0x80, s19, s5, $0xb8;
	[tilespmem:$0x1FE80] =	vst v63  }
0x52: {  	_ =	swait.ge @!p4 [sflag:s23], $0x4000  }
0x53: {  	[sflag:s23] =	ssyncset.done @!p4 $0x0  }
0x54: {  	s5 =	simm.s32 @!p2 $0x6;
	[sflag:s23] =	ssyncadd.s32 @!p4 $0xFFFFC000  }
0x55: {  	_ =	swait.ge @!p2 [sflag:s5], $0x100  }
0x56: {  	s26 =	sadd.s32 $0xC0, s10;
	s31 =	simm.s32 @!p2 $0x80;
	[sflag:s5] =	ssyncset.done @!p2 $0x0  }
0x57: {  	s1 =	simm.s32 @!p2 $0x8600;
	p4 =	sgt.u32 s26, $0x9C3;
	[sflag:s5] =	ssyncadd.s32 @!p2 $0xFFFFFF00  }
0x58: {  	[tilespmem:s1], [sflag:$0x9] =	stream.indirect.gather @!p2 [hbm4b:s0+s31], $0x80, s24, s31, $0xb8;
	[tilespmem:$0x1FE80] =	vst v63  }
0x59: {  	s23 =	simm.s32 @!p3 $0x7;
	s19 =	sadd.s32 @!p4 $0xFFFFF800, s12;
	s5 =	simm.s32 @!p4 $0x0  }
0x5a: {  	[tilespmem:s5], [sflag:$0x1] =	stream.linear.gather @!p4 [hbm4b:s19+s5], $0x100, $0x38;
	[tilespmem:$0x1FE80] =	vst v63  }
0x5b: {  	_ =	swait.ge @!p3 [sflag:s23], $0x4000  }
0x5c: {  	[sflag:s23] =	ssyncset.done @!p3 $0x0  }
0x5d: {  	s24 =	simm.s32 @!p3 $0x380;
	s19 =	simm.s32 @!p3 $0xA;
	[sflag:s23] =	ssyncadd.s32 @!p3 $0xFFFFC000  }
0x5e: {  	[spmem:s3] =	stream.indirect.scatter.add.f32 @!p3 [tilespmem:s21], [sflag:$0xA], $0x80, s24, s16, $0xb8;
	[tilespmem:$0x1FE80] =	vst v63  }
0x5f: {  	s28 =	sadd.s32 $0xE0, s10;
	_ =	swait.ge @!p3 [sflag:s19], $0x4000  }
0x60: {  	p5 =	sgt.u32 s28, $0x9C3;
	s25 =	smov.u32 s12;
	[sflag:s19] =	ssyncset.done @!p3 $0x0  }
0x61: {  	s26 =	sadd.s32 $0x1800, s12;
	s16 =	simm.s32 @!p4 $0x1;
	[sflag:s19] =	ssyncadd.s32 @!p3 $0xFFFFC000  }
0x62: {  	s2 =	simm.s32 @!p4 $0x80;
	s23 =	sadd.s32 $0x100, s10;
	_ =	swait.ge @!p4 [sflag:s16], $0x100  }
0x63: {  	s24 =	simm.s32 $0xC0;
	s21 =	simm.s32 @!p4 $0x600;
	[sflag:s16] =	ssyncset.done @!p4 $0x0  }
0x64: {  	s19 =	simm.s32 @!p5 $0x0;
	[sflag:s16] =	ssyncadd.s32 @!p4 $0xFFFFFF00;
	s16 =	simm.s32 @!p1 $0xB  }
0x65: {  	[tilespmem:s21], [sflag:$0x7] =	stream.indirect.gather @!p4 [hbm4b:s0+s2], $0x80, s5, s2, $0xb8;
	[tilespmem:$0x1FE80] =	vst v63  }
0x66: {  	s2 =	simm.s32 @!p1 $0x8;
	s21 =	sadd.s32 @!p5 $0xFFFFFC00, s12;
	s5 =	simm.s32 @!p5 $0x100  }
.LBB2_2:
0x67: {  	[tilespmem:s5], [sflag:$0x2] =	stream.linear.gather @!p5 [hbm4b:s21+s19], $0x100, $0x38;
	[tilespmem:$0x1FE80] =	vst v63  }
0x68: {  	_ =	swait.ge @!p1 [sflag:s2], $0x4000  }
0x69: {  	[sflag:s2] =	ssyncset.done @!p1 $0x0  }
0x6a: {  	s21 =	simm.s32 @!p1 $0x480;
	[sflag:s2] =	ssyncadd.s32 @!p1 $0xFFFFC000  }
0x6b: {  	[spmem:s3] =	stream.indirect.scatter.add.f32 @!p1 [tilespmem:s30], [sflag:$0xB], $0x80, s21, s29, $0xb8;
	[tilespmem:$0x1FE80] =	vst v63  }
0x6c: {  	_ =	swait.ge @!p1 [sflag:s16], $0x4000  }
0x6d: {  	[sflag:s16] =	ssyncset.done @!p1 $0x0  }
0x6e: {  	s2 =	simm.s32 @!p5 $0x2;
	[sflag:s16] =	ssyncadd.s32 @!p1 $0xFFFFC000  }
0x6f: {  	_ =	swait.ge @!p5 [sflag:s2], $0x100  }
0x70: {  	s28 =	simm.s32 @!p5 $0x4600;
	[sflag:s2] =	ssyncset.done @!p5 $0x0  }
0x71: {  	s21 =	simm.s32 @!p5 $0x80;
	p1 =	sgt.u32 s23, $0x9C3;
	[sflag:s2] =	ssyncadd.s32 @!p5 $0xFFFFFF00  }
0x72: {  	[tilespmem:s28], [sflag:$0x8] =	stream.indirect.gather @!p5 [hbm4b:s0+s21], $0x80, s5, s21, $0xb8;
	[tilespmem:$0x1FE80] =	vst v63  }
0x73: {  	s29 =	simm.s32 @!p2 $0x9;
	s2 =	simm.s32 @!p1 $0x0;
	s5 =	simm.s32 @!p1 $0x200  }
0x74: {  	[tilespmem:s5], [sflag:$0x3] =	stream.linear.gather @!p1 [hbm4b:s25+s2], $0x100, $0x38;
	[tilespmem:$0x1FE80] =	vst v63  }
0x75: {  	s19 =	smov.u32 s24;
	_ =	swait.ge @!p2 [sflag:s29], $0x4000  }
0x76: {  	p1 =	seq.s32 s19, $0x0;
	[sflag:s29] =	ssyncset.done @!p2 $0x0  }
0x77: {  	s2 =	simm.s32 @!p2 $0x580;
	s5 =	simm.s32 @!p1 $0xC;
	[sflag:s29] =	ssyncadd.s32 @!p2 $0xFFFFC000  }
0x78: {  	[spmem:s3] =	stream.indirect.scatter.add.f32 @!p2 [tilespmem:s1], [sflag:$0xC], $0x80, s2, s31, $0xb8;
	[tilespmem:$0x1FE80] =	vst v63  }
0x79: {  	_ =	swait.ge @!p1 [sflag:s5], $0x4000  }
0x7a: {  	s16 =	sadd.s32 s19, s6;
	s9 =	rddreg [dreg:$0x5]  }
0x7b: {  	s10 =	sadd.s32 $0x60, s16;
	[sflag:s5] =	ssyncset.done @!p1 $0x0;
	p5 =	sge.u32 s19, s9  }
0x7c: {  	p4 =	sgt.u32 s10, $0x9C3;
	[sflag:s5] =	ssyncadd.s32 @!p1 $0xFFFFC000;
	s5 =	simm.s32 @!p5 $0x3  }
0x7d: {  	s30 =	simm.s32 @!p4 $0x300;
	_ =	swait.ge @!p5 [sflag:s5], $0x100  }
0x7e: {  	s1 =	simm.s32 @!p5 $0x8600;
	s31 =	simm.s32 @!p5 $0x80;
	[sflag:s5] =	ssyncset.done @!p5 $0x0  }
0x7f: {  	s11 =	rddreg [dreg:$0x6];
	[sflag:s5] =	ssyncadd.s32 @!p5 $0xFFFFFF00;
	s5 =	simm.s32 @!p5 $0x200  }
0x80: {  	[tilespmem:s1], [sflag:$0x9] =	stream.indirect.gather @!p5 [hbm4b:s0+s31], $0x80, s5, s31, $0xb8;
	[tilespmem:$0x1FE80] =	vst v63  }
0x81: {  	s2 =	simm.s32 @!p4 $0x0;
	p2 =	sge.u32 s19, s11;
	s5 =	sadd.s32 @!p4 $0xFFFFEC00, s26  }
0x82: {  	[tilespmem:s30], [sflag:$0x4] =	stream.linear.gather @!p4 [hbm4b:s5+s2], $0x100, $0x38;
	[tilespmem:$0x1FE80] =	vst v63  }
0x83: {  	s2 =	simm.s32 @!p2 $0x7  }
0x84: {  	_ =	swait.ge @!p2 [sflag:s2], $0x4000  }
0x85: {  	s21 =	simm.s32 @!p2 $0x80;
	[sflag:s2] =	ssyncset.done @!p2 $0x0  }
0x86: {  	s8 =	simm.s32 @!p2 $0x600;
	[sflag:s2] =	ssyncadd.s32 @!p2 $0xFFFFC000;
	s2 =	simm.s32 @!p2 $0xA  }
0x87: {  	[spmem:s3] =	stream.indirect.scatter.add.f32 @!p2 [tilespmem:s8], [sflag:$0xA], $0x80, s21, s21, $0xb8;
	[tilespmem:$0x1FE80] =	vst v63  }
0x88: {  	_ =	swait.ge @!p2 [sflag:s2], $0x4000  }
0x89: {  	s15 =	sadd.s32 $0x80, s16;
	[sflag:s2] =	ssyncset.done @!p2 $0x0  }
0x8a: {  	s9 =	simm.s32 @!p4 $0x4;
	p1 =	sgt.u32 s15, $0x9C3;
	[sflag:s2] =	ssyncadd.s32 @!p2 $0xFFFFC000  }
0x8b: {  	s10 =	sadd.s32 @!p1 $0xFFFFF000, s26;
	_ =	swait.ge @!p4 [sflag:s9], $0x100  }
0x8c: {  	s5 =	simm.s32 @!p4 $0x600;
	[sflag:s9] =	ssyncset.done @!p4 $0x0;
	s11 =	rddreg [dreg:$0x7]  }
0x8d: {  	s21 =	simm.s32 @!p4 $0x80;
	[sflag:s9] =	ssyncadd.s32 @!p4 $0xFFFFFF00;
	p6 =	sge.u32 s19, s11  }
0x8e: {  	[tilespmem:s5], [sflag:$0x7] =	stream.indirect.gather @!p4 [hbm4b:s0+s21], $0x80, s30, s21, $0xb8;
	[tilespmem:$0x1FE80] =	vst v63  }
0x8f: {  	s15 =	simm.s32 @!p1 $0x0;
	s8 =	simm.s32 @!p1 $0x400;
	s9 =	simm.s32 @!p6 $0x8  }
0x90: {  	[tilespmem:s8], [sflag:$0x5] =	stream.linear.gather @!p1 [hbm4b:s10+s15], $0x100, $0x38;
	[tilespmem:$0x1FE80] =	vst v63  }
0x91: {  	_ =	swait.ge @!p6 [sflag:s9], $0x4000  }
0x92: {  	s11 =	simm.s32 @!p6 $0x80;
	s19 =	simm.s32 @!p6 $0xB;
	[sflag:s9] =	ssyncset.done @!p6 $0x0  }
0x93: {  	s10 =	simm.s32 @!p6 $0x4600;
	s15 =	simm.s32 @!p6 $0x180;
	[sflag:s9] =	ssyncadd.s32 @!p6 $0xFFFFC000  }
0x94: {  	[spmem:s3] =	stream.indirect.scatter.add.f32 @!p6 [tilespmem:s10], [sflag:$0xB], $0x80, s15, s11, $0xb8;
	[tilespmem:$0x1FE80] =	vst v63  }
0x95: {  	_ =	swait.ge @!p6 [sflag:s19], $0x4000  }
0x96: {  	[sflag:s19] =	ssyncset.done @!p6 $0x0  }
0x97: {  	s9 =	simm.s32 @!p1 $0x5;
	[sflag:s19] =	ssyncadd.s32 @!p6 $0xFFFFC000  }
0x98: {  	s29 =	sadd.s32 $0xA0, s16;
	_ =	swait.ge @!p1 [sflag:s9], $0x100  }
0x99: {  	p2 =	sgt.u32 s29, $0x9C3;
	s29 =	simm.s32 @!p1 $0x80;
	[sflag:s9] =	ssyncset.done @!p1 $0x0  }
0x9a: {  	s30 =	simm.s32 @!p1 $0x4600;
	s10 =	simm.s32 @!p2 $0x0;
	[sflag:s9] =	ssyncadd.s32 @!p1 $0xFFFFFF00  }
0x9b: {  	[tilespmem:s30], [sflag:$0x8] =	stream.indirect.gather @!p1 [hbm4b:s0+s29], $0x80, s8, s29, $0xb8;
	[tilespmem:$0x1FE80] =	vst v63  }
0x9c: {  	s11 =	sadd.s32 @!p2 $0xFFFFF400, s26;
	s15 =	simm.s32 @!p2 $0x500;
	s9 =	simm.s32 @!p5 $0x9  }
0x9d: {  	[tilespmem:s15], [sflag:$0x6] =	stream.linear.gather @!p2 [hbm4b:s11+s10], $0x100, $0x38;
	[tilespmem:$0x1FE80] =	vst v63  }
0x9e: {  	_ =	swait.ge @!p5 [sflag:s9], $0x4000  }
0x9f: {  	[sflag:s9] =	ssyncset.done @!p5 $0x0  }
0xa0: {  	s8 =	simm.s32 @!p5 $0xC;
	s10 =	simm.s32 @!p5 $0x280;
	[sflag:s9] =	ssyncadd.s32 @!p5 $0xFFFFC000  }
0xa1: {  	[spmem:s3] =	stream.indirect.scatter.add.f32 @!p5 [tilespmem:s1], [sflag:$0xC], $0x80, s10, s31, $0xb8;
	[tilespmem:$0x1FE80] =	vst v63  }
0xa2: {  	_ =	swait.ge @!p5 [sflag:s8], $0x4000  }
0xa3: {  	[sflag:s8] =	ssyncset.done @!p5 $0x0  }
0xa4: {  	s10 =	simm.s32 @!p2 $0x6;
	[sflag:s8] =	ssyncadd.s32 @!p5 $0xFFFFC000  }
0xa5: {  	s19 =	sadd.s32 $0xC0, s16;
	_ =	swait.ge @!p2 [sflag:s10], $0x100  }
0xa6: {  	s24 =	sadd.s32 $0xC0, s24;
	p6 =	sgt.u32 s19, $0x9C3;
	[sflag:s10] =	ssyncset.done @!p2 $0x0  }
0xa7: {  	s31 =	simm.s32 @!p2 $0x80;
	s1 =	simm.s32 @!p2 $0x8600;
	[sflag:s10] =	ssyncadd.s32 @!p2 $0xFFFFFF00  }
0xa8: {  	[tilespmem:s1], [sflag:$0x9] =	stream.indirect.gather @!p2 [hbm4b:s0+s31], $0x80, s15, s31, $0xb8;
	[tilespmem:$0x1FE80] =	vst v63  }
0xa9: {  	s11 =	sadd.s32 @!p6 $0xFFFFF800, s26;
	s9 =	simm.s32 @!p6 $0x0;
	s8 =	simm.s32 @!p4 $0x7  }
0xaa: {  	[tilespmem:s9], [sflag:$0x1] =	stream.linear.gather @!p6 [hbm4b:s11+s9], $0x100, $0x38;
	[tilespmem:$0x1FE80] =	vst v63  }
0xab: {  	p3 =	sne.s32 s24, $0xA80;
	_ =	swait.ge @!p4 [sflag:s8], $0x4000  }
0xac: {  	s23 =	sadd.s32 $0x100, s16;
	s28 =	sadd.s32 $0xE0, s16;
	[sflag:s8] =	ssyncset.done @!p4 $0x0  }
0xad: {  	s10 =	simm.s32 @!p4 $0xA;
	s11 =	simm.s32 @!p4 $0x380;
	[sflag:s8] =	ssyncadd.s32 @!p4 $0xFFFFC000  }
0xae: {  	[spmem:s3] =	stream.indirect.scatter.add.f32 @!p4 [tilespmem:s5], [sflag:$0xA], $0x80, s11, s21, $0xb8;
	[tilespmem:$0x1FE80] =	vst v63  }
0xaf: {  	s25 =	smov.u32 s26;
	s2 =	simm.s32 @!p1 $0x8;
	_ =	swait.ge @!p4 [sflag:s10], $0x4000  }
0xb0: {  	s16 =	simm.s32 @!p1 $0xB;
	p5 =	sgt.u32 s28, $0x9C3;
	[sflag:s10] =	ssyncset.done @!p4 $0x0  }
.Ltmp0:
0xb1: {  	s8 =	simm.s32 @!p6 $0x1;
	[sflag:s10] =	ssyncadd.s32 @!p4 $0xFFFFC000;
	(pc) =	sbr.rel @p3 .LBB2_2-.Ltmp0, $4  }
0xb2: {  	s19 =	simm.s32 @!p5 $0x0;
	s15 =	simm.s32 @!p6 $0x600;
	_ =	swait.ge @!p6 [sflag:s8], $0x100  }
0xb3: {  	s11 =	simm.s32 @!p6 $0x80;
	s21 =	sadd.s32 @!p5 $0xFFFFFC00, s26;
	[sflag:s8] =	ssyncset.done @!p6 $0x0  }
0xb4: {  	s5 =	simm.s32 @!p5 $0x100;
	s26 =	sadd.s32 $0x1800, s26;
	[sflag:s8] =	ssyncadd.s32 @!p6 $0xFFFFFF00  }
0xb5: {  	[tilespmem:s15], [sflag:$0x7] =	stream.indirect.gather @!p6 [hbm4b:s0+s11], $0x80, s9, s11, $0xb8;
	[tilespmem:$0x1FE80] =	vst v63  }
0xb6: {  	[tilespmem:s5], [sflag:$0x2] =	stream.linear.gather @!p5 [hbm4b:s21+s19], $0x100, $0x38;
	[tilespmem:$0x1FE80] =	vst v63  }
0xb7: {  	_ =	swait.ge @!p1 [sflag:s2], $0x4000  }
0xb8: {  	[sflag:s2] =	ssyncset.done @!p1 $0x0  }
0xb9: {  	s8 =	simm.s32 @!p1 $0x480;
	[sflag:s2] =	ssyncadd.s32 @!p1 $0xFFFFC000  }
0xba: {  	[spmem:s3] =	stream.indirect.scatter.add.f32 @!p1 [tilespmem:s30], [sflag:$0xB], $0x80, s8, s29, $0xb8;
	[tilespmem:$0x1FE80] =	vst v63  }
0xbb: {  	_ =	swait.ge @!p1 [sflag:s16], $0x4000  }
0xbc: {  	[sflag:s16] =	ssyncset.done @!p1 $0x0  }
0xbd: {  	s2 =	simm.s32 @!p5 $0x2;
	[sflag:s16] =	ssyncadd.s32 @!p1 $0xFFFFC000  }
0xbe: {  	_ =	swait.ge @!p5 [sflag:s2], $0x100  }
0xbf: {  	s9 =	simm.s32 @!p5 $0x4600;
	[sflag:s2] =	ssyncset.done @!p5 $0x0  }
0xc0: {  	s8 =	simm.s32 @!p5 $0x80;
	p1 =	sgt.u32 s23, $0x9C3;
	[sflag:s2] =	ssyncadd.s32 @!p5 $0xFFFFFF00  }
0xc1: {  	[tilespmem:s9], [sflag:$0x8] =	stream.indirect.gather @!p5 [hbm4b:s0+s8], $0x80, s5, s8, $0xb8;
	[tilespmem:$0x1FE80] =	vst v63  }
0xc2: {  	s2 =	simm.s32 @!p2 $0x9;
	s5 =	simm.s32 @!p1 $0x0;
	s8 =	simm.s32 @!p1 $0x200  }
0xc3: {  	[tilespmem:s8], [sflag:$0x3] =	stream.linear.gather @!p1 [hbm4b:s25+s5], $0x100, $0x38;
	[tilespmem:$0x1FE80] =	vst v63  }
0xc4: {  	_ =	swait.ge @!p2 [sflag:s2], $0x4000  }
0xc5: {  	[sflag:s2] =	ssyncset.done @!p2 $0x0  }
0xc6: {  	s5 =	simm.s32 @!p2 $0x580;
	[sflag:s2] =	ssyncadd.s32 @!p2 $0xFFFFC000  }
0xc7: {  	[spmem:s3] =	stream.indirect.scatter.add.f32 @!p2 [tilespmem:s1], [sflag:$0xC], $0x80, s5, s31, $0xb8;
	[tilespmem:$0x1FE80] =	vst v63  }
0xc8: {  	[bflag:$0x0] =	sbarrier.arrive $0xFFFF  }
0xc9: {  	s1 =	rddreg [dreg:$0xb]  }
0xca: {  	[hbm:s1], [sflag:s13] =	dma.local @!p0 [spmem:s14], $0x3E80  }
0xcb: {  	s1 =	simm.s32 @!p0 $0xD  }
0xcc: {  	_ =	swait.ge @!p0 [sflag:s1], $0x3E80  }
0xcd: {  	s22 =	sadd.s32 $0x1, s22;
	s31 =	rddreg [dreg:$0xc]  }
0xce: {  	p1 =	sne.s32 s22, s31  }
.Ltmp1:
0xcf: {  	_ = 	snop;
	(pc) =	sbr.rel @p1 .LBB2_1-.Ltmp1, $3  }
0xd0: {  	_ =	sdelay $0x1  }
0xd1: {  	[sflag:s1] =	ssyncset.done @!p0 $0x0  }
0xd2: {  	[sflag:s1] =	ssyncadd.s32 @!p0 $0xFFFFC180  }
0xd3: {  	_ =	sfence.sel $0x180000  }
0xd4: {  	[bflag:$0x0] =	sbarrier.arrive $0xFFFF  }
0xd5: {  	_ =	strace $0x9000004D  }
0xd6: {  	s0 =	stileid.u32;
	[bflag:$0x2] =	sbarrier.arrive $0xFFFF  }
0xd7: {  	p0 =	sne.s32 s0, $0x0;
	s0 =	rddreg [dreg:$0x4]  }
0xd8: {  	s0 =	sadd.s32 @!p0 $0x100000, s0  }
0xd9: {  	[sflag:s0] =	ssyncadd.tile.s32 @!p0 $0x1;
	_ =	shalt  }
.Lfunc_end2:
_tile_overlayer_lowered:
.L_overlay_start_2:
0xda: {  	(tag) =	ssettag $0x2  }
0xdb: {  	s0 =	rddreg [dreg:$0x0];
	s2 =	stileid.u32  }
0xdc: {  	s1 =	rddreg [dreg:$0x1];
	p0 =	sne.s32 s2, $0x0  }
0xdd: {  	s3 =	rddreg [dreg:$0x2];
	[bflag:$0x3] =	sbarrier.arrive $0xFFFF;
	s2 =	simm.s32 @!p0 $0x1C0D  }
0xde: {  	[timem:s3], [sflag:s2] =	dma.local @!p0 [hbm:s0], s1  }
0xdf: {  	s0 =	simm.s32 @!p0 $0xD  }
0xe0: {  	_ =	swait.ge @!p0 [sflag:s0], s1  }
0xe1: {  	s1 =	ssub.s32 @!p0 $0x0, s1;
	[sflag:s0] =	ssyncset.done @!p0 $0x0  }
0xe2: {  	[sflag:s0] =	ssyncadd.s32 @!p0 s1  }
0xe3: {  	[bflag:$0x3] =	sbarrier.arrive $0xFFFF  }
0xe4: {  	_ =	shalt  }

// kernel: kernel.8.cloned.1.call-start
scs
__scs_entry_jumppad:
0x0: {  	(pc) =	sbr.rel $0x88, $3  }
0x1: {  	(tag) =	ssettag $0x0;
	lr =	simm.s32 $0x1  }
0x2: {  	[smem:$0x3F97] =	sst lr;
	_ =	strace $0xD0000000  }
0x3: {  	_ = 	snop  }
0x4: {  	_ = 	snop  }
0x5: {  	_ = 	snop  }
0x6: {  	_ = 	snop  }
0x7: {  	_ = 	snop  }
__scs_overlays_trampoline_lowered:
0x8: {  	[smem:$0x3FA6] =	sst s0  }
0x9: {  	[smem:$0x3FA7] =	sst s1  }
0xa: {  	[smem:$0x3FA8] =	sst s2  }
0xb: {  	[smem:$0x3FA9] =	sst s3  }
0xc: {  	[smem:$0x3FAA] =	sst s4  }
0xd: {  	[smem:$0x3FAB] =	sst s5  }
0xe: {  	[smem:$0x3FAC] =	sst s6  }
0xf: {  	[smem:$0x3FAD] =	sst s7  }
0x10: {  	[smem:$0x3FAE] =	sst s8  }
0x11: {  	[smem:$0x3FAF] =	sst s9;
	s0 =	simm.s32 @!p0 $0x0  }
0x12: {  	s1 =	sld [smem:$0x3F95];
	s0 =	simm.s32 @p0 $0x1  }
0x13: {  	[smem:$0x3FB0] =	sst s0;
	s0 =	simm.s32 @!p1 $0x0  }
0x14: {  	s2 =	sld [smem:$0x3F94];
	s0 =	simm.s32 @p1 $0x1  }
0x15: {  	[smem:$0x3FB1] =	sst s0;
	s0 =	simm.s32 @!p2 $0x0  }
0x16: {  	s3 =	sld [smem:$0x3FDB];
	s0 =	simm.s32 @p2 $0x1  }
0x17: {  	s4 =	simm.s32 $0x1BF5;
	[smem:$0x3FB3] =	sst s0  }
0x18: {  	s0 =	sld [smem:$0x3F96];
	_ =	swait.ge [sflag:s4], $0x0  }
0x19: {  	s7 =	sld [smem:$0x3F97]  }
0x1a: {  	s8 =	sadd.s32 $0xFFFFE003, lr  }
0x1b: {  	s9 =	sadd.s32 $0xFFFFFEF7, lr;
	s5 =	simm.s32 $0xFFFFFFFF;
	p2 =	slt.u32 s8, $0xFFFFF086  }
0x1c: {  	p1 =	slt.u32 s9, $0xF7A;
	s5 =	simm.s32 @!p2 $0x0  }
0x1d: {  	s5 =	simm.s32 @p1 $0x1;
	p0 =	seq.s32 s7, s2  }
0x1e: {  	s7 =	smul.u32 @!p0 $0xF7A, s2;
	p2 =	seq.s32 @!p0 s5, $0x0  }
0x1f: {  	s9 =	smul.u32 $0xF7A, s1;
	s8 =	simm.s32 @!p0 $0x1BF5;
	p2 =	por !p2, p0  }
0x20: {  	[sflag:s8] =	ssyncset.s32 @!p0 $0xFFFFF086;
	s6 =	sadd.s32 @!p0 s3, s7;
	s7 =	simm.s32 @!p0 $0x108  }
0x21: {  	s3 =	sadd.s32 s3, s9;
	s6 =	sadd.s32 @!p0 $0x88, s6;
	s7 =	simm.s32 @p2 $0x1082  }
0x22: {  	[simem:s7], [sflag:s8] =	dma.local @!p0 [hbm:s6], $0xF7A  }
0x23: {  	s9 =	sor.u32 $0xD0000000, s2;
	s6 =	simm.s32 $0x108;
	_ =	swait.ge @!p0 [sflag:s8], $0x0  }
0x24: {  	s3 =	sadd.s32 $0x88, s3;
	s6 =	simm.s32 @!p1 $0x1082;
	[sflag:s4] =	ssyncset.s32 $0xFFFFF086  }
0x25: {  	[simem:s6], [sflag:s4] =	dma.local [hbm:s3], $0xF7A  }
0x26: {  	[smem:$0x3F97] =	sst s1;
	(tag) =	ssettag s2;
	_ =	strace s9  }
0x27: {  	s1 =	sld [smem:$0x3FA7]  }
0x28: {  	s2 =	sld [smem:$0x3FA8]  }
0x29: {  	s4 =	sld [smem:$0x3FAA]  }
0x2a: {  	p0 =	seq.s32 s5, $0x0;
	s5 =	sld [smem:$0x3FAB]  }
0x2b: {  	s6 =	sld [smem:$0x3FAC]  }
0x2c: {  	s7 =	sld [smem:$0x3FAD]  }
0x2d: {  	s3 =	simm.s32 $0x108;
	s8 =	sld [smem:$0x3FAE]  }
0x2e: {  	s3 =	simm.s32 @!p0 $0x1082;
	s9 =	sld [smem:$0x3FAF]  }
0x2f: {  	lr =	sadd.s32 s0, s3;
	s0 =	sld [smem:$0x3FA6]  }
0x30: {  	s3 =	sld [smem:$0x3FA9]  }
0x31: {  	[smem:$0x3FB2] =	sst s10  }
0x32: {  	s10 =	sld [smem:$0x3FB0];
	_ =	sdelay $0x3  }
0x33: {  	p0 =	seq.s32 s10, $0x1;
	s10 =	sld [smem:$0x3FB2];
	_ =	sdelay $0x3  }
0x34: {  	[smem:$0x3FB2] =	sst s10  }
0x35: {  	s10 =	sld [smem:$0x3FB1];
	_ =	sdelay $0x3  }
0x36: {  	p1 =	seq.s32 s10, $0x1;
	s10 =	sld [smem:$0x3FB2];
	_ =	sdelay $0x3  }
0x37: {  	[smem:$0x3FB2] =	sst s10  }
0x38: {  	s10 =	sld [smem:$0x3FB3]  }
0x39: {  	_ = 	snop;
	(pc) =	sbr.ind lr, $3  }
0x3a: {  	_ = 	snop  }
0x3b: {  	_ = 	snop  }
0x3c: {  	p2 =	seq.s32 s10, $0x1;
	s10 =	sld [smem:$0x3FB2]  }
0x3d: {  	_ =	shalt  }
0x3e: {  	_ =	shalt  }
0x3f: {  	_ =	shalt  }
0x40: {  	_ =	shalt  }
0x41: {  	_ =	shalt  }
0x42: {  	_ =	shalt  }
0x43: {  	_ =	shalt  }
0x44: {  	_ =	shalt  }
0x45: {  	_ =	shalt  }
0x46: {  	_ =	shalt  }
0x47: {  	_ =	shalt  }
0x48: {  	_ =	shalt  }
0x49: {  	_ =	shalt  }
0x4a: {  	_ =	shalt  }
0x4b: {  	_ =	shalt  }
0x4c: {  	_ =	shalt  }
0x4d: {  	_ =	shalt  }
0x4e: {  	_ =	shalt  }
0x4f: {  	_ =	shalt  }
0x50: {  	_ =	shalt  }
0x51: {  	_ =	shalt  }
0x52: {  	_ =	shalt  }
0x53: {  	_ =	shalt  }
0x54: {  	_ =	shalt  }
0x55: {  	_ =	shalt  }
0x56: {  	_ =	shalt  }
0x57: {  	_ =	shalt  }
0x58: {  	_ =	shalt  }
0x59: {  	_ =	shalt  }
0x5a: {  	_ =	shalt  }
0x5b: {  	_ =	shalt  }
0x5c: {  	_ =	shalt  }
0x5d: {  	_ =	shalt  }
0x5e: {  	_ =	shalt  }
0x5f: {  	_ =	shalt  }
0x60: {  	_ =	shalt  }
0x61: {  	_ =	shalt  }
0x62: {  	_ =	shalt  }
0x63: {  	_ =	shalt  }
0x64: {  	_ =	shalt  }
0x65: {  	_ =	shalt  }
0x66: {  	_ =	shalt  }
0x67: {  	_ =	shalt  }
0x68: {  	_ =	shalt  }
0x69: {  	_ =	shalt  }
0x6a: {  	_ =	shalt  }
0x6b: {  	_ =	shalt  }
0x6c: {  	_ =	shalt  }
0x6d: {  	_ =	shalt  }
0x6e: {  	_ =	shalt  }
0x6f: {  	_ =	shalt  }
0x70: {  	_ =	shalt  }
0x71: {  	_ =	shalt  }
0x72: {  	_ =	shalt  }
0x73: {  	_ =	shalt  }
0x74: {  	_ =	shalt  }
0x75: {  	_ =	shalt  }
0x76: {  	_ =	shalt  }
0x77: {  	_ =	shalt  }
0x78: {  	_ =	shalt  }
0x79: {  	_ =	shalt  }
0x7a: {  	_ =	shalt  }
0x7b: {  	_ =	shalt  }
0x7c: {  	_ =	shalt  }
0x7d: {  	_ =	shalt  }
0x7e: {  	_ =	shalt  }
0x7f: {  	_ =	shalt  }
0x80: {  	_ =	shalt  }
0x81: {  	_ =	shalt  }
0x82: {  	_ =	shalt  }
0x83: {  	_ =	shalt  }
0x84: {  	_ =	shalt  }
0x85: {  	_ =	shalt  }
0x86: {  	_ =	shalt  }
0x87: {  	_ =	shalt  }
.Lfunc_end0:
.L_simem_size_0:
called_computation_lowered:
.L_overlay_start_0:
0x88: {  	s2 =	sld [smem:$0x3FD9]  }
0x89: {  	s3 =	sld [smem:$0x3FFE];
	_ =	sdelay $0x1  }
0x8a: {  	s1 =	srdreg.scid  }
0x8b: {  	s0 =	sand.u32 $0x1, s1  }
0x8c: {  	s17 =	sshll.u32 s0, $0xA;
	s2 =	sadd.s32 s3, s2  }
0x8d: {  	s2 =	sadd.s32 s2, s17  }
0x8e: {  	[smem:$0x3FBE] =	sst s2  }
0x8f: {  	_ = 	snop  }
0x90: {  	s2 =	sld [smem:$0x3FC8]  }
0x91: {  	s18 =	sld [smem:$0x3FD0];
	(tm) =	ssettm $0x1  }
0x92: {  	s4 =	sld [smem:$0x3FFB];
	_ =	sdelay $0x3  }
0x93: {  	_ =	strace s4  }
0x94: {  	s4 =	sld [smem:$0x3FFC];
	_ =	sdelay $0x3  }
0x95: {  	_ =	strace s4  }
0x96: {  	s4 =	sld [smem:$0x3FFD];
	_ =	sdelay $0x3  }
0x97: {  	_ =	strace s4  }
0x98: {  	_ =	strace $0x8FFFFFFF  }
0x99: {  	s19 =	sld [smem:$0x3FDB];
	_ =	sdelay $0x1  }
0x9a: {  	s5 =	simm.s32 $_scs_section_size  }
0x9b: {  	s6 =	simm.s32 $_size__tile_overlayer_lowered;
	s7 =	simm.s32 $_tile_overlayer_lowered  }
0x9c: {  	s22 =	simm.s32 $0x1BFF;
	s21 =	sshll.u32 s7, $0x1;
	s4 =	sadd.s32 s5, s19  }
0x9d: {  	s8 =	simm.s32 $0x0;
	s20 =	sshll.u32 s6, $0x1;
	s6 =	sadd.s32 s21, s4  }
0x9e: {  	[timem:s8], [sflag:s22] =	dma.local [hbm:s6], s20  }
0x9f: {  	_ =	swait.ge [sflag:s22], s20  }
0xa0: {  	s5 =	ssub.s32 $0x0, s20;
	[sflag:s22] =	ssyncset.done $0x0  }
0xa1: {  	[sflag:s22] =	ssyncadd.s32 s5;
	_ =	sdelay $0x1  }
0xa2: {  	s23 =	simm.s32 $0x1B8B  }
0xa3: {  	_ =	swait.ge [sflag:s23], $0x1  }
0xa4: {  	[sflag:s23] =	ssyncset.done $0x0  }
0xa5: {  	s25 =	simm.s32 $0x1B8E;
	s24 =	sld [smem:$0x3FFE];
	[sflag:s23] =	ssyncadd.s32 $0xFFFFFFFF  }
0xa6: {  	s26 =	simm.s32 $execute0_lowered;
	[smem:$0x3FD2] =	sst s25  }
0xa7: {  	s6 =	sshll.u32 s26, $0x1;
	_ =	strace $0x80000046;
	[dreg:$0x1] =	wrdreg $0xFFFFFFFF  }
0xa8: {  	s28 =	simm.s32 $_size_execute0_lowered;
	s4 =	sadd.s32 s4, s6;
	[dreg:$0x0] =	wrdreg $0x0  }
0xa9: {  	s6 =	sshll.u32 s28, $0x1;
	[dreg:$0x2] =	wrdreg s4  }
0xaa: {  	[dreg:$0x3] =	wrdreg s6  }
0xab: {  	[dreg:$0x4] =	wrdreg $0xC0  }
0xac: {  	_ =	task [dreg:s8], $0x5FFFF  }
0xad: {  	[dreg:$0x1] =	wrdreg $0xFFFFFFFF  }
0xae: {  	[dreg:$0x0] =	wrdreg $0x60  }
0xaf: {  	[dreg:$0x2] =	wrdreg s2  }
0xb0: {  	[dreg:$0x3] =	wrdreg s24  }
0xb1: {  	[dreg:$0x4] =	wrdreg s18  }
0xb2: {  	[dreg:$0x5] =	wrdreg $0x6800  }
0xb3: {  	[dreg:$0x6] =	wrdreg $0x9000  }
0xb4: {  	[dreg:$0x7] =	wrdreg $0x9  }
0xb5: {  	_ =	task.clear_ibuf [dreg:s8], $0x8FFFF;
	_ =	strace $0x90000046  }
0xb6: {  	s29 =	simm.s32 $0x9;
	_ =	strace $0x80000048  }
0xb7: {  	_ =	swait.ge [sflag:s29], $0x1  }
0xb8: {  	[sflag:s29] =	ssyncadd.s32 $0xFFFFFFFF  }
0xb9: {  	_ =	strace $0x90000048  }
0xba: {  	_ =	sfence  }
0xbb: {  	s30 =	sld [smem:$0x0];
	_ =	sdelay $0x2  }
0xbc: {  	s31 =	sshll.u32 s1, $0xD;
	s1 =	sshrl.u32 s1, $0x2  }
0xbd: {  	s3 =	sand.u32 $0x4000, s31;
	s1 =	sadd.s32 s1, s30  }
0xbe: {  	s0 =	sor.u32 s3, s0;
	s1 =	sshll.u32 s1, $0x11  }
0xbf: {  	s0 =	sor.u32 s1, s0  }
0xc0: {  	s0 =	sadd.s32 $0x8F2B, s0  }
0xc1: {  	[sflag:s0] =	ssyncadd.remote.s32 $0x1  }
0xc2: {  	_ =	sfence.sel $0xFFFF  }
0xc3: {  	[dreg:$0x0] =	wrdreg $0xFFFFFFFF;
	(pc) =	sbr.abs _section_cstart, $3  }
0xc4: {  	[dreg:$0x1] =	wrdreg $0xFFFFFFFF  }
0xc5: {  	_ =	task.clear_ibuf [dreg:s8], $0x2FFFF;
	_ =	strace $0x9FFFFFFF  }
0xc6: {  	(tm) =	ssettm $0x7FFFFFFF  }
0xc7: {  	_ =	shalt  }
tec
execute0_lowered:
.L_overlay_start_1:
0x0: {  	(tag) =	ssettag $0x1  }
0x1: {  	s11 =	rddreg [dreg:$0x0]  }
0x2: {  	s5 =	rddreg [dreg:$0x1]  }
0x3: {  	s10 =	rddreg [dreg:$0x2]  }
0x4: {  	s1 =	rddreg [dreg:$0x3]  }
0x5: {  	s2 =	rddreg [dreg:$0x4]  }
0x6: {  	s3 =	simm.s32 $0x0;
	s4 =	srdreg.scid;
	s0 =	stileid.u32  }
0x7: {  	[smem:$0x7FF] =	sst s3;
	s12 =	sand.u32 $0x1, s4;
	s13 =	smul.u32 $0x280, s0  }
0x8: {  	s5 =	sadd.s32 $0x2800, s5;
	s28 =	sshll.u32 s0, $0x6;
	s31 =	sshll.u32 s0, $0x5  }
0x9: {  	_ =	strace $0x80000047;
	s6 =	ssub.s32 $0x2, s12;
	s8 =	sshll.u32 s12, $0x4  }
0xa: {  	s16 =	smul.u32 $0x5000, s12;
	s12 =	sshll.u32 s12, $0x9;
	s7 =	sshrl.u32 s6, $0x1  }
0xb: {  	s15 =	sadd.s32 s13, s1;
	s17 =	sadd.s32 s13, s2;
	s30 =	sadd.s32 s12, s11  }
0xc: {  	s14 =	ssub.s32 s6, s7;
	s6 =	sor.u32 s0, s8;
	s7 =	sor.u32 $0x1C0D, s28  }
0xd: {  	s13 =	sadd.s32 s13, s16;
	s16 =	sshrl.u32 s17, $0x3;
	s8 =	sshll.u32 s6, $0x5  }
0xe: {  	s18 =	ssub.s32 $0x9C4, s6;
	s29 =	ssub.s32 $0x9A4, s6;
	s13 =	sshrl.u32 s13, $0x3  }
0xf: {  	s12 =	smax.u32 s14, $0x1;
	s14 =	sshrl.u32 s15, $0x3;
	[dreg:$0x6] =	wrdreg s18  }
0x10: {  	s15 =	simm.s32 $0xD;
	s8 =	sadd.s32 s11, s8;
	[dreg:$0x7] =	wrdreg s29  }
0x11: {  	s10 =	sadd.s32 s10, s13;
	s13 =	sadd.s32 s31, s30;
	s18 =	simm.s32 $0x0  }
0x12: {  	v0 =	vimm.f32 $1.000000000e+00;
	s9 =	sadd.s32 $0x400, s8;
	s11 =	sadd.s32 $0x500, s10;
	s13 =	sadd.s32 $0x1C00, s13  }
.LBB2_1:
0x13: {  	[tilespmem:$0x600] =	vst v0  }
0x14: {  	[tilespmem:$0x610] =	vst v0  }
0x15: {  	[tilespmem:$0x620] =	vst v0  }
0x16: {  	[tilespmem:$0x630] =	vst v0  }
0x17: {  	[tilespmem:$0x640] =	vst v0  }
0x18: {  	[tilespmem:$0x650] =	vst v0  }
0x19: {  	[tilespmem:$0x660] =	vst v0  }
0x1a: {  	[tilespmem:$0x670] =	vst v0  }
0x1b: {  	[spmem:s14], [sflag:s7] =	dma.local [hbm:s5], $0x50  }
0x1c: {  	_ =	swait.ge [sflag:s15], $0x50  }
0x1d: {  	[sflag:s15] =	ssyncset.done $0x0  }
0x1e: {  	[sflag:s15] =	ssyncadd.s32 $0xFFFFFFB0  }
0x1f: {  	[spmem:s16], [sflag:s7] =	dma.local [hbm:s5], $0x50  }
0x20: {  	_ =	swait.ge [sflag:s15], $0x50  }
0x21: {  	[sflag:s15] =	ssyncset.done $0x0  }
0x22: {  	[sflag:s15] =	ssyncadd.s32 $0xFFFFFFB0  }
0x23: {  	p3 =	por $0x1, $0x1;
	[bflag:$0x0] =	sbarrier.arrive $0xFFFF  }
0x24: {  	[tilespmem:s3], [sflag:$0x1] =	stream.linear.gather [hbm4b:s8+s3], $0x100, $0x38;
	[tilespmem:$0xB80] =	vst v63  }
0x25: {  	s0 =	simm.s32 $0x100;
	s20 =	simm.s32 @!p3 $0x9  }
0x26: {  	[tilespmem:s0], [sflag:$0x2] =	stream.linear.gather [hbm4b:s9+s3], $0x100, $0x38;
	[tilespmem:$0xB80] =	vst v63  }
0x27: {  	s19 =	sadd.s32 $0x0, s6;
	_ =	swait.ge @!p3 [sflag:s20], $0x80  }
0x28: {  	s21 =	sadd.s32 $0x40, s19;
	[sflag:s20] =	ssyncset.done @!p3 $0x0  }
0x29: {  	p1 =	sgt.u32 s21, $0x9C3;
	[sflag:s20] =	ssyncadd.s32 @!p3 $0xFFFFFF80  }
0x2a: {  	s21 =	sadd.s32 @!p1 $0xFFFFEC00, s13;
	_ =	swait.ge @!p3 [sflag:s20], $0x80  }
0x2b: {  	s23 =	simm.s32 @!p1 $0x0;
	[sflag:s20] =	ssyncset.done @!p3 $0x0;
	s22 =	rddreg [dreg:$0x6]  }
0x2c: {  	s24 =	simm.s32 @!p1 $0x200;
	[sflag:s20] =	ssyncadd.s32 @!p3 $0xFFFFFF80;
	p0 =	sle.u32 s22, $0x0  }
0x2d: {  	[tilespmem:s24], [sflag:$0x3] =	stream.linear.gather @!p1 [hbm4b:s21+s23], $0x100, $0x38;
	[tilespmem:$0xB80] =	vst v63  }
0x2e: {  	s20 =	simm.s32 @!p0 $0x1  }
0x2f: {  	_ =	swait.ge @!p0 [sflag:s20], $0x100  }
0x30: {  	s21 =	simm.s32 @!p0 $0x600;
	[sflag:s20] =	ssyncset.done @!p0 $0x0  }
0x31: {  	s22 =	simm.s32 @!p0 $0x0;
	[sflag:s20] =	ssyncadd.s32 @!p0 $0xFFFFFF00;
	s20 =	simm.s32 @!p0 $0x80  }
0x32: {  	[spmem:s1] =	stream.indirect.scatter.add.f32 @!p0 [tilespmem:s21], [sflag:$0x7], $0x1, s22, s20, $0xb8;
	[tilespmem:$0xB80] =	vst v63  }
0x33: {  	s22 =	simm.s32 @!p3 $0xA  }
0x34: {  	[spmem:s2] =	stream.indirect.scatter.add.f32 @!p0 [tilespmem:s21], [sflag:$0x7], $0x1, s20, s20, $0xb8;
	[tilespmem:$0xB80] =	vst v63  }
0x35: {  	_ =	swait.ge @!p3 [sflag:s22], $0x80  }
0x36: {  	s26 =	sadd.s32 $0x60, s19;
	[sflag:s22] =	ssyncset.done @!p3 $0x0  }
0x37: {  	p4 =	sgt.u32 s26, $0x9C3;
	[sflag:s22] =	ssyncadd.s32 @!p3 $0xFFFFFF80  }
0x38: {  	s25 =	simm.s32 @!p4 $0x300;
	_ =	swait.ge @!p3 [sflag:s22], $0x80  }
0x39: {  	s23 =	simm.s32 @!p4 $0x0;
	[sflag:s22] =	ssyncset.done @!p3 $0x0;
	s28 =	rddreg [dreg:$0x7]  }
0x3a: {  	s20 =	sadd.s32 @!p4 $0xFFFFF000, s13;
	[sflag:s22] =	ssyncadd.s32 @!p3 $0xFFFFFF80;
	p2 =	sle.u32 s28, $0x0  }
0x3b: {  	[tilespmem:s25], [sflag:$0x4] =	stream.linear.gather @!p4 [hbm4b:s20+s23], $0x100, $0x38;
	[tilespmem:$0xB80] =	vst v63  }
0x3c: {  	s20 =	simm.s32 @!p2 $0x2  }
0x3d: {  	_ =	swait.ge @!p2 [sflag:s20], $0x100  }
0x3e: {  	s21 =	simm.s32 @!p2 $0x600;
	[sflag:s20] =	ssyncset.done @!p2 $0x0  }
0x3f: {  	s22 =	simm.s32 @!p2 $0x100;
	[sflag:s20] =	ssyncadd.s32 @!p2 $0xFFFFFF00;
	s20 =	simm.s32 @!p2 $0x80  }
0x40: {  	[spmem:s1] =	stream.indirect.scatter.add.f32 @!p2 [tilespmem:s21], [sflag:$0x8], $0x1, s22, s20, $0xb8;
	[tilespmem:$0xB80] =	vst v63  }
0x41: {  	s23 =	simm.s32 @!p3 $0xB;
	s22 =	simm.s32 @!p2 $0x180  }
0x42: {  	[spmem:s2] =	stream.indirect.scatter.add.f32 @!p2 [tilespmem:s21], [sflag:$0x8], $0x1, s22, s20, $0xb8;
	[tilespmem:$0xB80] =	vst v63  }
0x43: {  	_ =	swait.ge @!p3 [sflag:s23], $0x80  }
0x44: {  	[sflag:s23] =	ssyncset.done @!p3 $0x0  }
0x45: {  	s29 =	sadd.s32 $0x80, s19;
	[sflag:s23] =	ssyncadd.s32 @!p3 $0xFFFFFF80  }
0x46: {  	p5 =	sgt.u32 s29, $0x9C3;
	_ =	swait.ge @!p3 [sflag:s23], $0x80  }
0x47: {  	s26 =	simm.s32 @!p1 $0x3;
	s20 =	sadd.s32 @!p5 $0xFFFFF400, s13;
	[sflag:s23] =	ssyncset.done @!p3 $0x0  }
0x48: {  	s21 =	simm.s32 @!p5 $0x400;
	s22 =	simm.s32 @!p5 $0x0;
	[sflag:s23] =	ssyncadd.s32 @!p3 $0xFFFFFF80  }
0x49: {  	[tilespmem:s21], [sflag:$0x5] =	stream.linear.gather @!p5 [hbm4b:s20+s22], $0x100, $0x38;
	[tilespmem:$0xB80] =	vst v63  }
0x4a: {  	_ =	swait.ge @!p1 [sflag:s26], $0x100  }
0x4b: {  	[sflag:s26] =	ssyncset.done @!p1 $0x0  }
0x4c: {  	s20 =	simm.s32 @!p1 $0x80;
	s22 =	simm.s32 @!p1 $0x600;
	[sflag:s26] =	ssyncadd.s32 @!p1 $0xFFFFFF00  }
0x4d: {  	[spmem:s1] =	stream.indirect.scatter.add.f32 @!p1 [tilespmem:s22], [sflag:$0x9], $0x1, s24, s20, $0xb8;
	[tilespmem:$0xB80] =	vst v63  }
0x4e: {  	s23 =	simm.s32 @!p1 $0x280;
	s26 =	simm.s32 @!p3 $0xC  }
0x4f: {  	[spmem:s2] =	stream.indirect.scatter.add.f32 @!p1 [tilespmem:s22], [sflag:$0x9], $0x1, s23, s20, $0xb8;
	[tilespmem:$0xB80] =	vst v63  }
0x50: {  	_ =	swait.ge @!p3 [sflag:s26], $0x80  }
0x51: {  	[sflag:s26] =	ssyncset.done @!p3 $0x0  }
0x52: {  	s30 =	sadd.s32 $0xA0, s19;
	[sflag:s26] =	ssyncadd.s32 @!p3 $0xFFFFFF80  }
0x53: {  	p1 =	sgt.u32 s30, $0x9C3;
	_ =	swait.ge @!p3 [sflag:s26], $0x80  }
0x54: {  	s23 =	simm.s32 @!p4 $0x4;
	s20 =	sadd.s32 @!p1 $0xFFFFF800, s13;
	[sflag:s26] =	ssyncset.done @!p3 $0x0  }
0x55: {  	s24 =	simm.s32 @!p1 $0x500;
	s22 =	simm.s32 @!p1 $0x0;
	[sflag:s26] =	ssyncadd.s32 @!p3 $0xFFFFFF80  }
0x56: {  	[tilespmem:s24], [sflag:$0x6] =	stream.linear.gather @!p1 [hbm4b:s20+s22], $0x100, $0x38;
	[tilespmem:$0xB80] =	vst v63  }
0x57: {  	_ =	swait.ge @!p4 [sflag:s23], $0x100  }
0x58: {  	[sflag:s23] =	ssyncset.done @!p4 $0x0  }
0x59: {  	s20 =	simm.s32 @!p4 $0x80;
	s22 =	simm.s32 @!p4 $0x600;
	[sflag:s23] =	ssyncadd.s32 @!p4 $0xFFFFFF00  }
0x5a: {  	[spmem:s1] =	stream.indirect.scatter.add.f32 @!p4 [tilespmem:s22], [sflag:$0xA], $0x1, s25, s20, $0xb8;
	[tilespmem:$0xB80] =	vst v63  }
0x5b: {  	s23 =	simm.s32 @!p4 $0x380;
	s25 =	simm.s32 @!p0 $0x7  }
0x5c: {  	[spmem:s2] =	stream.indirect.scatter.add.f32 @!p4 [tilespmem:s22], [sflag:$0xA], $0x1, s23, s20, $0xb8;
	[tilespmem:$0xB80] =	vst v63  }
0x5d: {  	_ =	swait.ge @!p0 [sflag:s25], $0x80  }
0x5e: {  	[sflag:s25] =	ssyncset.done @!p0 $0x0  }
0x5f: {  	s31 =	sadd.s32 $0xC0, s19;
	[sflag:s25] =	ssyncadd.s32 @!p0 $0xFFFFFF80  }
0x60: {  	p3 =	sgt.u32 s31, $0x9C3;
	_ =	swait.ge @!p0 [sflag:s25], $0x80  }
0x61: {  	s20 =	sadd.s32 @!p3 $0xFFFFFC00, s13;
	[sflag:s25] =	ssyncset.done @!p0 $0x0  }
0x62: {  	s22 =	simm.s32 @!p3 $0x0;
	s23 =	simm.s32 @!p5 $0x5;
	[sflag:s25] =	ssyncadd.s32 @!p0 $0xFFFFFF80  }
0x63: {  	[tilespmem:s22], [sflag:$0x1] =	stream.linear.gather @!p3 [hbm4b:s20+s22], $0x100, $0x38;
	[tilespmem:$0xB80] =	vst v63  }
0x64: {  	_ =	swait.ge @!p5 [sflag:s23], $0x100  }
0x65: {  	[sflag:s23] =	ssyncset.done @!p5 $0x0  }
0x66: {  	s20 =	simm.s32 @!p5 $0x80;
	s22 =	simm.s32 @!p5 $0x600;
	[sflag:s23] =	ssyncadd.s32 @!p5 $0xFFFFFF00  }
0x67: {  	[spmem:s1] =	stream.indirect.scatter.add.f32 @!p5 [tilespmem:s22], [sflag:$0xB], $0x1, s21, s20, $0xb8;
	[tilespmem:$0xB80] =	vst v63  }
0x68: {  	s23 =	simm.s32 @!p2 $0x8;
	s21 =	simm.s32 @!p5 $0x480  }
0x69: {  	[spmem:s2] =	stream.indirect.scatter.add.f32 @!p5 [tilespmem:s22], [sflag:$0xB], $0x1, s21, s20, $0xb8;
	[tilespmem:$0xB80] =	vst v63  }
0x6a: {  	_ =	swait.ge @!p2 [sflag:s23], $0x80  }
0x6b: {  	[sflag:s23] =	ssyncset.done @!p2 $0x0  }
0x6c: {  	s19 =	sadd.s32 $0xE0, s19;
	s26 =	simm.s32 @!p1 $0x600;
	[sflag:s23] =	ssyncadd.s32 @!p2 $0xFFFFFF80  }
0x6d: {  	p0 =	sgt.u32 s19, $0x9C3;
	s25 =	simm.s32 @!p1 $0x80;
	_ =	swait.ge @!p2 [sflag:s23], $0x80  }
0x6e: {  	s19 =	simm.s32 @!p0 $0x0;
	s20 =	simm.s32 $0xC0;
	[sflag:s23] =	ssyncset.done @!p2 $0x0  }
0x6f: {  	s21 =	simm.s32 @!p0 $0x100;
	[sflag:s23] =	ssyncadd.s32 @!p2 $0xFFFFFF80;
	s23 =	simm.s32 @!p1 $0x6  }
0x70: {  	[tilespmem:s21], [sflag:$0x2] =	stream.linear.gather @!p0 [hbm4b:s13+s19], $0x100, $0x38;
	[tilespmem:$0xB80] =	vst v63  }
0x71: {  	s21 =	simm.s32 $0x180;
	s19 =	sadd.s32 $0x1800, s13;
	_ =	swait.ge @!p1 [sflag:s23], $0x100  }
.LBB2_2:
0x72: {  	[sflag:s23] =	ssyncset.done @!p1 $0x0  }
0x73: {  	[sflag:s23] =	ssyncadd.s32 @!p1 $0xFFFFFF00  }
0x74: {  	[spmem:s1] =	stream.indirect.scatter.add.f32 @!p1 [tilespmem:s26], [sflag:$0xC], $0x1, s24, s25, $0xb8;
	[tilespmem:$0xB80] =	vst v63  }
0x75: {  	s28 =	simm.s32 @!p1 $0x580;
	p3 =	seq.s32 s20, $0x0  }
0x76: {  	[spmem:s2] =	stream.indirect.scatter.add.f32 @!p1 [tilespmem:s26], [sflag:$0xC], $0x1, s28, s25, $0xb8;
	[tilespmem:$0xB80] =	vst v63  }
0x77: {  	s28 =	simm.s32 @!p3 $0x9  }
0x78: {  	s23 =	sadd.s32 s20, s6;
	_ =	swait.ge @!p3 [sflag:s28], $0x80  }
0x79: {  	s29 =	sadd.s32 $0x40, s23;
	[sflag:s28] =	ssyncset.done @!p3 $0x0  }
0x7a: {  	p1 =	sgt.u32 s29, $0x9C3;
	[sflag:s28] =	ssyncadd.s32 @!p3 $0xFFFFFF80  }
0x7b: {  	s0 =	sadd.s32 @!p1 $0xFFFFEC00, s19;
	_ =	swait.ge @!p3 [sflag:s28], $0x80  }
0x7c: {  	s4 =	simm.s32 @!p1 $0x0;
	[sflag:s28] =	ssyncset.done @!p3 $0x0;
	s17 =	rddreg [dreg:$0x6]  }
0x7d: {  	s26 =	simm.s32 @!p1 $0x200;
	[sflag:s28] =	ssyncadd.s32 @!p3 $0xFFFFFF80;
	p2 =	sge.u32 s20, s17  }
0x7e: {  	[tilespmem:s26], [sflag:$0x3] =	stream.linear.gather @!p1 [hbm4b:s0+s4], $0x100, $0x38;
	[tilespmem:$0xB80] =	vst v63  }
0x7f: {  	s0 =	simm.s32 @!p2 $0x1  }
0x80: {  	_ =	swait.ge @!p2 [sflag:s0], $0x100  }
0x81: {  	s4 =	simm.s32 @!p2 $0x600;
	[sflag:s0] =	ssyncset.done @!p2 $0x0  }
0x82: {  	s17 =	simm.s32 @!p2 $0x0;
	[sflag:s0] =	ssyncadd.s32 @!p2 $0xFFFFFF00;
	s0 =	simm.s32 @!p2 $0x80  }
0x83: {  	[spmem:s1] =	stream.indirect.scatter.add.f32 @!p2 [tilespmem:s4], [sflag:$0x7], $0x1, s17, s0, $0xb8;
	[tilespmem:$0xB80] =	vst v63  }
0x84: {  	s17 =	simm.s32 @!p3 $0xA  }
0x85: {  	[spmem:s2] =	stream.indirect.scatter.add.f32 @!p2 [tilespmem:s4], [sflag:$0x7], $0x1, s0, s0, $0xb8;
	[tilespmem:$0xB80] =	vst v63  }
0x86: {  	_ =	swait.ge @!p3 [sflag:s17], $0x80  }
0x87: {  	s31 =	sadd.s32 $0x60, s23;
	[sflag:s17] =	ssyncset.done @!p3 $0x0  }
0x88: {  	p5 =	sgt.u32 s31, $0x9C3;
	[sflag:s17] =	ssyncadd.s32 @!p3 $0xFFFFFF80  }
0x89: {  	s28 =	simm.s32 @!p5 $0x300;
	_ =	swait.ge @!p3 [sflag:s17], $0x80  }
0x8a: {  	s0 =	sadd.s32 @!p5 $0xFFFFF000, s19;
	[sflag:s17] =	ssyncset.done @!p3 $0x0;
	s31 =	rddreg [dreg:$0x7]  }
0x8b: {  	s4 =	simm.s32 @!p5 $0x0;
	[sflag:s17] =	ssyncadd.s32 @!p3 $0xFFFFFF80;
	p4 =	sge.u32 s20, s31  }
0x8c: {  	[tilespmem:s28], [sflag:$0x4] =	stream.linear.gather @!p5 [hbm4b:s0+s4], $0x100, $0x38;
	[tilespmem:$0xB80] =	vst v63  }
0x8d: {  	s0 =	simm.s32 @!p4 $0x2  }
0x8e: {  	_ =	swait.ge @!p4 [sflag:s0], $0x100  }
0x8f: {  	s30 =	smov.u32 s21;
	s4 =	simm.s32 @!p4 $0x600;
	[sflag:s0] =	ssyncset.done @!p4 $0x0  }
0x90: {  	s17 =	simm.s32 @!p4 $0x100;
	[sflag:s0] =	ssyncadd.s32 @!p4 $0xFFFFFF00;
	s0 =	simm.s32 @!p4 $0x80  }
0x91: {  	[spmem:s1] =	stream.indirect.scatter.add.f32 @!p4 [tilespmem:s4], [sflag:$0x8], $0x1, s17, s0, $0xb8;
	[tilespmem:$0xB80] =	vst v63  }
0x92: {  	s20 =	smov.u32 s30;
	s30 =	simm.s32 @!p3 $0xB;
	s17 =	simm.s32 @!p4 $0x180  }
0x93: {  	[spmem:s2] =	stream.indirect.scatter.add.f32 @!p4 [tilespmem:s4], [sflag:$0x8], $0x1, s17, s0, $0xb8;
	[tilespmem:$0xB80] =	vst v63  }
0x94: {  	_ =	swait.ge @!p3 [sflag:s30], $0x80  }
0x95: {  	[sflag:s30] =	ssyncset.done @!p3 $0x0  }
0x96: {  	s29 =	sadd.s32 $0x80, s23;
	[sflag:s30] =	ssyncadd.s32 @!p3 $0xFFFFFF80  }
0x97: {  	p6 =	sgt.u32 s29, $0x9C3;
	_ =	swait.ge @!p3 [sflag:s30], $0x80  }
0x98: {  	s29 =	simm.s32 @!p6 $0x400;
	s0 =	sadd.s32 @!p6 $0xFFFFF400, s19;
	[sflag:s30] =	ssyncset.done @!p3 $0x0  }
0x99: {  	s4 =	simm.s32 @!p6 $0x0;
	s17 =	simm.s32 @!p1 $0x3;
	[sflag:s30] =	ssyncadd.s32 @!p3 $0xFFFFFF80  }
0x9a: {  	[tilespmem:s29], [sflag:$0x5] =	stream.linear.gather @!p6 [hbm4b:s0+s4], $0x100, $0x38;
	[tilespmem:$0xB80] =	vst v63  }
0x9b: {  	_ =	swait.ge @!p1 [sflag:s17], $0x100  }
0x9c: {  	[sflag:s17] =	ssyncset.done @!p1 $0x0  }
0x9d: {  	s0 =	simm.s32 @!p1 $0x80;
	s4 =	simm.s32 @!p1 $0x600;
	[sflag:s17] =	ssyncadd.s32 @!p1 $0xFFFFFF00  }
0x9e: {  	[spmem:s1] =	stream.indirect.scatter.add.f32 @!p1 [tilespmem:s4], [sflag:$0x9], $0x1, s26, s0, $0xb8;
	[tilespmem:$0xB80] =	vst v63  }
0x9f: {  	s30 =	simm.s32 @!p1 $0x280;
	s17 =	simm.s32 @!p3 $0xC  }
0xa0: {  	[spmem:s2] =	stream.indirect.scatter.add.f32 @!p1 [tilespmem:s4], [sflag:$0x9], $0x1, s30, s0, $0xb8;
	[tilespmem:$0xB80] =	vst v63  }
0xa1: {  	_ =	swait.ge @!p3 [sflag:s17], $0x80  }
0xa2: {  	[sflag:s17] =	ssyncset.done @!p3 $0x0  }
0xa3: {  	s24 =	sadd.s32 $0xA0, s23;
	[sflag:s17] =	ssyncadd.s32 @!p3 $0xFFFFFF80  }
0xa4: {  	p1 =	sgt.u32 s24, $0x9C3;
	_ =	swait.ge @!p3 [sflag:s17], $0x80  }
0xa5: {  	s26 =	simm.s32 @!p5 $0x4;
	s0 =	sadd.s32 @!p1 $0xFFFFF800, s19;
	[sflag:s17] =	ssyncset.done @!p3 $0x0  }
0xa6: {  	s24 =	simm.s32 @!p1 $0x500;
	s4 =	simm.s32 @!p1 $0x0;
	[sflag:s17] =	ssyncadd.s32 @!p3 $0xFFFFFF80  }
0xa7: {  	[tilespmem:s24], [sflag:$0x6] =	stream.linear.gather @!p1 [hbm4b:s0+s4], $0x100, $0x38;
	[tilespmem:$0xB80] =	vst v63  }
0xa8: {  	_ =	swait.ge @!p5 [sflag:s26], $0x100  }
0xa9: {  	[sflag:s26] =	ssyncset.done @!p5 $0x0  }
0xaa: {  	s0 =	simm.s32 @!p5 $0x80;
	s4 =	simm.s32 @!p5 $0x600;
	[sflag:s26] =	ssyncadd.s32 @!p5 $0xFFFFFF00  }
0xab: {  	[spmem:s1] =	stream.indirect.scatter.add.f32 @!p5 [tilespmem:s4], [sflag:$0xA], $0x1, s28, s0, $0xb8;
	[tilespmem:$0xB80] =	vst v63  }
0xac: {  	s17 =	simm.s32 @!p5 $0x380;
	s26 =	simm.s32 @!p2 $0x7  }
0xad: {  	[spmem:s2] =	stream.indirect.scatter.add.f32 @!p5 [tilespmem:s4], [sflag:$0xA], $0x1, s17, s0, $0xb8;
	[tilespmem:$0xB80] =	vst v63  }
0xae: {  	_ =	swait.ge @!p2 [sflag:s26], $0x80  }
0xaf: {  	[sflag:s26] =	ssyncset.done @!p2 $0x0  }
0xb0: {  	s25 =	sadd.s32 $0xC0, s23;
	[sflag:s26] =	ssyncadd.s32 @!p2 $0xFFFFFF80  }
0xb1: {  	p3 =	sgt.u32 s25, $0x9C3;
	_ =	swait.ge @!p2 [sflag:s26], $0x80  }
0xb2: {  	s0 =	sadd.s32 @!p3 $0xFFFFFC00, s19;
	[sflag:s26] =	ssyncset.done @!p2 $0x0  }
0xb3: {  	s4 =	simm.s32 @!p3 $0x0;
	s17 =	simm.s32 @!p6 $0x5;
	[sflag:s26] =	ssyncadd.s32 @!p2 $0xFFFFFF80  }
0xb4: {  	[tilespmem:s4], [sflag:$0x1] =	stream.linear.gather @!p3 [hbm4b:s0+s4], $0x100, $0x38;
	[tilespmem:$0xB80] =	vst v63  }
0xb5: {  	_ =	swait.ge @!p6 [sflag:s17], $0x100  }
0xb6: {  	[sflag:s17] =	ssyncset.done @!p6 $0x0  }
0xb7: {  	s0 =	simm.s32 @!p6 $0x80;
	s4 =	simm.s32 @!p6 $0x600;
	[sflag:s17] =	ssyncadd.s32 @!p6 $0xFFFFFF00  }
0xb8: {  	[spmem:s1] =	stream.indirect.scatter.add.f32 @!p6 [tilespmem:s4], [sflag:$0xB], $0x1, s29, s0, $0xb8;
	[tilespmem:$0xB80] =	vst v63  }
0xb9: {  	s25 =	simm.s32 @!p6 $0x480;
	s17 =	simm.s32 @!p4 $0x8  }
0xba: {  	[spmem:s2] =	stream.indirect.scatter.add.f32 @!p6 [tilespmem:s4], [sflag:$0xB], $0x1, s25, s0, $0xb8;
	[tilespmem:$0xB80] =	vst v63  }
0xbb: {  	_ =	swait.ge @!p4 [sflag:s17], $0x80  }
0xbc: {  	s21 =	sadd.s32 $0xC0, s21;
	s22 =	smov.u32 s19;
	[sflag:s17] =	ssyncset.done @!p4 $0x0  }
0xbd: {  	p0 =	sne.s32 s21, $0xA80;
	s23 =	sadd.s32 $0xE0, s23;
	[sflag:s17] =	ssyncadd.s32 @!p4 $0xFFFFFF80  }
.Ltmp0:
0xbe: {  	s19 =	sadd.s32 $0x1800, s19;
	_ =	swait.ge @!p4 [sflag:s17], $0x80;
	(pc) =	sbr.rel @p0 .LBB2_2-.Ltmp0, $4  }
0xbf: {  	p2 =	sgt.u32 s23, $0x9C3;
	s23 =	simm.s32 @!p1 $0x6;
	[sflag:s17] =	ssyncset.done @!p4 $0x0  }
0xc0: {  	s0 =	simm.s32 @!p2 $0x0;
	s4 =	simm.s32 @!p2 $0x100;
	[sflag:s17] =	ssyncadd.s32 @!p4 $0xFFFFFF80  }
0xc1: {  	[tilespmem:s4], [sflag:$0x2] =	stream.linear.gather @!p2 [hbm4b:s22+s0], $0x100, $0x38;
	[tilespmem:$0xB80] =	vst v63  }
0xc2: {  	s26 =	simm.s32 @!p1 $0x600;
	s25 =	simm.s32 @!p1 $0x80;
	_ =	swait.ge @!p1 [sflag:s23], $0x100  }
0xc3: {  	[sflag:s23] =	ssyncset.done @!p1 $0x0  }
0xc4: {  	[sflag:s23] =	ssyncadd.s32 @!p1 $0xFFFFFF00  }
0xc5: {  	[spmem:s1] =	stream.indirect.scatter.add.f32 @!p1 [tilespmem:s26], [sflag:$0xC], $0x1, s24, s25, $0xb8;
	[tilespmem:$0xB80] =	vst v63  }
0xc6: {  	s0 =	simm.s32 @!p1 $0x580;
	p2 =	seq.s32 s20, $0x0  }
0xc7: {  	[spmem:s2] =	stream.indirect.scatter.add.f32 @!p1 [tilespmem:s26], [sflag:$0xC], $0x1, s0, s25, $0xb8;
	[tilespmem:$0xB80] =	vst v63  }
0xc8: {  	s0 =	simm.s32 @!p2 $0x9  }
0xc9: {  	s21 =	sadd.s32 s20, s6;
	_ =	swait.ge @!p2 [sflag:s0], $0x80  }
0xca: {  	s4 =	sadd.s32 $0x40, s21;
	[sflag:s0] =	ssyncset.done @!p2 $0x0  }
0xcb: {  	p3 =	sgt.u32 s4, $0x9C3;
	[sflag:s0] =	ssyncadd.s32 @!p2 $0xFFFFFF80  }
0xcc: {  	s4 =	sadd.s32 @!p3 $0xFFFFEC00, s19;
	_ =	swait.ge @!p2 [sflag:s0], $0x80  }
0xcd: {  	s22 =	simm.s32 @!p3 $0x0;
	[sflag:s0] =	ssyncset.done @!p2 $0x0;
	s17 =	rddreg [dreg:$0x6]  }
0xce: {  	s23 =	simm.s32 @!p3 $0x200;
	[sflag:s0] =	ssyncadd.s32 @!p2 $0xFFFFFF80;
	p0 =	sge.u32 s20, s17  }
0xcf: {  	[tilespmem:s23], [sflag:$0x3] =	stream.linear.gather @!p3 [hbm4b:s4+s22], $0x100, $0x38;
	[tilespmem:$0xB80] =	vst v63  }
0xd0: {  	s0 =	simm.s32 @!p0 $0x1  }
0xd1: {  	_ =	swait.ge @!p0 [sflag:s0], $0x100  }
0xd2: {  	s4 =	simm.s32 @!p0 $0x600;
	[sflag:s0] =	ssyncset.done @!p0 $0x0  }
0xd3: {  	s17 =	simm.s32 @!p0 $0x0;
	[sflag:s0] =	ssyncadd.s32 @!p0 $0xFFFFFF00;
	s0 =	simm.s32 @!p0 $0x80  }
0xd4: {  	[spmem:s1] =	stream.indirect.scatter.add.f32 @!p0 [tilespmem:s4], [sflag:$0x7], $0x1, s17, s0, $0xb8;
	[tilespmem:$0xB80] =	vst v63  }
0xd5: {  	s17 =	simm.s32 @!p2 $0xA  }
0xd6: {  	[spmem:s2] =	stream.indirect.scatter.add.f32 @!p0 [tilespmem:s4], [sflag:$0x7], $0x1, s0, s0, $0xb8;
	[tilespmem:$0xB80] =	vst v63  }
0xd7: {  	_ =	swait.ge @!p2 [sflag:s17], $0x80  }
0xd8: {  	s25 =	sadd.s32 $0x60, s21;
	[sflag:s17] =	ssyncset.done @!p2 $0x0  }
0xd9: {  	p4 =	sgt.u32 s25, $0x9C3;
	[sflag:s17] =	ssyncadd.s32 @!p2 $0xFFFFFF80  }
0xda: {  	s24 =	simm.s32 @!p4 $0x300;
	_ =	swait.ge @!p2 [sflag:s17], $0x80  }
0xdb: {  	s22 =	simm.s32 @!p4 $0x0;
	[sflag:s17] =	ssyncset.done @!p2 $0x0;
	s26 =	rddreg [dreg:$0x7]  }
0xdc: {  	s0 =	sadd.s32 @!p4 $0xFFFFF000, s19;
	[sflag:s17] =	ssyncadd.s32 @!p2 $0xFFFFFF80;
	p1 =	sge.u32 s20, s26  }
0xdd: {  	[tilespmem:s24], [sflag:$0x4] =	stream.linear.gather @!p4 [hbm4b:s0+s22], $0x100, $0x38;
	[tilespmem:$0xB80] =	vst v63  }
0xde: {  	s0 =	simm.s32 @!p1 $0x2  }
0xdf: {  	_ =	swait.ge @!p1 [sflag:s0], $0x100  }
0xe0: {  	s4 =	simm.s32 @!p1 $0x600;
	[sflag:s0] =	ssyncset.done @!p1 $0x0  }
0xe1: {  	s17 =	simm.s32 @!p1 $0x100;
	[sflag:s0] =	ssyncadd.s32 @!p1 $0xFFFFFF00;
	s0 =	simm.s32 @!p1 $0x80  }
0xe2: {  	[spmem:s1] =	stream.indirect.scatter.add.f32 @!p1 [tilespmem:s4], [sflag:$0x8], $0x1, s17, s0, $0xb8;
	[tilespmem:$0xB80] =	vst v63  }
0xe3: {  	s20 =	simm.s32 @!p2 $0xB;
	s17 =	simm.s32 @!p1 $0x180  }
0xe4: {  	[spmem:s2] =	stream.indirect.scatter.add.f32 @!p1 [tilespmem:s4], [sflag:$0x8], $0x1, s17, s0, $0xb8;
	[tilespmem:$0xB80] =	vst v63  }
0xe5: {  	_ =	swait.ge @!p2 [sflag:s20], $0x80  }
0xe6: {  	[sflag:s20] =	ssyncset.done @!p2 $0x0  }
0xe7: {  	s28 =	sadd.s32 $0x80, s21;
	[sflag:s20] =	ssyncadd.s32 @!p2 $0xFFFFFF80  }
0xe8: {  	p5 =	sgt.u32 s28, $0x9C3;
	_ =	swait.ge @!p2 [sflag:s20], $0x80  }
0xe9: {  	s22 =	simm.s32 @!p3 $0x3;
	s0 =	sadd.s32 @!p5 $0xFFFFF400, s19;
	[sflag:s20] =	ssyncset.done @!p2 $0x0  }
0xea: {  	s4 =	simm.s32 @!p5 $0x400;
	s17 =	simm.s32 @!p5 $0x0;
	[sflag:s20] =	ssyncadd.s32 @!p2 $0xFFFFFF80  }
0xeb: {  	[tilespmem:s4], [sflag:$0x5] =	stream.linear.gather @!p5 [hbm4b:s0+s17], $0x100, $0x38;
	[tilespmem:$0xB80] =	vst v63  }
0xec: {  	_ =	swait.ge @!p3 [sflag:s22], $0x100  }
0xed: {  	[sflag:s22] =	ssyncset.done @!p3 $0x0  }
0xee: {  	s0 =	simm.s32 @!p3 $0x80;
	s17 =	simm.s32 @!p3 $0x600;
	[sflag:s22] =	ssyncadd.s32 @!p3 $0xFFFFFF00  }
0xef: {  	[spmem:s1] =	stream.indirect.scatter.add.f32 @!p3 [tilespmem:s17], [sflag:$0x9], $0x1, s23, s0, $0xb8;
	[tilespmem:$0xB80] =	vst v63  }
0xf0: {  	s20 =	simm.s32 @!p3 $0x280;
	s22 =	simm.s32 @!p2 $0xC  }
0xf1: {  	[spmem:s2] =	stream.indirect.scatter.add.f32 @!p3 [tilespmem:s17], [sflag:$0x9], $0x1, s20, s0, $0xb8;
	[tilespmem:$0xB80] =	vst v63  }
0xf2: {  	_ =	swait.ge @!p2 [sflag:s22], $0x80  }
0xf3: {  	[sflag:s22] =	ssyncset.done @!p2 $0x0  }
0xf4: {  	s29 =	sadd.s32 $0xA0, s21;
	[sflag:s22] =	ssyncadd.s32 @!p2 $0xFFFFFF80  }
0xf5: {  	p3 =	sgt.u32 s29, $0x9C3;
	_ =	swait.ge @!p2 [sflag:s22], $0x80  }
0xf6: {  	s23 =	simm.s32 @!p4 $0x4;
	s0 =	sadd.s32 @!p3 $0xFFFFF800, s19;
	[sflag:s22] =	ssyncset.done @!p2 $0x0  }
0xf7: {  	s17 =	simm.s32 @!p3 $0x500;
	s20 =	simm.s32 @!p3 $0x0;
	[sflag:s22] =	ssyncadd.s32 @!p2 $0xFFFFFF80  }
0xf8: {  	[tilespmem:s17], [sflag:$0x6] =	stream.linear.gather @!p3 [hbm4b:s0+s20], $0x100, $0x38;
	[tilespmem:$0xB80] =	vst v63  }
0xf9: {  	_ =	swait.ge @!p4 [sflag:s23], $0x100  }
0xfa: {  	[sflag:s23] =	ssyncset.done @!p4 $0x0  }
0xfb: {  	s0 =	simm.s32 @!p4 $0x80;
	s20 =	simm.s32 @!p4 $0x600;
	[sflag:s23] =	ssyncadd.s32 @!p4 $0xFFFFFF00  }
0xfc: {  	[spmem:s1] =	stream.indirect.scatter.add.f32 @!p4 [tilespmem:s20], [sflag:$0xA], $0x1, s24, s0, $0xb8;
	[tilespmem:$0xB80] =	vst v63  }
0xfd: {  	s22 =	simm.s32 @!p4 $0x380;
	s23 =	simm.s32 @!p0 $0x7  }
0xfe: {  	[spmem:s2] =	stream.indirect.scatter.add.f32 @!p4 [tilespmem:s20], [sflag:$0xA], $0x1, s22, s0, $0xb8;
	[tilespmem:$0xB80] =	vst v63  }
0xff: {  	_ =	swait.ge @!p0 [sflag:s23], $0x80  }
0x100: {  	[sflag:s23] =	ssyncset.done @!p0 $0x0  }
0x101: {  	s30 =	sadd.s32 $0xC0, s21;
	[sflag:s23] =	ssyncadd.s32 @!p0 $0xFFFFFF80  }
0x102: {  	p2 =	sgt.u32 s30, $0x9C3;
	_ =	swait.ge @!p0 [sflag:s23], $0x80  }
0x103: {  	s0 =	sadd.s32 @!p2 $0xFFFFFC00, s19;
	[sflag:s23] =	ssyncset.done @!p0 $0x0  }
0x104: {  	s20 =	simm.s32 @!p2 $0x0;
	s22 =	simm.s32 @!p5 $0x5;
	[sflag:s23] =	ssyncadd.s32 @!p0 $0xFFFFFF80  }
0x105: {  	[tilespmem:s20], [sflag:$0x1] =	stream.linear.gather @!p2 [hbm4b:s0+s20], $0x100, $0x38;
	[tilespmem:$0xB80] =	vst v63  }
0x106: {  	_ =	swait.ge @!p5 [sflag:s22], $0x100  }
0x107: {  	[sflag:s22] =	ssyncset.done @!p5 $0x0  }
0x108: {  	s0 =	simm.s32 @!p5 $0x80;
	s20 =	simm.s32 @!p5 $0x600;
	[sflag:s22] =	ssyncadd.s32 @!p5 $0xFFFFFF00  }
0x109: {  	[spmem:s1] =	stream.indirect.scatter.add.f32 @!p5 [tilespmem:s20], [sflag:$0xB], $0x1, s4, s0, $0xb8;
	[tilespmem:$0xB80] =	vst v63  }
0x10a: {  	s22 =	simm.s32 @!p1 $0x8;
	s4 =	simm.s32 @!p5 $0x480  }
0x10b: {  	[spmem:s2] =	stream.indirect.scatter.add.f32 @!p5 [tilespmem:s20], [sflag:$0xB], $0x1, s4, s0, $0xb8;
	[tilespmem:$0xB80] =	vst v63  }
0x10c: {  	_ =	swait.ge @!p1 [sflag:s22], $0x80  }
0x10d: {  	[sflag:s22] =	ssyncset.done @!p1 $0x0  }
0x10e: {  	s31 =	sadd.s32 $0xE0, s21;
	[sflag:s22] =	ssyncadd.s32 @!p1 $0xFFFFFF80  }
0x10f: {  	p0 =	sgt.u32 s31, $0x9C3;
	_ =	swait.ge @!p1 [sflag:s22], $0x80  }
0x110: {  	s0 =	simm.s32 @!p0 $0x0;
	[sflag:s22] =	ssyncset.done @!p1 $0x0  }
0x111: {  	s4 =	simm.s32 @!p0 $0x100;
	s20 =	simm.s32 @!p3 $0x6;
	[sflag:s22] =	ssyncadd.s32 @!p1 $0xFFFFFF80  }
0x112: {  	[tilespmem:s4], [sflag:$0x2] =	stream.linear.gather @!p0 [hbm4b:s19+s0], $0x100, $0x38;
	[tilespmem:$0xB80] =	vst v63  }
0x113: {  	_ =	swait.ge @!p3 [sflag:s20], $0x100  }
0x114: {  	[sflag:s20] =	ssyncset.done @!p3 $0x0  }
0x115: {  	s0 =	simm.s32 @!p3 $0x80;
	s4 =	simm.s32 @!p3 $0x600;
	[sflag:s20] =	ssyncadd.s32 @!p3 $0xFFFFFF00  }
0x116: {  	[spmem:s1] =	stream.indirect.scatter.add.f32 @!p3 [tilespmem:s4], [sflag:$0xC], $0x1, s17, s0, $0xb8;
	[tilespmem:$0xB80] =	vst v63  }
0x117: {  	s17 =	simm.s32 @!p3 $0x580  }
0x118: {  	[spmem:s2] =	stream.indirect.scatter.add.f32 @!p3 [tilespmem:s4], [sflag:$0xC], $0x1, s17, s0, $0xb8;
	[tilespmem:$0xB80] =	vst v63  }
0x119: {  	[bflag:$0x0] =	sbarrier.arrive $0xFFFF  }
0x11a: {  	[hbm:s10], [sflag:s7] =	dma.local [spmem:s14], $0x50  }
0x11b: {  	s18 =	sadd.s32 $0x1, s18;
	_ =	swait.ge [sflag:s15], $0x50  }
0x11c: {  	p0 =	sne.s32 s18, s12;
	[sflag:s15] =	ssyncset.done $0x0  }
.Ltmp1:
0x11d: {  	[sflag:s15] =	ssyncadd.s32 $0xFFFFFFB0;
	(pc) =	sbr.rel @p0 .LBB2_1-.Ltmp1, $4  }
0x11e: {  	[hbm:s11], [sflag:s7] =	dma.local [spmem:s16], $0x50  }
0x11f: {  	_ =	swait.ge [sflag:s15], $0x50  }
0x120: {  	[sflag:s15] =	ssyncset.done $0x0  }
0x121: {  	[sflag:s15] =	ssyncadd.s32 $0xFFFFFFB0  }
0x122: {  	_ =	sfence.sel $0x180000  }
0x123: {  	[bflag:$0x0] =	sbarrier.arrive $0xFFFF  }
0x124: {  	_ =	strace $0x90000047  }
0x125: {  	s0 =	stileid.u32;
	[bflag:$0x2] =	sbarrier.arrive $0xFFFF  }
0x126: {  	p0 =	sne.s32 s0, $0x0;
	s0 =	rddreg [dreg:$0x5]  }
0x127: {  	s0 =	sadd.s32 @!p0 $0x100000, s0  }
0x128: {  	[sflag:s0] =	ssyncadd.tile.s32 @!p0 $0x1;
	_ =	shalt  }
.Lfunc_end2:
_tile_overlayer_lowered:
.L_overlay_start_2:
0x129: {  	(tag) =	ssettag $0x2  }
0x12a: {  	s0 =	rddreg [dreg:$0x0];
	s2 =	stileid.u32  }
0x12b: {  	s1 =	rddreg [dreg:$0x1];
	p0 =	sne.s32 s2, $0x0  }
0x12c: {  	s3 =	rddreg [dreg:$0x2];
	[bflag:$0x3] =	sbarrier.arrive $0xFFFF;
	s2 =	simm.s32 @!p0 $0x1C0D  }
0x12d: {  	[timem:s3], [sflag:s2] =	dma.local @!p0 [hbm:s0], s1  }
0x12e: {  	s0 =	simm.s32 @!p0 $0xD  }
0x12f: {  	_ =	swait.ge @!p0 [sflag:s0], s1  }
0x130: {  	s1 =	ssub.s32 @!p0 $0x0, s1;
	[sflag:s0] =	ssyncset.done @!p0 $0x0  }
0x131: {  	[sflag:s0] =	ssyncadd.s32 @!p0 s1  }
0x132: {  	[bflag:$0x3] =	sbarrier.arrive $0xFFFF  }
0x133: {  	_ =	shalt  }

</sc_bundles>
